<compile_context>
chip_gen: v7x
topology: tpu7x:2x2x1
jax: 0.10.2.dev20260603
libtpu: 0.0.44.dev20260713+nightly
codegen_flags: <defaults>
</compile_context>

<pallas_src>
import functools

import jax
import jax.numpy as jnp
import numpy as np
from jax import lax
from jax.experimental import pallas as pl
from jax.experimental.pallas import tpu as pltpu
from jax.experimental.pallas import tpu_sc as plsc

NC = 2
NS = 16
NW = NC * NS
CH = 80
NBUF = 5
GB = CH * NBUF


def _sc_mesh():
    return plsc.VectorSubcoreMesh(
        core_axis_name="c", subcore_axis_name="s", num_cores=NC, num_subcores=NS
    )


def _mm(x, w):
    return lax.dot_general(x, w, (((1,), (1,)), ((), ())),
                           preferred_element_type=jnp.float32)


def _ln(x, g, b):
    mu = jnp.mean(x, axis=-1, keepdims=True)
    var = jnp.mean((x - mu) ** 2, axis=-1, keepdims=True)
    return (x - mu) * lax.rsqrt(var + 1e-5) * g + b



def _prep_v(vfeat, w_eff, b_eff, w_kv, b_kv, w_vv, b_vv, w_qv, b_qv):
    n = vfeat.shape[0]
    bn = 1000

    def body(x_ref, we, be, wk, bk, wv, bv, wq, bq, fv_ref, k_ref, v_ref, q_ref):
        x = x_ref[...]
        fv = _mm(x, we[...]) + be[...]
        fv_ref[...] = fv
        k_ref[...] = _mm(fv, wk[...]) + bk[...]
        v_ref[...] = _mm(fv, wv[...]) + bv[...]
        q_ref[...] = _mm(fv, wq[...]) + bq[...]

    full = lambda a: pl.BlockSpec(a.shape, lambda i: (0,) * a.ndim)
    return pl.pallas_call(
        body,
        grid=(n // bn,),
        in_specs=[pl.BlockSpec((bn, 128), lambda i: (i, 0)),
                  full(w_eff), full(b_eff), full(w_kv), full(b_kv),
                  full(w_vv), full(b_vv), full(w_qv), full(b_qv)],
        out_specs=[pl.BlockSpec((bn, 128), lambda i: (i, 0)),
                   pl.BlockSpec((bn, 64), lambda i: (i, 0)),
                   pl.BlockSpec((bn, 128), lambda i: (i, 0)),
                   pl.BlockSpec((bn, 64), lambda i: (i, 0))],
        out_shape=[jax.ShapeDtypeStruct((n, 128), jnp.float32),
                   jax.ShapeDtypeStruct((n, 64), jnp.float32),
                   jax.ShapeDtypeStruct((n, 128), jnp.float32),
                   jax.ShapeDtypeStruct((n, 64), jnp.float32)],
    )(vfeat, w_eff, b_eff, w_kv, b_kv, w_vv, b_vv, w_qv, b_qv)


def _prep_e(efeat, w_qe, b_qe):
    m = efeat.shape[0]
    bm = 1000

    def body(x_ref, wq, bq, q_ref):
        q_ref[...] = _mm(x_ref[...], wq[...]) + bq[...]

    full = lambda a: pl.BlockSpec(a.shape, lambda i: (0,) * a.ndim)
    return pl.pallas_call(
        body,
        grid=(m // bm,),
        in_specs=[pl.BlockSpec((bm, 128), lambda i: (i, 0)), full(w_qe), full(b_qe)],
        out_specs=pl.BlockSpec((bm, 64), lambda i: (i, 0)),
        out_shape=jax.ShapeDtypeStruct((m, 64), jnp.float32),
    )(efeat, w_qe, b_qe)


def _attn_scores(gk, gq):
    e = gk.shape[0]
    be = 8000

    def body(k_ref, q_ref, s_ref):
        s = jnp.sum(k_ref[...] * q_ref[...], axis=-1)
        s = jnp.where(s >= 0.0, s, 0.01 * s) * (1.0 / 8.0)
        s_ref[...] = s[None, None, :]

    return pl.pallas_call(
        body,
        grid=(e // be,),
        in_specs=[pl.BlockSpec((be, 64), lambda i: (i, 0)),
                  pl.BlockSpec((be, 64), lambda i: (i, 0))],
        out_specs=pl.BlockSpec((1, 1, be), lambda i: (i, 0, 0)),
        out_shape=jax.ShapeDtypeStruct((e // be, 1, be), jnp.float32),
    )(gk, gq)


def _global_max(s2d):
    nb, _, be = s2d.shape

    def body(s_ref, m_ref):
        i = pl.program_id(0)

        @pl.when(i == 0)
        def _():
            m_ref[...] = jnp.full((1, 1), -jnp.inf, jnp.float32)

        m_ref[...] = jnp.maximum(m_ref[...], jnp.max(s_ref[...]))

    return pl.pallas_call(
        body,
        grid=(nb,),
        in_specs=[pl.BlockSpec((1, 1, be), lambda i: (i, 0, 0))],
        out_specs=pl.BlockSpec((1, 1), lambda i: (0, 0)),
        out_shape=jax.ShapeDtypeStruct((1, 1), jnp.float32),
    )(s2d)


def _make_updates(s2d, gmax, gv):
    e = gv.shape[0]
    nb, _, bw = s2d.shape
    be = bw

    def body(s_ref, m_ref, v_ref, u0_ref, u1_ref):
        u = jnp.exp(s_ref[0, 0, :] - m_ref[0, 0])
        uc = u[:, None]
        v = v_ref[...]
        ub = jnp.broadcast_to(uc, (be, 16))
        u0_ref[...] = jnp.concatenate([uc * v[:, :64], ub], axis=1)
        u1_ref[...] = jnp.concatenate([uc * v[:, 64:], ub], axis=1)

    return pl.pallas_call(
        body,
        grid=(e // be,),
        in_specs=[pl.BlockSpec((1, 1, be), lambda i: (i, 0, 0)),
                  pl.BlockSpec((1, 1), lambda i: (0, 0)),
                  pl.BlockSpec((be, 128), lambda i: (i, 0))],
        out_specs=[pl.BlockSpec((be, 80), lambda i: (i, 0)),
                   pl.BlockSpec((be, 80), lambda i: (i, 0))],
        out_shape=[jax.ShapeDtypeStruct((e, 80), jnp.float32),
                   jax.ShapeDtypeStruct((e, 80), jnp.float32)],
    )(s2d, gmax, gv)


def _post1(num, efeat, ln1_g, ln1_b, w_l1, b_l1, w_l2, b_l2, w_ke, b_ke, w_ve, b_ve):
    m = efeat.shape[0]
    bm = 1000

    def body(o_ref, ef_ref, lg, lb, w1, b1, w2, b2, wk, bk, wv, bv, k_ref, v_ref):
        o0 = o_ref[0]
        o1 = o_ref[1]
        d = o0[:, 64:65] + 1e-12
        h = jnp.concatenate([o0[:, :64], o1[:, :64]], axis=1) / d
        x = _ln(h + ef_ref[...], lg[...], lb[...])
        ff = _mm(jnp.maximum(_mm(x, w1[...]) + b1[...], 0.0), w2[...]) + b2[...]
        fe = _ln(ff + x, lg[...], lb[...])
        k_ref[...] = _mm(fe, wk[...]) + bk[...]
        v_ref[...] = _mm(fe, wv[...]) + bv[...]

    full = lambda a: pl.BlockSpec(a.shape, lambda i: (0,) * a.ndim)
    return pl.pallas_call(
        body,
        grid=(m // bm,),
        in_specs=[pl.BlockSpec((2, bm, 80), lambda i: (0, i, 0)),
                  pl.BlockSpec((bm, 128), lambda i: (i, 0)),
                  full(ln1_g), full(ln1_b), full(w_l1), full(b_l1),
                  full(w_l2), full(b_l2), full(w_ke), full(b_ke),
                  full(w_ve), full(b_ve)],
        out_specs=[pl.BlockSpec((bm, 64), lambda i: (i, 0)),
                   pl.BlockSpec((bm, 128), lambda i: (i, 0))],
        out_shape=[jax.ShapeDtypeStruct((m, 64), jnp.float32),
                   jax.ShapeDtypeStruct((m, 128), jnp.float32)],
    )(num, efeat, ln1_g, ln1_b, w_l1, b_l1, w_l2, b_l2, w_ke, b_ke, w_ve, b_ve)


def _post2(num, feat_v, ln2_g, ln2_b, w_l3, b_l3, w_l4, b_l4,
           w_cls, b_cls, w_mlp, b_mlp):
    n = feat_v.shape[0]
    bn = 1000

    def body(o_ref, fv_ref, lg, lb, w3, b3, w4, b4, wc, bc, wm, bm_,
             pred_ref, fm_ref):
        o0 = o_ref[0]
        o1 = o_ref[1]
        d = o0[:, 64:65] + 1e-12
        h = jnp.concatenate([o0[:, :64], o1[:, :64]], axis=1) / d
        x = _ln(h + fv_ref[...], lg[...], lb[...])
        ff = _mm(jnp.maximum(_mm(x, w3[...]) + b3[...], 0.0), w4[...]) + b4[...]
        fv = _ln(ff + x, lg[...], lb[...])
        pred_ref[...] = _mm(fv, wc[...]) + bc[...]
        fm_ref[...] = _mm(fv, wm[...]) + bm_[...]

    full = lambda a: pl.BlockSpec(a.shape, lambda i: (0,) * a.ndim)
    return pl.pallas_call(
        body,
        grid=(n // bn,),
        in_specs=[pl.BlockSpec((2, bn, 80), lambda i: (0, i, 0)),
                  pl.BlockSpec((bn, 128), lambda i: (i, 0)),
                  full(ln2_g), full(ln2_b), full(w_l3), full(b_l3),
                  full(w_l4), full(b_l4), full(w_cls), full(b_cls),
                  full(w_mlp), full(b_mlp)],
        out_specs=[pl.BlockSpec((bn, 40), lambda i: (i, 0)),
                   pl.BlockSpec((bn, 128), lambda i: (i, 0))],
        out_shape=[jax.ShapeDtypeStruct((n, 40), jnp.float32),
                   jax.ShapeDtypeStruct((n, 128), jnp.float32)],
    )(num, feat_v, ln2_g, ln2_b, w_l3, b_l3, w_l4, b_l4, w_cls, b_cls, w_mlp, b_mlp)



def _sc_gather(table, idx):
    e = idx.shape[0]
    d = table.shape[1]
    per_w = e // NW
    n_grp = per_w // GB

    def body(tab_ref, idx_ref, out_ref, idx_v, rows_v, sem):
        wid = lax.axis_index("s") * NC + lax.axis_index("c")
        base = wid * per_w

        def step(g, carry):
            off = pl.multiple_of(base + g * GB, 8)
            pltpu.sync_copy(idx_ref.at[pl.ds(off, GB)], idx_v)
            descs = []
            for b in range(NBUF):
                descs.append(pltpu.async_copy(
                    tab_ref.at[idx_v.at[pl.ds(b * CH, CH)]],
                    rows_v.at[pl.ds(b * CH, CH)], sem))
            for dd in descs:
                dd.wait()
            pltpu.sync_copy(rows_v, out_ref.at[pl.ds(off, GB)])
            return carry

        lax.fori_loop(0, n_grp, step, 0)

    return pl.kernel(
        body,
        out_type=jax.ShapeDtypeStruct((e, d), jnp.float32),
        mesh=_sc_mesh(),
        compiler_params=pltpu.CompilerParams(use_tc_tiling_on_sc=False),
        scratch_types=[pltpu.VMEM((GB,), jnp.int32),
                       pltpu.VMEM((GB, d), jnp.float32),
                       pltpu.SemaphoreType.DMA],
    )(table, idx)


def _sc_scatter_add(upd0, upd1, idx2, zeros, n_seg):
    e = upd0.shape[0]
    nbuf_s = 2
    gb_s = CH * nbuf_s
    per_w = e // NS
    n_grp = per_w // gb_s
    rows_per_tile = n_seg // NS

    def body(u0_ref, u1_ref, idx2_ref, z_ref, out_ref, acc, idxs_v, upd_v):
        cid = lax.axis_index("c")
        sid = lax.axis_index("s")
        r0 = sid * rows_per_tile
        pltpu.sync_copy(z_ref.at[pl.ds(r0, rows_per_tile)],
                        acc.at[pl.ds(r0, rows_per_tile)])
        plsc.subcore_barrier()

        def step(g, carry):
            off = pl.multiple_of(sid * per_w + g * gb_s, 8)
            row0 = (sid * per_w) // CH + g * nbuf_s
            pltpu.sync_copy(idx2_ref.at[pl.ds(row0, nbuf_s)], idxs_v)

            @pl.when(cid == 0)
            def _():
                pltpu.sync_copy(u0_ref.at[pl.ds(off, gb_s)], upd_v)

            @pl.when(cid == 1)
            def _():
                pltpu.sync_copy(u1_ref.at[pl.ds(off, gb_s)], upd_v)

            for b in range(nbuf_s):
                pltpu.sync_copy(upd_v.at[pl.ds(b * CH, CH)],
                                acc.at[idxs_v.at[b]], add=True)
            return carry

        lax.fori_loop(0, n_grp, step, 0)
        plsc.subcore_barrier()
        pltpu.sync_copy(acc.at[pl.ds(r0, rows_per_tile)],
                        out_ref.at[cid, pl.ds(r0, rows_per_tile)])

    return pl.kernel(
        body,
        out_type=jax.ShapeDtypeStruct((NC, n_seg, 80), jnp.float32),
        mesh=_sc_mesh(),
        compiler_params=pltpu.CompilerParams(use_tc_tiling_on_sc=False),
        scratch_types=[pltpu.VMEM_SHARED((n_seg, 80), jnp.float32),
                       pltpu.VMEM((nbuf_s, CH), jnp.int32),
                       pltpu.VMEM((gb_s, 80), jnp.float32)],
    )(upd0, upd1, idx2, zeros)



def kernel(vfeat, efeat, node_idx, hedge_idx, first_layer, last_layer,
           W_vtx1, b_vtx1, W_vtx, b_vtx, W_kv, b_kv, W_vv, b_vv,
           W_qe, b_qe, W_ke, b_ke, W_ve, b_ve, W_qv, b_qv,
           W_l1, b_l1, W_l2, b_l2, W_l3, b_l3, W_l4, b_l4,
           W_cls, b_cls, W_mlp, b_mlp, ln1_g, ln1_b, ln2_g, ln2_b):
    n = vfeat.shape[0]
    m = efeat.shape[0]
    e = node_idx.shape[0]

    first = jnp.asarray(first_layer) != 0
    w_eff = jnp.where(first, W_vtx1, W_vtx)
    b_eff = jnp.where(first, b_vtx1, b_vtx)

    r2 = lambda b: b.reshape(1, -1)

    feat_v, k_n, v_n, q_v = _prep_v(
        vfeat, w_eff, r2(b_eff), W_kv, r2(b_kv), W_vv, r2(b_vv), W_qv, r2(b_qv))
    q_e = _prep_e(efeat, W_qe, r2(b_qe))

    node_idx2 = node_idx.reshape(e // CH, CH)
    hedge_idx2 = hedge_idx.reshape(e // CH, CH)
    zeros_m = jnp.zeros((m, 80), jnp.float32)
    zeros_n = jnp.zeros((n, 80), jnp.float32)

    gk = _sc_gather(k_n, node_idx)
    gq = _sc_gather(q_e, hedge_idx)
    s2d = _attn_scores(gk, gq)
    gmax = _global_max(s2d)
    gv = _sc_gather(v_n, node_idx)
    u0, u1 = _make_updates(s2d, gmax, gv)
    num_e = _sc_scatter_add(u0, u1, hedge_idx2, zeros_m, m)
    k_e, v_e = _post1(num_e, efeat, r2(ln1_g), r2(ln1_b), W_l1, r2(b_l1),
                      W_l2, r2(b_l2), W_ke, r2(b_ke), W_ve, r2(b_ve))

    gk2 = _sc_gather(k_e, hedge_idx)
    gq2 = _sc_gather(q_v, node_idx)
    s2d2 = _attn_scores(gk2, gq2)
    gmax2 = _global_max(s2d2)
    gv2 = _sc_gather(v_e, hedge_idx)
    u20, u21 = _make_updates(s2d2, gmax2, gv2)
    num_v = _sc_scatter_add(u20, u21, node_idx2, zeros_n, n)
    pred, fm = _post2(num_v, feat_v, r2(ln2_g), r2(ln2_b), W_l3, r2(b_l3),
                      W_l4, r2(b_l4), W_cls, r2(b_cls), W_mlp, r2(b_mlp))

    last = jnp.asarray(last_layer) != 0
    pred = jnp.where(last, pred, 0.0)
    fm = jnp.where(last, fm, 0.0)
    return (pred, fm)

# --- scband reference (transcript-rebuilt; emitter-appended) ---
"""Pipeline reference for scband-thtn1-16552803959364 (READ-ONLY COPY).

The authoritative reference and input builder live on the scoring server;
editing this copy changes nothing except your own understanding.
"""

import jax, jax.numpy as jnp
import numpy as np

N = 10000
M = 20000
E = 320000
IN_DIM = 128
V_DIM = 128
E_DIM = 128
Q_DIM = 64
N_CLS = 40


def _lin(key, out_d, in_d):
    k1, k2 = jax.random.split(key)
    W = jax.random.normal(k1, (out_d, in_d), jnp.float32) * 0.02
    b = jax.random.normal(k2, (out_d,), jnp.float32) * 0.02
    return W, b


def setup_inputs(seed=0):
    key = jax.random.key(seed)
    ks = jax.random.split(key, 24)
    inp = {}
    inp["vfeat"] = jax.random.normal(ks[0], (N, IN_DIM), jnp.float32)
    inp["efeat"] = jax.random.normal(ks[1], (M, E_DIM), jnp.float32)
    inp["node_idx"] = jax.random.randint(ks[2], (E,), 0, N, jnp.int32)
    inp["hedge_idx"] = jax.random.randint(ks[3], (E,), 0, M, jnp.int32)
    inp["first_layer"] = 1
    inp["last_layer"] = 1
    dims = {"vtx1": (V_DIM, IN_DIM), "vtx": (V_DIM, V_DIM), "kv": (Q_DIM, V_DIM), "vv": (E_DIM, V_DIM), "qe": (Q_DIM, E_DIM), "ke": (Q_DIM, E_DIM), "ve": (V_DIM, E_DIM), "qv": (Q_DIM, V_DIM), "l1": (Q_DIM, V_DIM), "l2": (V_DIM, Q_DIM), "l3": (Q_DIM, V_DIM), "l4": (V_DIM, Q_DIM), "cls": (N_CLS, V_DIM), "mlp": (128, V_DIM)}
    i = 4
    for name, (o, d) in dims.items():
        W, b = _lin(ks[i], o, d)
        inp["W_" + name] = W
        inp["b_" + name] = b
        i += 1
    inp["ln1_g"] = jnp.ones((V_DIM,), jnp.float32)
    inp["ln1_b"] = jnp.zeros((V_DIM,), jnp.float32)
    inp["ln2_g"] = jnp.ones((V_DIM,), jnp.float32)
    inp["ln2_b"] = jnp.zeros((V_DIM,), jnp.float32)
    return inp


def _ln(x, g, b):
    mu = x.mean(-1, keepdims=True)
    var = ((x - mu) ** 2).mean(-1, keepdims=True)
    return (x - mu) / jnp.sqrt(var + 1e-5) * g + b


def _seg_softmax(s, seg, num):
    m = jax.ops.segment_max(s, seg, num_segments=num)
    m = jnp.where(jnp.isfinite(m), m, 0.0)
    e = jnp.exp(s - m[seg])
    d = jax.ops.segment_sum(e, seg, num_segments=num)
    return e / (d[seg] + 1e-12)


def _forward(p, node_idx, hedge_idx, first_layer, last_layer):
    first_flag = jnp.asarray(first_layer) != 0
    feat_v_first = p["vfeat"] @ p["W_vtx1"].T + p["b_vtx1"]
    feat_v_rest = p["vfeat"] @ p["W_vtx"].T + p["b_vtx"]
    feat_v = jnp.where(first_flag, feat_v_first, feat_v_rest)
    feat_e = p["efeat"]
    # pass 1: nodes -> hyperedges ('in' etype)
    k_n = feat_v @ p["W_kv"].T + p["b_kv"]
    v_n = feat_v @ p["W_vv"].T + p["b_vv"]
    q_e = feat_e @ p["W_qe"].T + p["b_qe"]
    attn = jax.nn.leaky_relu(jnp.sum(k_n[node_idx] * q_e[hedge_idx], axis=-1)) / np.sqrt(Q_DIM)
    w = _seg_softmax(attn, hedge_idx, M)
    h_e = jax.ops.segment_sum(w[:, None] * v_n[node_idx], hedge_idx, num_segments=M)
    x = _ln(h_e + feat_e, p["ln1_g"], p["ln1_b"])
    ff = jax.nn.relu(x @ p["W_l1"].T + p["b_l1"]) @ p["W_l2"].T + p["b_l2"]
    feat_e = _ln(ff + x, p["ln1_g"], p["ln1_b"])
    # pass 2: hyperedges -> nodes ('con' etype)
    k_e = feat_e @ p["W_ke"].T + p["b_ke"]
    v_e = feat_e @ p["W_ve"].T + p["b_ve"]
    q_v = feat_v @ p["W_qv"].T + p["b_qv"]
    attn2 = jax.nn.leaky_relu(jnp.sum(k_e[hedge_idx] * q_v[node_idx], axis=-1)) / np.sqrt(Q_DIM)
    w2 = _seg_softmax(attn2, node_idx, N)
    h_v = jax.ops.segment_sum(w2[:, None] * v_e[hedge_idx], node_idx, num_segments=N)
    x2 = _ln(h_v + feat_v, p["ln2_g"], p["ln2_b"])
    ff2 = jax.nn.relu(x2 @ p["W_l3"].T + p["b_l3"]) @ p["W_l4"].T + p["b_l4"]
    feat_v = _ln(ff2 + x2, p["ln2_g"], p["ln2_b"])
    last_flag = jnp.asarray(last_layer) != 0
    pred = jnp.where(last_flag, feat_v @ p["W_cls"].T + p["b_cls"], 0.0)
    fm = jnp.where(last_flag, feat_v @ p["W_mlp"].T + p["b_mlp"], 0.0)
    return (pred, fm)


def reference(vfeat, efeat, node_idx, hedge_idx, first_layer, last_layer,
              W_vtx1, b_vtx1, W_vtx, b_vtx, W_kv, b_kv, W_vv, b_vv,
              W_qe, b_qe, W_ke, b_ke, W_ve, b_ve, W_qv, b_qv,
              W_l1, b_l1, W_l2, b_l2, W_l3, b_l3, W_l4, b_l4,
              W_cls, b_cls, W_mlp, b_mlp, ln1_g, ln1_b, ln2_g, ln2_b):
    p = {
        "vfeat": vfeat, "efeat": efeat,
        "W_vtx1": W_vtx1, "b_vtx1": b_vtx1, "W_vtx": W_vtx, "b_vtx": b_vtx,
        "W_kv": W_kv, "b_kv": b_kv, "W_vv": W_vv, "b_vv": b_vv,
        "W_qe": W_qe, "b_qe": b_qe, "W_ke": W_ke, "b_ke": b_ke,
        "W_ve": W_ve, "b_ve": b_ve, "W_qv": W_qv, "b_qv": b_qv,
        "W_l1": W_l1, "b_l1": b_l1, "W_l2": W_l2, "b_l2": b_l2,
        "W_l3": W_l3, "b_l3": b_l3, "W_l4": W_l4, "b_l4": b_l4,
        "W_cls": W_cls, "b_cls": b_cls, "W_mlp": W_mlp, "b_mlp": b_mlp,
        "ln1_g": ln1_g, "ln1_b": ln1_b, "ln2_g": ln2_g, "ln2_b": ln2_b,
    }
    return _forward(p, node_idx, hedge_idx, first_layer, last_layer)

if __name__ == "__main__":
    import jax
    _d = setup_inputs()
    print(jax.jit(kernel)(*tuple(_d.values())))

</pallas_src>

<mosaic_0001>
#map = affine_map<(d0, d1) -> (0, 0)>
#map1 = affine_map<(d0, d1) -> (0)>
module attributes {stable_mosaic.version = 14 : i64} {
  func.func @body(%arg0: i32, %arg1: i32, %arg2: memref<20000x64xf32, #tpu.memory_space<hbm>>, %arg3: memref<320000xi32, #tpu.memory_space<hbm>>, %arg4: memref<320000x64xf32, #tpu.memory_space<hbm>>, %arg5: memref<400xi32, #tpu.memory_space<vmem>>, %arg6: memref<400x64xf32, #tpu.memory_space<vmem>>, %arg7: memref<!tpu.dma_semaphore, #tpu.memory_space<semaphore_mem>>) attributes {dimension_semantics = [#tpu.dimension_semantics<core_parallel>, #tpu.dimension_semantics<subcore_parallel>], iteration_bounds = array<i64: 2, 16>, scalar_prefetch = 0 : i64, scratch_operands = 3 : i64, tpu.core_type = #tpu.core_type<sc_vector_subcore>, window_params = [{transform_indices = #map}, {transform_indices = #map1}, {transform_indices = #map}]} {
    %mul3A = arith.constant 2 : i32
    %mul3A_0 = arith.muli %arg1, %mul3A : i32
    %add3A = arith.addi %mul3A_0, %arg0 : i32
    %mul3A_1 = arith.constant 10000 : i32
    %mul3A_2 = arith.muli %add3A, %mul3A_1 : i32
    %scan3A = arith.constant 0 : i32
    %scan3A_3 = arith.constant 0 : i32
    %scan3A_4 = arith.constant 25 : i32
    %scan3A_5 = arith.addi %scan3A_3, %scan3A_4 : i32
    %scan3A_6 = arith.constant 1 : i32
    scf.for %scan3A_8 = %scan3A_3 to %scan3A_5 step %scan3A_6  : i32 {
      %mul3A_9 = arith.constant 400 : i32
      %mul3A_10 = arith.muli %scan3A_8, %mul3A_9 : i32
      %add3A_11 = arith.addi %mul3A_2, %mul3A_10 : i32
      %multiple_of3A = tpu.assume_multiple %add3A_11, 8 : i32
      "tpu.region"() ({
        %run_scoped3A = tpu.sem_alloc : memref<!tpu.dma_semaphore, #tpu.memory_space<semaphore_mem>>
        %dma_start3A_90 = tpu.memref_slice %arg3[%multiple_of3A] : memref<320000xi32, #tpu.memory_space<hbm>> -> memref<400xi32, #tpu.memory_space<hbm>>
        %dma_start3A_91 = tpu.memref_slice %arg3[%multiple_of3A] : memref<320000xi32, #tpu.memory_space<hbm>> -> memref<400xi32, #tpu.memory_space<hbm>>
        tpu.enqueue_dma source(%dma_start3A_91 : memref<400xi32, #tpu.memory_space<hbm>>) target(%arg5 : memref<400xi32, #tpu.memory_space<vmem>>) target_semaphore(%run_scoped3A : memref<!tpu.dma_semaphore, #tpu.memory_space<semaphore_mem>>)
        %dma_wait3A_92 = tpu.memref_slice %arg3[%multiple_of3A] : memref<320000xi32, #tpu.memory_space<hbm>> -> memref<400xi32, #tpu.memory_space<hbm>>
        %dma_wait3A_93 = tpu.memref_slice %arg3[%multiple_of3A] : memref<320000xi32, #tpu.memory_space<hbm>> -> memref<400xi32, #tpu.memory_space<hbm>>
        tpu.wait_dma2 semaphore(%run_scoped3A : memref<!tpu.dma_semaphore, #tpu.memory_space<semaphore_mem>>) src(%dma_wait3A_93 : memref<400xi32, #tpu.memory_space<hbm>>) dst(%arg5 : memref<400xi32, #tpu.memory_space<vmem>>)
        tpu.yield
      }) : () -> ()
      %dma_start3A = arith.constant 0 : i32
      %dma_start3A_12 = arith.constant 0 : i32
      %dma_start3A_13 = tpu.memref_slice %arg6[%dma_start3A, %dma_start3A_12] : memref<400x64xf32, #tpu.memory_space<vmem>> -> memref<80x64xf32, #tpu.memory_space<vmem>>
      %dma_start3A_14 = arith.constant 0 : i32
      %dma_start3A_15 = tpu.memref_slice %arg5[%dma_start3A_14] : memref<400xi32, #tpu.memory_space<vmem>> -> memref<80xi32, #tpu.memory_space<vmem>>
      %dma_start3A_16 = arith.constant 0 : i32
      %dma_start3A_17 = arith.constant 0 : i32
      %dma_start3A_18 = tpu.memref_slice %arg2[%dma_start3A_16, %dma_start3A_17] : memref<20000x64xf32, #tpu.memory_space<hbm>> -> memref<20000x64xf32, #tpu.memory_space<hbm>>
      tpu.enqueue_indirect_dma source(%dma_start3A_18 : memref<20000x64xf32, #tpu.memory_space<hbm>>) target(%dma_start3A_13 : memref<80x64xf32, #tpu.memory_space<vmem>>) offsets(%dma_start3A_15 : memref<80xi32, #tpu.memory_space<vmem>>) semaphore(%arg7 : memref<!tpu.dma_semaphore, #tpu.memory_space<semaphore_mem>>)
      %dma_start3A_19 = arith.constant 80 : i32
      %dma_start3A_20 = arith.constant 0 : i32
      %dma_start3A_21 = tpu.memref_slice %arg6[%dma_start3A_19, %dma_start3A_20] : memref<400x64xf32, #tpu.memory_space<vmem>> -> memref<80x64xf32, #tpu.memory_space<vmem>>
      %dma_start3A_22 = arith.constant 80 : i32
      %dma_start3A_23 = tpu.memref_slice %arg5[%dma_start3A_22] : memref<400xi32, #tpu.memory_space<vmem>> -> memref<80xi32, #tpu.memory_space<vmem>>
      %dma_start3A_24 = arith.constant 0 : i32
      %dma_start3A_25 = arith.constant 0 : i32
      %dma_start3A_26 = tpu.memref_slice %arg2[%dma_start3A_24, %dma_start3A_25] : memref<20000x64xf32, #tpu.memory_space<hbm>> -> memref<20000x64xf32, #tpu.memory_space<hbm>>
      tpu.enqueue_indirect_dma source(%dma_start3A_26 : memref<20000x64xf32, #tpu.memory_space<hbm>>) target(%dma_start3A_21 : memref<80x64xf32, #tpu.memory_space<vmem>>) offsets(%dma_start3A_23 : memref<80xi32, #tpu.memory_space<vmem>>) semaphore(%arg7 : memref<!tpu.dma_semaphore, #tpu.memory_space<semaphore_mem>>)
      %dma_start3A_27 = arith.constant 160 : i32
      %dma_start3A_28 = arith.constant 0 : i32
      %dma_start3A_29 = tpu.memref_slice %arg6[%dma_start3A_27, %dma_start3A_28] : memref<400x64xf32, #tpu.memory_space<vmem>> -> memref<80x64xf32, #tpu.memory_space<vmem>>
      %dma_start3A_30 = arith.constant 160 : i32
      %dma_start3A_31 = tpu.memref_slice %arg5[%dma_start3A_30] : memref<400xi32, #tpu.memory_space<vmem>> -> memref<80xi32, #tpu.memory_space<vmem>>
      %dma_start3A_32 = arith.constant 0 : i32
      %dma_start3A_33 = arith.constant 0 : i32
      %dma_start3A_34 = tpu.memref_slice %arg2[%dma_start3A_32, %dma_start3A_33] : memref<20000x64xf32, #tpu.memory_space<hbm>> -> memref<20000x64xf32, #tpu.memory_space<hbm>>
      tpu.enqueue_indirect_dma source(%dma_start3A_34 : memref<20000x64xf32, #tpu.memory_space<hbm>>) target(%dma_start3A_29 : memref<80x64xf32, #tpu.memory_space<vmem>>) offsets(%dma_start3A_31 : memref<80xi32, #tpu.memory_space<vmem>>) semaphore(%arg7 : memref<!tpu.dma_semaphore, #tpu.memory_space<semaphore_mem>>)
      %dma_start3A_35 = arith.constant 240 : i32
      %dma_start3A_36 = arith.constant 0 : i32
      %dma_start3A_37 = tpu.memref_slice %arg6[%dma_start3A_35, %dma_start3A_36] : memref<400x64xf32, #tpu.memory_space<vmem>> -> memref<80x64xf32, #tpu.memory_space<vmem>>
      %dma_start3A_38 = arith.constant 240 : i32
      %dma_start3A_39 = tpu.memref_slice %arg5[%dma_start3A_38] : memref<400xi32, #tpu.memory_space<vmem>> -> memref<80xi32, #tpu.memory_space<vmem>>
      %dma_start3A_40 = arith.constant 0 : i32
      %dma_start3A_41 = arith.constant 0 : i32
      %dma_start3A_42 = tpu.memref_slice %arg2[%dma_start3A_40, %dma_start3A_41] : memref<20000x64xf32, #tpu.memory_space<hbm>> -> memref<20000x64xf32, #tpu.memory_space<hbm>>
      tpu.enqueue_indirect_dma source(%dma_start3A_42 : memref<20000x64xf32, #tpu.memory_space<hbm>>) target(%dma_start3A_37 : memref<80x64xf32, #tpu.memory_space<vmem>>) offsets(%dma_start3A_39 : memref<80xi32, #tpu.memory_space<vmem>>) semaphore(%arg7 : memref<!tpu.dma_semaphore, #tpu.memory_space<semaphore_mem>>)
      %dma_start3A_43 = arith.constant 320 : i32
      %dma_start3A_44 = arith.constant 0 : i32
      %dma_start3A_45 = tpu.memref_slice %arg6[%dma_start3A_43, %dma_start3A_44] : memref<400x64xf32, #tpu.memory_space<vmem>> -> memref<80x64xf32, #tpu.memory_space<vmem>>
      %dma_start3A_46 = arith.constant 320 : i32
      %dma_start3A_47 = tpu.memref_slice %arg5[%dma_start3A_46] : memref<400xi32, #tpu.memory_space<vmem>> -> memref<80xi32, #tpu.memory_space<vmem>>
      %dma_start3A_48 = arith.constant 0 : i32
      %dma_start3A_49 = arith.constant 0 : i32
      %dma_start3A_50 = tpu.memref_slice %arg2[%dma_start3A_48, %dma_start3A_49] : memref<20000x64xf32, #tpu.memory_space<hbm>> -> memref<20000x64xf32, #tpu.memory_space<hbm>>
      tpu.enqueue_indirect_dma source(%dma_start3A_50 : memref<20000x64xf32, #tpu.memory_space<hbm>>) target(%dma_start3A_45 : memref<80x64xf32, #tpu.memory_space<vmem>>) offsets(%dma_start3A_47 : memref<80xi32, #tpu.memory_space<vmem>>) semaphore(%arg7 : memref<!tpu.dma_semaphore, #tpu.memory_space<semaphore_mem>>)
      %dma_wait3A = arith.constant 0 : i32
      %dma_wait3A_51 = arith.constant 0 : i32
      %dma_wait3A_52 = tpu.memref_slice %arg6[%dma_wait3A, %dma_wait3A_51] : memref<400x64xf32, #tpu.memory_space<vmem>> -> memref<80x64xf32, #tpu.memory_space<vmem>>
      %dma_wait3A_53 = arith.constant 0 : i32
      %dma_wait3A_54 = tpu.memref_slice %arg5[%dma_wait3A_53] : memref<400xi32, #tpu.memory_space<vmem>> -> memref<80xi32, #tpu.memory_space<vmem>>
      %dma_wait3A_55 = arith.constant 0 : i32
      %dma_wait3A_56 = arith.constant 0 : i32
      %dma_wait3A_57 = tpu.memref_slice %arg2[%dma_wait3A_55, %dma_wait3A_56] : memref<20000x64xf32, #tpu.memory_space<hbm>> -> memref<20000x64xf32, #tpu.memory_space<hbm>>
      tpu.wait_indirect_dma semaphore(%arg7 : memref<!tpu.dma_semaphore, #tpu.memory_space<semaphore_mem>>) src(%dma_wait3A_57 : memref<20000x64xf32, #tpu.memory_space<hbm>>) dst(%dma_wait3A_52 : memref<80x64xf32, #tpu.memory_space<vmem>>)
      %dma_wait3A_58 = arith.constant 80 : i32
      %dma_wait3A_59 = arith.constant 0 : i32
      %dma_wait3A_60 = tpu.memref_slice %arg6[%dma_wait3A_58, %dma_wait3A_59] : memref<400x64xf32, #tpu.memory_space<vmem>> -> memref<80x64xf32, #tpu.memory_space<vmem>>
      %dma_wait3A_61 = arith.constant 80 : i32
      %dma_wait3A_62 = tpu.memref_slice %arg5[%dma_wait3A_61] : memref<400xi32, #tpu.memory_space<vmem>> -> memref<80xi32, #tpu.memory_space<vmem>>
      %dma_wait3A_63 = arith.constant 0 : i32
      %dma_wait3A_64 = arith.constant 0 : i32
      %dma_wait3A_65 = tpu.memref_slice %arg2[%dma_wait3A_63, %dma_wait3A_64] : memref<20000x64xf32, #tpu.memory_space<hbm>> -> memref<20000x64xf32, #tpu.memory_space<hbm>>
      tpu.wait_indirect_dma semaphore(%arg7 : memref<!tpu.dma_semaphore, #tpu.memory_space<semaphore_mem>>) src(%dma_wait3A_65 : memref<20000x64xf32, #tpu.memory_space<hbm>>) dst(%dma_wait3A_60 : memref<80x64xf32, #tpu.memory_space<vmem>>)
      %dma_wait3A_66 = arith.constant 160 : i32
      %dma_wait3A_67 = arith.constant 0 : i32
      %dma_wait3A_68 = tpu.memref_slice %arg6[%dma_wait3A_66, %dma_wait3A_67] : memref<400x64xf32, #tpu.memory_space<vmem>> -> memref<80x64xf32, #tpu.memory_space<vmem>>
      %dma_wait3A_69 = arith.constant 160 : i32
      %dma_wait3A_70 = tpu.memref_slice %arg5[%dma_wait3A_69] : memref<400xi32, #tpu.memory_space<vmem>> -> memref<80xi32, #tpu.memory_space<vmem>>
      %dma_wait3A_71 = arith.constant 0 : i32
      %dma_wait3A_72 = arith.constant 0 : i32
      %dma_wait3A_73 = tpu.memref_slice %arg2[%dma_wait3A_71, %dma_wait3A_72] : memref<20000x64xf32, #tpu.memory_space<hbm>> -> memref<20000x64xf32, #tpu.memory_space<hbm>>
      tpu.wait_indirect_dma semaphore(%arg7 : memref<!tpu.dma_semaphore, #tpu.memory_space<semaphore_mem>>) src(%dma_wait3A_73 : memref<20000x64xf32, #tpu.memory_space<hbm>>) dst(%dma_wait3A_68 : memref<80x64xf32, #tpu.memory_space<vmem>>)
      %dma_wait3A_74 = arith.constant 240 : i32
      %dma_wait3A_75 = arith.constant 0 : i32
      %dma_wait3A_76 = tpu.memref_slice %arg6[%dma_wait3A_74, %dma_wait3A_75] : memref<400x64xf32, #tpu.memory_space<vmem>> -> memref<80x64xf32, #tpu.memory_space<vmem>>
      %dma_wait3A_77 = arith.constant 240 : i32
      %dma_wait3A_78 = tpu.memref_slice %arg5[%dma_wait3A_77] : memref<400xi32, #tpu.memory_space<vmem>> -> memref<80xi32, #tpu.memory_space<vmem>>
      %dma_wait3A_79 = arith.constant 0 : i32
      %dma_wait3A_80 = arith.constant 0 : i32
      %dma_wait3A_81 = tpu.memref_slice %arg2[%dma_wait3A_79, %dma_wait3A_80] : memref<20000x64xf32, #tpu.memory_space<hbm>> -> memref<20000x64xf32, #tpu.memory_space<hbm>>
      tpu.wait_indirect_dma semaphore(%arg7 : memref<!tpu.dma_semaphore, #tpu.memory_space<semaphore_mem>>) src(%dma_wait3A_81 : memref<20000x64xf32, #tpu.memory_space<hbm>>) dst(%dma_wait3A_76 : memref<80x64xf32, #tpu.memory_space<vmem>>)
      %dma_wait3A_82 = arith.constant 320 : i32
      %dma_wait3A_83 = arith.constant 0 : i32
      %dma_wait3A_84 = tpu.memref_slice %arg6[%dma_wait3A_82, %dma_wait3A_83] : memref<400x64xf32, #tpu.memory_space<vmem>> -> memref<80x64xf32, #tpu.memory_space<vmem>>
      %dma_wait3A_85 = arith.constant 320 : i32
      %dma_wait3A_86 = tpu.memref_slice %arg5[%dma_wait3A_85] : memref<400xi32, #tpu.memory_space<vmem>> -> memref<80xi32, #tpu.memory_space<vmem>>
      %dma_wait3A_87 = arith.constant 0 : i32
      %dma_wait3A_88 = arith.constant 0 : i32
      %dma_wait3A_89 = tpu.memref_slice %arg2[%dma_wait3A_87, %dma_wait3A_88] : memref<20000x64xf32, #tpu.memory_space<hbm>> -> memref<20000x64xf32, #tpu.memory_space<hbm>>
      tpu.wait_indirect_dma semaphore(%arg7 : memref<!tpu.dma_semaphore, #tpu.memory_space<semaphore_mem>>) src(%dma_wait3A_89 : memref<20000x64xf32, #tpu.memory_space<hbm>>) dst(%dma_wait3A_84 : memref<80x64xf32, #tpu.memory_space<vmem>>)
      "tpu.region"() ({
        %run_scoped3A = tpu.sem_alloc : memref<!tpu.dma_semaphore, #tpu.memory_space<semaphore_mem>>
        %dma_start3A_90 = arith.constant 0 : i32
        %dma_start3A_91 = tpu.memref_slice %arg4[%multiple_of3A, %dma_start3A_90] : memref<320000x64xf32, #tpu.memory_space<hbm>> -> memref<400x64xf32, #tpu.memory_space<hbm>>
        %dma_start3A_92 = arith.constant 0 : i32
        %dma_start3A_93 = tpu.memref_slice %arg4[%multiple_of3A, %dma_start3A_92] : memref<320000x64xf32, #tpu.memory_space<hbm>> -> memref<400x64xf32, #tpu.memory_space<hbm>>
        tpu.enqueue_dma source(%arg6 : memref<400x64xf32, #tpu.memory_space<vmem>>) target(%dma_start3A_93 : memref<400x64xf32, #tpu.memory_space<hbm>>) target_semaphore(%run_scoped3A : memref<!tpu.dma_semaphore, #tpu.memory_space<semaphore_mem>>)
        %dma_wait3A_94 = arith.constant 0 : i32
        %dma_wait3A_95 = tpu.memref_slice %arg4[%multiple_of3A, %dma_wait3A_94] : memref<320000x64xf32, #tpu.memory_space<hbm>> -> memref<400x64xf32, #tpu.memory_space<hbm>>
        %dma_wait3A_96 = arith.constant 0 : i32
        %dma_wait3A_97 = tpu.memref_slice %arg4[%multiple_of3A, %dma_wait3A_96] : memref<320000x64xf32, #tpu.memory_space<hbm>> -> memref<400x64xf32, #tpu.memory_space<hbm>>
        tpu.wait_dma2 semaphore(%run_scoped3A : memref<!tpu.dma_semaphore, #tpu.memory_space<semaphore_mem>>) src(%arg6 : memref<400x64xf32, #tpu.memory_space<vmem>>) dst(%dma_wait3A_97 : memref<400x64xf32, #tpu.memory_space<hbm>>)
        tpu.yield
      }) : () -> ()
    }
    %scan3A_7 = arith.constant 25 : i32
    return
  }
}

#map = affine_map<(d0, d1) -> (0, 0)>
#map1 = affine_map<(d0, d1) -> (0)>
module attributes {stable_mosaic.version = 14 : i64} {
  func.func @body(%arg0: i32, %arg1: i32, %arg2: memref<10000x64xf32, #tpu.memory_space<hbm>>, %arg3: memref<320000xi32, #tpu.memory_space<hbm>>, %arg4: memref<320000x64xf32, #tpu.memory_space<hbm>>, %arg5: memref<400xi32, #tpu.memory_space<vmem>>, %arg6: memref<400x64xf32, #tpu.memory_space<vmem>>, %arg7: memref<!tpu.dma_semaphore, #tpu.memory_space<semaphore_mem>>) attributes {dimension_semantics = [#tpu.dimension_semantics<core_parallel>, #tpu.dimension_semantics<subcore_parallel>], iteration_bounds = array<i64: 2, 16>, scalar_prefetch = 0 : i64, scratch_operands = 3 : i64, tpu.core_type = #tpu.core_type<sc_vector_subcore>, window_params = [{transform_indices = #map}, {transform_indices = #map1}, {transform_indices = #map}]} {
    %mul3A = arith.constant 2 : i32
    %mul3A_0 = arith.muli %arg1, %mul3A : i32
    %add3A = arith.addi %mul3A_0, %arg0 : i32
    %mul3A_1 = arith.constant 10000 : i32
    %mul3A_2 = arith.muli %add3A, %mul3A_1 : i32
    %scan3A = arith.constant 0 : i32
    %scan3A_3 = arith.constant 0 : i32
    %scan3A_4 = arith.constant 25 : i32
    %scan3A_5 = arith.addi %scan3A_3, %scan3A_4 : i32
    %scan3A_6 = arith.constant 1 : i32
    scf.for %scan3A_8 = %scan3A_3 to %scan3A_5 step %scan3A_6  : i32 {
      %mul3A_9 = arith.constant 400 : i32
      %mul3A_10 = arith.muli %scan3A_8, %mul3A_9 : i32
      %add3A_11 = arith.addi %mul3A_2, %mul3A_10 : i32
      %multiple_of3A = tpu.assume_multiple %add3A_11, 8 : i32
      "tpu.region"() ({
        %run_scoped3A = tpu.sem_alloc : memref<!tpu.dma_semaphore, #tpu.memory_space<semaphore_mem>>
        %dma_start3A_90 = tpu.memref_slice %arg3[%multiple_of3A] : memref<320000xi32, #tpu.memory_space<hbm>> -> memref<400xi32, #tpu.memory_space<hbm>>
        %dma_start3A_91 = tpu.memref_slice %arg3[%multiple_of3A] : memref<320000xi32, #tpu.memory_space<hbm>> -> memref<400xi32, #tpu.memory_space<hbm>>
        tpu.enqueue_dma source(%dma_start3A_91 : memref<400xi32, #tpu.memory_space<hbm>>) target(%arg5 : memref<400xi32, #tpu.memory_space<vmem>>) target_semaphore(%run_scoped3A : memref<!tpu.dma_semaphore, #tpu.memory_space<semaphore_mem>>)
        %dma_wait3A_92 = tpu.memref_slice %arg3[%multiple_of3A] : memref<320000xi32, #tpu.memory_space<hbm>> -> memref<400xi32, #tpu.memory_space<hbm>>
        %dma_wait3A_93 = tpu.memref_slice %arg3[%multiple_of3A] : memref<320000xi32, #tpu.memory_space<hbm>> -> memref<400xi32, #tpu.memory_space<hbm>>
        tpu.wait_dma2 semaphore(%run_scoped3A : memref<!tpu.dma_semaphore, #tpu.memory_space<semaphore_mem>>) src(%dma_wait3A_93 : memref<400xi32, #tpu.memory_space<hbm>>) dst(%arg5 : memref<400xi32, #tpu.memory_space<vmem>>)
        tpu.yield
      }) : () -> ()
      %dma_start3A = arith.constant 0 : i32
      %dma_start3A_12 = arith.constant 0 : i32
      %dma_start3A_13 = tpu.memref_slice %arg6[%dma_start3A, %dma_start3A_12] : memref<400x64xf32, #tpu.memory_space<vmem>> -> memref<80x64xf32, #tpu.memory_space<vmem>>
      %dma_start3A_14 = arith.constant 0 : i32
      %dma_start3A_15 = tpu.memref_slice %arg5[%dma_start3A_14] : memref<400xi32, #tpu.memory_space<vmem>> -> memref<80xi32, #tpu.memory_space<vmem>>
      %dma_start3A_16 = arith.constant 0 : i32
      %dma_start3A_17 = arith.constant 0 : i32
      %dma_start3A_18 = tpu.memref_slice %arg2[%dma_start3A_16, %dma_start3A_17] : memref<10000x64xf32, #tpu.memory_space<hbm>> -> memref<10000x64xf32, #tpu.memory_space<hbm>>
      tpu.enqueue_indirect_dma source(%dma_start3A_18 : memref<10000x64xf32, #tpu.memory_space<hbm>>) target(%dma_start3A_13 : memref<80x64xf32, #tpu.memory_space<vmem>>) offsets(%dma_start3A_15 : memref<80xi32, #tpu.memory_space<vmem>>) semaphore(%arg7 : memref<!tpu.dma_semaphore, #tpu.memory_space<semaphore_mem>>)
      %dma_start3A_19 = arith.constant 80 : i32
      %dma_start3A_20 = arith.constant 0 : i32
      %dma_start3A_21 = tpu.memref_slice %arg6[%dma_start3A_19, %dma_start3A_20] : memref<400x64xf32, #tpu.memory_space<vmem>> -> memref<80x64xf32, #tpu.memory_space<vmem>>
      %dma_start3A_22 = arith.constant 80 : i32
      %dma_start3A_23 = tpu.memref_slice %arg5[%dma_start3A_22] : memref<400xi32, #tpu.memory_space<vmem>> -> memref<80xi32, #tpu.memory_space<vmem>>
      %dma_start3A_24 = arith.constant 0 : i32
      %dma_start3A_25 = arith.constant 0 : i32
      %dma_start3A_26 = tpu.memref_slice %arg2[%dma_start3A_24, %dma_start3A_25] : memref<10000x64xf32, #tpu.memory_space<hbm>> -> memref<10000x64xf32, #tpu.memory_space<hbm>>
      tpu.enqueue_indirect_dma source(%dma_start3A_26 : memref<10000x64xf32, #tpu.memory_space<hbm>>) target(%dma_start3A_21 : memref<80x64xf32, #tpu.memory_space<vmem>>) offsets(%dma_start3A_23 : memref<80xi32, #tpu.memory_space<vmem>>) semaphore(%arg7 : memref<!tpu.dma_semaphore, #tpu.memory_space<semaphore_mem>>)
      %dma_start3A_27 = arith.constant 160 : i32
      %dma_start3A_28 = arith.constant 0 : i32
      %dma_start3A_29 = tpu.memref_slice %arg6[%dma_start3A_27, %dma_start3A_28] : memref<400x64xf32, #tpu.memory_space<vmem>> -> memref<80x64xf32, #tpu.memory_space<vmem>>
      %dma_start3A_30 = arith.constant 160 : i32
      %dma_start3A_31 = tpu.memref_slice %arg5[%dma_start3A_30] : memref<400xi32, #tpu.memory_space<vmem>> -> memref<80xi32, #tpu.memory_space<vmem>>
      %dma_start3A_32 = arith.constant 0 : i32
      %dma_start3A_33 = arith.constant 0 : i32
      %dma_start3A_34 = tpu.memref_slice %arg2[%dma_start3A_32, %dma_start3A_33] : memref<10000x64xf32, #tpu.memory_space<hbm>> -> memref<10000x64xf32, #tpu.memory_space<hbm>>
      tpu.enqueue_indirect_dma source(%dma_start3A_34 : memref<10000x64xf32, #tpu.memory_space<hbm>>) target(%dma_start3A_29 : memref<80x64xf32, #tpu.memory_space<vmem>>) offsets(%dma_start3A_31 : memref<80xi32, #tpu.memory_space<vmem>>) semaphore(%arg7 : memref<!tpu.dma_semaphore, #tpu.memory_space<semaphore_mem>>)
      %dma_start3A_35 = arith.constant 240 : i32
      %dma_start3A_36 = arith.constant 0 : i32
      %dma_start3A_37 = tpu.memref_slice %arg6[%dma_start3A_35, %dma_start3A_36] : memref<400x64xf32, #tpu.memory_space<vmem>> -> memref<80x64xf32, #tpu.memory_space<vmem>>
      %dma_start3A_38 = arith.constant 240 : i32
      %dma_start3A_39 = tpu.memref_slice %arg5[%dma_start3A_38] : memref<400xi32, #tpu.memory_space<vmem>> -> memref<80xi32, #tpu.memory_space<vmem>>
      %dma_start3A_40 = arith.constant 0 : i32
      %dma_start3A_41 = arith.constant 0 : i32
      %dma_start3A_42 = tpu.memref_slice %arg2[%dma_start3A_40, %dma_start3A_41] : memref<10000x64xf32, #tpu.memory_space<hbm>> -> memref<10000x64xf32, #tpu.memory_space<hbm>>
      tpu.enqueue_indirect_dma source(%dma_start3A_42 : memref<10000x64xf32, #tpu.memory_space<hbm>>) target(%dma_start3A_37 : memref<80x64xf32, #tpu.memory_space<vmem>>) offsets(%dma_start3A_39 : memref<80xi32, #tpu.memory_space<vmem>>) semaphore(%arg7 : memref<!tpu.dma_semaphore, #tpu.memory_space<semaphore_mem>>)
      %dma_start3A_43 = arith.constant 320 : i32
      %dma_start3A_44 = arith.constant 0 : i32
      %dma_start3A_45 = tpu.memref_slice %arg6[%dma_start3A_43, %dma_start3A_44] : memref<400x64xf32, #tpu.memory_space<vmem>> -> memref<80x64xf32, #tpu.memory_space<vmem>>
      %dma_start3A_46 = arith.constant 320 : i32
      %dma_start3A_47 = tpu.memref_slice %arg5[%dma_start3A_46] : memref<400xi32, #tpu.memory_space<vmem>> -> memref<80xi32, #tpu.memory_space<vmem>>
      %dma_start3A_48 = arith.constant 0 : i32
      %dma_start3A_49 = arith.constant 0 : i32
      %dma_start3A_50 = tpu.memref_slice %arg2[%dma_start3A_48, %dma_start3A_49] : memref<10000x64xf32, #tpu.memory_space<hbm>> -> memref<10000x64xf32, #tpu.memory_space<hbm>>
      tpu.enqueue_indirect_dma source(%dma_start3A_50 : memref<10000x64xf32, #tpu.memory_space<hbm>>) target(%dma_start3A_45 : memref<80x64xf32, #tpu.memory_space<vmem>>) offsets(%dma_start3A_47 : memref<80xi32, #tpu.memory_space<vmem>>) semaphore(%arg7 : memref<!tpu.dma_semaphore, #tpu.memory_space<semaphore_mem>>)
      %dma_wait3A = arith.constant 0 : i32
      %dma_wait3A_51 = arith.constant 0 : i32
      %dma_wait3A_52 = tpu.memref_slice %arg6[%dma_wait3A, %dma_wait3A_51] : memref<400x64xf32, #tpu.memory_space<vmem>> -> memref<80x64xf32, #tpu.memory_space<vmem>>
      %dma_wait3A_53 = arith.constant 0 : i32
      %dma_wait3A_54 = tpu.memref_slice %arg5[%dma_wait3A_53] : memref<400xi32, #tpu.memory_space<vmem>> -> memref<80xi32, #tpu.memory_space<vmem>>
      %dma_wait3A_55 = arith.constant 0 : i32
      %dma_wait3A_56 = arith.constant 0 : i32
      %dma_wait3A_57 = tpu.memref_slice %arg2[%dma_wait3A_55, %dma_wait3A_56] : memref<10000x64xf32, #tpu.memory_space<hbm>> -> memref<10000x64xf32, #tpu.memory_space<hbm>>
      tpu.wait_indirect_dma semaphore(%arg7 : memref<!tpu.dma_semaphore, #tpu.memory_space<semaphore_mem>>) src(%dma_wait3A_57 : memref<10000x64xf32, #tpu.memory_space<hbm>>) dst(%dma_wait3A_52 : memref<80x64xf32, #tpu.memory_space<vmem>>)
      %dma_wait3A_58 = arith.constant 80 : i32
      %dma_wait3A_59 = arith.constant 0 : i32
      %dma_wait3A_60 = tpu.memref_slice %arg6[%dma_wait3A_58, %dma_wait3A_59] : memref<400x64xf32, #tpu.memory_space<vmem>> -> memref<80x64xf32, #tpu.memory_space<vmem>>
      %dma_wait3A_61 = arith.constant 80 : i32
      %dma_wait3A_62 = tpu.memref_slice %arg5[%dma_wait3A_61] : memref<400xi32, #tpu.memory_space<vmem>> -> memref<80xi32, #tpu.memory_space<vmem>>
      %dma_wait3A_63 = arith.constant 0 : i32
      %dma_wait3A_64 = arith.constant 0 : i32
      %dma_wait3A_65 = tpu.memref_slice %arg2[%dma_wait3A_63, %dma_wait3A_64] : memref<10000x64xf32, #tpu.memory_space<hbm>> -> memref<10000x64xf32, #tpu.memory_space<hbm>>
      tpu.wait_indirect_dma semaphore(%arg7 : memref<!tpu.dma_semaphore, #tpu.memory_space<semaphore_mem>>) src(%dma_wait3A_65 : memref<10000x64xf32, #tpu.memory_space<hbm>>) dst(%dma_wait3A_60 : memref<80x64xf32, #tpu.memory_space<vmem>>)
      %dma_wait3A_66 = arith.constant 160 : i32
      %dma_wait3A_67 = arith.constant 0 : i32
      %dma_wait3A_68 = tpu.memref_slice %arg6[%dma_wait3A_66, %dma_wait3A_67] : memref<400x64xf32, #tpu.memory_space<vmem>> -> memref<80x64xf32, #tpu.memory_space<vmem>>
      %dma_wait3A_69 = arith.constant 160 : i32
      %dma_wait3A_70 = tpu.memref_slice %arg5[%dma_wait3A_69] : memref<400xi32, #tpu.memory_space<vmem>> -> memref<80xi32, #tpu.memory_space<vmem>>
      %dma_wait3A_71 = arith.constant 0 : i32
      %dma_wait3A_72 = arith.constant 0 : i32
      %dma_wait3A_73 = tpu.memref_slice %arg2[%dma_wait3A_71, %dma_wait3A_72] : memref<10000x64xf32, #tpu.memory_space<hbm>> -> memref<10000x64xf32, #tpu.memory_space<hbm>>
      tpu.wait_indirect_dma semaphore(%arg7 : memref<!tpu.dma_semaphore, #tpu.memory_space<semaphore_mem>>) src(%dma_wait3A_73 : memref<10000x64xf32, #tpu.memory_space<hbm>>) dst(%dma_wait3A_68 : memref<80x64xf32, #tpu.memory_space<vmem>>)
      %dma_wait3A_74 = arith.constant 240 : i32
      %dma_wait3A_75 = arith.constant 0 : i32
      %dma_wait3A_76 = tpu.memref_slice %arg6[%dma_wait3A_74, %dma_wait3A_75] : memref<400x64xf32, #tpu.memory_space<vmem>> -> memref<80x64xf32, #tpu.memory_space<vmem>>
      %dma_wait3A_77 = arith.constant 240 : i32
      %dma_wait3A_78 = tpu.memref_slice %arg5[%dma_wait3A_77] : memref<400xi32, #tpu.memory_space<vmem>> -> memref<80xi32, #tpu.memory_space<vmem>>
      %dma_wait3A_79 = arith.constant 0 : i32
      %dma_wait3A_80 = arith.constant 0 : i32
      %dma_wait3A_81 = tpu.memref_slice %arg2[%dma_wait3A_79, %dma_wait3A_80] : memref<10000x64xf32, #tpu.memory_space<hbm>> -> memref<10000x64xf32, #tpu.memory_space<hbm>>
      tpu.wait_indirect_dma semaphore(%arg7 : memref<!tpu.dma_semaphore, #tpu.memory_space<semaphore_mem>>) src(%dma_wait3A_81 : memref<10000x64xf32, #tpu.memory_space<hbm>>) dst(%dma_wait3A_76 : memref<80x64xf32, #tpu.memory_space<vmem>>)
      %dma_wait3A_82 = arith.constant 320 : i32
      %dma_wait3A_83 = arith.constant 0 : i32
      %dma_wait3A_84 = tpu.memref_slice %arg6[%dma_wait3A_82, %dma_wait3A_83] : memref<400x64xf32, #tpu.memory_space<vmem>> -> memref<80x64xf32, #tpu.memory_space<vmem>>
      %dma_wait3A_85 = arith.constant 320 : i32
      %dma_wait3A_86 = tpu.memref_slice %arg5[%dma_wait3A_85] : memref<400xi32, #tpu.memory_space<vmem>> -> memref<80xi32, #tpu.memory_space<vmem>>
      %dma_wait3A_87 = arith.constant 0 : i32
      %dma_wait3A_88 = arith.constant 0 : i32
      %dma_wait3A_89 = tpu.memref_slice %arg2[%dma_wait3A_87, %dma_wait3A_88] : memref<10000x64xf32, #tpu.memory_space<hbm>> -> memref<10000x64xf32, #tpu.memory_space<hbm>>
      tpu.wait_indirect_dma semaphore(%arg7 : memref<!tpu.dma_semaphore, #tpu.memory_space<semaphore_mem>>) src(%dma_wait3A_89 : memref<10000x64xf32, #tpu.memory_space<hbm>>) dst(%dma_wait3A_84 : memref<80x64xf32, #tpu.memory_space<vmem>>)
      "tpu.region"() ({
        %run_scoped3A = tpu.sem_alloc : memref<!tpu.dma_semaphore, #tpu.memory_space<semaphore_mem>>
        %dma_start3A_90 = arith.constant 0 : i32
        %dma_start3A_91 = tpu.memref_slice %arg4[%multiple_of3A, %dma_start3A_90] : memref<320000x64xf32, #tpu.memory_space<hbm>> -> memref<400x64xf32, #tpu.memory_space<hbm>>
        %dma_start3A_92 = arith.constant 0 : i32
        %dma_start3A_93 = tpu.memref_slice %arg4[%multiple_of3A, %dma_start3A_92] : memref<320000x64xf32, #tpu.memory_space<hbm>> -> memref<400x64xf32, #tpu.memory_space<hbm>>
        tpu.enqueue_dma source(%arg6 : memref<400x64xf32, #tpu.memory_space<vmem>>) target(%dma_start3A_93 : memref<400x64xf32, #tpu.memory_space<hbm>>) target_semaphore(%run_scoped3A : memref<!tpu.dma_semaphore, #tpu.memory_space<semaphore_mem>>)
        %dma_wait3A_94 = arith.constant 0 : i32
        %dma_wait3A_95 = tpu.memref_slice %arg4[%multiple_of3A, %dma_wait3A_94] : memref<320000x64xf32, #tpu.memory_space<hbm>> -> memref<400x64xf32, #tpu.memory_space<hbm>>
        %dma_wait3A_96 = arith.constant 0 : i32
        %dma_wait3A_97 = tpu.memref_slice %arg4[%multiple_of3A, %dma_wait3A_96] : memref<320000x64xf32, #tpu.memory_space<hbm>> -> memref<400x64xf32, #tpu.memory_space<hbm>>
        tpu.wait_dma2 semaphore(%run_scoped3A : memref<!tpu.dma_semaphore, #tpu.memory_space<semaphore_mem>>) src(%arg6 : memref<400x64xf32, #tpu.memory_space<vmem>>) dst(%dma_wait3A_97 : memref<400x64xf32, #tpu.memory_space<hbm>>)
        tpu.yield
      }) : () -> ()
    }
    %scan3A_7 = arith.constant 25 : i32
    return
  }
}

#map = affine_map<(d0, d1) -> (0, 0)>
#map1 = affine_map<(d0, d1) -> (0, 0, 0)>
module attributes {stable_mosaic.version = 14 : i64} {
  func.func @body(%arg0: i32, %arg1: i32, %arg2: memref<320000x80xf32, #tpu.memory_space<hbm>>, %arg3: memref<320000x80xf32, #tpu.memory_space<hbm>>, %arg4: memref<4000x80xi32, #tpu.memory_space<hbm>>, %arg5: memref<20000x80xf32, #tpu.memory_space<hbm>>, %arg6: memref<2x20000x80xf32, #tpu.memory_space<hbm>>, %arg7: memref<20000x80xf32, #tpu.memory_space<vmem_shared>>, %arg8: memref<2x80xi32, #tpu.memory_space<vmem>>, %arg9: memref<160x80xf32, #tpu.memory_space<vmem>>) attributes {dimension_semantics = [#tpu.dimension_semantics<core_parallel>, #tpu.dimension_semantics<subcore_parallel>], iteration_bounds = array<i64: 2, 16>, scalar_prefetch = 0 : i64, scratch_operands = 3 : i64, tpu.core_type = #tpu.core_type<sc_vector_subcore>, window_params = [{transform_indices = #map}, {transform_indices = #map}, {transform_indices = #map}, {transform_indices = #map}, {transform_indices = #map1}]} {
    %mul3A = arith.constant 1250 : i32
    %mul3A_0 = arith.muli %arg1, %mul3A : i32
    "tpu.region"() ({
      %run_scoped3A = tpu.sem_alloc : memref<!tpu.dma_semaphore, #tpu.memory_space<semaphore_mem>>
      %dma_start3A = arith.constant 0 : i32
      %dma_start3A_7 = tpu.memref_slice %arg7[%mul3A_0, %dma_start3A] : memref<20000x80xf32, #tpu.memory_space<vmem_shared>> -> memref<1250x80xf32, #tpu.memory_space<vmem_shared>>
      %dma_start3A_8 = arith.constant 0 : i32
      %dma_start3A_9 = tpu.memref_slice %arg5[%mul3A_0, %dma_start3A_8] : memref<20000x80xf32, #tpu.memory_space<hbm>> -> memref<1250x80xf32, #tpu.memory_space<hbm>>
      tpu.enqueue_dma source(%dma_start3A_9 : memref<1250x80xf32, #tpu.memory_space<hbm>>) target(%dma_start3A_7 : memref<1250x80xf32, #tpu.memory_space<vmem_shared>>) target_semaphore(%run_scoped3A : memref<!tpu.dma_semaphore, #tpu.memory_space<semaphore_mem>>)
      %dma_wait3A = arith.constant 0 : i32
      %dma_wait3A_10 = tpu.memref_slice %arg7[%mul3A_0, %dma_wait3A] : memref<20000x80xf32, #tpu.memory_space<vmem_shared>> -> memref<1250x80xf32, #tpu.memory_space<vmem_shared>>
      %dma_wait3A_11 = arith.constant 0 : i32
      %dma_wait3A_12 = tpu.memref_slice %arg5[%mul3A_0, %dma_wait3A_11] : memref<20000x80xf32, #tpu.memory_space<hbm>> -> memref<1250x80xf32, #tpu.memory_space<hbm>>
      tpu.wait_dma2 semaphore(%run_scoped3A : memref<!tpu.dma_semaphore, #tpu.memory_space<semaphore_mem>>) src(%dma_wait3A_12 : memref<1250x80xf32, #tpu.memory_space<hbm>>) dst(%dma_wait3A_10 : memref<1250x80xf32, #tpu.memory_space<vmem_shared>>)
      tpu.yield
    }) : () -> ()
    %barrier3A = arith.constant 0 : index
    tpu.barrier barrier_id(%barrier3A)
    %scan3A = arith.constant 0 : i32
    %scan3A_1 = arith.constant 0 : i32
    %scan3A_2 = arith.constant 125 : i32
    %scan3A_3 = arith.addi %scan3A_1, %scan3A_2 : i32
    %scan3A_4 = arith.constant 1 : i32
    scf.for %scan3A_7 = %scan3A_1 to %scan3A_3 step %scan3A_4  : i32 {
      %mul3A_8 = arith.constant 20000 : i32
      %mul3A_9 = arith.muli %arg1, %mul3A_8 : i32
      %mul3A_10 = arith.constant 160 : i32
      %mul3A_11 = arith.muli %scan3A_7, %mul3A_10 : i32
      %add3A = arith.addi %mul3A_9, %mul3A_11 : i32
      %multiple_of3A = tpu.assume_multiple %add3A, 8 : i32
      %mul3A_12 = arith.constant 20000 : i32
      %mul3A_13 = arith.muli %arg1, %mul3A_12 : i32
      %jit3A = arith.constant 80 : i32
      %div3A = arith.divsi %mul3A_13, %jit3A : i32
      %sign3A = arith.constant 0 : i32
      %sign3A_14 = arith.cmpi sgt, %mul3A_13, %sign3A : i32
      %sign3A_15 = arith.extui %sign3A_14 : i1 to i32
      %sign3A_16 = arith.constant 0 : i32
      %sign3A_17 = arith.cmpi slt, %mul3A_13, %sign3A_16 : i32
      %sign3A_18 = arith.extui %sign3A_17 : i1 to i32
      %sign3A_19 = arith.subi %sign3A_15, %sign3A_18 : i32
      %sign3A_20 = arith.constant 0 : i32
      %sign3A_21 = arith.cmpi sgt, %jit3A, %sign3A_20 : i32
      %sign3A_22 = arith.extui %sign3A_21 : i1 to i32
      %sign3A_23 = arith.constant 0 : i32
      %sign3A_24 = arith.cmpi slt, %jit3A, %sign3A_23 : i32
      %sign3A_25 = arith.extui %sign3A_24 : i1 to i32
      %sign3A_26 = arith.subi %sign3A_22, %sign3A_25 : i32
      %ne3A = arith.cmpi ne, %sign3A_19, %sign3A_26 : i32
      %rem3A = arith.remsi %mul3A_13, %jit3A : i32
      %ne3A_27 = arith.constant 0 : i32
      %ne3A_28 = arith.cmpi ne, %rem3A, %ne3A_27 : i32
      %and3A = arith.andi %ne3A, %ne3A_28 : i1
      %sub3A = arith.constant 1 : i32
      %sub3A_29 = arith.subi %div3A, %sub3A : i32
      %select_n3A = arith.select %and3A, %sub3A_29, %div3A : i32
      %mul3A_30 = arith.constant 2 : i32
      %mul3A_31 = arith.muli %scan3A_7, %mul3A_30 : i32
      %add3A_32 = arith.addi %select_n3A, %mul3A_31 : i32
      "tpu.region"() ({
        %run_scoped3A_41 = tpu.sem_alloc : memref<!tpu.dma_semaphore, #tpu.memory_space<semaphore_mem>>
        %dma_start3A = arith.constant 0 : i32
        %dma_start3A_42 = tpu.memref_slice %arg4[%add3A_32, %dma_start3A] : memref<4000x80xi32, #tpu.memory_space<hbm>> -> memref<2x80xi32, #tpu.memory_space<hbm>>
        %dma_start3A_43 = arith.constant 0 : i32
        %dma_start3A_44 = tpu.memref_slice %arg4[%add3A_32, %dma_start3A_43] : memref<4000x80xi32, #tpu.memory_space<hbm>> -> memref<2x80xi32, #tpu.memory_space<hbm>>
        tpu.enqueue_dma source(%dma_start3A_44 : memref<2x80xi32, #tpu.memory_space<hbm>>) target(%arg8 : memref<2x80xi32, #tpu.memory_space<vmem>>) target_semaphore(%run_scoped3A_41 : memref<!tpu.dma_semaphore, #tpu.memory_space<semaphore_mem>>)
        %dma_wait3A = arith.constant 0 : i32
        %dma_wait3A_45 = tpu.memref_slice %arg4[%add3A_32, %dma_wait3A] : memref<4000x80xi32, #tpu.memory_space<hbm>> -> memref<2x80xi32, #tpu.memory_space<hbm>>
        %dma_wait3A_46 = arith.constant 0 : i32
        %dma_wait3A_47 = tpu.memref_slice %arg4[%add3A_32, %dma_wait3A_46] : memref<4000x80xi32, #tpu.memory_space<hbm>> -> memref<2x80xi32, #tpu.memory_space<hbm>>
        tpu.wait_dma2 semaphore(%run_scoped3A_41 : memref<!tpu.dma_semaphore, #tpu.memory_space<semaphore_mem>>) src(%dma_wait3A_47 : memref<2x80xi32, #tpu.memory_space<hbm>>) dst(%arg8 : memref<2x80xi32, #tpu.memory_space<vmem>>)
        tpu.yield
      }) : () -> ()
      %eq3A = arith.constant 0 : i32
      %eq3A_33 = arith.cmpi eq, %arg0, %eq3A : i32
      %convert_element_type3A = arith.extui %eq3A_33 : i1 to i32
      %cond3A = arith.constant 0 : i32
      %cond3A_34 = arith.cmpi ne, %convert_element_type3A, %cond3A : i32
      scf.if %cond3A_34 {
        "tpu.region"() ({
          %run_scoped3A_41 = tpu.sem_alloc : memref<!tpu.dma_semaphore, #tpu.memory_space<semaphore_mem>>
          %dma_start3A = arith.constant 0 : i32
          %dma_start3A_42 = tpu.memref_slice %arg2[%multiple_of3A, %dma_start3A] : memref<320000x80xf32, #tpu.memory_space<hbm>> -> memref<160x80xf32, #tpu.memory_space<hbm>>
          %dma_start3A_43 = arith.constant 0 : i32
          %dma_start3A_44 = tpu.memref_slice %arg2[%multiple_of3A, %dma_start3A_43] : memref<320000x80xf32, #tpu.memory_space<hbm>> -> memref<160x80xf32, #tpu.memory_space<hbm>>
          tpu.enqueue_dma source(%dma_start3A_44 : memref<160x80xf32, #tpu.memory_space<hbm>>) target(%arg9 : memref<160x80xf32, #tpu.memory_space<vmem>>) target_semaphore(%run_scoped3A_41 : memref<!tpu.dma_semaphore, #tpu.memory_space<semaphore_mem>>)
          %dma_wait3A = arith.constant 0 : i32
          %dma_wait3A_45 = tpu.memref_slice %arg2[%multiple_of3A, %dma_wait3A] : memref<320000x80xf32, #tpu.memory_space<hbm>> -> memref<160x80xf32, #tpu.memory_space<hbm>>
          %dma_wait3A_46 = arith.constant 0 : i32
          %dma_wait3A_47 = tpu.memref_slice %arg2[%multiple_of3A, %dma_wait3A_46] : memref<320000x80xf32, #tpu.memory_space<hbm>> -> memref<160x80xf32, #tpu.memory_space<hbm>>
          tpu.wait_dma2 semaphore(%run_scoped3A_41 : memref<!tpu.dma_semaphore, #tpu.memory_space<semaphore_mem>>) src(%dma_wait3A_47 : memref<160x80xf32, #tpu.memory_space<hbm>>) dst(%arg9 : memref<160x80xf32, #tpu.memory_space<vmem>>)
          tpu.yield
        }) : () -> ()
      } else {
      }
      %eq3A_35 = arith.constant 1 : i32
      %eq3A_36 = arith.cmpi eq, %arg0, %eq3A_35 : i32
      %convert_element_type3A_37 = arith.extui %eq3A_36 : i1 to i32
      %cond3A_38 = arith.constant 0 : i32
      %cond3A_39 = arith.cmpi ne, %convert_element_type3A_37, %cond3A_38 : i32
      scf.if %cond3A_39 {
        "tpu.region"() ({
          %run_scoped3A_41 = tpu.sem_alloc : memref<!tpu.dma_semaphore, #tpu.memory_space<semaphore_mem>>
          %dma_start3A = arith.constant 0 : i32
          %dma_start3A_42 = tpu.memref_slice %arg3[%multiple_of3A, %dma_start3A] : memref<320000x80xf32, #tpu.memory_space<hbm>> -> memref<160x80xf32, #tpu.memory_space<hbm>>
          %dma_start3A_43 = arith.constant 0 : i32
          %dma_start3A_44 = tpu.memref_slice %arg3[%multiple_of3A, %dma_start3A_43] : memref<320000x80xf32, #tpu.memory_space<hbm>> -> memref<160x80xf32, #tpu.memory_space<hbm>>
          tpu.enqueue_dma source(%dma_start3A_44 : memref<160x80xf32, #tpu.memory_space<hbm>>) target(%arg9 : memref<160x80xf32, #tpu.memory_space<vmem>>) target_semaphore(%run_scoped3A_41 : memref<!tpu.dma_semaphore, #tpu.memory_space<semaphore_mem>>)
          %dma_wait3A = arith.constant 0 : i32
          %dma_wait3A_45 = tpu.memref_slice %arg3[%multiple_of3A, %dma_wait3A] : memref<320000x80xf32, #tpu.memory_space<hbm>> -> memref<160x80xf32, #tpu.memory_space<hbm>>
          %dma_wait3A_46 = arith.constant 0 : i32
          %dma_wait3A_47 = tpu.memref_slice %arg3[%multiple_of3A, %dma_wait3A_46] : memref<320000x80xf32, #tpu.memory_space<hbm>> -> memref<160x80xf32, #tpu.memory_space<hbm>>
          tpu.wait_dma2 semaphore(%run_scoped3A_41 : memref<!tpu.dma_semaphore, #tpu.memory_space<semaphore_mem>>) src(%dma_wait3A_47 : memref<160x80xf32, #tpu.memory_space<hbm>>) dst(%arg9 : memref<160x80xf32, #tpu.memory_space<vmem>>)
          tpu.yield
        }) : () -> ()
      } else {
      }
      %run_scoped3A = arith.constant 0 : i32
      "tpu.region"() ({
        %run_scoped3A_41 = tpu.sem_alloc : memref<!tpu.dma_semaphore, #tpu.memory_space<semaphore_mem>>
        %dma_start3A = arith.constant 0 : i32
        %dma_start3A_42 = arith.constant 0 : i32
        %dma_start3A_43 = tpu.memref_slice %arg9[%dma_start3A, %dma_start3A_42] : memref<160x80xf32, #tpu.memory_space<vmem>> -> memref<80x80xf32, #tpu.memory_space<vmem>>
        %dma_start3A_44 = arith.constant 0 : i32
        %dma_start3A_45 = tpu.memref_slice %arg8[%run_scoped3A, %dma_start3A_44] : memref<2x80xi32, #tpu.memory_space<vmem>> -> memref<1x80xi32, #tpu.memory_space<vmem>>
        %dma_start3A_46 = tpu.memref_squeeze %dma_start3A_45 : memref<1x80xi32, #tpu.memory_space<vmem>> -> memref<80xi32, #tpu.memory_space<vmem>>
        %dma_start3A_47 = arith.constant 0 : i32
        %dma_start3A_48 = arith.constant 0 : i32
        %dma_start3A_49 = tpu.memref_slice %arg7[%dma_start3A_47, %dma_start3A_48] : memref<20000x80xf32, #tpu.memory_space<vmem_shared>> -> memref<20000x80xf32, #tpu.memory_space<vmem_shared>>
        tpu.enqueue_indirect_dma source(%dma_start3A_43 : memref<80x80xf32, #tpu.memory_space<vmem>>) target(%dma_start3A_49 : memref<20000x80xf32, #tpu.memory_space<vmem_shared>>) offsets(%dma_start3A_46 : memref<80xi32, #tpu.memory_space<vmem>>) semaphore(%run_scoped3A_41 : memref<!tpu.dma_semaphore, #tpu.memory_space<semaphore_mem>>) {add = true}
        %dma_wait3A = arith.constant 0 : i32
        %dma_wait3A_50 = arith.constant 0 : i32
        %dma_wait3A_51 = tpu.memref_slice %arg9[%dma_wait3A, %dma_wait3A_50] : memref<160x80xf32, #tpu.memory_space<vmem>> -> memref<80x80xf32, #tpu.memory_space<vmem>>
        %dma_wait3A_52 = arith.constant 0 : i32
        %dma_wait3A_53 = tpu.memref_slice %arg8[%run_scoped3A, %dma_wait3A_52] : memref<2x80xi32, #tpu.memory_space<vmem>> -> memref<1x80xi32, #tpu.memory_space<vmem>>
        %dma_wait3A_54 = tpu.memref_squeeze %dma_wait3A_53 : memref<1x80xi32, #tpu.memory_space<vmem>> -> memref<80xi32, #tpu.memory_space<vmem>>
        %dma_wait3A_55 = arith.constant 0 : i32
        %dma_wait3A_56 = arith.constant 0 : i32
        %dma_wait3A_57 = tpu.memref_slice %arg7[%dma_wait3A_55, %dma_wait3A_56] : memref<20000x80xf32, #tpu.memory_space<vmem_shared>> -> memref<20000x80xf32, #tpu.memory_space<vmem_shared>>
        tpu.wait_indirect_dma semaphore(%run_scoped3A_41 : memref<!tpu.dma_semaphore, #tpu.memory_space<semaphore_mem>>) src(%dma_wait3A_51 : memref<80x80xf32, #tpu.memory_space<vmem>>) dst(%dma_wait3A_57 : memref<20000x80xf32, #tpu.memory_space<vmem_shared>>)
        tpu.yield
      }) : () -> ()
      %run_scoped3A_40 = arith.constant 1 : i32
      "tpu.region"() ({
        %run_scoped3A_41 = tpu.sem_alloc : memref<!tpu.dma_semaphore, #tpu.memory_space<semaphore_mem>>
        %dma_start3A = arith.constant 80 : i32
        %dma_start3A_42 = arith.constant 0 : i32
        %dma_start3A_43 = tpu.memref_slice %arg9[%dma_start3A, %dma_start3A_42] : memref<160x80xf32, #tpu.memory_space<vmem>> -> memref<80x80xf32, #tpu.memory_space<vmem>>
        %dma_start3A_44 = arith.constant 0 : i32
        %dma_start3A_45 = tpu.memref_slice %arg8[%run_scoped3A_40, %dma_start3A_44] : memref<2x80xi32, #tpu.memory_space<vmem>> -> memref<1x80xi32, #tpu.memory_space<vmem>>
        %dma_start3A_46 = tpu.memref_squeeze %dma_start3A_45 : memref<1x80xi32, #tpu.memory_space<vmem>> -> memref<80xi32, #tpu.memory_space<vmem>>
        %dma_start3A_47 = arith.constant 0 : i32
        %dma_start3A_48 = arith.constant 0 : i32
        %dma_start3A_49 = tpu.memref_slice %arg7[%dma_start3A_47, %dma_start3A_48] : memref<20000x80xf32, #tpu.memory_space<vmem_shared>> -> memref<20000x80xf32, #tpu.memory_space<vmem_shared>>
        tpu.enqueue_indirect_dma source(%dma_start3A_43 : memref<80x80xf32, #tpu.memory_space<vmem>>) target(%dma_start3A_49 : memref<20000x80xf32, #tpu.memory_space<vmem_shared>>) offsets(%dma_start3A_46 : memref<80xi32, #tpu.memory_space<vmem>>) semaphore(%run_scoped3A_41 : memref<!tpu.dma_semaphore, #tpu.memory_space<semaphore_mem>>) {add = true}
        %dma_wait3A = arith.constant 80 : i32
        %dma_wait3A_50 = arith.constant 0 : i32
        %dma_wait3A_51 = tpu.memref_slice %arg9[%dma_wait3A, %dma_wait3A_50] : memref<160x80xf32, #tpu.memory_space<vmem>> -> memref<80x80xf32, #tpu.memory_space<vmem>>
        %dma_wait3A_52 = arith.constant 0 : i32
        %dma_wait3A_53 = tpu.memref_slice %arg8[%run_scoped3A_40, %dma_wait3A_52] : memref<2x80xi32, #tpu.memory_space<vmem>> -> memref<1x80xi32, #tpu.memory_space<vmem>>
        %dma_wait3A_54 = tpu.memref_squeeze %dma_wait3A_53 : memref<1x80xi32, #tpu.memory_space<vmem>> -> memref<80xi32, #tpu.memory_space<vmem>>
        %dma_wait3A_55 = arith.constant 0 : i32
        %dma_wait3A_56 = arith.constant 0 : i32
        %dma_wait3A_57 = tpu.memref_slice %arg7[%dma_wait3A_55, %dma_wait3A_56] : memref<20000x80xf32, #tpu.memory_space<vmem_shared>> -> memref<20000x80xf32, #tpu.memory_space<vmem_shared>>
        tpu.wait_indirect_dma semaphore(%run_scoped3A_41 : memref<!tpu.dma_semaphore, #tpu.memory_space<semaphore_mem>>) src(%dma_wait3A_51 : memref<80x80xf32, #tpu.memory_space<vmem>>) dst(%dma_wait3A_57 : memref<20000x80xf32, #tpu.memory_space<vmem_shared>>)
        tpu.yield
      }) : () -> ()
    }
    %scan3A_5 = arith.constant 125 : i32
    %barrier3A_6 = arith.constant 0 : index
    tpu.barrier barrier_id(%barrier3A_6)
    "tpu.region"() ({
      %run_scoped3A = tpu.sem_alloc : memref<!tpu.dma_semaphore, #tpu.memory_space<semaphore_mem>>
      %dma_start3A = arith.constant 0 : i32
      %dma_start3A_7 = tpu.memref_slice %arg6[%arg0, %mul3A_0, %dma_start3A] : memref<2x20000x80xf32, #tpu.memory_space<hbm>> -> memref<1x1250x80xf32, #tpu.memory_space<hbm>>
      %dma_start3A_8 = tpu.memref_squeeze %dma_start3A_7 : memref<1x1250x80xf32, #tpu.memory_space<hbm>> -> memref<1250x80xf32, #tpu.memory_space<hbm>>
      %dma_start3A_9 = arith.constant 0 : i32
      %dma_start3A_10 = tpu.memref_slice %arg7[%mul3A_0, %dma_start3A_9] : memref<20000x80xf32, #tpu.memory_space<vmem_shared>> -> memref<1250x80xf32, #tpu.memory_space<vmem_shared>>
      tpu.enqueue_dma source(%dma_start3A_10 : memref<1250x80xf32, #tpu.memory_space<vmem_shared>>) target(%dma_start3A_8 : memref<1250x80xf32, #tpu.memory_space<hbm>>) target_semaphore(%run_scoped3A : memref<!tpu.dma_semaphore, #tpu.memory_space<semaphore_mem>>)
      %dma_wait3A = arith.constant 0 : i32
      %dma_wait3A_11 = tpu.memref_slice %arg6[%arg0, %mul3A_0, %dma_wait3A] : memref<2x20000x80xf32, #tpu.memory_space<hbm>> -> memref<1x1250x80xf32, #tpu.memory_space<hbm>>
      %dma_wait3A_12 = tpu.memref_squeeze %dma_wait3A_11 : memref<1x1250x80xf32, #tpu.memory_space<hbm>> -> memref<1250x80xf32, #tpu.memory_space<hbm>>
      %dma_wait3A_13 = arith.constant 0 : i32
      %dma_wait3A_14 = tpu.memref_slice %arg7[%mul3A_0, %dma_wait3A_13] : memref<20000x80xf32, #tpu.memory_space<vmem_shared>> -> memref<1250x80xf32, #tpu.memory_space<vmem_shared>>
      tpu.wait_dma2 semaphore(%run_scoped3A : memref<!tpu.dma_semaphore, #tpu.memory_space<semaphore_mem>>) src(%dma_wait3A_14 : memref<1250x80xf32, #tpu.memory_space<vmem_shared>>) dst(%dma_wait3A_12 : memref<1250x80xf32, #tpu.memory_space<hbm>>)
      tpu.yield
    }) : () -> ()
    return
  }
}

#map = affine_map<(d0, d1) -> (0, 0)>
#map1 = affine_map<(d0, d1) -> (0)>
module attributes {stable_mosaic.version = 14 : i64} {
  func.func @body(%arg0: i32, %arg1: i32, %arg2: memref<10000x128xf32, #tpu.memory_space<hbm>>, %arg3: memref<320000xi32, #tpu.memory_space<hbm>>, %arg4: memref<320000x128xf32, #tpu.memory_space<hbm>>, %arg5: memref<400xi32, #tpu.memory_space<vmem>>, %arg6: memref<400x128xf32, #tpu.memory_space<vmem>>, %arg7: memref<!tpu.dma_semaphore, #tpu.memory_space<semaphore_mem>>) attributes {dimension_semantics = [#tpu.dimension_semantics<core_parallel>, #tpu.dimension_semantics<subcore_parallel>], iteration_bounds = array<i64: 2, 16>, scalar_prefetch = 0 : i64, scratch_operands = 3 : i64, tpu.core_type = #tpu.core_type<sc_vector_subcore>, window_params = [{transform_indices = #map}, {transform_indices = #map1}, {transform_indices = #map}]} {
    %mul3A = arith.constant 2 : i32
    %mul3A_0 = arith.muli %arg1, %mul3A : i32
    %add3A = arith.addi %mul3A_0, %arg0 : i32
    %mul3A_1 = arith.constant 10000 : i32
    %mul3A_2 = arith.muli %add3A, %mul3A_1 : i32
    %scan3A = arith.constant 0 : i32
    %scan3A_3 = arith.constant 0 : i32
    %scan3A_4 = arith.constant 25 : i32
    %scan3A_5 = arith.addi %scan3A_3, %scan3A_4 : i32
    %scan3A_6 = arith.constant 1 : i32
    scf.for %scan3A_8 = %scan3A_3 to %scan3A_5 step %scan3A_6  : i32 {
      %mul3A_9 = arith.constant 400 : i32
      %mul3A_10 = arith.muli %scan3A_8, %mul3A_9 : i32
      %add3A_11 = arith.addi %mul3A_2, %mul3A_10 : i32
      %multiple_of3A = tpu.assume_multiple %add3A_11, 8 : i32
      "tpu.region"() ({
        %run_scoped3A = tpu.sem_alloc : memref<!tpu.dma_semaphore, #tpu.memory_space<semaphore_mem>>
        %dma_start3A_90 = tpu.memref_slice %arg3[%multiple_of3A] : memref<320000xi32, #tpu.memory_space<hbm>> -> memref<400xi32, #tpu.memory_space<hbm>>
        %dma_start3A_91 = tpu.memref_slice %arg3[%multiple_of3A] : memref<320000xi32, #tpu.memory_space<hbm>> -> memref<400xi32, #tpu.memory_space<hbm>>
        tpu.enqueue_dma source(%dma_start3A_91 : memref<400xi32, #tpu.memory_space<hbm>>) target(%arg5 : memref<400xi32, #tpu.memory_space<vmem>>) target_semaphore(%run_scoped3A : memref<!tpu.dma_semaphore, #tpu.memory_space<semaphore_mem>>)
        %dma_wait3A_92 = tpu.memref_slice %arg3[%multiple_of3A] : memref<320000xi32, #tpu.memory_space<hbm>> -> memref<400xi32, #tpu.memory_space<hbm>>
        %dma_wait3A_93 = tpu.memref_slice %arg3[%multiple_of3A] : memref<320000xi32, #tpu.memory_space<hbm>> -> memref<400xi32, #tpu.memory_space<hbm>>
        tpu.wait_dma2 semaphore(%run_scoped3A : memref<!tpu.dma_semaphore, #tpu.memory_space<semaphore_mem>>) src(%dma_wait3A_93 : memref<400xi32, #tpu.memory_space<hbm>>) dst(%arg5 : memref<400xi32, #tpu.memory_space<vmem>>)
        tpu.yield
      }) : () -> ()
      %dma_start3A = arith.constant 0 : i32
      %dma_start3A_12 = arith.constant 0 : i32
      %dma_start3A_13 = tpu.memref_slice %arg6[%dma_start3A, %dma_start3A_12] : memref<400x128xf32, #tpu.memory_space<vmem>> -> memref<80x128xf32, #tpu.memory_space<vmem>>
      %dma_start3A_14 = arith.constant 0 : i32
      %dma_start3A_15 = tpu.memref_slice %arg5[%dma_start3A_14] : memref<400xi32, #tpu.memory_space<vmem>> -> memref<80xi32, #tpu.memory_space<vmem>>
      %dma_start3A_16 = arith.constant 0 : i32
      %dma_start3A_17 = arith.constant 0 : i32
      %dma_start3A_18 = tpu.memref_slice %arg2[%dma_start3A_16, %dma_start3A_17] : memref<10000x128xf32, #tpu.memory_space<hbm>> -> memref<10000x128xf32, #tpu.memory_space<hbm>>
      tpu.enqueue_indirect_dma source(%dma_start3A_18 : memref<10000x128xf32, #tpu.memory_space<hbm>>) target(%dma_start3A_13 : memref<80x128xf32, #tpu.memory_space<vmem>>) offsets(%dma_start3A_15 : memref<80xi32, #tpu.memory_space<vmem>>) semaphore(%arg7 : memref<!tpu.dma_semaphore, #tpu.memory_space<semaphore_mem>>)
      %dma_start3A_19 = arith.constant 80 : i32
      %dma_start3A_20 = arith.constant 0 : i32
      %dma_start3A_21 = tpu.memref_slice %arg6[%dma_start3A_19, %dma_start3A_20] : memref<400x128xf32, #tpu.memory_space<vmem>> -> memref<80x128xf32, #tpu.memory_space<vmem>>
      %dma_start3A_22 = arith.constant 80 : i32
      %dma_start3A_23 = tpu.memref_slice %arg5[%dma_start3A_22] : memref<400xi32, #tpu.memory_space<vmem>> -> memref<80xi32, #tpu.memory_space<vmem>>
      %dma_start3A_24 = arith.constant 0 : i32
      %dma_start3A_25 = arith.constant 0 : i32
      %dma_start3A_26 = tpu.memref_slice %arg2[%dma_start3A_24, %dma_start3A_25] : memref<10000x128xf32, #tpu.memory_space<hbm>> -> memref<10000x128xf32, #tpu.memory_space<hbm>>
      tpu.enqueue_indirect_dma source(%dma_start3A_26 : memref<10000x128xf32, #tpu.memory_space<hbm>>) target(%dma_start3A_21 : memref<80x128xf32, #tpu.memory_space<vmem>>) offsets(%dma_start3A_23 : memref<80xi32, #tpu.memory_space<vmem>>) semaphore(%arg7 : memref<!tpu.dma_semaphore, #tpu.memory_space<semaphore_mem>>)
      %dma_start3A_27 = arith.constant 160 : i32
      %dma_start3A_28 = arith.constant 0 : i32
      %dma_start3A_29 = tpu.memref_slice %arg6[%dma_start3A_27, %dma_start3A_28] : memref<400x128xf32, #tpu.memory_space<vmem>> -> memref<80x128xf32, #tpu.memory_space<vmem>>
      %dma_start3A_30 = arith.constant 160 : i32
      %dma_start3A_31 = tpu.memref_slice %arg5[%dma_start3A_30] : memref<400xi32, #tpu.memory_space<vmem>> -> memref<80xi32, #tpu.memory_space<vmem>>
      %dma_start3A_32 = arith.constant 0 : i32
      %dma_start3A_33 = arith.constant 0 : i32
      %dma_start3A_34 = tpu.memref_slice %arg2[%dma_start3A_32, %dma_start3A_33] : memref<10000x128xf32, #tpu.memory_space<hbm>> -> memref<10000x128xf32, #tpu.memory_space<hbm>>
      tpu.enqueue_indirect_dma source(%dma_start3A_34 : memref<10000x128xf32, #tpu.memory_space<hbm>>) target(%dma_start3A_29 : memref<80x128xf32, #tpu.memory_space<vmem>>) offsets(%dma_start3A_31 : memref<80xi32, #tpu.memory_space<vmem>>) semaphore(%arg7 : memref<!tpu.dma_semaphore, #tpu.memory_space<semaphore_mem>>)
      %dma_start3A_35 = arith.constant 240 : i32
      %dma_start3A_36 = arith.constant 0 : i32
      %dma_start3A_37 = tpu.memref_slice %arg6[%dma_start3A_35, %dma_start3A_36] : memref<400x128xf32, #tpu.memory_space<vmem>> -> memref<80x128xf32, #tpu.memory_space<vmem>>
      %dma_start3A_38 = arith.constant 240 : i32
      %dma_start3A_39 = tpu.memref_slice %arg5[%dma_start3A_38] : memref<400xi32, #tpu.memory_space<vmem>> -> memref<80xi32, #tpu.memory_space<vmem>>
      %dma_start3A_40 = arith.constant 0 : i32
      %dma_start3A_41 = arith.constant 0 : i32
      %dma_start3A_42 = tpu.memref_slice %arg2[%dma_start3A_40, %dma_start3A_41] : memref<10000x128xf32, #tpu.memory_space<hbm>> -> memref<10000x128xf32, #tpu.memory_space<hbm>>
      tpu.enqueue_indirect_dma source(%dma_start3A_42 : memref<10000x128xf32, #tpu.memory_space<hbm>>) target(%dma_start3A_37 : memref<80x128xf32, #tpu.memory_space<vmem>>) offsets(%dma_start3A_39 : memref<80xi32, #tpu.memory_space<vmem>>) semaphore(%arg7 : memref<!tpu.dma_semaphore, #tpu.memory_space<semaphore_mem>>)
      %dma_start3A_43 = arith.constant 320 : i32
      %dma_start3A_44 = arith.constant 0 : i32
      %dma_start3A_45 = tpu.memref_slice %arg6[%dma_start3A_43, %dma_start3A_44] : memref<400x128xf32, #tpu.memory_space<vmem>> -> memref<80x128xf32, #tpu.memory_space<vmem>>
      %dma_start3A_46 = arith.constant 320 : i32
      %dma_start3A_47 = tpu.memref_slice %arg5[%dma_start3A_46] : memref<400xi32, #tpu.memory_space<vmem>> -> memref<80xi32, #tpu.memory_space<vmem>>
      %dma_start3A_48 = arith.constant 0 : i32
      %dma_start3A_49 = arith.constant 0 : i32
      %dma_start3A_50 = tpu.memref_slice %arg2[%dma_start3A_48, %dma_start3A_49] : memref<10000x128xf32, #tpu.memory_space<hbm>> -> memref<10000x128xf32, #tpu.memory_space<hbm>>
      tpu.enqueue_indirect_dma source(%dma_start3A_50 : memref<10000x128xf32, #tpu.memory_space<hbm>>) target(%dma_start3A_45 : memref<80x128xf32, #tpu.memory_space<vmem>>) offsets(%dma_start3A_47 : memref<80xi32, #tpu.memory_space<vmem>>) semaphore(%arg7 : memref<!tpu.dma_semaphore, #tpu.memory_space<semaphore_mem>>)
      %dma_wait3A = arith.constant 0 : i32
      %dma_wait3A_51 = arith.constant 0 : i32
      %dma_wait3A_52 = tpu.memref_slice %arg6[%dma_wait3A, %dma_wait3A_51] : memref<400x128xf32, #tpu.memory_space<vmem>> -> memref<80x128xf32, #tpu.memory_space<vmem>>
      %dma_wait3A_53 = arith.constant 0 : i32
      %dma_wait3A_54 = tpu.memref_slice %arg5[%dma_wait3A_53] : memref<400xi32, #tpu.memory_space<vmem>> -> memref<80xi32, #tpu.memory_space<vmem>>
      %dma_wait3A_55 = arith.constant 0 : i32
      %dma_wait3A_56 = arith.constant 0 : i32
      %dma_wait3A_57 = tpu.memref_slice %arg2[%dma_wait3A_55, %dma_wait3A_56] : memref<10000x128xf32, #tpu.memory_space<hbm>> -> memref<10000x128xf32, #tpu.memory_space<hbm>>
      tpu.wait_indirect_dma semaphore(%arg7 : memref<!tpu.dma_semaphore, #tpu.memory_space<semaphore_mem>>) src(%dma_wait3A_57 : memref<10000x128xf32, #tpu.memory_space<hbm>>) dst(%dma_wait3A_52 : memref<80x128xf32, #tpu.memory_space<vmem>>)
      %dma_wait3A_58 = arith.constant 80 : i32
      %dma_wait3A_59 = arith.constant 0 : i32
      %dma_wait3A_60 = tpu.memref_slice %arg6[%dma_wait3A_58, %dma_wait3A_59] : memref<400x128xf32, #tpu.memory_space<vmem>> -> memref<80x128xf32, #tpu.memory_space<vmem>>
      %dma_wait3A_61 = arith.constant 80 : i32
      %dma_wait3A_62 = tpu.memref_slice %arg5[%dma_wait3A_61] : memref<400xi32, #tpu.memory_space<vmem>> -> memref<80xi32, #tpu.memory_space<vmem>>
      %dma_wait3A_63 = arith.constant 0 : i32
      %dma_wait3A_64 = arith.constant 0 : i32
      %dma_wait3A_65 = tpu.memref_slice %arg2[%dma_wait3A_63, %dma_wait3A_64] : memref<10000x128xf32, #tpu.memory_space<hbm>> -> memref<10000x128xf32, #tpu.memory_space<hbm>>
      tpu.wait_indirect_dma semaphore(%arg7 : memref<!tpu.dma_semaphore, #tpu.memory_space<semaphore_mem>>) src(%dma_wait3A_65 : memref<10000x128xf32, #tpu.memory_space<hbm>>) dst(%dma_wait3A_60 : memref<80x128xf32, #tpu.memory_space<vmem>>)
      %dma_wait3A_66 = arith.constant 160 : i32
      %dma_wait3A_67 = arith.constant 0 : i32
      %dma_wait3A_68 = tpu.memref_slice %arg6[%dma_wait3A_66, %dma_wait3A_67] : memref<400x128xf32, #tpu.memory_space<vmem>> -> memref<80x128xf32, #tpu.memory_space<vmem>>
      %dma_wait3A_69 = arith.constant 160 : i32
      %dma_wait3A_70 = tpu.memref_slice %arg5[%dma_wait3A_69] : memref<400xi32, #tpu.memory_space<vmem>> -> memref<80xi32, #tpu.memory_space<vmem>>
      %dma_wait3A_71 = arith.constant 0 : i32
      %dma_wait3A_72 = arith.constant 0 : i32
      %dma_wait3A_73 = tpu.memref_slice %arg2[%dma_wait3A_71, %dma_wait3A_72] : memref<10000x128xf32, #tpu.memory_space<hbm>> -> memref<10000x128xf32, #tpu.memory_space<hbm>>
      tpu.wait_indirect_dma semaphore(%arg7 : memref<!tpu.dma_semaphore, #tpu.memory_space<semaphore_mem>>) src(%dma_wait3A_73 : memref<10000x128xf32, #tpu.memory_space<hbm>>) dst(%dma_wait3A_68 : memref<80x128xf32, #tpu.memory_space<vmem>>)
      %dma_wait3A_74 = arith.constant 240 : i32
      %dma_wait3A_75 = arith.constant 0 : i32
      %dma_wait3A_76 = tpu.memref_slice %arg6[%dma_wait3A_74, %dma_wait3A_75] : memref<400x128xf32, #tpu.memory_space<vmem>> -> memref<80x128xf32, #tpu.memory_space<vmem>>
      %dma_wait3A_77 = arith.constant 240 : i32
      %dma_wait3A_78 = tpu.memref_slice %arg5[%dma_wait3A_77] : memref<400xi32, #tpu.memory_space<vmem>> -> memref<80xi32, #tpu.memory_space<vmem>>
      %dma_wait3A_79 = arith.constant 0 : i32
      %dma_wait3A_80 = arith.constant 0 : i32
      %dma_wait3A_81 = tpu.memref_slice %arg2[%dma_wait3A_79, %dma_wait3A_80] : memref<10000x128xf32, #tpu.memory_space<hbm>> -> memref<10000x128xf32, #tpu.memory_space<hbm>>
      tpu.wait_indirect_dma semaphore(%arg7 : memref<!tpu.dma_semaphore, #tpu.memory_space<semaphore_mem>>) src(%dma_wait3A_81 : memref<10000x128xf32, #tpu.memory_space<hbm>>) dst(%dma_wait3A_76 : memref<80x128xf32, #tpu.memory_space<vmem>>)
      %dma_wait3A_82 = arith.constant 320 : i32
      %dma_wait3A_83 = arith.constant 0 : i32
      %dma_wait3A_84 = tpu.memref_slice %arg6[%dma_wait3A_82, %dma_wait3A_83] : memref<400x128xf32, #tpu.memory_space<vmem>> -> memref<80x128xf32, #tpu.memory_space<vmem>>
      %dma_wait3A_85 = arith.constant 320 : i32
      %dma_wait3A_86 = tpu.memref_slice %arg5[%dma_wait3A_85] : memref<400xi32, #tpu.memory_space<vmem>> -> memref<80xi32, #tpu.memory_space<vmem>>
      %dma_wait3A_87 = arith.constant 0 : i32
      %dma_wait3A_88 = arith.constant 0 : i32
      %dma_wait3A_89 = tpu.memref_slice %arg2[%dma_wait3A_87, %dma_wait3A_88] : memref<10000x128xf32, #tpu.memory_space<hbm>> -> memref<10000x128xf32, #tpu.memory_space<hbm>>
      tpu.wait_indirect_dma semaphore(%arg7 : memref<!tpu.dma_semaphore, #tpu.memory_space<semaphore_mem>>) src(%dma_wait3A_89 : memref<10000x128xf32, #tpu.memory_space<hbm>>) dst(%dma_wait3A_84 : memref<80x128xf32, #tpu.memory_space<vmem>>)
      "tpu.region"() ({
        %run_scoped3A = tpu.sem_alloc : memref<!tpu.dma_semaphore, #tpu.memory_space<semaphore_mem>>
        %dma_start3A_90 = arith.constant 0 : i32
        %dma_start3A_91 = tpu.memref_slice %arg4[%multiple_of3A, %dma_start3A_90] : memref<320000x128xf32, #tpu.memory_space<hbm>> -> memref<400x128xf32, #tpu.memory_space<hbm>>
        %dma_start3A_92 = arith.constant 0 : i32
        %dma_start3A_93 = tpu.memref_slice %arg4[%multiple_of3A, %dma_start3A_92] : memref<320000x128xf32, #tpu.memory_space<hbm>> -> memref<400x128xf32, #tpu.memory_space<hbm>>
        tpu.enqueue_dma source(%arg6 : memref<400x128xf32, #tpu.memory_space<vmem>>) target(%dma_start3A_93 : memref<400x128xf32, #tpu.memory_space<hbm>>) target_semaphore(%run_scoped3A : memref<!tpu.dma_semaphore, #tpu.memory_space<semaphore_mem>>)
        %dma_wait3A_94 = arith.constant 0 : i32
        %dma_wait3A_95 = tpu.memref_slice %arg4[%multiple_of3A, %dma_wait3A_94] : memref<320000x128xf32, #tpu.memory_space<hbm>> -> memref<400x128xf32, #tpu.memory_space<hbm>>
        %dma_wait3A_96 = arith.constant 0 : i32
        %dma_wait3A_97 = tpu.memref_slice %arg4[%multiple_of3A, %dma_wait3A_96] : memref<320000x128xf32, #tpu.memory_space<hbm>> -> memref<400x128xf32, #tpu.memory_space<hbm>>
        tpu.wait_dma2 semaphore(%run_scoped3A : memref<!tpu.dma_semaphore, #tpu.memory_space<semaphore_mem>>) src(%arg6 : memref<400x128xf32, #tpu.memory_space<vmem>>) dst(%dma_wait3A_97 : memref<400x128xf32, #tpu.memory_space<hbm>>)
        tpu.yield
      }) : () -> ()
    }
    %scan3A_7 = arith.constant 25 : i32
    return
  }
}

#map = affine_map<(d0, d1) -> (0, 0)>
#map1 = affine_map<(d0, d1) -> (0)>
module attributes {stable_mosaic.version = 14 : i64} {
  func.func @body(%arg0: i32, %arg1: i32, %arg2: memref<10000x64xf32, #tpu.memory_space<hbm>>, %arg3: memref<320000xi32, #tpu.memory_space<hbm>>, %arg4: memref<320000x64xf32, #tpu.memory_space<hbm>>, %arg5: memref<400xi32, #tpu.memory_space<vmem>>, %arg6: memref<400x64xf32, #tpu.memory_space<vmem>>, %arg7: memref<!tpu.dma_semaphore, #tpu.memory_space<semaphore_mem>>) attributes {dimension_semantics = [#tpu.dimension_semantics<core_parallel>, #tpu.dimension_semantics<subcore_parallel>], iteration_bounds = array<i64: 2, 16>, scalar_prefetch = 0 : i64, scratch_operands = 3 : i64, tpu.core_type = #tpu.core_type<sc_vector_subcore>, window_params = [{transform_indices = #map}, {transform_indices = #map1}, {transform_indices = #map}]} {
    %mul3A = arith.constant 2 : i32
    %mul3A_0 = arith.muli %arg1, %mul3A : i32
    %add3A = arith.addi %mul3A_0, %arg0 : i32
    %mul3A_1 = arith.constant 10000 : i32
    %mul3A_2 = arith.muli %add3A, %mul3A_1 : i32
    %scan3A = arith.constant 0 : i32
    %scan3A_3 = arith.constant 0 : i32
    %scan3A_4 = arith.constant 25 : i32
    %scan3A_5 = arith.addi %scan3A_3, %scan3A_4 : i32
    %scan3A_6 = arith.constant 1 : i32
    scf.for %scan3A_8 = %scan3A_3 to %scan3A_5 step %scan3A_6  : i32 {
      %mul3A_9 = arith.constant 400 : i32
      %mul3A_10 = arith.muli %scan3A_8, %mul3A_9 : i32
      %add3A_11 = arith.addi %mul3A_2, %mul3A_10 : i32
      %multiple_of3A = tpu.assume_multiple %add3A_11, 8 : i32
      "tpu.region"() ({
        %run_scoped3A = tpu.sem_alloc : memref<!tpu.dma_semaphore, #tpu.memory_space<semaphore_mem>>
        %dma_start3A_90 = tpu.memref_slice %arg3[%multiple_of3A] : memref<320000xi32, #tpu.memory_space<hbm>> -> memref<400xi32, #tpu.memory_space<hbm>>
        %dma_start3A_91 = tpu.memref_slice %arg3[%multiple_of3A] : memref<320000xi32, #tpu.memory_space<hbm>> -> memref<400xi32, #tpu.memory_space<hbm>>
        tpu.enqueue_dma source(%dma_start3A_91 : memref<400xi32, #tpu.memory_space<hbm>>) target(%arg5 : memref<400xi32, #tpu.memory_space<vmem>>) target_semaphore(%run_scoped3A : memref<!tpu.dma_semaphore, #tpu.memory_space<semaphore_mem>>)
        %dma_wait3A_92 = tpu.memref_slice %arg3[%multiple_of3A] : memref<320000xi32, #tpu.memory_space<hbm>> -> memref<400xi32, #tpu.memory_space<hbm>>
        %dma_wait3A_93 = tpu.memref_slice %arg3[%multiple_of3A] : memref<320000xi32, #tpu.memory_space<hbm>> -> memref<400xi32, #tpu.memory_space<hbm>>
        tpu.wait_dma2 semaphore(%run_scoped3A : memref<!tpu.dma_semaphore, #tpu.memory_space<semaphore_mem>>) src(%dma_wait3A_93 : memref<400xi32, #tpu.memory_space<hbm>>) dst(%arg5 : memref<400xi32, #tpu.memory_space<vmem>>)
        tpu.yield
      }) : () -> ()
      %dma_start3A = arith.constant 0 : i32
      %dma_start3A_12 = arith.constant 0 : i32
      %dma_start3A_13 = tpu.memref_slice %arg6[%dma_start3A, %dma_start3A_12] : memref<400x64xf32, #tpu.memory_space<vmem>> -> memref<80x64xf32, #tpu.memory_space<vmem>>
      %dma_start3A_14 = arith.constant 0 : i32
      %dma_start3A_15 = tpu.memref_slice %arg5[%dma_start3A_14] : memref<400xi32, #tpu.memory_space<vmem>> -> memref<80xi32, #tpu.memory_space<vmem>>
      %dma_start3A_16 = arith.constant 0 : i32
      %dma_start3A_17 = arith.constant 0 : i32
      %dma_start3A_18 = tpu.memref_slice %arg2[%dma_start3A_16, %dma_start3A_17] : memref<10000x64xf32, #tpu.memory_space<hbm>> -> memref<10000x64xf32, #tpu.memory_space<hbm>>
      tpu.enqueue_indirect_dma source(%dma_start3A_18 : memref<10000x64xf32, #tpu.memory_space<hbm>>) target(%dma_start3A_13 : memref<80x64xf32, #tpu.memory_space<vmem>>) offsets(%dma_start3A_15 : memref<80xi32, #tpu.memory_space<vmem>>) semaphore(%arg7 : memref<!tpu.dma_semaphore, #tpu.memory_space<semaphore_mem>>)
      %dma_start3A_19 = arith.constant 80 : i32
      %dma_start3A_20 = arith.constant 0 : i32
      %dma_start3A_21 = tpu.memref_slice %arg6[%dma_start3A_19, %dma_start3A_20] : memref<400x64xf32, #tpu.memory_space<vmem>> -> memref<80x64xf32, #tpu.memory_space<vmem>>
      %dma_start3A_22 = arith.constant 80 : i32
      %dma_start3A_23 = tpu.memref_slice %arg5[%dma_start3A_22] : memref<400xi32, #tpu.memory_space<vmem>> -> memref<80xi32, #tpu.memory_space<vmem>>
      %dma_start3A_24 = arith.constant 0 : i32
      %dma_start3A_25 = arith.constant 0 : i32
      %dma_start3A_26 = tpu.memref_slice %arg2[%dma_start3A_24, %dma_start3A_25] : memref<10000x64xf32, #tpu.memory_space<hbm>> -> memref<10000x64xf32, #tpu.memory_space<hbm>>
      tpu.enqueue_indirect_dma source(%dma_start3A_26 : memref<10000x64xf32, #tpu.memory_space<hbm>>) target(%dma_start3A_21 : memref<80x64xf32, #tpu.memory_space<vmem>>) offsets(%dma_start3A_23 : memref<80xi32, #tpu.memory_space<vmem>>) semaphore(%arg7 : memref<!tpu.dma_semaphore, #tpu.memory_space<semaphore_mem>>)
      %dma_start3A_27 = arith.constant 160 : i32
      %dma_start3A_28 = arith.constant 0 : i32
      %dma_start3A_29 = tpu.memref_slice %arg6[%dma_start3A_27, %dma_start3A_28] : memref<400x64xf32, #tpu.memory_space<vmem>> -> memref<80x64xf32, #tpu.memory_space<vmem>>
      %dma_start3A_30 = arith.constant 160 : i32
      %dma_start3A_31 = tpu.memref_slice %arg5[%dma_start3A_30] : memref<400xi32, #tpu.memory_space<vmem>> -> memref<80xi32, #tpu.memory_space<vmem>>
      %dma_start3A_32 = arith.constant 0 : i32
      %dma_start3A_33 = arith.constant 0 : i32
      %dma_start3A_34 = tpu.memref_slice %arg2[%dma_start3A_32, %dma_start3A_33] : memref<10000x64xf32, #tpu.memory_space<hbm>> -> memref<10000x64xf32, #tpu.memory_space<hbm>>
      tpu.enqueue_indirect_dma source(%dma_start3A_34 : memref<10000x64xf32, #tpu.memory_space<hbm>>) target(%dma_start3A_29 : memref<80x64xf32, #tpu.memory_space<vmem>>) offsets(%dma_start3A_31 : memref<80xi32, #tpu.memory_space<vmem>>) semaphore(%arg7 : memref<!tpu.dma_semaphore, #tpu.memory_space<semaphore_mem>>)
      %dma_start3A_35 = arith.constant 240 : i32
      %dma_start3A_36 = arith.constant 0 : i32
      %dma_start3A_37 = tpu.memref_slice %arg6[%dma_start3A_35, %dma_start3A_36] : memref<400x64xf32, #tpu.memory_space<vmem>> -> memref<80x64xf32, #tpu.memory_space<vmem>>
      %dma_start3A_38 = arith.constant 240 : i32
      %dma_start3A_39 = tpu.memref_slice %arg5[%dma_start3A_38] : memref<400xi32, #tpu.memory_space<vmem>> -> memref<80xi32, #tpu.memory_space<vmem>>
      %dma_start3A_40 = arith.constant 0 : i32
      %dma_start3A_41 = arith.constant 0 : i32
      %dma_start3A_42 = tpu.memref_slice %arg2[%dma_start3A_40, %dma_start3A_41] : memref<10000x64xf32, #tpu.memory_space<hbm>> -> memref<10000x64xf32, #tpu.memory_space<hbm>>
      tpu.enqueue_indirect_dma source(%dma_start3A_42 : memref<10000x64xf32, #tpu.memory_space<hbm>>) target(%dma_start3A_37 : memref<80x64xf32, #tpu.memory_space<vmem>>) offsets(%dma_start3A_39 : memref<80xi32, #tpu.memory_space<vmem>>) semaphore(%arg7 : memref<!tpu.dma_semaphore, #tpu.memory_space<semaphore_mem>>)
      %dma_start3A_43 = arith.constant 320 : i32
      %dma_start3A_44 = arith.constant 0 : i32
      %dma_start3A_45 = tpu.memref_slice %arg6[%dma_start3A_43, %dma_start3A_44] : memref<400x64xf32, #tpu.memory_space<vmem>> -> memref<80x64xf32, #tpu.memory_space<vmem>>
      %dma_start3A_46 = arith.constant 320 : i32
      %dma_start3A_47 = tpu.memref_slice %arg5[%dma_start3A_46] : memref<400xi32, #tpu.memory_space<vmem>> -> memref<80xi32, #tpu.memory_space<vmem>>
      %dma_start3A_48 = arith.constant 0 : i32
      %dma_start3A_49 = arith.constant 0 : i32
      %dma_start3A_50 = tpu.memref_slice %arg2[%dma_start3A_48, %dma_start3A_49] : memref<10000x64xf32, #tpu.memory_space<hbm>> -> memref<10000x64xf32, #tpu.memory_space<hbm>>
      tpu.enqueue_indirect_dma source(%dma_start3A_50 : memref<10000x64xf32, #tpu.memory_space<hbm>>) target(%dma_start3A_45 : memref<80x64xf32, #tpu.memory_space<vmem>>) offsets(%dma_start3A_47 : memref<80xi32, #tpu.memory_space<vmem>>) semaphore(%arg7 : memref<!tpu.dma_semaphore, #tpu.memory_space<semaphore_mem>>)
      %dma_wait3A = arith.constant 0 : i32
      %dma_wait3A_51 = arith.constant 0 : i32
      %dma_wait3A_52 = tpu.memref_slice %arg6[%dma_wait3A, %dma_wait3A_51] : memref<400x64xf32, #tpu.memory_space<vmem>> -> memref<80x64xf32, #tpu.memory_space<vmem>>
      %dma_wait3A_53 = arith.constant 0 : i32
      %dma_wait3A_54 = tpu.memref_slice %arg5[%dma_wait3A_53] : memref<400xi32, #tpu.memory_space<vmem>> -> memref<80xi32, #tpu.memory_space<vmem>>
      %dma_wait3A_55 = arith.constant 0 : i32
      %dma_wait3A_56 = arith.constant 0 : i32
      %dma_wait3A_57 = tpu.memref_slice %arg2[%dma_wait3A_55, %dma_wait3A_56] : memref<10000x64xf32, #tpu.memory_space<hbm>> -> memref<10000x64xf32, #tpu.memory_space<hbm>>
      tpu.wait_indirect_dma semaphore(%arg7 : memref<!tpu.dma_semaphore, #tpu.memory_space<semaphore_mem>>) src(%dma_wait3A_57 : memref<10000x64xf32, #tpu.memory_space<hbm>>) dst(%dma_wait3A_52 : memref<80x64xf32, #tpu.memory_space<vmem>>)
      %dma_wait3A_58 = arith.constant 80 : i32
      %dma_wait3A_59 = arith.constant 0 : i32
      %dma_wait3A_60 = tpu.memref_slice %arg6[%dma_wait3A_58, %dma_wait3A_59] : memref<400x64xf32, #tpu.memory_space<vmem>> -> memref<80x64xf32, #tpu.memory_space<vmem>>
      %dma_wait3A_61 = arith.constant 80 : i32
      %dma_wait3A_62 = tpu.memref_slice %arg5[%dma_wait3A_61] : memref<400xi32, #tpu.memory_space<vmem>> -> memref<80xi32, #tpu.memory_space<vmem>>
      %dma_wait3A_63 = arith.constant 0 : i32
      %dma_wait3A_64 = arith.constant 0 : i32
      %dma_wait3A_65 = tpu.memref_slice %arg2[%dma_wait3A_63, %dma_wait3A_64] : memref<10000x64xf32, #tpu.memory_space<hbm>> -> memref<10000x64xf32, #tpu.memory_space<hbm>>
      tpu.wait_indirect_dma semaphore(%arg7 : memref<!tpu.dma_semaphore, #tpu.memory_space<semaphore_mem>>) src(%dma_wait3A_65 : memref<10000x64xf32, #tpu.memory_space<hbm>>) dst(%dma_wait3A_60 : memref<80x64xf32, #tpu.memory_space<vmem>>)
      %dma_wait3A_66 = arith.constant 160 : i32
      %dma_wait3A_67 = arith.constant 0 : i32
      %dma_wait3A_68 = tpu.memref_slice %arg6[%dma_wait3A_66, %dma_wait3A_67] : memref<400x64xf32, #tpu.memory_space<vmem>> -> memref<80x64xf32, #tpu.memory_space<vmem>>
      %dma_wait3A_69 = arith.constant 160 : i32
      %dma_wait3A_70 = tpu.memref_slice %arg5[%dma_wait3A_69] : memref<400xi32, #tpu.memory_space<vmem>> -> memref<80xi32, #tpu.memory_space<vmem>>
      %dma_wait3A_71 = arith.constant 0 : i32
      %dma_wait3A_72 = arith.constant 0 : i32
      %dma_wait3A_73 = tpu.memref_slice %arg2[%dma_wait3A_71, %dma_wait3A_72] : memref<10000x64xf32, #tpu.memory_space<hbm>> -> memref<10000x64xf32, #tpu.memory_space<hbm>>
      tpu.wait_indirect_dma semaphore(%arg7 : memref<!tpu.dma_semaphore, #tpu.memory_space<semaphore_mem>>) src(%dma_wait3A_73 : memref<10000x64xf32, #tpu.memory_space<hbm>>) dst(%dma_wait3A_68 : memref<80x64xf32, #tpu.memory_space<vmem>>)
      %dma_wait3A_74 = arith.constant 240 : i32
      %dma_wait3A_75 = arith.constant 0 : i32
      %dma_wait3A_76 = tpu.memref_slice %arg6[%dma_wait3A_74, %dma_wait3A_75] : memref<400x64xf32, #tpu.memory_space<vmem>> -> memref<80x64xf32, #tpu.memory_space<vmem>>
      %dma_wait3A_77 = arith.constant 240 : i32
      %dma_wait3A_78 = tpu.memref_slice %arg5[%dma_wait3A_77] : memref<400xi32, #tpu.memory_space<vmem>> -> memref<80xi32, #tpu.memory_space<vmem>>
      %dma_wait3A_79 = arith.constant 0 : i32
      %dma_wait3A_80 = arith.constant 0 : i32
      %dma_wait3A_81 = tpu.memref_slice %arg2[%dma_wait3A_79, %dma_wait3A_80] : memref<10000x64xf32, #tpu.memory_space<hbm>> -> memref<10000x64xf32, #tpu.memory_space<hbm>>
      tpu.wait_indirect_dma semaphore(%arg7 : memref<!tpu.dma_semaphore, #tpu.memory_space<semaphore_mem>>) src(%dma_wait3A_81 : memref<10000x64xf32, #tpu.memory_space<hbm>>) dst(%dma_wait3A_76 : memref<80x64xf32, #tpu.memory_space<vmem>>)
      %dma_wait3A_82 = arith.constant 320 : i32
      %dma_wait3A_83 = arith.constant 0 : i32
      %dma_wait3A_84 = tpu.memref_slice %arg6[%dma_wait3A_82, %dma_wait3A_83] : memref<400x64xf32, #tpu.memory_space<vmem>> -> memref<80x64xf32, #tpu.memory_space<vmem>>
      %dma_wait3A_85 = arith.constant 320 : i32
      %dma_wait3A_86 = tpu.memref_slice %arg5[%dma_wait3A_85] : memref<400xi32, #tpu.memory_space<vmem>> -> memref<80xi32, #tpu.memory_space<vmem>>
      %dma_wait3A_87 = arith.constant 0 : i32
      %dma_wait3A_88 = arith.constant 0 : i32
      %dma_wait3A_89 = tpu.memref_slice %arg2[%dma_wait3A_87, %dma_wait3A_88] : memref<10000x64xf32, #tpu.memory_space<hbm>> -> memref<10000x64xf32, #tpu.memory_space<hbm>>
      tpu.wait_indirect_dma semaphore(%arg7 : memref<!tpu.dma_semaphore, #tpu.memory_space<semaphore_mem>>) src(%dma_wait3A_89 : memref<10000x64xf32, #tpu.memory_space<hbm>>) dst(%dma_wait3A_84 : memref<80x64xf32, #tpu.memory_space<vmem>>)
      "tpu.region"() ({
        %run_scoped3A = tpu.sem_alloc : memref<!tpu.dma_semaphore, #tpu.memory_space<semaphore_mem>>
        %dma_start3A_90 = arith.constant 0 : i32
        %dma_start3A_91 = tpu.memref_slice %arg4[%multiple_of3A, %dma_start3A_90] : memref<320000x64xf32, #tpu.memory_space<hbm>> -> memref<400x64xf32, #tpu.memory_space<hbm>>
        %dma_start3A_92 = arith.constant 0 : i32
        %dma_start3A_93 = tpu.memref_slice %arg4[%multiple_of3A, %dma_start3A_92] : memref<320000x64xf32, #tpu.memory_space<hbm>> -> memref<400x64xf32, #tpu.memory_space<hbm>>
        tpu.enqueue_dma source(%arg6 : memref<400x64xf32, #tpu.memory_space<vmem>>) target(%dma_start3A_93 : memref<400x64xf32, #tpu.memory_space<hbm>>) target_semaphore(%run_scoped3A : memref<!tpu.dma_semaphore, #tpu.memory_space<semaphore_mem>>)
        %dma_wait3A_94 = arith.constant 0 : i32
        %dma_wait3A_95 = tpu.memref_slice %arg4[%multiple_of3A, %dma_wait3A_94] : memref<320000x64xf32, #tpu.memory_space<hbm>> -> memref<400x64xf32, #tpu.memory_space<hbm>>
        %dma_wait3A_96 = arith.constant 0 : i32
        %dma_wait3A_97 = tpu.memref_slice %arg4[%multiple_of3A, %dma_wait3A_96] : memref<320000x64xf32, #tpu.memory_space<hbm>> -> memref<400x64xf32, #tpu.memory_space<hbm>>
        tpu.wait_dma2 semaphore(%run_scoped3A : memref<!tpu.dma_semaphore, #tpu.memory_space<semaphore_mem>>) src(%arg6 : memref<400x64xf32, #tpu.memory_space<vmem>>) dst(%dma_wait3A_97 : memref<400x64xf32, #tpu.memory_space<hbm>>)
        tpu.yield
      }) : () -> ()
    }
    %scan3A_7 = arith.constant 25 : i32
    return
  }
}

#map = affine_map<(d0, d1) -> (0, 0)>
#map1 = affine_map<(d0, d1) -> (0)>
module attributes {stable_mosaic.version = 14 : i64} {
  func.func @body(%arg0: i32, %arg1: i32, %arg2: memref<20000x64xf32, #tpu.memory_space<hbm>>, %arg3: memref<320000xi32, #tpu.memory_space<hbm>>, %arg4: memref<320000x64xf32, #tpu.memory_space<hbm>>, %arg5: memref<400xi32, #tpu.memory_space<vmem>>, %arg6: memref<400x64xf32, #tpu.memory_space<vmem>>, %arg7: memref<!tpu.dma_semaphore, #tpu.memory_space<semaphore_mem>>) attributes {dimension_semantics = [#tpu.dimension_semantics<core_parallel>, #tpu.dimension_semantics<subcore_parallel>], iteration_bounds = array<i64: 2, 16>, scalar_prefetch = 0 : i64, scratch_operands = 3 : i64, tpu.core_type = #tpu.core_type<sc_vector_subcore>, window_params = [{transform_indices = #map}, {transform_indices = #map1}, {transform_indices = #map}]} {
    %mul3A = arith.constant 2 : i32
    %mul3A_0 = arith.muli %arg1, %mul3A : i32
    %add3A = arith.addi %mul3A_0, %arg0 : i32
    %mul3A_1 = arith.constant 10000 : i32
    %mul3A_2 = arith.muli %add3A, %mul3A_1 : i32
    %scan3A = arith.constant 0 : i32
    %scan3A_3 = arith.constant 0 : i32
    %scan3A_4 = arith.constant 25 : i32
    %scan3A_5 = arith.addi %scan3A_3, %scan3A_4 : i32
    %scan3A_6 = arith.constant 1 : i32
    scf.for %scan3A_8 = %scan3A_3 to %scan3A_5 step %scan3A_6  : i32 {
      %mul3A_9 = arith.constant 400 : i32
      %mul3A_10 = arith.muli %scan3A_8, %mul3A_9 : i32
      %add3A_11 = arith.addi %mul3A_2, %mul3A_10 : i32
      %multiple_of3A = tpu.assume_multiple %add3A_11, 8 : i32
      "tpu.region"() ({
        %run_scoped3A = tpu.sem_alloc : memref<!tpu.dma_semaphore, #tpu.memory_space<semaphore_mem>>
        %dma_start3A_90 = tpu.memref_slice %arg3[%multiple_of3A] : memref<320000xi32, #tpu.memory_space<hbm>> -> memref<400xi32, #tpu.memory_space<hbm>>
        %dma_start3A_91 = tpu.memref_slice %arg3[%multiple_of3A] : memref<320000xi32, #tpu.memory_space<hbm>> -> memref<400xi32, #tpu.memory_space<hbm>>
        tpu.enqueue_dma source(%dma_start3A_91 : memref<400xi32, #tpu.memory_space<hbm>>) target(%arg5 : memref<400xi32, #tpu.memory_space<vmem>>) target_semaphore(%run_scoped3A : memref<!tpu.dma_semaphore, #tpu.memory_space<semaphore_mem>>)
        %dma_wait3A_92 = tpu.memref_slice %arg3[%multiple_of3A] : memref<320000xi32, #tpu.memory_space<hbm>> -> memref<400xi32, #tpu.memory_space<hbm>>
        %dma_wait3A_93 = tpu.memref_slice %arg3[%multiple_of3A] : memref<320000xi32, #tpu.memory_space<hbm>> -> memref<400xi32, #tpu.memory_space<hbm>>
        tpu.wait_dma2 semaphore(%run_scoped3A : memref<!tpu.dma_semaphore, #tpu.memory_space<semaphore_mem>>) src(%dma_wait3A_93 : memref<400xi32, #tpu.memory_space<hbm>>) dst(%arg5 : memref<400xi32, #tpu.memory_space<vmem>>)
        tpu.yield
      }) : () -> ()
      %dma_start3A = arith.constant 0 : i32
      %dma_start3A_12 = arith.constant 0 : i32
      %dma_start3A_13 = tpu.memref_slice %arg6[%dma_start3A, %dma_start3A_12] : memref<400x64xf32, #tpu.memory_space<vmem>> -> memref<80x64xf32, #tpu.memory_space<vmem>>
      %dma_start3A_14 = arith.constant 0 : i32
      %dma_start3A_15 = tpu.memref_slice %arg5[%dma_start3A_14] : memref<400xi32, #tpu.memory_space<vmem>> -> memref<80xi32, #tpu.memory_space<vmem>>
      %dma_start3A_16 = arith.constant 0 : i32
      %dma_start3A_17 = arith.constant 0 : i32
      %dma_start3A_18 = tpu.memref_slice %arg2[%dma_start3A_16, %dma_start3A_17] : memref<20000x64xf32, #tpu.memory_space<hbm>> -> memref<20000x64xf32, #tpu.memory_space<hbm>>
      tpu.enqueue_indirect_dma source(%dma_start3A_18 : memref<20000x64xf32, #tpu.memory_space<hbm>>) target(%dma_start3A_13 : memref<80x64xf32, #tpu.memory_space<vmem>>) offsets(%dma_start3A_15 : memref<80xi32, #tpu.memory_space<vmem>>) semaphore(%arg7 : memref<!tpu.dma_semaphore, #tpu.memory_space<semaphore_mem>>)
      %dma_start3A_19 = arith.constant 80 : i32
      %dma_start3A_20 = arith.constant 0 : i32
      %dma_start3A_21 = tpu.memref_slice %arg6[%dma_start3A_19, %dma_start3A_20] : memref<400x64xf32, #tpu.memory_space<vmem>> -> memref<80x64xf32, #tpu.memory_space<vmem>>
      %dma_start3A_22 = arith.constant 80 : i32
      %dma_start3A_23 = tpu.memref_slice %arg5[%dma_start3A_22] : memref<400xi32, #tpu.memory_space<vmem>> -> memref<80xi32, #tpu.memory_space<vmem>>
      %dma_start3A_24 = arith.constant 0 : i32
      %dma_start3A_25 = arith.constant 0 : i32
      %dma_start3A_26 = tpu.memref_slice %arg2[%dma_start3A_24, %dma_start3A_25] : memref<20000x64xf32, #tpu.memory_space<hbm>> -> memref<20000x64xf32, #tpu.memory_space<hbm>>
      tpu.enqueue_indirect_dma source(%dma_start3A_26 : memref<20000x64xf32, #tpu.memory_space<hbm>>) target(%dma_start3A_21 : memref<80x64xf32, #tpu.memory_space<vmem>>) offsets(%dma_start3A_23 : memref<80xi32, #tpu.memory_space<vmem>>) semaphore(%arg7 : memref<!tpu.dma_semaphore, #tpu.memory_space<semaphore_mem>>)
      %dma_start3A_27 = arith.constant 160 : i32
      %dma_start3A_28 = arith.constant 0 : i32
      %dma_start3A_29 = tpu.memref_slice %arg6[%dma_start3A_27, %dma_start3A_28] : memref<400x64xf32, #tpu.memory_space<vmem>> -> memref<80x64xf32, #tpu.memory_space<vmem>>
      %dma_start3A_30 = arith.constant 160 : i32
      %dma_start3A_31 = tpu.memref_slice %arg5[%dma_start3A_30] : memref<400xi32, #tpu.memory_space<vmem>> -> memref<80xi32, #tpu.memory_space<vmem>>
      %dma_start3A_32 = arith.constant 0 : i32
      %dma_start3A_33 = arith.constant 0 : i32
      %dma_start3A_34 = tpu.memref_slice %arg2[%dma_start3A_32, %dma_start3A_33] : memref<20000x64xf32, #tpu.memory_space<hbm>> -> memref<20000x64xf32, #tpu.memory_space<hbm>>
      tpu.enqueue_indirect_dma source(%dma_start3A_34 : memref<20000x64xf32, #tpu.memory_space<hbm>>) target(%dma_start3A_29 : memref<80x64xf32, #tpu.memory_space<vmem>>) offsets(%dma_start3A_31 : memref<80xi32, #tpu.memory_space<vmem>>) semaphore(%arg7 : memref<!tpu.dma_semaphore, #tpu.memory_space<semaphore_mem>>)
      %dma_start3A_35 = arith.constant 240 : i32
      %dma_start3A_36 = arith.constant 0 : i32
      %dma_start3A_37 = tpu.memref_slice %arg6[%dma_start3A_35, %dma_start3A_36] : memref<400x64xf32, #tpu.memory_space<vmem>> -> memref<80x64xf32, #tpu.memory_space<vmem>>
      %dma_start3A_38 = arith.constant 240 : i32
      %dma_start3A_39 = tpu.memref_slice %arg5[%dma_start3A_38] : memref<400xi32, #tpu.memory_space<vmem>> -> memref<80xi32, #tpu.memory_space<vmem>>
      %dma_start3A_40 = arith.constant 0 : i32
      %dma_start3A_41 = arith.constant 0 : i32
      %dma_start3A_42 = tpu.memref_slice %arg2[%dma_start3A_40, %dma_start3A_41] : memref<20000x64xf32, #tpu.memory_space<hbm>> -> memref<20000x64xf32, #tpu.memory_space<hbm>>
      tpu.enqueue_indirect_dma source(%dma_start3A_42 : memref<20000x64xf32, #tpu.memory_space<hbm>>) target(%dma_start3A_37 : memref<80x64xf32, #tpu.memory_space<vmem>>) offsets(%dma_start3A_39 : memref<80xi32, #tpu.memory_space<vmem>>) semaphore(%arg7 : memref<!tpu.dma_semaphore, #tpu.memory_space<semaphore_mem>>)
      %dma_start3A_43 = arith.constant 320 : i32
      %dma_start3A_44 = arith.constant 0 : i32
      %dma_start3A_45 = tpu.memref_slice %arg6[%dma_start3A_43, %dma_start3A_44] : memref<400x64xf32, #tpu.memory_space<vmem>> -> memref<80x64xf32, #tpu.memory_space<vmem>>
      %dma_start3A_46 = arith.constant 320 : i32
      %dma_start3A_47 = tpu.memref_slice %arg5[%dma_start3A_46] : memref<400xi32, #tpu.memory_space<vmem>> -> memref<80xi32, #tpu.memory_space<vmem>>
      %dma_start3A_48 = arith.constant 0 : i32
      %dma_start3A_49 = arith.constant 0 : i32
      %dma_start3A_50 = tpu.memref_slice %arg2[%dma_start3A_48, %dma_start3A_49] : memref<20000x64xf32, #tpu.memory_space<hbm>> -> memref<20000x64xf32, #tpu.memory_space<hbm>>
      tpu.enqueue_indirect_dma source(%dma_start3A_50 : memref<20000x64xf32, #tpu.memory_space<hbm>>) target(%dma_start3A_45 : memref<80x64xf32, #tpu.memory_space<vmem>>) offsets(%dma_start3A_47 : memref<80xi32, #tpu.memory_space<vmem>>) semaphore(%arg7 : memref<!tpu.dma_semaphore, #tpu.memory_space<semaphore_mem>>)
      %dma_wait3A = arith.constant 0 : i32
      %dma_wait3A_51 = arith.constant 0 : i32
      %dma_wait3A_52 = tpu.memref_slice %arg6[%dma_wait3A, %dma_wait3A_51] : memref<400x64xf32, #tpu.memory_space<vmem>> -> memref<80x64xf32, #tpu.memory_space<vmem>>
      %dma_wait3A_53 = arith.constant 0 : i32
      %dma_wait3A_54 = tpu.memref_slice %arg5[%dma_wait3A_53] : memref<400xi32, #tpu.memory_space<vmem>> -> memref<80xi32, #tpu.memory_space<vmem>>
      %dma_wait3A_55 = arith.constant 0 : i32
      %dma_wait3A_56 = arith.constant 0 : i32
      %dma_wait3A_57 = tpu.memref_slice %arg2[%dma_wait3A_55, %dma_wait3A_56] : memref<20000x64xf32, #tpu.memory_space<hbm>> -> memref<20000x64xf32, #tpu.memory_space<hbm>>
      tpu.wait_indirect_dma semaphore(%arg7 : memref<!tpu.dma_semaphore, #tpu.memory_space<semaphore_mem>>) src(%dma_wait3A_57 : memref<20000x64xf32, #tpu.memory_space<hbm>>) dst(%dma_wait3A_52 : memref<80x64xf32, #tpu.memory_space<vmem>>)
      %dma_wait3A_58 = arith.constant 80 : i32
      %dma_wait3A_59 = arith.constant 0 : i32
      %dma_wait3A_60 = tpu.memref_slice %arg6[%dma_wait3A_58, %dma_wait3A_59] : memref<400x64xf32, #tpu.memory_space<vmem>> -> memref<80x64xf32, #tpu.memory_space<vmem>>
      %dma_wait3A_61 = arith.constant 80 : i32
      %dma_wait3A_62 = tpu.memref_slice %arg5[%dma_wait3A_61] : memref<400xi32, #tpu.memory_space<vmem>> -> memref<80xi32, #tpu.memory_space<vmem>>
      %dma_wait3A_63 = arith.constant 0 : i32
      %dma_wait3A_64 = arith.constant 0 : i32
      %dma_wait3A_65 = tpu.memref_slice %arg2[%dma_wait3A_63, %dma_wait3A_64] : memref<20000x64xf32, #tpu.memory_space<hbm>> -> memref<20000x64xf32, #tpu.memory_space<hbm>>
      tpu.wait_indirect_dma semaphore(%arg7 : memref<!tpu.dma_semaphore, #tpu.memory_space<semaphore_mem>>) src(%dma_wait3A_65 : memref<20000x64xf32, #tpu.memory_space<hbm>>) dst(%dma_wait3A_60 : memref<80x64xf32, #tpu.memory_space<vmem>>)
      %dma_wait3A_66 = arith.constant 160 : i32
      %dma_wait3A_67 = arith.constant 0 : i32
      %dma_wait3A_68 = tpu.memref_slice %arg6[%dma_wait3A_66, %dma_wait3A_67] : memref<400x64xf32, #tpu.memory_space<vmem>> -> memref<80x64xf32, #tpu.memory_space<vmem>>
      %dma_wait3A_69 = arith.constant 160 : i32
      %dma_wait3A_70 = tpu.memref_slice %arg5[%dma_wait3A_69] : memref<400xi32, #tpu.memory_space<vmem>> -> memref<80xi32, #tpu.memory_space<vmem>>
      %dma_wait3A_71 = arith.constant 0 : i32
      %dma_wait3A_72 = arith.constant 0 : i32
      %dma_wait3A_73 = tpu.memref_slice %arg2[%dma_wait3A_71, %dma_wait3A_72] : memref<20000x64xf32, #tpu.memory_space<hbm>> -> memref<20000x64xf32, #tpu.memory_space<hbm>>
      tpu.wait_indirect_dma semaphore(%arg7 : memref<!tpu.dma_semaphore, #tpu.memory_space<semaphore_mem>>) src(%dma_wait3A_73 : memref<20000x64xf32, #tpu.memory_space<hbm>>) dst(%dma_wait3A_68 : memref<80x64xf32, #tpu.memory_space<vmem>>)
      %dma_wait3A_74 = arith.constant 240 : i32
      %dma_wait3A_75 = arith.constant 0 : i32
      %dma_wait3A_76 = tpu.memref_slice %arg6[%dma_wait3A_74, %dma_wait3A_75] : memref<400x64xf32, #tpu.memory_space<vmem>> -> memref<80x64xf32, #tpu.memory_space<vmem>>
      %dma_wait3A_77 = arith.constant 240 : i32
      %dma_wait3A_78 = tpu.memref_slice %arg5[%dma_wait3A_77] : memref<400xi32, #tpu.memory_space<vmem>> -> memref<80xi32, #tpu.memory_space<vmem>>
      %dma_wait3A_79 = arith.constant 0 : i32
      %dma_wait3A_80 = arith.constant 0 : i32
      %dma_wait3A_81 = tpu.memref_slice %arg2[%dma_wait3A_79, %dma_wait3A_80] : memref<20000x64xf32, #tpu.memory_space<hbm>> -> memref<20000x64xf32, #tpu.memory_space<hbm>>
      tpu.wait_indirect_dma semaphore(%arg7 : memref<!tpu.dma_semaphore, #tpu.memory_space<semaphore_mem>>) src(%dma_wait3A_81 : memref<20000x64xf32, #tpu.memory_space<hbm>>) dst(%dma_wait3A_76 : memref<80x64xf32, #tpu.memory_space<vmem>>)
      %dma_wait3A_82 = arith.constant 320 : i32
      %dma_wait3A_83 = arith.constant 0 : i32
      %dma_wait3A_84 = tpu.memref_slice %arg6[%dma_wait3A_82, %dma_wait3A_83] : memref<400x64xf32, #tpu.memory_space<vmem>> -> memref<80x64xf32, #tpu.memory_space<vmem>>
      %dma_wait3A_85 = arith.constant 320 : i32
      %dma_wait3A_86 = tpu.memref_slice %arg5[%dma_wait3A_85] : memref<400xi32, #tpu.memory_space<vmem>> -> memref<80xi32, #tpu.memory_space<vmem>>
      %dma_wait3A_87 = arith.constant 0 : i32
      %dma_wait3A_88 = arith.constant 0 : i32
      %dma_wait3A_89 = tpu.memref_slice %arg2[%dma_wait3A_87, %dma_wait3A_88] : memref<20000x64xf32, #tpu.memory_space<hbm>> -> memref<20000x64xf32, #tpu.memory_space<hbm>>
      tpu.wait_indirect_dma semaphore(%arg7 : memref<!tpu.dma_semaphore, #tpu.memory_space<semaphore_mem>>) src(%dma_wait3A_89 : memref<20000x64xf32, #tpu.memory_space<hbm>>) dst(%dma_wait3A_84 : memref<80x64xf32, #tpu.memory_space<vmem>>)
      "tpu.region"() ({
        %run_scoped3A = tpu.sem_alloc : memref<!tpu.dma_semaphore, #tpu.memory_space<semaphore_mem>>
        %dma_start3A_90 = arith.constant 0 : i32
        %dma_start3A_91 = tpu.memref_slice %arg4[%multiple_of3A, %dma_start3A_90] : memref<320000x64xf32, #tpu.memory_space<hbm>> -> memref<400x64xf32, #tpu.memory_space<hbm>>
        %dma_start3A_92 = arith.constant 0 : i32
        %dma_start3A_93 = tpu.memref_slice %arg4[%multiple_of3A, %dma_start3A_92] : memref<320000x64xf32, #tpu.memory_space<hbm>> -> memref<400x64xf32, #tpu.memory_space<hbm>>
        tpu.enqueue_dma source(%arg6 : memref<400x64xf32, #tpu.memory_space<vmem>>) target(%dma_start3A_93 : memref<400x64xf32, #tpu.memory_space<hbm>>) target_semaphore(%run_scoped3A : memref<!tpu.dma_semaphore, #tpu.memory_space<semaphore_mem>>)
        %dma_wait3A_94 = arith.constant 0 : i32
        %dma_wait3A_95 = tpu.memref_slice %arg4[%multiple_of3A, %dma_wait3A_94] : memref<320000x64xf32, #tpu.memory_space<hbm>> -> memref<400x64xf32, #tpu.memory_space<hbm>>
        %dma_wait3A_96 = arith.constant 0 : i32
        %dma_wait3A_97 = tpu.memref_slice %arg4[%multiple_of3A, %dma_wait3A_96] : memref<320000x64xf32, #tpu.memory_space<hbm>> -> memref<400x64xf32, #tpu.memory_space<hbm>>
        tpu.wait_dma2 semaphore(%run_scoped3A : memref<!tpu.dma_semaphore, #tpu.memory_space<semaphore_mem>>) src(%arg6 : memref<400x64xf32, #tpu.memory_space<vmem>>) dst(%dma_wait3A_97 : memref<400x64xf32, #tpu.memory_space<hbm>>)
        tpu.yield
      }) : () -> ()
    }
    %scan3A_7 = arith.constant 25 : i32
    return
  }
}

#map = affine_map<(d0, d1) -> (0, 0)>
#map1 = affine_map<(d0, d1) -> (0)>
module attributes {stable_mosaic.version = 14 : i64} {
  func.func @body(%arg0: i32, %arg1: i32, %arg2: memref<20000x128xf32, #tpu.memory_space<hbm>>, %arg3: memref<320000xi32, #tpu.memory_space<hbm>>, %arg4: memref<320000x128xf32, #tpu.memory_space<hbm>>, %arg5: memref<400xi32, #tpu.memory_space<vmem>>, %arg6: memref<400x128xf32, #tpu.memory_space<vmem>>, %arg7: memref<!tpu.dma_semaphore, #tpu.memory_space<semaphore_mem>>) attributes {dimension_semantics = [#tpu.dimension_semantics<core_parallel>, #tpu.dimension_semantics<subcore_parallel>], iteration_bounds = array<i64: 2, 16>, scalar_prefetch = 0 : i64, scratch_operands = 3 : i64, tpu.core_type = #tpu.core_type<sc_vector_subcore>, window_params = [{transform_indices = #map}, {transform_indices = #map1}, {transform_indices = #map}]} {
    %mul3A = arith.constant 2 : i32
    %mul3A_0 = arith.muli %arg1, %mul3A : i32
    %add3A = arith.addi %mul3A_0, %arg0 : i32
    %mul3A_1 = arith.constant 10000 : i32
    %mul3A_2 = arith.muli %add3A, %mul3A_1 : i32
    %scan3A = arith.constant 0 : i32
    %scan3A_3 = arith.constant 0 : i32
    %scan3A_4 = arith.constant 25 : i32
    %scan3A_5 = arith.addi %scan3A_3, %scan3A_4 : i32
    %scan3A_6 = arith.constant 1 : i32
    scf.for %scan3A_8 = %scan3A_3 to %scan3A_5 step %scan3A_6  : i32 {
      %mul3A_9 = arith.constant 400 : i32
      %mul3A_10 = arith.muli %scan3A_8, %mul3A_9 : i32
      %add3A_11 = arith.addi %mul3A_2, %mul3A_10 : i32
      %multiple_of3A = tpu.assume_multiple %add3A_11, 8 : i32
      "tpu.region"() ({
        %run_scoped3A = tpu.sem_alloc : memref<!tpu.dma_semaphore, #tpu.memory_space<semaphore_mem>>
        %dma_start3A_90 = tpu.memref_slice %arg3[%multiple_of3A] : memref<320000xi32, #tpu.memory_space<hbm>> -> memref<400xi32, #tpu.memory_space<hbm>>
        %dma_start3A_91 = tpu.memref_slice %arg3[%multiple_of3A] : memref<320000xi32, #tpu.memory_space<hbm>> -> memref<400xi32, #tpu.memory_space<hbm>>
        tpu.enqueue_dma source(%dma_start3A_91 : memref<400xi32, #tpu.memory_space<hbm>>) target(%arg5 : memref<400xi32, #tpu.memory_space<vmem>>) target_semaphore(%run_scoped3A : memref<!tpu.dma_semaphore, #tpu.memory_space<semaphore_mem>>)
        %dma_wait3A_92 = tpu.memref_slice %arg3[%multiple_of3A] : memref<320000xi32, #tpu.memory_space<hbm>> -> memref<400xi32, #tpu.memory_space<hbm>>
        %dma_wait3A_93 = tpu.memref_slice %arg3[%multiple_of3A] : memref<320000xi32, #tpu.memory_space<hbm>> -> memref<400xi32, #tpu.memory_space<hbm>>
        tpu.wait_dma2 semaphore(%run_scoped3A : memref<!tpu.dma_semaphore, #tpu.memory_space<semaphore_mem>>) src(%dma_wait3A_93 : memref<400xi32, #tpu.memory_space<hbm>>) dst(%arg5 : memref<400xi32, #tpu.memory_space<vmem>>)
        tpu.yield
      }) : () -> ()
      %dma_start3A = arith.constant 0 : i32
      %dma_start3A_12 = arith.constant 0 : i32
      %dma_start3A_13 = tpu.memref_slice %arg6[%dma_start3A, %dma_start3A_12] : memref<400x128xf32, #tpu.memory_space<vmem>> -> memref<80x128xf32, #tpu.memory_space<vmem>>
      %dma_start3A_14 = arith.constant 0 : i32
      %dma_start3A_15 = tpu.memref_slice %arg5[%dma_start3A_14] : memref<400xi32, #tpu.memory_space<vmem>> -> memref<80xi32, #tpu.memory_space<vmem>>
      %dma_start3A_16 = arith.constant 0 : i32
      %dma_start3A_17 = arith.constant 0 : i32
      %dma_start3A_18 = tpu.memref_slice %arg2[%dma_start3A_16, %dma_start3A_17] : memref<20000x128xf32, #tpu.memory_space<hbm>> -> memref<20000x128xf32, #tpu.memory_space<hbm>>
      tpu.enqueue_indirect_dma source(%dma_start3A_18 : memref<20000x128xf32, #tpu.memory_space<hbm>>) target(%dma_start3A_13 : memref<80x128xf32, #tpu.memory_space<vmem>>) offsets(%dma_start3A_15 : memref<80xi32, #tpu.memory_space<vmem>>) semaphore(%arg7 : memref<!tpu.dma_semaphore, #tpu.memory_space<semaphore_mem>>)
      %dma_start3A_19 = arith.constant 80 : i32
      %dma_start3A_20 = arith.constant 0 : i32
      %dma_start3A_21 = tpu.memref_slice %arg6[%dma_start3A_19, %dma_start3A_20] : memref<400x128xf32, #tpu.memory_space<vmem>> -> memref<80x128xf32, #tpu.memory_space<vmem>>
      %dma_start3A_22 = arith.constant 80 : i32
      %dma_start3A_23 = tpu.memref_slice %arg5[%dma_start3A_22] : memref<400xi32, #tpu.memory_space<vmem>> -> memref<80xi32, #tpu.memory_space<vmem>>
      %dma_start3A_24 = arith.constant 0 : i32
      %dma_start3A_25 = arith.constant 0 : i32
      %dma_start3A_26 = tpu.memref_slice %arg2[%dma_start3A_24, %dma_start3A_25] : memref<20000x128xf32, #tpu.memory_space<hbm>> -> memref<20000x128xf32, #tpu.memory_space<hbm>>
      tpu.enqueue_indirect_dma source(%dma_start3A_26 : memref<20000x128xf32, #tpu.memory_space<hbm>>) target(%dma_start3A_21 : memref<80x128xf32, #tpu.memory_space<vmem>>) offsets(%dma_start3A_23 : memref<80xi32, #tpu.memory_space<vmem>>) semaphore(%arg7 : memref<!tpu.dma_semaphore, #tpu.memory_space<semaphore_mem>>)
      %dma_start3A_27 = arith.constant 160 : i32
      %dma_start3A_28 = arith.constant 0 : i32
      %dma_start3A_29 = tpu.memref_slice %arg6[%dma_start3A_27, %dma_start3A_28] : memref<400x128xf32, #tpu.memory_space<vmem>> -> memref<80x128xf32, #tpu.memory_space<vmem>>
      %dma_start3A_30 = arith.constant 160 : i32
      %dma_start3A_31 = tpu.memref_slice %arg5[%dma_start3A_30] : memref<400xi32, #tpu.memory_space<vmem>> -> memref<80xi32, #tpu.memory_space<vmem>>
      %dma_start3A_32 = arith.constant 0 : i32
      %dma_start3A_33 = arith.constant 0 : i32
      %dma_start3A_34 = tpu.memref_slice %arg2[%dma_start3A_32, %dma_start3A_33] : memref<20000x128xf32, #tpu.memory_space<hbm>> -> memref<20000x128xf32, #tpu.memory_space<hbm>>
      tpu.enqueue_indirect_dma source(%dma_start3A_34 : memref<20000x128xf32, #tpu.memory_space<hbm>>) target(%dma_start3A_29 : memref<80x128xf32, #tpu.memory_space<vmem>>) offsets(%dma_start3A_31 : memref<80xi32, #tpu.memory_space<vmem>>) semaphore(%arg7 : memref<!tpu.dma_semaphore, #tpu.memory_space<semaphore_mem>>)
      %dma_start3A_35 = arith.constant 240 : i32
      %dma_start3A_36 = arith.constant 0 : i32
      %dma_start3A_37 = tpu.memref_slice %arg6[%dma_start3A_35, %dma_start3A_36] : memref<400x128xf32, #tpu.memory_space<vmem>> -> memref<80x128xf32, #tpu.memory_space<vmem>>
      %dma_start3A_38 = arith.constant 240 : i32
      %dma_start3A_39 = tpu.memref_slice %arg5[%dma_start3A_38] : memref<400xi32, #tpu.memory_space<vmem>> -> memref<80xi32, #tpu.memory_space<vmem>>
      %dma_start3A_40 = arith.constant 0 : i32
      %dma_start3A_41 = arith.constant 0 : i32
      %dma_start3A_42 = tpu.memref_slice %arg2[%dma_start3A_40, %dma_start3A_41] : memref<20000x128xf32, #tpu.memory_space<hbm>> -> memref<20000x128xf32, #tpu.memory_space<hbm>>
      tpu.enqueue_indirect_dma source(%dma_start3A_42 : memref<20000x128xf32, #tpu.memory_space<hbm>>) target(%dma_start3A_37 : memref<80x128xf32, #tpu.memory_space<vmem>>) offsets(%dma_start3A_39 : memref<80xi32, #tpu.memory_space<vmem>>) semaphore(%arg7 : memref<!tpu.dma_semaphore, #tpu.memory_space<semaphore_mem>>)
      %dma_start3A_43 = arith.constant 320 : i32
      %dma_start3A_44 = arith.constant 0 : i32
      %dma_start3A_45 = tpu.memref_slice %arg6[%dma_start3A_43, %dma_start3A_44] : memref<400x128xf32, #tpu.memory_space<vmem>> -> memref<80x128xf32, #tpu.memory_space<vmem>>
      %dma_start3A_46 = arith.constant 320 : i32
      %dma_start3A_47 = tpu.memref_slice %arg5[%dma_start3A_46] : memref<400xi32, #tpu.memory_space<vmem>> -> memref<80xi32, #tpu.memory_space<vmem>>
      %dma_start3A_48 = arith.constant 0 : i32
      %dma_start3A_49 = arith.constant 0 : i32
      %dma_start3A_50 = tpu.memref_slice %arg2[%dma_start3A_48, %dma_start3A_49] : memref<20000x128xf32, #tpu.memory_space<hbm>> -> memref<20000x128xf32, #tpu.memory_space<hbm>>
      tpu.enqueue_indirect_dma source(%dma_start3A_50 : memref<20000x128xf32, #tpu.memory_space<hbm>>) target(%dma_start3A_45 : memref<80x128xf32, #tpu.memory_space<vmem>>) offsets(%dma_start3A_47 : memref<80xi32, #tpu.memory_space<vmem>>) semaphore(%arg7 : memref<!tpu.dma_semaphore, #tpu.memory_space<semaphore_mem>>)
      %dma_wait3A = arith.constant 0 : i32
      %dma_wait3A_51 = arith.constant 0 : i32
      %dma_wait3A_52 = tpu.memref_slice %arg6[%dma_wait3A, %dma_wait3A_51] : memref<400x128xf32, #tpu.memory_space<vmem>> -> memref<80x128xf32, #tpu.memory_space<vmem>>
      %dma_wait3A_53 = arith.constant 0 : i32
      %dma_wait3A_54 = tpu.memref_slice %arg5[%dma_wait3A_53] : memref<400xi32, #tpu.memory_space<vmem>> -> memref<80xi32, #tpu.memory_space<vmem>>
      %dma_wait3A_55 = arith.constant 0 : i32
      %dma_wait3A_56 = arith.constant 0 : i32
      %dma_wait3A_57 = tpu.memref_slice %arg2[%dma_wait3A_55, %dma_wait3A_56] : memref<20000x128xf32, #tpu.memory_space<hbm>> -> memref<20000x128xf32, #tpu.memory_space<hbm>>
      tpu.wait_indirect_dma semaphore(%arg7 : memref<!tpu.dma_semaphore, #tpu.memory_space<semaphore_mem>>) src(%dma_wait3A_57 : memref<20000x128xf32, #tpu.memory_space<hbm>>) dst(%dma_wait3A_52 : memref<80x128xf32, #tpu.memory_space<vmem>>)
      %dma_wait3A_58 = arith.constant 80 : i32
      %dma_wait3A_59 = arith.constant 0 : i32
      %dma_wait3A_60 = tpu.memref_slice %arg6[%dma_wait3A_58, %dma_wait3A_59] : memref<400x128xf32, #tpu.memory_space<vmem>> -> memref<80x128xf32, #tpu.memory_space<vmem>>
      %dma_wait3A_61 = arith.constant 80 : i32
      %dma_wait3A_62 = tpu.memref_slice %arg5[%dma_wait3A_61] : memref<400xi32, #tpu.memory_space<vmem>> -> memref<80xi32, #tpu.memory_space<vmem>>
      %dma_wait3A_63 = arith.constant 0 : i32
      %dma_wait3A_64 = arith.constant 0 : i32
      %dma_wait3A_65 = tpu.memref_slice %arg2[%dma_wait3A_63, %dma_wait3A_64] : memref<20000x128xf32, #tpu.memory_space<hbm>> -> memref<20000x128xf32, #tpu.memory_space<hbm>>
      tpu.wait_indirect_dma semaphore(%arg7 : memref<!tpu.dma_semaphore, #tpu.memory_space<semaphore_mem>>) src(%dma_wait3A_65 : memref<20000x128xf32, #tpu.memory_space<hbm>>) dst(%dma_wait3A_60 : memref<80x128xf32, #tpu.memory_space<vmem>>)
      %dma_wait3A_66 = arith.constant 160 : i32
      %dma_wait3A_67 = arith.constant 0 : i32
      %dma_wait3A_68 = tpu.memref_slice %arg6[%dma_wait3A_66, %dma_wait3A_67] : memref<400x128xf32, #tpu.memory_space<vmem>> -> memref<80x128xf32, #tpu.memory_space<vmem>>
      %dma_wait3A_69 = arith.constant 160 : i32
      %dma_wait3A_70 = tpu.memref_slice %arg5[%dma_wait3A_69] : memref<400xi32, #tpu.memory_space<vmem>> -> memref<80xi32, #tpu.memory_space<vmem>>
      %dma_wait3A_71 = arith.constant 0 : i32
      %dma_wait3A_72 = arith.constant 0 : i32
      %dma_wait3A_73 = tpu.memref_slice %arg2[%dma_wait3A_71, %dma_wait3A_72] : memref<20000x128xf32, #tpu.memory_space<hbm>> -> memref<20000x128xf32, #tpu.memory_space<hbm>>
      tpu.wait_indirect_dma semaphore(%arg7 : memref<!tpu.dma_semaphore, #tpu.memory_space<semaphore_mem>>) src(%dma_wait3A_73 : memref<20000x128xf32, #tpu.memory_space<hbm>>) dst(%dma_wait3A_68 : memref<80x128xf32, #tpu.memory_space<vmem>>)
      %dma_wait3A_74 = arith.constant 240 : i32
      %dma_wait3A_75 = arith.constant 0 : i32
      %dma_wait3A_76 = tpu.memref_slice %arg6[%dma_wait3A_74, %dma_wait3A_75] : memref<400x128xf32, #tpu.memory_space<vmem>> -> memref<80x128xf32, #tpu.memory_space<vmem>>
      %dma_wait3A_77 = arith.constant 240 : i32
      %dma_wait3A_78 = tpu.memref_slice %arg5[%dma_wait3A_77] : memref<400xi32, #tpu.memory_space<vmem>> -> memref<80xi32, #tpu.memory_space<vmem>>
      %dma_wait3A_79 = arith.constant 0 : i32
      %dma_wait3A_80 = arith.constant 0 : i32
      %dma_wait3A_81 = tpu.memref_slice %arg2[%dma_wait3A_79, %dma_wait3A_80] : memref<20000x128xf32, #tpu.memory_space<hbm>> -> memref<20000x128xf32, #tpu.memory_space<hbm>>
      tpu.wait_indirect_dma semaphore(%arg7 : memref<!tpu.dma_semaphore, #tpu.memory_space<semaphore_mem>>) src(%dma_wait3A_81 : memref<20000x128xf32, #tpu.memory_space<hbm>>) dst(%dma_wait3A_76 : memref<80x128xf32, #tpu.memory_space<vmem>>)
      %dma_wait3A_82 = arith.constant 320 : i32
      %dma_wait3A_83 = arith.constant 0 : i32
      %dma_wait3A_84 = tpu.memref_slice %arg6[%dma_wait3A_82, %dma_wait3A_83] : memref<400x128xf32, #tpu.memory_space<vmem>> -> memref<80x128xf32, #tpu.memory_space<vmem>>
      %dma_wait3A_85 = arith.constant 320 : i32
      %dma_wait3A_86 = tpu.memref_slice %arg5[%dma_wait3A_85] : memref<400xi32, #tpu.memory_space<vmem>> -> memref<80xi32, #tpu.memory_space<vmem>>
      %dma_wait3A_87 = arith.constant 0 : i32
      %dma_wait3A_88 = arith.constant 0 : i32
      %dma_wait3A_89 = tpu.memref_slice %arg2[%dma_wait3A_87, %dma_wait3A_88] : memref<20000x128xf32, #tpu.memory_space<hbm>> -> memref<20000x128xf32, #tpu.memory_space<hbm>>
      tpu.wait_indirect_dma semaphore(%arg7 : memref<!tpu.dma_semaphore, #tpu.memory_space<semaphore_mem>>) src(%dma_wait3A_89 : memref<20000x128xf32, #tpu.memory_space<hbm>>) dst(%dma_wait3A_84 : memref<80x128xf32, #tpu.memory_space<vmem>>)
      "tpu.region"() ({
        %run_scoped3A = tpu.sem_alloc : memref<!tpu.dma_semaphore, #tpu.memory_space<semaphore_mem>>
        %dma_start3A_90 = arith.constant 0 : i32
        %dma_start3A_91 = tpu.memref_slice %arg4[%multiple_of3A, %dma_start3A_90] : memref<320000x128xf32, #tpu.memory_space<hbm>> -> memref<400x128xf32, #tpu.memory_space<hbm>>
        %dma_start3A_92 = arith.constant 0 : i32
        %dma_start3A_93 = tpu.memref_slice %arg4[%multiple_of3A, %dma_start3A_92] : memref<320000x128xf32, #tpu.memory_space<hbm>> -> memref<400x128xf32, #tpu.memory_space<hbm>>
        tpu.enqueue_dma source(%arg6 : memref<400x128xf32, #tpu.memory_space<vmem>>) target(%dma_start3A_93 : memref<400x128xf32, #tpu.memory_space<hbm>>) target_semaphore(%run_scoped3A : memref<!tpu.dma_semaphore, #tpu.memory_space<semaphore_mem>>)
        %dma_wait3A_94 = arith.constant 0 : i32
        %dma_wait3A_95 = tpu.memref_slice %arg4[%multiple_of3A, %dma_wait3A_94] : memref<320000x128xf32, #tpu.memory_space<hbm>> -> memref<400x128xf32, #tpu.memory_space<hbm>>
        %dma_wait3A_96 = arith.constant 0 : i32
        %dma_wait3A_97 = tpu.memref_slice %arg4[%multiple_of3A, %dma_wait3A_96] : memref<320000x128xf32, #tpu.memory_space<hbm>> -> memref<400x128xf32, #tpu.memory_space<hbm>>
        tpu.wait_dma2 semaphore(%run_scoped3A : memref<!tpu.dma_semaphore, #tpu.memory_space<semaphore_mem>>) src(%arg6 : memref<400x128xf32, #tpu.memory_space<vmem>>) dst(%dma_wait3A_97 : memref<400x128xf32, #tpu.memory_space<hbm>>)
        tpu.yield
      }) : () -> ()
    }
    %scan3A_7 = arith.constant 25 : i32
    return
  }
}

#map = affine_map<(d0, d1) -> (0, 0)>
#map1 = affine_map<(d0, d1) -> (0, 0, 0)>
module attributes {stable_mosaic.version = 14 : i64} {
  func.func @body(%arg0: i32, %arg1: i32, %arg2: memref<320000x80xf32, #tpu.memory_space<hbm>>, %arg3: memref<320000x80xf32, #tpu.memory_space<hbm>>, %arg4: memref<4000x80xi32, #tpu.memory_space<hbm>>, %arg5: memref<10000x80xf32, #tpu.memory_space<hbm>>, %arg6: memref<2x10000x80xf32, #tpu.memory_space<hbm>>, %arg7: memref<10000x80xf32, #tpu.memory_space<vmem_shared>>, %arg8: memref<2x80xi32, #tpu.memory_space<vmem>>, %arg9: memref<160x80xf32, #tpu.memory_space<vmem>>) attributes {dimension_semantics = [#tpu.dimension_semantics<core_parallel>, #tpu.dimension_semantics<subcore_parallel>], iteration_bounds = array<i64: 2, 16>, scalar_prefetch = 0 : i64, scratch_operands = 3 : i64, tpu.core_type = #tpu.core_type<sc_vector_subcore>, window_params = [{transform_indices = #map}, {transform_indices = #map}, {transform_indices = #map}, {transform_indices = #map}, {transform_indices = #map1}]} {
    %mul3A = arith.constant 625 : i32
    %mul3A_0 = arith.muli %arg1, %mul3A : i32
    "tpu.region"() ({
      %run_scoped3A = tpu.sem_alloc : memref<!tpu.dma_semaphore, #tpu.memory_space<semaphore_mem>>
      %dma_start3A = arith.constant 0 : i32
      %dma_start3A_7 = tpu.memref_slice %arg7[%mul3A_0, %dma_start3A] : memref<10000x80xf32, #tpu.memory_space<vmem_shared>> -> memref<625x80xf32, #tpu.memory_space<vmem_shared>>
      %dma_start3A_8 = arith.constant 0 : i32
      %dma_start3A_9 = tpu.memref_slice %arg5[%mul3A_0, %dma_start3A_8] : memref<10000x80xf32, #tpu.memory_space<hbm>> -> memref<625x80xf32, #tpu.memory_space<hbm>>
      tpu.enqueue_dma source(%dma_start3A_9 : memref<625x80xf32, #tpu.memory_space<hbm>>) target(%dma_start3A_7 : memref<625x80xf32, #tpu.memory_space<vmem_shared>>) target_semaphore(%run_scoped3A : memref<!tpu.dma_semaphore, #tpu.memory_space<semaphore_mem>>)
      %dma_wait3A = arith.constant 0 : i32
      %dma_wait3A_10 = tpu.memref_slice %arg7[%mul3A_0, %dma_wait3A] : memref<10000x80xf32, #tpu.memory_space<vmem_shared>> -> memref<625x80xf32, #tpu.memory_space<vmem_shared>>
      %dma_wait3A_11 = arith.constant 0 : i32
      %dma_wait3A_12 = tpu.memref_slice %arg5[%mul3A_0, %dma_wait3A_11] : memref<10000x80xf32, #tpu.memory_space<hbm>> -> memref<625x80xf32, #tpu.memory_space<hbm>>
      tpu.wait_dma2 semaphore(%run_scoped3A : memref<!tpu.dma_semaphore, #tpu.memory_space<semaphore_mem>>) src(%dma_wait3A_12 : memref<625x80xf32, #tpu.memory_space<hbm>>) dst(%dma_wait3A_10 : memref<625x80xf32, #tpu.memory_space<vmem_shared>>)
      tpu.yield
    }) : () -> ()
    %barrier3A = arith.constant 0 : index
    tpu.barrier barrier_id(%barrier3A)
    %scan3A = arith.constant 0 : i32
    %scan3A_1 = arith.constant 0 : i32
    %scan3A_2 = arith.constant 125 : i32
    %scan3A_3 = arith.addi %scan3A_1, %scan3A_2 : i32
    %scan3A_4 = arith.constant 1 : i32
    scf.for %scan3A_7 = %scan3A_1 to %scan3A_3 step %scan3A_4  : i32 {
      %mul3A_8 = arith.constant 20000 : i32
      %mul3A_9 = arith.muli %arg1, %mul3A_8 : i32
      %mul3A_10 = arith.constant 160 : i32
      %mul3A_11 = arith.muli %scan3A_7, %mul3A_10 : i32
      %add3A = arith.addi %mul3A_9, %mul3A_11 : i32
      %multiple_of3A = tpu.assume_multiple %add3A, 8 : i32
      %mul3A_12 = arith.constant 20000 : i32
      %mul3A_13 = arith.muli %arg1, %mul3A_12 : i32
      %jit3A = arith.constant 80 : i32
      %div3A = arith.divsi %mul3A_13, %jit3A : i32
      %sign3A = arith.constant 0 : i32
      %sign3A_14 = arith.cmpi sgt, %mul3A_13, %sign3A : i32
      %sign3A_15 = arith.extui %sign3A_14 : i1 to i32
      %sign3A_16 = arith.constant 0 : i32
      %sign3A_17 = arith.cmpi slt, %mul3A_13, %sign3A_16 : i32
      %sign3A_18 = arith.extui %sign3A_17 : i1 to i32
      %sign3A_19 = arith.subi %sign3A_15, %sign3A_18 : i32
      %sign3A_20 = arith.constant 0 : i32
      %sign3A_21 = arith.cmpi sgt, %jit3A, %sign3A_20 : i32
      %sign3A_22 = arith.extui %sign3A_21 : i1 to i32
      %sign3A_23 = arith.constant 0 : i32
      %sign3A_24 = arith.cmpi slt, %jit3A, %sign3A_23 : i32
      %sign3A_25 = arith.extui %sign3A_24 : i1 to i32
      %sign3A_26 = arith.subi %sign3A_22, %sign3A_25 : i32
      %ne3A = arith.cmpi ne, %sign3A_19, %sign3A_26 : i32
      %rem3A = arith.remsi %mul3A_13, %jit3A : i32
      %ne3A_27 = arith.constant 0 : i32
      %ne3A_28 = arith.cmpi ne, %rem3A, %ne3A_27 : i32
      %and3A = arith.andi %ne3A, %ne3A_28 : i1
      %sub3A = arith.constant 1 : i32
      %sub3A_29 = arith.subi %div3A, %sub3A : i32
      %select_n3A = arith.select %and3A, %sub3A_29, %div3A : i32
      %mul3A_30 = arith.constant 2 : i32
      %mul3A_31 = arith.muli %scan3A_7, %mul3A_30 : i32
      %add3A_32 = arith.addi %select_n3A, %mul3A_31 : i32
      "tpu.region"() ({
        %run_scoped3A_41 = tpu.sem_alloc : memref<!tpu.dma_semaphore, #tpu.memory_space<semaphore_mem>>
        %dma_start3A = arith.constant 0 : i32
        %dma_start3A_42 = tpu.memref_slice %arg4[%add3A_32, %dma_start3A] : memref<4000x80xi32, #tpu.memory_space<hbm>> -> memref<2x80xi32, #tpu.memory_space<hbm>>
        %dma_start3A_43 = arith.constant 0 : i32
        %dma_start3A_44 = tpu.memref_slice %arg4[%add3A_32, %dma_start3A_43] : memref<4000x80xi32, #tpu.memory_space<hbm>> -> memref<2x80xi32, #tpu.memory_space<hbm>>
        tpu.enqueue_dma source(%dma_start3A_44 : memref<2x80xi32, #tpu.memory_space<hbm>>) target(%arg8 : memref<2x80xi32, #tpu.memory_space<vmem>>) target_semaphore(%run_scoped3A_41 : memref<!tpu.dma_semaphore, #tpu.memory_space<semaphore_mem>>)
        %dma_wait3A = arith.constant 0 : i32
        %dma_wait3A_45 = tpu.memref_slice %arg4[%add3A_32, %dma_wait3A] : memref<4000x80xi32, #tpu.memory_space<hbm>> -> memref<2x80xi32, #tpu.memory_space<hbm>>
        %dma_wait3A_46 = arith.constant 0 : i32
        %dma_wait3A_47 = tpu.memref_slice %arg4[%add3A_32, %dma_wait3A_46] : memref<4000x80xi32, #tpu.memory_space<hbm>> -> memref<2x80xi32, #tpu.memory_space<hbm>>
        tpu.wait_dma2 semaphore(%run_scoped3A_41 : memref<!tpu.dma_semaphore, #tpu.memory_space<semaphore_mem>>) src(%dma_wait3A_47 : memref<2x80xi32, #tpu.memory_space<hbm>>) dst(%arg8 : memref<2x80xi32, #tpu.memory_space<vmem>>)
        tpu.yield
      }) : () -> ()
      %eq3A = arith.constant 0 : i32
      %eq3A_33 = arith.cmpi eq, %arg0, %eq3A : i32
      %convert_element_type3A = arith.extui %eq3A_33 : i1 to i32
      %cond3A = arith.constant 0 : i32
      %cond3A_34 = arith.cmpi ne, %convert_element_type3A, %cond3A : i32
      scf.if %cond3A_34 {
        "tpu.region"() ({
          %run_scoped3A_41 = tpu.sem_alloc : memref<!tpu.dma_semaphore, #tpu.memory_space<semaphore_mem>>
          %dma_start3A = arith.constant 0 : i32
          %dma_start3A_42 = tpu.memref_slice %arg2[%multiple_of3A, %dma_start3A] : memref<320000x80xf32, #tpu.memory_space<hbm>> -> memref<160x80xf32, #tpu.memory_space<hbm>>
          %dma_start3A_43 = arith.constant 0 : i32
          %dma_start3A_44 = tpu.memref_slice %arg2[%multiple_of3A, %dma_start3A_43] : memref<320000x80xf32, #tpu.memory_space<hbm>> -> memref<160x80xf32, #tpu.memory_space<hbm>>
          tpu.enqueue_dma source(%dma_start3A_44 : memref<160x80xf32, #tpu.memory_space<hbm>>) target(%arg9 : memref<160x80xf32, #tpu.memory_space<vmem>>) target_semaphore(%run_scoped3A_41 : memref<!tpu.dma_semaphore, #tpu.memory_space<semaphore_mem>>)
          %dma_wait3A = arith.constant 0 : i32
          %dma_wait3A_45 = tpu.memref_slice %arg2[%multiple_of3A, %dma_wait3A] : memref<320000x80xf32, #tpu.memory_space<hbm>> -> memref<160x80xf32, #tpu.memory_space<hbm>>
          %dma_wait3A_46 = arith.constant 0 : i32
          %dma_wait3A_47 = tpu.memref_slice %arg2[%multiple_of3A, %dma_wait3A_46] : memref<320000x80xf32, #tpu.memory_space<hbm>> -> memref<160x80xf32, #tpu.memory_space<hbm>>
          tpu.wait_dma2 semaphore(%run_scoped3A_41 : memref<!tpu.dma_semaphore, #tpu.memory_space<semaphore_mem>>) src(%dma_wait3A_47 : memref<160x80xf32, #tpu.memory_space<hbm>>) dst(%arg9 : memref<160x80xf32, #tpu.memory_space<vmem>>)
          tpu.yield
        }) : () -> ()
      } else {
      }
      %eq3A_35 = arith.constant 1 : i32
      %eq3A_36 = arith.cmpi eq, %arg0, %eq3A_35 : i32
      %convert_element_type3A_37 = arith.extui %eq3A_36 : i1 to i32
      %cond3A_38 = arith.constant 0 : i32
      %cond3A_39 = arith.cmpi ne, %convert_element_type3A_37, %cond3A_38 : i32
      scf.if %cond3A_39 {
        "tpu.region"() ({
          %run_scoped3A_41 = tpu.sem_alloc : memref<!tpu.dma_semaphore, #tpu.memory_space<semaphore_mem>>
          %dma_start3A = arith.constant 0 : i32
          %dma_start3A_42 = tpu.memref_slice %arg3[%multiple_of3A, %dma_start3A] : memref<320000x80xf32, #tpu.memory_space<hbm>> -> memref<160x80xf32, #tpu.memory_space<hbm>>
          %dma_start3A_43 = arith.constant 0 : i32
          %dma_start3A_44 = tpu.memref_slice %arg3[%multiple_of3A, %dma_start3A_43] : memref<320000x80xf32, #tpu.memory_space<hbm>> -> memref<160x80xf32, #tpu.memory_space<hbm>>
          tpu.enqueue_dma source(%dma_start3A_44 : memref<160x80xf32, #tpu.memory_space<hbm>>) target(%arg9 : memref<160x80xf32, #tpu.memory_space<vmem>>) target_semaphore(%run_scoped3A_41 : memref<!tpu.dma_semaphore, #tpu.memory_space<semaphore_mem>>)
          %dma_wait3A = arith.constant 0 : i32
          %dma_wait3A_45 = tpu.memref_slice %arg3[%multiple_of3A, %dma_wait3A] : memref<320000x80xf32, #tpu.memory_space<hbm>> -> memref<160x80xf32, #tpu.memory_space<hbm>>
          %dma_wait3A_46 = arith.constant 0 : i32
          %dma_wait3A_47 = tpu.memref_slice %arg3[%multiple_of3A, %dma_wait3A_46] : memref<320000x80xf32, #tpu.memory_space<hbm>> -> memref<160x80xf32, #tpu.memory_space<hbm>>
          tpu.wait_dma2 semaphore(%run_scoped3A_41 : memref<!tpu.dma_semaphore, #tpu.memory_space<semaphore_mem>>) src(%dma_wait3A_47 : memref<160x80xf32, #tpu.memory_space<hbm>>) dst(%arg9 : memref<160x80xf32, #tpu.memory_space<vmem>>)
          tpu.yield
        }) : () -> ()
      } else {
      }
      %run_scoped3A = arith.constant 0 : i32
      "tpu.region"() ({
        %run_scoped3A_41 = tpu.sem_alloc : memref<!tpu.dma_semaphore, #tpu.memory_space<semaphore_mem>>
        %dma_start3A = arith.constant 0 : i32
        %dma_start3A_42 = arith.constant 0 : i32
        %dma_start3A_43 = tpu.memref_slice %arg9[%dma_start3A, %dma_start3A_42] : memref<160x80xf32, #tpu.memory_space<vmem>> -> memref<80x80xf32, #tpu.memory_space<vmem>>
        %dma_start3A_44 = arith.constant 0 : i32
        %dma_start3A_45 = tpu.memref_slice %arg8[%run_scoped3A, %dma_start3A_44] : memref<2x80xi32, #tpu.memory_space<vmem>> -> memref<1x80xi32, #tpu.memory_space<vmem>>
        %dma_start3A_46 = tpu.memref_squeeze %dma_start3A_45 : memref<1x80xi32, #tpu.memory_space<vmem>> -> memref<80xi32, #tpu.memory_space<vmem>>
        %dma_start3A_47 = arith.constant 0 : i32
        %dma_start3A_48 = arith.constant 0 : i32
        %dma_start3A_49 = tpu.memref_slice %arg7[%dma_start3A_47, %dma_start3A_48] : memref<10000x80xf32, #tpu.memory_space<vmem_shared>> -> memref<10000x80xf32, #tpu.memory_space<vmem_shared>>
        tpu.enqueue_indirect_dma source(%dma_start3A_43 : memref<80x80xf32, #tpu.memory_space<vmem>>) target(%dma_start3A_49 : memref<10000x80xf32, #tpu.memory_space<vmem_shared>>) offsets(%dma_start3A_46 : memref<80xi32, #tpu.memory_space<vmem>>) semaphore(%run_scoped3A_41 : memref<!tpu.dma_semaphore, #tpu.memory_space<semaphore_mem>>) {add = true}
        %dma_wait3A = arith.constant 0 : i32
        %dma_wait3A_50 = arith.constant 0 : i32
        %dma_wait3A_51 = tpu.memref_slice %arg9[%dma_wait3A, %dma_wait3A_50] : memref<160x80xf32, #tpu.memory_space<vmem>> -> memref<80x80xf32, #tpu.memory_space<vmem>>
        %dma_wait3A_52 = arith.constant 0 : i32
        %dma_wait3A_53 = tpu.memref_slice %arg8[%run_scoped3A, %dma_wait3A_52] : memref<2x80xi32, #tpu.memory_space<vmem>> -> memref<1x80xi32, #tpu.memory_space<vmem>>
        %dma_wait3A_54 = tpu.memref_squeeze %dma_wait3A_53 : memref<1x80xi32, #tpu.memory_space<vmem>> -> memref<80xi32, #tpu.memory_space<vmem>>
        %dma_wait3A_55 = arith.constant 0 : i32
        %dma_wait3A_56 = arith.constant 0 : i32
        %dma_wait3A_57 = tpu.memref_slice %arg7[%dma_wait3A_55, %dma_wait3A_56] : memref<10000x80xf32, #tpu.memory_space<vmem_shared>> -> memref<10000x80xf32, #tpu.memory_space<vmem_shared>>
        tpu.wait_indirect_dma semaphore(%run_scoped3A_41 : memref<!tpu.dma_semaphore, #tpu.memory_space<semaphore_mem>>) src(%dma_wait3A_51 : memref<80x80xf32, #tpu.memory_space<vmem>>) dst(%dma_wait3A_57 : memref<10000x80xf32, #tpu.memory_space<vmem_shared>>)
        tpu.yield
      }) : () -> ()
      %run_scoped3A_40 = arith.constant 1 : i32
      "tpu.region"() ({
        %run_scoped3A_41 = tpu.sem_alloc : memref<!tpu.dma_semaphore, #tpu.memory_space<semaphore_mem>>
        %dma_start3A = arith.constant 80 : i32
        %dma_start3A_42 = arith.constant 0 : i32
        %dma_start3A_43 = tpu.memref_slice %arg9[%dma_start3A, %dma_start3A_42] : memref<160x80xf32, #tpu.memory_space<vmem>> -> memref<80x80xf32, #tpu.memory_space<vmem>>
        %dma_start3A_44 = arith.constant 0 : i32
        %dma_start3A_45 = tpu.memref_slice %arg8[%run_scoped3A_40, %dma_start3A_44] : memref<2x80xi32, #tpu.memory_space<vmem>> -> memref<1x80xi32, #tpu.memory_space<vmem>>
        %dma_start3A_46 = tpu.memref_squeeze %dma_start3A_45 : memref<1x80xi32, #tpu.memory_space<vmem>> -> memref<80xi32, #tpu.memory_space<vmem>>
        %dma_start3A_47 = arith.constant 0 : i32
        %dma_start3A_48 = arith.constant 0 : i32
        %dma_start3A_49 = tpu.memref_slice %arg7[%dma_start3A_47, %dma_start3A_48] : memref<10000x80xf32, #tpu.memory_space<vmem_shared>> -> memref<10000x80xf32, #tpu.memory_space<vmem_shared>>
        tpu.enqueue_indirect_dma source(%dma_start3A_43 : memref<80x80xf32, #tpu.memory_space<vmem>>) target(%dma_start3A_49 : memref<10000x80xf32, #tpu.memory_space<vmem_shared>>) offsets(%dma_start3A_46 : memref<80xi32, #tpu.memory_space<vmem>>) semaphore(%run_scoped3A_41 : memref<!tpu.dma_semaphore, #tpu.memory_space<semaphore_mem>>) {add = true}
        %dma_wait3A = arith.constant 80 : i32
        %dma_wait3A_50 = arith.constant 0 : i32
        %dma_wait3A_51 = tpu.memref_slice %arg9[%dma_wait3A, %dma_wait3A_50] : memref<160x80xf32, #tpu.memory_space<vmem>> -> memref<80x80xf32, #tpu.memory_space<vmem>>
        %dma_wait3A_52 = arith.constant 0 : i32
        %dma_wait3A_53 = tpu.memref_slice %arg8[%run_scoped3A_40, %dma_wait3A_52] : memref<2x80xi32, #tpu.memory_space<vmem>> -> memref<1x80xi32, #tpu.memory_space<vmem>>
        %dma_wait3A_54 = tpu.memref_squeeze %dma_wait3A_53 : memref<1x80xi32, #tpu.memory_space<vmem>> -> memref<80xi32, #tpu.memory_space<vmem>>
        %dma_wait3A_55 = arith.constant 0 : i32
        %dma_wait3A_56 = arith.constant 0 : i32
        %dma_wait3A_57 = tpu.memref_slice %arg7[%dma_wait3A_55, %dma_wait3A_56] : memref<10000x80xf32, #tpu.memory_space<vmem_shared>> -> memref<10000x80xf32, #tpu.memory_space<vmem_shared>>
        tpu.wait_indirect_dma semaphore(%run_scoped3A_41 : memref<!tpu.dma_semaphore, #tpu.memory_space<semaphore_mem>>) src(%dma_wait3A_51 : memref<80x80xf32, #tpu.memory_space<vmem>>) dst(%dma_wait3A_57 : memref<10000x80xf32, #tpu.memory_space<vmem_shared>>)
        tpu.yield
      }) : () -> ()
    }
    %scan3A_5 = arith.constant 125 : i32
    %barrier3A_6 = arith.constant 0 : index
    tpu.barrier barrier_id(%barrier3A_6)
    "tpu.region"() ({
      %run_scoped3A = tpu.sem_alloc : memref<!tpu.dma_semaphore, #tpu.memory_space<semaphore_mem>>
      %dma_start3A = arith.constant 0 : i32
      %dma_start3A_7 = tpu.memref_slice %arg6[%arg0, %mul3A_0, %dma_start3A] : memref<2x10000x80xf32, #tpu.memory_space<hbm>> -> memref<1x625x80xf32, #tpu.memory_space<hbm>>
      %dma_start3A_8 = tpu.memref_squeeze %dma_start3A_7 : memref<1x625x80xf32, #tpu.memory_space<hbm>> -> memref<625x80xf32, #tpu.memory_space<hbm>>
      %dma_start3A_9 = arith.constant 0 : i32
      %dma_start3A_10 = tpu.memref_slice %arg7[%mul3A_0, %dma_start3A_9] : memref<10000x80xf32, #tpu.memory_space<vmem_shared>> -> memref<625x80xf32, #tpu.memory_space<vmem_shared>>
      tpu.enqueue_dma source(%dma_start3A_10 : memref<625x80xf32, #tpu.memory_space<vmem_shared>>) target(%dma_start3A_8 : memref<625x80xf32, #tpu.memory_space<hbm>>) target_semaphore(%run_scoped3A : memref<!tpu.dma_semaphore, #tpu.memory_space<semaphore_mem>>)
      %dma_wait3A = arith.constant 0 : i32
      %dma_wait3A_11 = tpu.memref_slice %arg6[%arg0, %mul3A_0, %dma_wait3A] : memref<2x10000x80xf32, #tpu.memory_space<hbm>> -> memref<1x625x80xf32, #tpu.memory_space<hbm>>
      %dma_wait3A_12 = tpu.memref_squeeze %dma_wait3A_11 : memref<1x625x80xf32, #tpu.memory_space<hbm>> -> memref<625x80xf32, #tpu.memory_space<hbm>>
      %dma_wait3A_13 = arith.constant 0 : i32
      %dma_wait3A_14 = tpu.memref_slice %arg7[%mul3A_0, %dma_wait3A_13] : memref<10000x80xf32, #tpu.memory_space<vmem_shared>> -> memref<625x80xf32, #tpu.memory_space<vmem_shared>>
      tpu.wait_dma2 semaphore(%run_scoped3A : memref<!tpu.dma_semaphore, #tpu.memory_space<semaphore_mem>>) src(%dma_wait3A_14 : memref<625x80xf32, #tpu.memory_space<vmem_shared>>) dst(%dma_wait3A_12 : memref<625x80xf32, #tpu.memory_space<hbm>>)
      tpu.yield
    }) : () -> ()
    return
  }
}

module attributes {stable_mosaic.version = 14 : i64} {
  func.func @body(%arg0: i32, %arg1: memref<1000x128xf32, #tpu.memory_space<vmem>>, %arg2: memref<128x128xf32, #tpu.memory_space<vmem>>, %arg3: memref<1x128xf32, #tpu.memory_space<vmem>>, %arg4: memref<64x128xf32, #tpu.memory_space<vmem>>, %arg5: memref<1x64xf32, #tpu.memory_space<vmem>>, %arg6: memref<128x128xf32, #tpu.memory_space<vmem>>, %arg7: memref<1x128xf32, #tpu.memory_space<vmem>>, %arg8: memref<64x128xf32, #tpu.memory_space<vmem>>, %arg9: memref<1x64xf32, #tpu.memory_space<vmem>>, %arg10: memref<1000x128xf32, #tpu.memory_space<vmem>>, %arg11: memref<1000x64xf32, #tpu.memory_space<vmem>>, %arg12: memref<1000x128xf32, #tpu.memory_space<vmem>>, %arg13: memref<1000x64xf32, #tpu.memory_space<vmem>>) attributes {dimension_semantics = [#tpu.dimension_semantics<arbitrary>], iteration_bounds = array<i64: 10>, scalar_prefetch = 0 : i64, scratch_operands = 0 : i64, tpu.core_type = #tpu.core_type<tc>, window_params = [{transform_indices = @transform_0, window_bounds = array<i64: 1000, 128>}, {pipeline_mode = #tpu.pipeline_mode<synchronous>, transform_indices = @transform_1, window_bounds = array<i64: 128, 128>}, {pipeline_mode = #tpu.pipeline_mode<synchronous>, transform_indices = @transform_2, window_bounds = array<i64: 1, 128>}, {pipeline_mode = #tpu.pipeline_mode<synchronous>, transform_indices = @transform_3, window_bounds = array<i64: 64, 128>}, {pipeline_mode = #tpu.pipeline_mode<synchronous>, transform_indices = @transform_4, window_bounds = array<i64: 1, 64>}, {pipeline_mode = #tpu.pipeline_mode<synchronous>, transform_indices = @transform_5, window_bounds = array<i64: 128, 128>}, {pipeline_mode = #tpu.pipeline_mode<synchronous>, transform_indices = @transform_6, window_bounds = array<i64: 1, 128>}, {pipeline_mode = #tpu.pipeline_mode<synchronous>, transform_indices = @transform_7, window_bounds = array<i64: 64, 128>}, {pipeline_mode = #tpu.pipeline_mode<synchronous>, transform_indices = @transform_8, window_bounds = array<i64: 1, 64>}, {transform_indices = @transform_9, window_bounds = array<i64: 1000, 128>}, {transform_indices = @transform_10, window_bounds = array<i64: 1000, 64>}, {transform_indices = @transform_11, window_bounds = array<i64: 1000, 128>}, {transform_indices = @transform_12, window_bounds = array<i64: 1000, 64>}]} {
    %get3A = arith.constant 0 : index
    %get3A_0 = arith.constant 0 : index
    %get3A_1 = vector.load %arg1[%get3A, %get3A_0] : memref<1000x128xf32, #tpu.memory_space<vmem>>, vector<1000x128xf32>
    %get3A_2 = arith.constant 0 : index
    %get3A_3 = arith.constant 0 : index
    %get3A_4 = vector.load %arg2[%get3A_2, %get3A_3] : memref<128x128xf32, #tpu.memory_space<vmem>>, vector<128x128xf32>
    %dot_general3A = arith.constant dense<0.000000e+00> : vector<1000x128xf32>
    %dot_general3A_5 = tpu.matmul %get3A_1, %get3A_4, %dot_general3A {dimension_numbers = #tpu.dot_dimension_numbers<[1], [1], [0], [0], [0, 0, 1, 0], [], []>, transpose_lhs_hint = false} : vector<1000x128xf32>, vector<128x128xf32>, vector<1000x128xf32> -> vector<1000x128xf32>
    %get3A_6 = arith.constant 0 : index
    %get3A_7 = arith.constant 0 : index
    %get3A_8 = vector.load %arg3[%get3A_6, %get3A_7] : memref<1x128xf32, #tpu.memory_space<vmem>>, vector<1x128xf32>
    %add3A = vector.broadcast %get3A_8 : vector<1x128xf32> to vector<1000x128xf32>
    %add3A_9 = arith.addf %dot_general3A_5, %add3A : vector<1000x128xf32>
    %swap3A = arith.constant 0 : index
    %swap3A_10 = arith.constant 0 : index
    %swap3A_11 = vector.load %arg10[%swap3A, %swap3A_10] : memref<1000x128xf32, #tpu.memory_space<vmem>>, vector<1000x128xf32>
    tpu.vector_store %arg10[%swap3A, %swap3A_10], %add3A_9 {strides = array<i32>} : memref<1000x128xf32, #tpu.memory_space<vmem>>, vector<1000x128xf32>,
    %get3A_12 = arith.constant 0 : index
    %get3A_13 = arith.constant 0 : index
    %get3A_14 = vector.load %arg4[%get3A_12, %get3A_13] : memref<64x128xf32, #tpu.memory_space<vmem>>, vector<64x128xf32>
    %dot_general3A_15 = arith.constant dense<0.000000e+00> : vector<1000x64xf32>
    %dot_general3A_16 = tpu.matmul %add3A_9, %get3A_14, %dot_general3A_15 {dimension_numbers = #tpu.dot_dimension_numbers<[1], [1], [0], [0], [0, 0, 1, 0], [], []>, transpose_lhs_hint = false} : vector<1000x128xf32>, vector<64x128xf32>, vector<1000x64xf32> -> vector<1000x64xf32>
    %get3A_17 = arith.constant 0 : index
    %get3A_18 = arith.constant 0 : index
    %get3A_19 = vector.load %arg5[%get3A_17, %get3A_18] : memref<1x64xf32, #tpu.memory_space<vmem>>, vector<1x64xf32>
    %add3A_20 = vector.broadcast %get3A_19 : vector<1x64xf32> to vector<1000x64xf32>
    %add3A_21 = arith.addf %dot_general3A_16, %add3A_20 : vector<1000x64xf32>
    %swap3A_22 = arith.constant 0 : index
    %swap3A_23 = arith.constant 0 : index
    %swap3A_24 = vector.load %arg11[%swap3A_22, %swap3A_23] : memref<1000x64xf32, #tpu.memory_space<vmem>>, vector<1000x64xf32>
    tpu.vector_store %arg11[%swap3A_22, %swap3A_23], %add3A_21 {strides = array<i32>} : memref<1000x64xf32, #tpu.memory_space<vmem>>, vector<1000x64xf32>,
    %get3A_25 = arith.constant 0 : index
    %get3A_26 = arith.constant 0 : index
    %get3A_27 = vector.load %arg6[%get3A_25, %get3A_26] : memref<128x128xf32, #tpu.memory_space<vmem>>, vector<128x128xf32>
    %dot_general3A_28 = arith.constant dense<0.000000e+00> : vector<1000x128xf32>
    %dot_general3A_29 = tpu.matmul %add3A_9, %get3A_27, %dot_general3A_28 {dimension_numbers = #tpu.dot_dimension_numbers<[1], [1], [0], [0], [0, 0, 1, 0], [], []>, transpose_lhs_hint = false} : vector<1000x128xf32>, vector<128x128xf32>, vector<1000x128xf32> -> vector<1000x128xf32>
    %get3A_30 = arith.constant 0 : index
    %get3A_31 = arith.constant 0 : index
    %get3A_32 = vector.load %arg7[%get3A_30, %get3A_31] : memref<1x128xf32, #tpu.memory_space<vmem>>, vector<1x128xf32>
    %add3A_33 = vector.broadcast %get3A_32 : vector<1x128xf32> to vector<1000x128xf32>
    %add3A_34 = arith.addf %dot_general3A_29, %add3A_33 : vector<1000x128xf32>
    %swap3A_35 = arith.constant 0 : index
    %swap3A_36 = arith.constant 0 : index
    %swap3A_37 = vector.load %arg12[%swap3A_35, %swap3A_36] : memref<1000x128xf32, #tpu.memory_space<vmem>>, vector<1000x128xf32>
    tpu.vector_store %arg12[%swap3A_35, %swap3A_36], %add3A_34 {strides = array<i32>} : memref<1000x128xf32, #tpu.memory_space<vmem>>, vector<1000x128xf32>,
    %get3A_38 = arith.constant 0 : index
    %get3A_39 = arith.constant 0 : index
    %get3A_40 = vector.load %arg8[%get3A_38, %get3A_39] : memref<64x128xf32, #tpu.memory_space<vmem>>, vector<64x128xf32>
    %dot_general3A_41 = arith.constant dense<0.000000e+00> : vector<1000x64xf32>
    %dot_general3A_42 = tpu.matmul %add3A_9, %get3A_40, %dot_general3A_41 {dimension_numbers = #tpu.dot_dimension_numbers<[1], [1], [0], [0], [0, 0, 1, 0], [], []>, transpose_lhs_hint = false} : vector<1000x128xf32>, vector<64x128xf32>, vector<1000x64xf32> -> vector<1000x64xf32>
    %get3A_43 = arith.constant 0 : index
    %get3A_44 = arith.constant 0 : index
    %get3A_45 = vector.load %arg9[%get3A_43, %get3A_44] : memref<1x64xf32, #tpu.memory_space<vmem>>, vector<1x64xf32>
    %add3A_46 = vector.broadcast %get3A_45 : vector<1x64xf32> to vector<1000x64xf32>
    %add3A_47 = arith.addf %dot_general3A_42, %add3A_46 : vector<1000x64xf32>
    %swap3A_48 = arith.constant 0 : index
    %swap3A_49 = arith.constant 0 : index
    %swap3A_50 = vector.load %arg13[%swap3A_48, %swap3A_49] : memref<1000x64xf32, #tpu.memory_space<vmem>>, vector<1000x64xf32>
    tpu.vector_store %arg13[%swap3A_48, %swap3A_49], %add3A_47 {strides = array<i32>} : memref<1000x64xf32, #tpu.memory_space<vmem>>, vector<1000x64xf32>,
    return
  }
  func.func @transform_0(%arg0: i32) -> (i32, i32) {
    %c0_i32 = arith.constant 0 : i32
    %c0_i32_0 = arith.constant 0 : i32
    return %arg0, %c0_i32 : i32, i32
  }
  func.func @transform_1(%arg0: i32) -> (i32, i32) {
    %c0_i32 = arith.constant 0 : i32
    %c0_i32_0 = arith.constant 0 : i32
    %c0_i32_1 = arith.constant 0 : i32
    return %c0_i32, %c0_i32_0 : i32, i32
  }
  func.func @transform_2(%arg0: i32) -> (i32, i32) {
    %c0_i32 = arith.constant 0 : i32
    %c0_i32_0 = arith.constant 0 : i32
    %c0_i32_1 = arith.constant 0 : i32
    return %c0_i32, %c0_i32_0 : i32, i32
  }
  func.func @transform_3(%arg0: i32) -> (i32, i32) {
    %c0_i32 = arith.constant 0 : i32
    %c0_i32_0 = arith.constant 0 : i32
    %c0_i32_1 = arith.constant 0 : i32
    return %c0_i32, %c0_i32_0 : i32, i32
  }
  func.func @transform_4(%arg0: i32) -> (i32, i32) {
    %c0_i32 = arith.constant 0 : i32
    %c0_i32_0 = arith.constant 0 : i32
    %c0_i32_1 = arith.constant 0 : i32
    return %c0_i32, %c0_i32_0 : i32, i32
  }
  func.func @transform_5(%arg0: i32) -> (i32, i32) {
    %c0_i32 = arith.constant 0 : i32
    %c0_i32_0 = arith.constant 0 : i32
    %c0_i32_1 = arith.constant 0 : i32
    return %c0_i32, %c0_i32_0 : i32, i32
  }
  func.func @transform_6(%arg0: i32) -> (i32, i32) {
    %c0_i32 = arith.constant 0 : i32
    %c0_i32_0 = arith.constant 0 : i32
    %c0_i32_1 = arith.constant 0 : i32
    return %c0_i32, %c0_i32_0 : i32, i32
  }
  func.func @transform_7(%arg0: i32) -> (i32, i32) {
    %c0_i32 = arith.constant 0 : i32
    %c0_i32_0 = arith.constant 0 : i32
    %c0_i32_1 = arith.constant 0 : i32
    return %c0_i32, %c0_i32_0 : i32, i32
  }
  func.func @transform_8(%arg0: i32) -> (i32, i32) {
    %c0_i32 = arith.constant 0 : i32
    %c0_i32_0 = arith.constant 0 : i32
    %c0_i32_1 = arith.constant 0 : i32
    return %c0_i32, %c0_i32_0 : i32, i32
  }
  func.func @transform_9(%arg0: i32) -> (i32, i32) {
    %c0_i32 = arith.constant 0 : i32
    %c0_i32_0 = arith.constant 0 : i32
    return %arg0, %c0_i32 : i32, i32
  }
  func.func @transform_10(%arg0: i32) -> (i32, i32) {
    %c0_i32 = arith.constant 0 : i32
    %c0_i32_0 = arith.constant 0 : i32
    return %arg0, %c0_i32 : i32, i32
  }
  func.func @transform_11(%arg0: i32) -> (i32, i32) {
    %c0_i32 = arith.constant 0 : i32
    %c0_i32_0 = arith.constant 0 : i32
    return %arg0, %c0_i32 : i32, i32
  }
  func.func @transform_12(%arg0: i32) -> (i32, i32) {
    %c0_i32 = arith.constant 0 : i32
    %c0_i32_0 = arith.constant 0 : i32
    return %arg0, %c0_i32 : i32, i32
  }
}

module attributes {stable_mosaic.version = 14 : i64} {
  func.func @body(%arg0: i32, %arg1: memref<1000x128xf32, #tpu.memory_space<vmem>>, %arg2: memref<64x128xf32, #tpu.memory_space<vmem>>, %arg3: memref<1x64xf32, #tpu.memory_space<vmem>>, %arg4: memref<1000x64xf32, #tpu.memory_space<vmem>>) attributes {dimension_semantics = [#tpu.dimension_semantics<arbitrary>], iteration_bounds = array<i64: 20>, scalar_prefetch = 0 : i64, scratch_operands = 0 : i64, tpu.core_type = #tpu.core_type<tc>, window_params = [{transform_indices = @transform_0, window_bounds = array<i64: 1000, 128>}, {pipeline_mode = #tpu.pipeline_mode<synchronous>, transform_indices = @transform_1, window_bounds = array<i64: 64, 128>}, {pipeline_mode = #tpu.pipeline_mode<synchronous>, transform_indices = @transform_2, window_bounds = array<i64: 1, 64>}, {transform_indices = @transform_3, window_bounds = array<i64: 1000, 64>}]} {
    %get3A = arith.constant 0 : index
    %get3A_0 = arith.constant 0 : index
    %get3A_1 = vector.load %arg1[%get3A, %get3A_0] : memref<1000x128xf32, #tpu.memory_space<vmem>>, vector<1000x128xf32>
    %get3A_2 = arith.constant 0 : index
    %get3A_3 = arith.constant 0 : index
    %get3A_4 = vector.load %arg2[%get3A_2, %get3A_3] : memref<64x128xf32, #tpu.memory_space<vmem>>, vector<64x128xf32>
    %dot_general3A = arith.constant dense<0.000000e+00> : vector<1000x64xf32>
    %dot_general3A_5 = tpu.matmul %get3A_1, %get3A_4, %dot_general3A {dimension_numbers = #tpu.dot_dimension_numbers<[1], [1], [0], [0], [0, 0, 1, 0], [], []>, transpose_lhs_hint = false} : vector<1000x128xf32>, vector<64x128xf32>, vector<1000x64xf32> -> vector<1000x64xf32>
    %get3A_6 = arith.constant 0 : index
    %get3A_7 = arith.constant 0 : index
    %get3A_8 = vector.load %arg3[%get3A_6, %get3A_7] : memref<1x64xf32, #tpu.memory_space<vmem>>, vector<1x64xf32>
    %add3A = vector.broadcast %get3A_8 : vector<1x64xf32> to vector<1000x64xf32>
    %add3A_9 = arith.addf %dot_general3A_5, %add3A : vector<1000x64xf32>
    %swap3A = arith.constant 0 : index
    %swap3A_10 = arith.constant 0 : index
    %swap3A_11 = vector.load %arg4[%swap3A, %swap3A_10] : memref<1000x64xf32, #tpu.memory_space<vmem>>, vector<1000x64xf32>
    tpu.vector_store %arg4[%swap3A, %swap3A_10], %add3A_9 {strides = array<i32>} : memref<1000x64xf32, #tpu.memory_space<vmem>>, vector<1000x64xf32>,
    return
  }
  func.func @transform_0(%arg0: i32) -> (i32, i32) {
    %c0_i32 = arith.constant 0 : i32
    %c0_i32_0 = arith.constant 0 : i32
    return %arg0, %c0_i32 : i32, i32
  }
  func.func @transform_1(%arg0: i32) -> (i32, i32) {
    %c0_i32 = arith.constant 0 : i32
    %c0_i32_0 = arith.constant 0 : i32
    %c0_i32_1 = arith.constant 0 : i32
    return %c0_i32, %c0_i32_0 : i32, i32
  }
  func.func @transform_2(%arg0: i32) -> (i32, i32) {
    %c0_i32 = arith.constant 0 : i32
    %c0_i32_0 = arith.constant 0 : i32
    %c0_i32_1 = arith.constant 0 : i32
    return %c0_i32, %c0_i32_0 : i32, i32
  }
  func.func @transform_3(%arg0: i32) -> (i32, i32) {
    %c0_i32 = arith.constant 0 : i32
    %c0_i32_0 = arith.constant 0 : i32
    return %arg0, %c0_i32 : i32, i32
  }
}

module attributes {stable_mosaic.version = 14 : i64} {
  func.func @body(%arg0: i32, %arg1: memref<8000x64xf32, #tpu.memory_space<vmem>>, %arg2: memref<8000x64xf32, #tpu.memory_space<vmem>>, %arg3: memref<1x1x8000xf32, #tpu.memory_space<vmem>>) attributes {dimension_semantics = [#tpu.dimension_semantics<arbitrary>], iteration_bounds = array<i64: 40>, scalar_prefetch = 0 : i64, scratch_operands = 0 : i64, tpu.core_type = #tpu.core_type<tc>, window_params = [{transform_indices = @transform_0, window_bounds = array<i64: 8000, 64>}, {transform_indices = @transform_1, window_bounds = array<i64: 8000, 64>}, {transform_indices = @transform_2, window_bounds = array<i64: 1, 1, 8000>}]} {
    %get3A = arith.constant 0 : index
    %get3A_0 = arith.constant 0 : index
    %get3A_1 = vector.load %arg1[%get3A, %get3A_0] : memref<8000x64xf32, #tpu.memory_space<vmem>>, vector<8000x64xf32>
    %get3A_2 = arith.constant 0 : index
    %get3A_3 = arith.constant 0 : index
    %get3A_4 = vector.load %arg2[%get3A_2, %get3A_3] : memref<8000x64xf32, #tpu.memory_space<vmem>>, vector<8000x64xf32>
    %mul3A = arith.mulf %get3A_1, %get3A_4 : vector<8000x64xf32>
    %reduce_sum3A = arith.constant dense<0.000000e+00> : vector<8000xf32>
    %reduce_sum3A_5 = vector.multi_reduction <add>, %mul3A, %reduce_sum3A [1] : vector<8000x64xf32> to vector<8000xf32>
    %ge3A = arith.constant 0.000000e+00 : f32
    %ge3A_6 = vector.broadcast %ge3A : f32 to vector<8000xf32>
    %ge3A_7 = arith.cmpf oge, %reduce_sum3A_5, %ge3A_6 : vector<8000xf32>
    %mul3A_8 = arith.constant 0.00999999977 : f32
    %mul3A_9 = vector.broadcast %mul3A_8 : f32 to vector<8000xf32>
    %mul3A_10 = arith.mulf %mul3A_9, %reduce_sum3A_5 : vector<8000xf32>
    %select_n3A = arith.select %ge3A_7, %reduce_sum3A_5, %mul3A_10 : vector<8000xi1>, vector<8000xf32>
    %mul3A_11 = arith.constant 1.250000e-01 : f32
    %mul3A_12 = vector.broadcast %mul3A_11 : f32 to vector<8000xf32>
    %mul3A_13 = arith.mulf %select_n3A, %mul3A_12 : vector<8000xf32>
    %broadcast_in_dim3A = vector.shape_cast %mul3A_13 : vector<8000xf32> to vector<1x1x8000xf32>
    %swap3A = arith.constant 0 : index
    %swap3A_14 = arith.constant 0 : index
    %swap3A_15 = arith.constant 0 : index
    %swap3A_16 = vector.load %arg3[%swap3A, %swap3A_14, %swap3A_15] : memref<1x1x8000xf32, #tpu.memory_space<vmem>>, vector<1x1x8000xf32>
    tpu.vector_store %arg3[%swap3A, %swap3A_14, %swap3A_15], %broadcast_in_dim3A {strides = array<i32>} : memref<1x1x8000xf32, #tpu.memory_space<vmem>>, vector<1x1x8000xf32>,
    return
  }
  func.func @transform_0(%arg0: i32) -> (i32, i32) {
    %c0_i32 = arith.constant 0 : i32
    %c0_i32_0 = arith.constant 0 : i32
    return %arg0, %c0_i32 : i32, i32
  }
  func.func @transform_1(%arg0: i32) -> (i32, i32) {
    %c0_i32 = arith.constant 0 : i32
    %c0_i32_0 = arith.constant 0 : i32
    return %arg0, %c0_i32 : i32, i32
  }
  func.func @transform_2(%arg0: i32) -> (i32, i32, i32) {
    %c0_i32 = arith.constant 0 : i32
    %c0_i32_0 = arith.constant 0 : i32
    %c0_i32_1 = arith.constant 0 : i32
    return %arg0, %c0_i32, %c0_i32_0 : i32, i32, i32
  }
}

module attributes {stable_mosaic.version = 14 : i64} {
  func.func @body(%arg0: i32, %arg1: memref<1x1x8000xf32, #tpu.memory_space<vmem>>, %arg2: memref<1x1xf32, #tpu.memory_space<vmem>>) attributes {dimension_semantics = [#tpu.dimension_semantics<arbitrary>], iteration_bounds = array<i64: 40>, scalar_prefetch = 0 : i64, scratch_operands = 0 : i64, tpu.core_type = #tpu.core_type<tc>, window_params = [{transform_indices = @transform_0, window_bounds = array<i64: 1, 1, 8000>}, {pipeline_mode = #tpu.pipeline_mode<synchronous>, transform_indices = @transform_1, window_bounds = array<i64: 1, 1>}]} {
    %eq3A = arith.constant 0 : i32
    %eq3A_0 = arith.cmpi eq, %arg0, %eq3A : i32
    %convert_element_type3A = arith.extui %eq3A_0 : i1 to i32
    %cond3A = arith.constant 0 : i32
    %cond3A_1 = arith.cmpi ne, %convert_element_type3A, %cond3A : i32
    scf.if %cond3A_1 {
      %broadcast_in_dim3A = arith.constant 0xFF800000 : f32
      %broadcast_in_dim3A_15 = vector.broadcast %broadcast_in_dim3A : f32 to vector<1x1xf32>
      %swap3A_16 = arith.constant 0 : index
      %swap3A_17 = arith.constant 0 : index
      %swap3A_18 = vector.load %arg2[%swap3A_16, %swap3A_17] : memref<1x1xf32, #tpu.memory_space<vmem>>, vector<1x1xf32>
      tpu.vector_store %arg2[%swap3A_16, %swap3A_17], %broadcast_in_dim3A_15 {strides = array<i32>} : memref<1x1xf32, #tpu.memory_space<vmem>>, vector<1x1xf32>,
    } else {
    }
    %get3A = arith.constant 0 : index
    %get3A_2 = arith.constant 0 : index
    %get3A_3 = vector.load %arg2[%get3A, %get3A_2] : memref<1x1xf32, #tpu.memory_space<vmem>>, vector<1x1xf32>
    %get3A_4 = arith.constant 0 : index
    %get3A_5 = arith.constant 0 : index
    %get3A_6 = arith.constant 0 : index
    %get3A_7 = vector.load %arg1[%get3A_4, %get3A_5, %get3A_6] : memref<1x1x8000xf32, #tpu.memory_space<vmem>>, vector<1x1x8000xf32>
    %reduce_max3A = vector.shape_cast %get3A_7 : vector<1x1x8000xf32> to vector<1x1x1x8000xf32>
    %reduce_max3A_8 = arith.constant dense<0xFF800000> : vector<1xf32>
    %reduce_max3A_9 = vector.multi_reduction <maximumf>, %reduce_max3A, %reduce_max3A_8 [1, 2, 3] : vector<1x1x1x8000xf32> to vector<1xf32>
    %reduce_max3A_10 = vector.shape_cast %reduce_max3A_9 : vector<1xf32> to vector<1x1x1x1xf32>
    %reduce_max3A_11 = vector.extract %reduce_max3A_10[0, 0, 0, 0] : f32 from vector<1x1x1x1xf32>
    %max3A = vector.broadcast %reduce_max3A_11 : f32 to vector<1x1xf32>
    %max3A_12 = arith.maximumf %get3A_3, %max3A : vector<1x1xf32>
    %swap3A = arith.constant 0 : index
    %swap3A_13 = arith.constant 0 : index
    %swap3A_14 = vector.load %arg2[%swap3A, %swap3A_13] : memref<1x1xf32, #tpu.memory_space<vmem>>, vector<1x1xf32>
    tpu.vector_store %arg2[%swap3A, %swap3A_13], %max3A_12 {strides = array<i32>} : memref<1x1xf32, #tpu.memory_space<vmem>>, vector<1x1xf32>,
    return
  }
  func.func @transform_0(%arg0: i32) -> (i32, i32, i32) {
    %c0_i32 = arith.constant 0 : i32
    %c0_i32_0 = arith.constant 0 : i32
    %c0_i32_1 = arith.constant 0 : i32
    return %arg0, %c0_i32, %c0_i32_0 : i32, i32, i32
  }
  func.func @transform_1(%arg0: i32) -> (i32, i32) {
    %c0_i32 = arith.constant 0 : i32
    %c0_i32_0 = arith.constant 0 : i32
    %c0_i32_1 = arith.constant 0 : i32
    return %c0_i32, %c0_i32_0 : i32, i32
  }
}

module attributes {stable_mosaic.version = 14 : i64} {
  func.func @body(%arg0: i32, %arg1: memref<1x1x8000xf32, #tpu.memory_space<vmem>>, %arg2: memref<1x1xf32, #tpu.memory_space<vmem>>, %arg3: memref<8000x128xf32, #tpu.memory_space<vmem>>, %arg4: memref<8000x80xf32, #tpu.memory_space<vmem>>, %arg5: memref<8000x80xf32, #tpu.memory_space<vmem>>) attributes {dimension_semantics = [#tpu.dimension_semantics<arbitrary>], iteration_bounds = array<i64: 40>, scalar_prefetch = 0 : i64, scratch_operands = 0 : i64, tpu.core_type = #tpu.core_type<tc>, window_params = [{transform_indices = @transform_0, window_bounds = array<i64: 1, 1, 8000>}, {pipeline_mode = #tpu.pipeline_mode<synchronous>, transform_indices = @transform_1, window_bounds = array<i64: 1, 1>}, {transform_indices = @transform_2, window_bounds = array<i64: 8000, 128>}, {transform_indices = @transform_3, window_bounds = array<i64: 8000, 80>}, {transform_indices = @transform_4, window_bounds = array<i64: 8000, 80>}]} {
    %get3A = arith.constant 0 : index
    %get3A_0 = arith.constant 0 : index
    %get3A_1 = arith.constant 0 : index
    %get3A_2 = vector.load %arg1[%get3A, %get3A_0, %get3A_1] : memref<1x1x8000xf32, #tpu.memory_space<vmem>>, vector<1x1x8000xf32>
    %get3A_3 = vector.shape_cast %get3A_2 : vector<1x1x8000xf32> to vector<8000xf32>
    %get3A_4 = arith.constant 0 : index
    %get3A_5 = arith.constant 0 : index
    %get3A_6 = vector.load %arg2[%get3A_4, %get3A_5] : memref<1x1xf32, #tpu.memory_space<vmem>>, vector<1x1xf32>
    %get3A_7 = vector.extract %get3A_6[0, 0] : f32 from vector<1x1xf32>
    %sub3A = vector.broadcast %get3A_7 : f32 to vector<8000xf32>
    %sub3A_8 = arith.subf %get3A_3, %sub3A : vector<8000xf32>
    %exp3A = math.exp %sub3A_8 : vector<8000xf32>
    %broadcast_in_dim3A = vector.shape_cast %exp3A : vector<8000xf32> to vector<8000x1xf32>
    %get3A_9 = arith.constant 0 : index
    %get3A_10 = arith.constant 0 : index
    %get3A_11 = vector.load %arg3[%get3A_9, %get3A_10] : memref<8000x128xf32, #tpu.memory_space<vmem>>, vector<8000x128xf32>
    %broadcast_in_dim3A_12 = vector.shape_cast %broadcast_in_dim3A : vector<8000x1xf32> to vector<8000x1xf32>
    %broadcast_in_dim3A_13 = vector.broadcast %broadcast_in_dim3A_12 : vector<8000x1xf32> to vector<8000x16xf32>
    %slice3A = vector.extract_strided_slice %get3A_11 {offsets = [0, 0], sizes = [8000, 64], strides = [1, 1]} : vector<8000x128xf32> to vector<8000x64xf32>
    %mul3A = vector.broadcast %broadcast_in_dim3A : vector<8000x1xf32> to vector<8000x64xf32>
    %mul3A_14 = arith.mulf %mul3A, %slice3A : vector<8000x64xf32>
    %concatenate3A = tpu.concatenate %mul3A_14, %broadcast_in_dim3A_13 in 1 : vector<8000x64xf32>, vector<8000x16xf32> -> vector<8000x80xf32>
    %swap3A = arith.constant 0 : index
    %swap3A_15 = arith.constant 0 : index
    %swap3A_16 = vector.load %arg4[%swap3A, %swap3A_15] : memref<8000x80xf32, #tpu.memory_space<vmem>>, vector<8000x80xf32>
    tpu.vector_store %arg4[%swap3A, %swap3A_15], %concatenate3A {strides = array<i32>} : memref<8000x80xf32, #tpu.memory_space<vmem>>, vector<8000x80xf32>,
    %slice3A_17 = vector.extract_strided_slice %get3A_11 {offsets = [0, 64], sizes = [8000, 64], strides = [1, 1]} : vector<8000x128xf32> to vector<8000x64xf32>
    %mul3A_18 = vector.broadcast %broadcast_in_dim3A : vector<8000x1xf32> to vector<8000x64xf32>
    %mul3A_19 = arith.mulf %mul3A_18, %slice3A_17 : vector<8000x64xf32>
    %concatenate3A_20 = tpu.concatenate %mul3A_19, %broadcast_in_dim3A_13 in 1 : vector<8000x64xf32>, vector<8000x16xf32> -> vector<8000x80xf32>
    %swap3A_21 = arith.constant 0 : index
    %swap3A_22 = arith.constant 0 : index
    %swap3A_23 = vector.load %arg5[%swap3A_21, %swap3A_22] : memref<8000x80xf32, #tpu.memory_space<vmem>>, vector<8000x80xf32>
    tpu.vector_store %arg5[%swap3A_21, %swap3A_22], %concatenate3A_20 {strides = array<i32>} : memref<8000x80xf32, #tpu.memory_space<vmem>>, vector<8000x80xf32>,
    return
  }
  func.func @transform_0(%arg0: i32) -> (i32, i32, i32) {
    %c0_i32 = arith.constant 0 : i32
    %c0_i32_0 = arith.constant 0 : i32
    %c0_i32_1 = arith.constant 0 : i32
    return %arg0, %c0_i32, %c0_i32_0 : i32, i32, i32
  }
  func.func @transform_1(%arg0: i32) -> (i32, i32) {
    %c0_i32 = arith.constant 0 : i32
    %c0_i32_0 = arith.constant 0 : i32
    %c0_i32_1 = arith.constant 0 : i32
    return %c0_i32, %c0_i32_0 : i32, i32
  }
  func.func @transform_2(%arg0: i32) -> (i32, i32) {
    %c0_i32 = arith.constant 0 : i32
    %c0_i32_0 = arith.constant 0 : i32
    return %arg0, %c0_i32 : i32, i32
  }
  func.func @transform_3(%arg0: i32) -> (i32, i32) {
    %c0_i32 = arith.constant 0 : i32
    %c0_i32_0 = arith.constant 0 : i32
    return %arg0, %c0_i32 : i32, i32
  }
  func.func @transform_4(%arg0: i32) -> (i32, i32) {
    %c0_i32 = arith.constant 0 : i32
    %c0_i32_0 = arith.constant 0 : i32
    return %arg0, %c0_i32 : i32, i32
  }
}

module attributes {stable_mosaic.version = 14 : i64} {
  func.func @body(%arg0: i32, %arg1: memref<2x1000x80xf32, #tpu.memory_space<vmem>>, %arg2: memref<1000x128xf32, #tpu.memory_space<vmem>>, %arg3: memref<1x128xf32, #tpu.memory_space<vmem>>, %arg4: memref<1x128xf32, #tpu.memory_space<vmem>>, %arg5: memref<64x128xf32, #tpu.memory_space<vmem>>, %arg6: memref<1x64xf32, #tpu.memory_space<vmem>>, %arg7: memref<128x64xf32, #tpu.memory_space<vmem>>, %arg8: memref<1x128xf32, #tpu.memory_space<vmem>>, %arg9: memref<64x128xf32, #tpu.memory_space<vmem>>, %arg10: memref<1x64xf32, #tpu.memory_space<vmem>>, %arg11: memref<128x128xf32, #tpu.memory_space<vmem>>, %arg12: memref<1x128xf32, #tpu.memory_space<vmem>>, %arg13: memref<1000x64xf32, #tpu.memory_space<vmem>>, %arg14: memref<1000x128xf32, #tpu.memory_space<vmem>>) attributes {dimension_semantics = [#tpu.dimension_semantics<arbitrary>], iteration_bounds = array<i64: 20>, scalar_prefetch = 0 : i64, scratch_operands = 0 : i64, tpu.core_type = #tpu.core_type<tc>, window_params = [{transform_indices = @transform_0, window_bounds = array<i64: 2, 1000, 80>}, {transform_indices = @transform_1, window_bounds = array<i64: 1000, 128>}, {pipeline_mode = #tpu.pipeline_mode<synchronous>, transform_indices = @transform_2, window_bounds = array<i64: 1, 128>}, {pipeline_mode = #tpu.pipeline_mode<synchronous>, transform_indices = @transform_3, window_bounds = array<i64: 1, 128>}, {pipeline_mode = #tpu.pipeline_mode<synchronous>, transform_indices = @transform_4, window_bounds = array<i64: 64, 128>}, {pipeline_mode = #tpu.pipeline_mode<synchronous>, transform_indices = @transform_5, window_bounds = array<i64: 1, 64>}, {pipeline_mode = #tpu.pipeline_mode<synchronous>, transform_indices = @transform_6, window_bounds = array<i64: 128, 64>}, {pipeline_mode = #tpu.pipeline_mode<synchronous>, transform_indices = @transform_7, window_bounds = array<i64: 1, 128>}, {pipeline_mode = #tpu.pipeline_mode<synchronous>, transform_indices = @transform_8, window_bounds = array<i64: 64, 128>}, {pipeline_mode = #tpu.pipeline_mode<synchronous>, transform_indices = @transform_9, window_bounds = array<i64: 1, 64>}, {pipeline_mode = #tpu.pipeline_mode<synchronous>, transform_indices = @transform_10, window_bounds = array<i64: 128, 128>}, {pipeline_mode = #tpu.pipeline_mode<synchronous>, transform_indices = @transform_11, window_bounds = array<i64: 1, 128>}, {transform_indices = @transform_12, window_bounds = array<i64: 1000, 64>}, {transform_indices = @transform_13, window_bounds = array<i64: 1000, 128>}]} {
    %get3A = arith.constant 0 : index
    %get3A_0 = arith.constant 0 : index
    %get3A_1 = arith.constant 0 : index
    %get3A_2 = vector.load %arg1[%get3A, %get3A_0, %get3A_1] : memref<2x1000x80xf32, #tpu.memory_space<vmem>>, vector<1x1000x80xf32>
    %get3A_3 = vector.shape_cast %get3A_2 : vector<1x1000x80xf32> to vector<1000x80xf32>
    %get3A_4 = arith.constant 1 : index
    %get3A_5 = arith.constant 0 : index
    %get3A_6 = arith.constant 0 : index
    %get3A_7 = vector.load %arg1[%get3A_4, %get3A_5, %get3A_6] : memref<2x1000x80xf32, #tpu.memory_space<vmem>>, vector<1x1000x80xf32>
    %get3A_8 = vector.shape_cast %get3A_7 : vector<1x1000x80xf32> to vector<1000x80xf32>
    %slice3A = vector.extract_strided_slice %get3A_3 {offsets = [0, 64], sizes = [1000, 1], strides = [1, 1]} : vector<1000x80xf32> to vector<1000x1xf32>
    %add3A = arith.constant 9.99999996E-13 : f32
    %add3A_9 = vector.broadcast %add3A : f32 to vector<1000x1xf32>
    %add3A_10 = arith.addf %slice3A, %add3A_9 : vector<1000x1xf32>
    %slice3A_11 = vector.extract_strided_slice %get3A_3 {offsets = [0, 0], sizes = [1000, 64], strides = [1, 1]} : vector<1000x80xf32> to vector<1000x64xf32>
    %slice3A_12 = vector.extract_strided_slice %get3A_8 {offsets = [0, 0], sizes = [1000, 64], strides = [1, 1]} : vector<1000x80xf32> to vector<1000x64xf32>
    %concatenate3A = tpu.concatenate %slice3A_11, %slice3A_12 in 1 : vector<1000x64xf32>, vector<1000x64xf32> -> vector<1000x128xf32>
    %div3A = vector.broadcast %add3A_10 : vector<1000x1xf32> to vector<1000x128xf32>
    %div3A_13 = arith.divf %concatenate3A, %div3A : vector<1000x128xf32>
    %get3A_14 = arith.constant 0 : index
    %get3A_15 = arith.constant 0 : index
    %get3A_16 = vector.load %arg2[%get3A_14, %get3A_15] : memref<1000x128xf32, #tpu.memory_space<vmem>>, vector<1000x128xf32>
    %add3A_17 = arith.addf %div3A_13, %get3A_16 : vector<1000x128xf32>
    %get3A_18 = arith.constant 0 : index
    %get3A_19 = arith.constant 0 : index
    %get3A_20 = vector.load %arg3[%get3A_18, %get3A_19] : memref<1x128xf32, #tpu.memory_space<vmem>>, vector<1x128xf32>
    %get3A_21 = arith.constant 0 : index
    %get3A_22 = arith.constant 0 : index
    %get3A_23 = vector.load %arg4[%get3A_21, %get3A_22] : memref<1x128xf32, #tpu.memory_space<vmem>>, vector<1x128xf32>
    %reduce_sum3A = arith.constant dense<0.000000e+00> : vector<1000xf32>
    %reduce_sum3A_24 = vector.multi_reduction <add>, %add3A_17, %reduce_sum3A [1] : vector<1000x128xf32> to vector<1000xf32>
    %broadcast_in_dim3A = vector.shape_cast %reduce_sum3A_24 : vector<1000xf32> to vector<1000x1xf32>
    %div3A_25 = arith.constant 1.280000e+02 : f32
    %div3A_26 = vector.broadcast %div3A_25 : f32 to vector<1000x1xf32>
    %div3A_27 = arith.divf %broadcast_in_dim3A, %div3A_26 : vector<1000x1xf32>
    %sub3A = vector.broadcast %div3A_27 : vector<1000x1xf32> to vector<1000x128xf32>
    %sub3A_28 = arith.subf %add3A_17, %sub3A : vector<1000x128xf32>
    %integer_pow3A = arith.mulf %sub3A_28, %sub3A_28 : vector<1000x128xf32>
    %reduce_sum3A_29 = arith.constant dense<0.000000e+00> : vector<1000xf32>
    %reduce_sum3A_30 = vector.multi_reduction <add>, %integer_pow3A, %reduce_sum3A_29 [1] : vector<1000x128xf32> to vector<1000xf32>
    %broadcast_in_dim3A_31 = vector.shape_cast %reduce_sum3A_30 : vector<1000xf32> to vector<1000x1xf32>
    %div3A_32 = arith.constant 1.280000e+02 : f32
    %div3A_33 = vector.broadcast %div3A_32 : f32 to vector<1000x1xf32>
    %div3A_34 = arith.divf %broadcast_in_dim3A_31, %div3A_33 : vector<1000x1xf32>
    %sub3A_35 = vector.broadcast %div3A_27 : vector<1000x1xf32> to vector<1000x128xf32>
    %sub3A_36 = arith.subf %add3A_17, %sub3A_35 : vector<1000x128xf32>
    %add3A_37 = arith.constant 9.99999974E-6 : f32
    %add3A_38 = vector.broadcast %add3A_37 : f32 to vector<1000x1xf32>
    %add3A_39 = arith.addf %div3A_34, %add3A_38 : vector<1000x1xf32>
    %sqrt3A = math.sqrt %add3A_39 : vector<1000x1xf32>
    %div3A_40 = vector.broadcast %sqrt3A : vector<1000x1xf32> to vector<1000x128xf32>
    %div3A_41 = arith.divf %sub3A_36, %div3A_40 : vector<1000x128xf32>
    %mul3A = vector.broadcast %get3A_20 : vector<1x128xf32> to vector<1000x128xf32>
    %mul3A_42 = arith.mulf %div3A_41, %mul3A : vector<1000x128xf32>
    %add3A_43 = vector.broadcast %get3A_23 : vector<1x128xf32> to vector<1000x128xf32>
    %add3A_44 = arith.addf %mul3A_42, %add3A_43 : vector<1000x128xf32>
    %get3A_45 = arith.constant 0 : index
    %get3A_46 = arith.constant 0 : index
    %get3A_47 = vector.load %arg5[%get3A_45, %get3A_46] : memref<64x128xf32, #tpu.memory_space<vmem>>, vector<64x128xf32>
    %dot_general3A = arith.constant dense<0.000000e+00> : vector<1000x64xf32>
    %dot_general3A_48 = tpu.matmul %add3A_44, %get3A_47, %dot_general3A {dimension_numbers = #tpu.dot_dimension_numbers<[1], [1], [0], [0], [0, 0, 1, 0], [], []>, transpose_lhs_hint = false} : vector<1000x128xf32>, vector<64x128xf32>, vector<1000x64xf32> -> vector<1000x64xf32>
    %get3A_49 = arith.constant 0 : index
    %get3A_50 = arith.constant 0 : index
    %get3A_51 = vector.load %arg6[%get3A_49, %get3A_50] : memref<1x64xf32, #tpu.memory_space<vmem>>, vector<1x64xf32>
    %add3A_52 = vector.broadcast %get3A_51 : vector<1x64xf32> to vector<1000x64xf32>
    %add3A_53 = arith.addf %dot_general3A_48, %add3A_52 : vector<1000x64xf32>
    %max3A = arith.constant 0.000000e+00 : f32
    %max3A_54 = vector.broadcast %max3A : f32 to vector<1000x64xf32>
    %max3A_55 = arith.maximumf %add3A_53, %max3A_54 : vector<1000x64xf32>
    %get3A_56 = arith.constant 0 : index
    %get3A_57 = arith.constant 0 : index
    %get3A_58 = vector.load %arg7[%get3A_56, %get3A_57] : memref<128x64xf32, #tpu.memory_space<vmem>>, vector<128x64xf32>
    %dot_general3A_59 = arith.constant dense<0.000000e+00> : vector<1000x128xf32>
    %dot_general3A_60 = tpu.matmul %max3A_55, %get3A_58, %dot_general3A_59 {dimension_numbers = #tpu.dot_dimension_numbers<[1], [1], [0], [0], [0, 0, 1, 0], [], []>, transpose_lhs_hint = false} : vector<1000x64xf32>, vector<128x64xf32>, vector<1000x128xf32> -> vector<1000x128xf32>
    %get3A_61 = arith.constant 0 : index
    %get3A_62 = arith.constant 0 : index
    %get3A_63 = vector.load %arg8[%get3A_61, %get3A_62] : memref<1x128xf32, #tpu.memory_space<vmem>>, vector<1x128xf32>
    %add3A_64 = vector.broadcast %get3A_63 : vector<1x128xf32> to vector<1000x128xf32>
    %add3A_65 = arith.addf %dot_general3A_60, %add3A_64 : vector<1000x128xf32>
    %add3A_66 = arith.addf %add3A_65, %add3A_44 : vector<1000x128xf32>
    %get3A_67 = arith.constant 0 : index
    %get3A_68 = arith.constant 0 : index
    %get3A_69 = vector.load %arg3[%get3A_67, %get3A_68] : memref<1x128xf32, #tpu.memory_space<vmem>>, vector<1x128xf32>
    %get3A_70 = arith.constant 0 : index
    %get3A_71 = arith.constant 0 : index
    %get3A_72 = vector.load %arg4[%get3A_70, %get3A_71] : memref<1x128xf32, #tpu.memory_space<vmem>>, vector<1x128xf32>
    %reduce_sum3A_73 = arith.constant dense<0.000000e+00> : vector<1000xf32>
    %reduce_sum3A_74 = vector.multi_reduction <add>, %add3A_66, %reduce_sum3A_73 [1] : vector<1000x128xf32> to vector<1000xf32>
    %broadcast_in_dim3A_75 = vector.shape_cast %reduce_sum3A_74 : vector<1000xf32> to vector<1000x1xf32>
    %div3A_76 = arith.constant 1.280000e+02 : f32
    %div3A_77 = vector.broadcast %div3A_76 : f32 to vector<1000x1xf32>
    %div3A_78 = arith.divf %broadcast_in_dim3A_75, %div3A_77 : vector<1000x1xf32>
    %sub3A_79 = vector.broadcast %div3A_78 : vector<1000x1xf32> to vector<1000x128xf32>
    %sub3A_80 = arith.subf %add3A_66, %sub3A_79 : vector<1000x128xf32>
    %integer_pow3A_81 = arith.mulf %sub3A_80, %sub3A_80 : vector<1000x128xf32>
    %reduce_sum3A_82 = arith.constant dense<0.000000e+00> : vector<1000xf32>
    %reduce_sum3A_83 = vector.multi_reduction <add>, %integer_pow3A_81, %reduce_sum3A_82 [1] : vector<1000x128xf32> to vector<1000xf32>
    %broadcast_in_dim3A_84 = vector.shape_cast %reduce_sum3A_83 : vector<1000xf32> to vector<1000x1xf32>
    %div3A_85 = arith.constant 1.280000e+02 : f32
    %div3A_86 = vector.broadcast %div3A_85 : f32 to vector<1000x1xf32>
    %div3A_87 = arith.divf %broadcast_in_dim3A_84, %div3A_86 : vector<1000x1xf32>
    %sub3A_88 = vector.broadcast %div3A_78 : vector<1000x1xf32> to vector<1000x128xf32>
    %sub3A_89 = arith.subf %add3A_66, %sub3A_88 : vector<1000x128xf32>
    %add3A_90 = arith.constant 9.99999974E-6 : f32
    %add3A_91 = vector.broadcast %add3A_90 : f32 to vector<1000x1xf32>
    %add3A_92 = arith.addf %div3A_87, %add3A_91 : vector<1000x1xf32>
    %sqrt3A_93 = math.sqrt %add3A_92 : vector<1000x1xf32>
    %div3A_94 = vector.broadcast %sqrt3A_93 : vector<1000x1xf32> to vector<1000x128xf32>
    %div3A_95 = arith.divf %sub3A_89, %div3A_94 : vector<1000x128xf32>
    %mul3A_96 = vector.broadcast %get3A_69 : vector<1x128xf32> to vector<1000x128xf32>
    %mul3A_97 = arith.mulf %div3A_95, %mul3A_96 : vector<1000x128xf32>
    %add3A_98 = vector.broadcast %get3A_72 : vector<1x128xf32> to vector<1000x128xf32>
    %add3A_99 = arith.addf %mul3A_97, %add3A_98 : vector<1000x128xf32>
    %get3A_100 = arith.constant 0 : index
    %get3A_101 = arith.constant 0 : index
    %get3A_102 = vector.load %arg9[%get3A_100, %get3A_101] : memref<64x128xf32, #tpu.memory_space<vmem>>, vector<64x128xf32>
    %dot_general3A_103 = arith.constant dense<0.000000e+00> : vector<1000x64xf32>
    %dot_general3A_104 = tpu.matmul %add3A_99, %get3A_102, %dot_general3A_103 {dimension_numbers = #tpu.dot_dimension_numbers<[1], [1], [0], [0], [0, 0, 1, 0], [], []>, transpose_lhs_hint = false} : vector<1000x128xf32>, vector<64x128xf32>, vector<1000x64xf32> -> vector<1000x64xf32>
    %get3A_105 = arith.constant 0 : index
    %get3A_106 = arith.constant 0 : index
    %get3A_107 = vector.load %arg10[%get3A_105, %get3A_106] : memref<1x64xf32, #tpu.memory_space<vmem>>, vector<1x64xf32>
    %add3A_108 = vector.broadcast %get3A_107 : vector<1x64xf32> to vector<1000x64xf32>
    %add3A_109 = arith.addf %dot_general3A_104, %add3A_108 : vector<1000x64xf32>
    %swap3A = arith.constant 0 : index
    %swap3A_110 = arith.constant 0 : index
    %swap3A_111 = vector.load %arg13[%swap3A, %swap3A_110] : memref<1000x64xf32, #tpu.memory_space<vmem>>, vector<1000x64xf32>
    tpu.vector_store %arg13[%swap3A, %swap3A_110], %add3A_109 {strides = array<i32>} : memref<1000x64xf32, #tpu.memory_space<vmem>>, vector<1000x64xf32>,
    %get3A_112 = arith.constant 0 : index
    %get3A_113 = arith.constant 0 : index
    %get3A_114 = vector.load %arg11[%get3A_112, %get3A_113] : memref<128x128xf32, #tpu.memory_space<vmem>>, vector<128x128xf32>
    %dot_general3A_115 = arith.constant dense<0.000000e+00> : vector<1000x128xf32>
    %dot_general3A_116 = tpu.matmul %add3A_99, %get3A_114, %dot_general3A_115 {dimension_numbers = #tpu.dot_dimension_numbers<[1], [1], [0], [0], [0, 0, 1, 0], [], []>, transpose_lhs_hint = false} : vector<1000x128xf32>, vector<128x128xf32>, vector<1000x128xf32> -> vector<1000x128xf32>
    %get3A_117 = arith.constant 0 : index
    %get3A_118 = arith.constant 0 : index
    %get3A_119 = vector.load %arg12[%get3A_117, %get3A_118] : memref<1x128xf32, #tpu.memory_space<vmem>>, vector<1x128xf32>
    %add3A_120 = vector.broadcast %get3A_119 : vector<1x128xf32> to vector<1000x128xf32>
    %add3A_121 = arith.addf %dot_general3A_116, %add3A_120 : vector<1000x128xf32>
    %swap3A_122 = arith.constant 0 : index
    %swap3A_123 = arith.constant 0 : index
    %swap3A_124 = vector.load %arg14[%swap3A_122, %swap3A_123] : memref<1000x128xf32, #tpu.memory_space<vmem>>, vector<1000x128xf32>
    tpu.vector_store %arg14[%swap3A_122, %swap3A_123], %add3A_121 {strides = array<i32>} : memref<1000x128xf32, #tpu.memory_space<vmem>>, vector<1000x128xf32>,
    return
  }
  func.func @transform_0(%arg0: i32) -> (i32, i32, i32) {
    %c0_i32 = arith.constant 0 : i32
    %c0_i32_0 = arith.constant 0 : i32
    %c0_i32_1 = arith.constant 0 : i32
    return %c0_i32, %arg0, %c0_i32_0 : i32, i32, i32
  }
  func.func @transform_1(%arg0: i32) -> (i32, i32) {
    %c0_i32 = arith.constant 0 : i32
    %c0_i32_0 = arith.constant 0 : i32
    return %arg0, %c0_i32 : i32, i32
  }
  func.func @transform_2(%arg0: i32) -> (i32, i32) {
    %c0_i32 = arith.constant 0 : i32
    %c0_i32_0 = arith.constant 0 : i32
    %c0_i32_1 = arith.constant 0 : i32
    return %c0_i32, %c0_i32_0 : i32, i32
  }
  func.func @transform_3(%arg0: i32) -> (i32, i32) {
    %c0_i32 = arith.constant 0 : i32
    %c0_i32_0 = arith.constant 0 : i32
    %c0_i32_1 = arith.constant 0 : i32
    return %c0_i32, %c0_i32_0 : i32, i32
  }
  func.func @transform_4(%arg0: i32) -> (i32, i32) {
    %c0_i32 = arith.constant 0 : i32
    %c0_i32_0 = arith.constant 0 : i32
    %c0_i32_1 = arith.constant 0 : i32
    return %c0_i32, %c0_i32_0 : i32, i32
  }
  func.func @transform_5(%arg0: i32) -> (i32, i32) {
    %c0_i32 = arith.constant 0 : i32
    %c0_i32_0 = arith.constant 0 : i32
    %c0_i32_1 = arith.constant 0 : i32
    return %c0_i32, %c0_i32_0 : i32, i32
  }
  func.func @transform_6(%arg0: i32) -> (i32, i32) {
    %c0_i32 = arith.constant 0 : i32
    %c0_i32_0 = arith.constant 0 : i32
    %c0_i32_1 = arith.constant 0 : i32
    return %c0_i32, %c0_i32_0 : i32, i32
  }
  func.func @transform_7(%arg0: i32) -> (i32, i32) {
    %c0_i32 = arith.constant 0 : i32
    %c0_i32_0 = arith.constant 0 : i32
    %c0_i32_1 = arith.constant 0 : i32
    return %c0_i32, %c0_i32_0 : i32, i32
  }
  func.func @transform_8(%arg0: i32) -> (i32, i32) {
    %c0_i32 = arith.constant 0 : i32
    %c0_i32_0 = arith.constant 0 : i32
    %c0_i32_1 = arith.constant 0 : i32
    return %c0_i32, %c0_i32_0 : i32, i32
  }
  func.func @transform_9(%arg0: i32) -> (i32, i32) {
    %c0_i32 = arith.constant 0 : i32
    %c0_i32_0 = arith.constant 0 : i32
    %c0_i32_1 = arith.constant 0 : i32
    return %c0_i32, %c0_i32_0 : i32, i32
  }
  func.func @transform_10(%arg0: i32) -> (i32, i32) {
    %c0_i32 = arith.constant 0 : i32
    %c0_i32_0 = arith.constant 0 : i32
    %c0_i32_1 = arith.constant 0 : i32
    return %c0_i32, %c0_i32_0 : i32, i32
  }
  func.func @transform_11(%arg0: i32) -> (i32, i32) {
    %c0_i32 = arith.constant 0 : i32
    %c0_i32_0 = arith.constant 0 : i32
    %c0_i32_1 = arith.constant 0 : i32
    return %c0_i32, %c0_i32_0 : i32, i32
  }
  func.func @transform_12(%arg0: i32) -> (i32, i32) {
    %c0_i32 = arith.constant 0 : i32
    %c0_i32_0 = arith.constant 0 : i32
    return %arg0, %c0_i32 : i32, i32
  }
  func.func @transform_13(%arg0: i32) -> (i32, i32) {
    %c0_i32 = arith.constant 0 : i32
    %c0_i32_0 = arith.constant 0 : i32
    return %arg0, %c0_i32 : i32, i32
  }
}

module attributes {stable_mosaic.version = 14 : i64} {
  func.func @body(%arg0: i32, %arg1: memref<2x1000x80xf32, #tpu.memory_space<vmem>>, %arg2: memref<1000x128xf32, #tpu.memory_space<vmem>>, %arg3: memref<1x128xf32, #tpu.memory_space<vmem>>, %arg4: memref<1x128xf32, #tpu.memory_space<vmem>>, %arg5: memref<64x128xf32, #tpu.memory_space<vmem>>, %arg6: memref<1x64xf32, #tpu.memory_space<vmem>>, %arg7: memref<128x64xf32, #tpu.memory_space<vmem>>, %arg8: memref<1x128xf32, #tpu.memory_space<vmem>>, %arg9: memref<40x128xf32, #tpu.memory_space<vmem>>, %arg10: memref<1x40xf32, #tpu.memory_space<vmem>>, %arg11: memref<128x128xf32, #tpu.memory_space<vmem>>, %arg12: memref<1x128xf32, #tpu.memory_space<vmem>>, %arg13: memref<1000x40xf32, #tpu.memory_space<vmem>>, %arg14: memref<1000x128xf32, #tpu.memory_space<vmem>>) attributes {dimension_semantics = [#tpu.dimension_semantics<arbitrary>], iteration_bounds = array<i64: 10>, scalar_prefetch = 0 : i64, scratch_operands = 0 : i64, tpu.core_type = #tpu.core_type<tc>, window_params = [{transform_indices = @transform_0, window_bounds = array<i64: 2, 1000, 80>}, {transform_indices = @transform_1, window_bounds = array<i64: 1000, 128>}, {pipeline_mode = #tpu.pipeline_mode<synchronous>, transform_indices = @transform_2, window_bounds = array<i64: 1, 128>}, {pipeline_mode = #tpu.pipeline_mode<synchronous>, transform_indices = @transform_3, window_bounds = array<i64: 1, 128>}, {pipeline_mode = #tpu.pipeline_mode<synchronous>, transform_indices = @transform_4, window_bounds = array<i64: 64, 128>}, {pipeline_mode = #tpu.pipeline_mode<synchronous>, transform_indices = @transform_5, window_bounds = array<i64: 1, 64>}, {pipeline_mode = #tpu.pipeline_mode<synchronous>, transform_indices = @transform_6, window_bounds = array<i64: 128, 64>}, {pipeline_mode = #tpu.pipeline_mode<synchronous>, transform_indices = @transform_7, window_bounds = array<i64: 1, 128>}, {pipeline_mode = #tpu.pipeline_mode<synchronous>, transform_indices = @transform_8, window_bounds = array<i64: 40, 128>}, {pipeline_mode = #tpu.pipeline_mode<synchronous>, transform_indices = @transform_9, window_bounds = array<i64: 1, 40>}, {pipeline_mode = #tpu.pipeline_mode<synchronous>, transform_indices = @transform_10, window_bounds = array<i64: 128, 128>}, {pipeline_mode = #tpu.pipeline_mode<synchronous>, transform_indices = @transform_11, window_bounds = array<i64: 1, 128>}, {transform_indices = @transform_12, window_bounds = array<i64: 1000, 40>}, {transform_indices = @transform_13, window_bounds = array<i64: 1000, 128>}]} {
    %get3A = arith.constant 0 : index
    %get3A_0 = arith.constant 0 : index
    %get3A_1 = arith.constant 0 : index
    %get3A_2 = vector.load %arg1[%get3A, %get3A_0, %get3A_1] : memref<2x1000x80xf32, #tpu.memory_space<vmem>>, vector<1x1000x80xf32>
    %get3A_3 = vector.shape_cast %get3A_2 : vector<1x1000x80xf32> to vector<1000x80xf32>
    %get3A_4 = arith.constant 1 : index
    %get3A_5 = arith.constant 0 : index
    %get3A_6 = arith.constant 0 : index
    %get3A_7 = vector.load %arg1[%get3A_4, %get3A_5, %get3A_6] : memref<2x1000x80xf32, #tpu.memory_space<vmem>>, vector<1x1000x80xf32>
    %get3A_8 = vector.shape_cast %get3A_7 : vector<1x1000x80xf32> to vector<1000x80xf32>
    %slice3A = vector.extract_strided_slice %get3A_3 {offsets = [0, 64], sizes = [1000, 1], strides = [1, 1]} : vector<1000x80xf32> to vector<1000x1xf32>
    %add3A = arith.constant 9.99999996E-13 : f32
    %add3A_9 = vector.broadcast %add3A : f32 to vector<1000x1xf32>
    %add3A_10 = arith.addf %slice3A, %add3A_9 : vector<1000x1xf32>
    %slice3A_11 = vector.extract_strided_slice %get3A_3 {offsets = [0, 0], sizes = [1000, 64], strides = [1, 1]} : vector<1000x80xf32> to vector<1000x64xf32>
    %slice3A_12 = vector.extract_strided_slice %get3A_8 {offsets = [0, 0], sizes = [1000, 64], strides = [1, 1]} : vector<1000x80xf32> to vector<1000x64xf32>
    %concatenate3A = tpu.concatenate %slice3A_11, %slice3A_12 in 1 : vector<1000x64xf32>, vector<1000x64xf32> -> vector<1000x128xf32>
    %div3A = vector.broadcast %add3A_10 : vector<1000x1xf32> to vector<1000x128xf32>
    %div3A_13 = arith.divf %concatenate3A, %div3A : vector<1000x128xf32>
    %get3A_14 = arith.constant 0 : index
    %get3A_15 = arith.constant 0 : index
    %get3A_16 = vector.load %arg2[%get3A_14, %get3A_15] : memref<1000x128xf32, #tpu.memory_space<vmem>>, vector<1000x128xf32>
    %add3A_17 = arith.addf %div3A_13, %get3A_16 : vector<1000x128xf32>
    %get3A_18 = arith.constant 0 : index
    %get3A_19 = arith.constant 0 : index
    %get3A_20 = vector.load %arg3[%get3A_18, %get3A_19] : memref<1x128xf32, #tpu.memory_space<vmem>>, vector<1x128xf32>
    %get3A_21 = arith.constant 0 : index
    %get3A_22 = arith.constant 0 : index
    %get3A_23 = vector.load %arg4[%get3A_21, %get3A_22] : memref<1x128xf32, #tpu.memory_space<vmem>>, vector<1x128xf32>
    %reduce_sum3A = arith.constant dense<0.000000e+00> : vector<1000xf32>
    %reduce_sum3A_24 = vector.multi_reduction <add>, %add3A_17, %reduce_sum3A [1] : vector<1000x128xf32> to vector<1000xf32>
    %broadcast_in_dim3A = vector.shape_cast %reduce_sum3A_24 : vector<1000xf32> to vector<1000x1xf32>
    %div3A_25 = arith.constant 1.280000e+02 : f32
    %div3A_26 = vector.broadcast %div3A_25 : f32 to vector<1000x1xf32>
    %div3A_27 = arith.divf %broadcast_in_dim3A, %div3A_26 : vector<1000x1xf32>
    %sub3A = vector.broadcast %div3A_27 : vector<1000x1xf32> to vector<1000x128xf32>
    %sub3A_28 = arith.subf %add3A_17, %sub3A : vector<1000x128xf32>
    %integer_pow3A = arith.mulf %sub3A_28, %sub3A_28 : vector<1000x128xf32>
    %reduce_sum3A_29 = arith.constant dense<0.000000e+00> : vector<1000xf32>
    %reduce_sum3A_30 = vector.multi_reduction <add>, %integer_pow3A, %reduce_sum3A_29 [1] : vector<1000x128xf32> to vector<1000xf32>
    %broadcast_in_dim3A_31 = vector.shape_cast %reduce_sum3A_30 : vector<1000xf32> to vector<1000x1xf32>
    %div3A_32 = arith.constant 1.280000e+02 : f32
    %div3A_33 = vector.broadcast %div3A_32 : f32 to vector<1000x1xf32>
    %div3A_34 = arith.divf %broadcast_in_dim3A_31, %div3A_33 : vector<1000x1xf32>
    %sub3A_35 = vector.broadcast %div3A_27 : vector<1000x1xf32> to vector<1000x128xf32>
    %sub3A_36 = arith.subf %add3A_17, %sub3A_35 : vector<1000x128xf32>
    %add3A_37 = arith.constant 9.99999974E-6 : f32
    %add3A_38 = vector.broadcast %add3A_37 : f32 to vector<1000x1xf32>
    %add3A_39 = arith.addf %div3A_34, %add3A_38 : vector<1000x1xf32>
    %sqrt3A = math.sqrt %add3A_39 : vector<1000x1xf32>
    %div3A_40 = vector.broadcast %sqrt3A : vector<1000x1xf32> to vector<1000x128xf32>
    %div3A_41 = arith.divf %sub3A_36, %div3A_40 : vector<1000x128xf32>
    %mul3A = vector.broadcast %get3A_20 : vector<1x128xf32> to vector<1000x128xf32>
    %mul3A_42 = arith.mulf %div3A_41, %mul3A : vector<1000x128xf32>
    %add3A_43 = vector.broadcast %get3A_23 : vector<1x128xf32> to vector<1000x128xf32>
    %add3A_44 = arith.addf %mul3A_42, %add3A_43 : vector<1000x128xf32>
    %get3A_45 = arith.constant 0 : index
    %get3A_46 = arith.constant 0 : index
    %get3A_47 = vector.load %arg5[%get3A_45, %get3A_46] : memref<64x128xf32, #tpu.memory_space<vmem>>, vector<64x128xf32>
    %dot_general3A = arith.constant dense<0.000000e+00> : vector<1000x64xf32>
    %dot_general3A_48 = tpu.matmul %add3A_44, %get3A_47, %dot_general3A {dimension_numbers = #tpu.dot_dimension_numbers<[1], [1], [0], [0], [0, 0, 1, 0], [], []>, transpose_lhs_hint = false} : vector<1000x128xf32>, vector<64x128xf32>, vector<1000x64xf32> -> vector<1000x64xf32>
    %get3A_49 = arith.constant 0 : index
    %get3A_50 = arith.constant 0 : index
    %get3A_51 = vector.load %arg6[%get3A_49, %get3A_50] : memref<1x64xf32, #tpu.memory_space<vmem>>, vector<1x64xf32>
    %add3A_52 = vector.broadcast %get3A_51 : vector<1x64xf32> to vector<1000x64xf32>
    %add3A_53 = arith.addf %dot_general3A_48, %add3A_52 : vector<1000x64xf32>
    %max3A = arith.constant 0.000000e+00 : f32
    %max3A_54 = vector.broadcast %max3A : f32 to vector<1000x64xf32>
    %max3A_55 = arith.maximumf %add3A_53, %max3A_54 : vector<1000x64xf32>
    %get3A_56 = arith.constant 0 : index
    %get3A_57 = arith.constant 0 : index
    %get3A_58 = vector.load %arg7[%get3A_56, %get3A_57] : memref<128x64xf32, #tpu.memory_space<vmem>>, vector<128x64xf32>
    %dot_general3A_59 = arith.constant dense<0.000000e+00> : vector<1000x128xf32>
    %dot_general3A_60 = tpu.matmul %max3A_55, %get3A_58, %dot_general3A_59 {dimension_numbers = #tpu.dot_dimension_numbers<[1], [1], [0], [0], [0, 0, 1, 0], [], []>, transpose_lhs_hint = false} : vector<1000x64xf32>, vector<128x64xf32>, vector<1000x128xf32> -> vector<1000x128xf32>
    %get3A_61 = arith.constant 0 : index
    %get3A_62 = arith.constant 0 : index
    %get3A_63 = vector.load %arg8[%get3A_61, %get3A_62] : memref<1x128xf32, #tpu.memory_space<vmem>>, vector<1x128xf32>
    %add3A_64 = vector.broadcast %get3A_63 : vector<1x128xf32> to vector<1000x128xf32>
    %add3A_65 = arith.addf %dot_general3A_60, %add3A_64 : vector<1000x128xf32>
    %add3A_66 = arith.addf %add3A_65, %add3A_44 : vector<1000x128xf32>
    %get3A_67 = arith.constant 0 : index
    %get3A_68 = arith.constant 0 : index
    %get3A_69 = vector.load %arg3[%get3A_67, %get3A_68] : memref<1x128xf32, #tpu.memory_space<vmem>>, vector<1x128xf32>
    %get3A_70 = arith.constant 0 : index
    %get3A_71 = arith.constant 0 : index
    %get3A_72 = vector.load %arg4[%get3A_70, %get3A_71] : memref<1x128xf32, #tpu.memory_space<vmem>>, vector<1x128xf32>
    %reduce_sum3A_73 = arith.constant dense<0.000000e+00> : vector<1000xf32>
    %reduce_sum3A_74 = vector.multi_reduction <add>, %add3A_66, %reduce_sum3A_73 [1] : vector<1000x128xf32> to vector<1000xf32>
    %broadcast_in_dim3A_75 = vector.shape_cast %reduce_sum3A_74 : vector<1000xf32> to vector<1000x1xf32>
    %div3A_76 = arith.constant 1.280000e+02 : f32
    %div3A_77 = vector.broadcast %div3A_76 : f32 to vector<1000x1xf32>
    %div3A_78 = arith.divf %broadcast_in_dim3A_75, %div3A_77 : vector<1000x1xf32>
    %sub3A_79 = vector.broadcast %div3A_78 : vector<1000x1xf32> to vector<1000x128xf32>
    %sub3A_80 = arith.subf %add3A_66, %sub3A_79 : vector<1000x128xf32>
    %integer_pow3A_81 = arith.mulf %sub3A_80, %sub3A_80 : vector<1000x128xf32>
    %reduce_sum3A_82 = arith.constant dense<0.000000e+00> : vector<1000xf32>
    %reduce_sum3A_83 = vector.multi_reduction <add>, %integer_pow3A_81, %reduce_sum3A_82 [1] : vector<1000x128xf32> to vector<1000xf32>
    %broadcast_in_dim3A_84 = vector.shape_cast %reduce_sum3A_83 : vector<1000xf32> to vector<1000x1xf32>
    %div3A_85 = arith.constant 1.280000e+02 : f32
    %div3A_86 = vector.broadcast %div3A_85 : f32 to vector<1000x1xf32>
    %div3A_87 = arith.divf %broadcast_in_dim3A_84, %div3A_86 : vector<1000x1xf32>
    %sub3A_88 = vector.broadcast %div3A_78 : vector<1000x1xf32> to vector<1000x128xf32>
    %sub3A_89 = arith.subf %add3A_66, %sub3A_88 : vector<1000x128xf32>
    %add3A_90 = arith.constant 9.99999974E-6 : f32
    %add3A_91 = vector.broadcast %add3A_90 : f32 to vector<1000x1xf32>
    %add3A_92 = arith.addf %div3A_87, %add3A_91 : vector<1000x1xf32>
    %sqrt3A_93 = math.sqrt %add3A_92 : vector<1000x1xf32>
    %div3A_94 = vector.broadcast %sqrt3A_93 : vector<1000x1xf32> to vector<1000x128xf32>
    %div3A_95 = arith.divf %sub3A_89, %div3A_94 : vector<1000x128xf32>
    %mul3A_96 = vector.broadcast %get3A_69 : vector<1x128xf32> to vector<1000x128xf32>
    %mul3A_97 = arith.mulf %div3A_95, %mul3A_96 : vector<1000x128xf32>
    %add3A_98 = vector.broadcast %get3A_72 : vector<1x128xf32> to vector<1000x128xf32>
    %add3A_99 = arith.addf %mul3A_97, %add3A_98 : vector<1000x128xf32>
    %get3A_100 = arith.constant 0 : index
    %get3A_101 = arith.constant 0 : index
    %get3A_102 = vector.load %arg9[%get3A_100, %get3A_101] : memref<40x128xf32, #tpu.memory_space<vmem>>, vector<40x128xf32>
    %dot_general3A_103 = arith.constant dense<0.000000e+00> : vector<1000x40xf32>
    %dot_general3A_104 = tpu.matmul %add3A_99, %get3A_102, %dot_general3A_103 {dimension_numbers = #tpu.dot_dimension_numbers<[1], [1], [0], [0], [0, 0, 1, 0], [], []>, transpose_lhs_hint = false} : vector<1000x128xf32>, vector<40x128xf32>, vector<1000x40xf32> -> vector<1000x40xf32>
    %get3A_105 = arith.constant 0 : index
    %get3A_106 = arith.constant 0 : index
    %get3A_107 = vector.load %arg10[%get3A_105, %get3A_106] : memref<1x40xf32, #tpu.memory_space<vmem>>, vector<1x40xf32>
    %add3A_108 = vector.broadcast %get3A_107 : vector<1x40xf32> to vector<1000x40xf32>
    %add3A_109 = arith.addf %dot_general3A_104, %add3A_108 : vector<1000x40xf32>
    %swap3A = arith.constant 0 : index
    %swap3A_110 = arith.constant 0 : index
    %swap3A_111 = vector.load %arg13[%swap3A, %swap3A_110] : memref<1000x40xf32, #tpu.memory_space<vmem>>, vector<1000x40xf32>
    tpu.vector_store %arg13[%swap3A, %swap3A_110], %add3A_109 {strides = array<i32>} : memref<1000x40xf32, #tpu.memory_space<vmem>>, vector<1000x40xf32>,
    %get3A_112 = arith.constant 0 : index
    %get3A_113 = arith.constant 0 : index
    %get3A_114 = vector.load %arg11[%get3A_112, %get3A_113] : memref<128x128xf32, #tpu.memory_space<vmem>>, vector<128x128xf32>
    %dot_general3A_115 = arith.constant dense<0.000000e+00> : vector<1000x128xf32>
    %dot_general3A_116 = tpu.matmul %add3A_99, %get3A_114, %dot_general3A_115 {dimension_numbers = #tpu.dot_dimension_numbers<[1], [1], [0], [0], [0, 0, 1, 0], [], []>, transpose_lhs_hint = false} : vector<1000x128xf32>, vector<128x128xf32>, vector<1000x128xf32> -> vector<1000x128xf32>
    %get3A_117 = arith.constant 0 : index
    %get3A_118 = arith.constant 0 : index
    %get3A_119 = vector.load %arg12[%get3A_117, %get3A_118] : memref<1x128xf32, #tpu.memory_space<vmem>>, vector<1x128xf32>
    %add3A_120 = vector.broadcast %get3A_119 : vector<1x128xf32> to vector<1000x128xf32>
    %add3A_121 = arith.addf %dot_general3A_116, %add3A_120 : vector<1000x128xf32>
    %swap3A_122 = arith.constant 0 : index
    %swap3A_123 = arith.constant 0 : index
    %swap3A_124 = vector.load %arg14[%swap3A_122, %swap3A_123] : memref<1000x128xf32, #tpu.memory_space<vmem>>, vector<1000x128xf32>
    tpu.vector_store %arg14[%swap3A_122, %swap3A_123], %add3A_121 {strides = array<i32>} : memref<1000x128xf32, #tpu.memory_space<vmem>>, vector<1000x128xf32>,
    return
  }
  func.func @transform_0(%arg0: i32) -> (i32, i32, i32) {
    %c0_i32 = arith.constant 0 : i32
    %c0_i32_0 = arith.constant 0 : i32
    %c0_i32_1 = arith.constant 0 : i32
    return %c0_i32, %arg0, %c0_i32_0 : i32, i32, i32
  }
  func.func @transform_1(%arg0: i32) -> (i32, i32) {
    %c0_i32 = arith.constant 0 : i32
    %c0_i32_0 = arith.constant 0 : i32
    return %arg0, %c0_i32 : i32, i32
  }
  func.func @transform_2(%arg0: i32) -> (i32, i32) {
    %c0_i32 = arith.constant 0 : i32
    %c0_i32_0 = arith.constant 0 : i32
    %c0_i32_1 = arith.constant 0 : i32
    return %c0_i32, %c0_i32_0 : i32, i32
  }
  func.func @transform_3(%arg0: i32) -> (i32, i32) {
    %c0_i32 = arith.constant 0 : i32
    %c0_i32_0 = arith.constant 0 : i32
    %c0_i32_1 = arith.constant 0 : i32
    return %c0_i32, %c0_i32_0 : i32, i32
  }
  func.func @transform_4(%arg0: i32) -> (i32, i32) {
    %c0_i32 = arith.constant 0 : i32
    %c0_i32_0 = arith.constant 0 : i32
    %c0_i32_1 = arith.constant 0 : i32
    return %c0_i32, %c0_i32_0 : i32, i32
  }
  func.func @transform_5(%arg0: i32) -> (i32, i32) {
    %c0_i32 = arith.constant 0 : i32
    %c0_i32_0 = arith.constant 0 : i32
    %c0_i32_1 = arith.constant 0 : i32
    return %c0_i32, %c0_i32_0 : i32, i32
  }
  func.func @transform_6(%arg0: i32) -> (i32, i32) {
    %c0_i32 = arith.constant 0 : i32
    %c0_i32_0 = arith.constant 0 : i32
    %c0_i32_1 = arith.constant 0 : i32
    return %c0_i32, %c0_i32_0 : i32, i32
  }
  func.func @transform_7(%arg0: i32) -> (i32, i32) {
    %c0_i32 = arith.constant 0 : i32
    %c0_i32_0 = arith.constant 0 : i32
    %c0_i32_1 = arith.constant 0 : i32
    return %c0_i32, %c0_i32_0 : i32, i32
  }
  func.func @transform_8(%arg0: i32) -> (i32, i32) {
    %c0_i32 = arith.constant 0 : i32
    %c0_i32_0 = arith.constant 0 : i32
    %c0_i32_1 = arith.constant 0 : i32
    return %c0_i32, %c0_i32_0 : i32, i32
  }
  func.func @transform_9(%arg0: i32) -> (i32, i32) {
    %c0_i32 = arith.constant 0 : i32
    %c0_i32_0 = arith.constant 0 : i32
    %c0_i32_1 = arith.constant 0 : i32
    return %c0_i32, %c0_i32_0 : i32, i32
  }
  func.func @transform_10(%arg0: i32) -> (i32, i32) {
    %c0_i32 = arith.constant 0 : i32
    %c0_i32_0 = arith.constant 0 : i32
    %c0_i32_1 = arith.constant 0 : i32
    return %c0_i32, %c0_i32_0 : i32, i32
  }
  func.func @transform_11(%arg0: i32) -> (i32, i32) {
    %c0_i32 = arith.constant 0 : i32
    %c0_i32_0 = arith.constant 0 : i32
    %c0_i32_1 = arith.constant 0 : i32
    return %c0_i32, %c0_i32_0 : i32, i32
  }
  func.func @transform_12(%arg0: i32) -> (i32, i32) {
    %c0_i32 = arith.constant 0 : i32
    %c0_i32_0 = arith.constant 0 : i32
    return %arg0, %c0_i32 : i32, i32
  }
  func.func @transform_13(%arg0: i32) -> (i32, i32) {
    %c0_i32 = arith.constant 0 : i32
    %c0_i32_0 = arith.constant 0 : i32
    return %arg0, %c0_i32 : i32, i32
  }
}

</mosaic_0001>

<sc_bundles>
// kernel: kernel.20.cloned.1.call-start
scs
__scs_entry_jumppad:
0x0: {  	(pc) =	sbr.rel $0x88, $3  }
0x1: {  	(tag) =	ssettag $0x0;
	lr =	simm.s32 $0x1  }
0x2: {  	[smem:$0x3F7B] =	sst lr;
	_ =	strace $0xD0000000  }
0x3: {  	_ = 	snop  }
0x4: {  	_ = 	snop  }
0x5: {  	_ = 	snop  }
0x6: {  	_ = 	snop  }
0x7: {  	_ = 	snop  }
__scs_overlays_trampoline_lowered:
0x8: {  	[smem:$0x3F8A] =	sst s0  }
0x9: {  	[smem:$0x3F8B] =	sst s1  }
0xa: {  	[smem:$0x3F8C] =	sst s2  }
0xb: {  	[smem:$0x3F8D] =	sst s3  }
0xc: {  	[smem:$0x3F8E] =	sst s4  }
0xd: {  	[smem:$0x3F8F] =	sst s5  }
0xe: {  	[smem:$0x3F90] =	sst s6  }
0xf: {  	[smem:$0x3F91] =	sst s7  }
0x10: {  	[smem:$0x3F92] =	sst s8  }
0x11: {  	[smem:$0x3F93] =	sst s9;
	s0 =	simm.s32 @!p0 $0x0  }
0x12: {  	s1 =	sld [smem:$0x3F79];
	s0 =	simm.s32 @p0 $0x1  }
0x13: {  	[smem:$0x3F94] =	sst s0;
	s0 =	simm.s32 @!p1 $0x0  }
0x14: {  	s2 =	sld [smem:$0x3F78];
	s0 =	simm.s32 @p1 $0x1  }
0x15: {  	[smem:$0x3F95] =	sst s0;
	s0 =	simm.s32 @!p2 $0x0  }
0x16: {  	s3 =	sld [smem:$0x3FDB];
	s0 =	simm.s32 @p2 $0x1  }
0x17: {  	s4 =	simm.s32 $0x1BF5;
	[smem:$0x3F97] =	sst s0  }
0x18: {  	s0 =	sld [smem:$0x3F7A];
	_ =	swait.ge [sflag:s4], $0x0  }
0x19: {  	s7 =	sld [smem:$0x3F7B]  }
0x1a: {  	s8 =	sadd.s32 $0xFFFFE003, lr  }
0x1b: {  	s9 =	sadd.s32 $0xFFFFFEF7, lr;
	s5 =	simm.s32 $0xFFFFFFFF;
	p2 =	slt.u32 s8, $0xFFFFF086  }
0x1c: {  	p1 =	slt.u32 s9, $0xF7A;
	s5 =	simm.s32 @!p2 $0x0  }
0x1d: {  	s5 =	simm.s32 @p1 $0x1;
	p0 =	seq.s32 s7, s2  }
0x1e: {  	s7 =	smul.u32 @!p0 $0xF7A, s2;
	p2 =	seq.s32 @!p0 s5, $0x0  }
0x1f: {  	s9 =	smul.u32 $0xF7A, s1;
	s8 =	simm.s32 @!p0 $0x1BF5;
	p2 =	por !p2, p0  }
0x20: {  	[sflag:s8] =	ssyncset.s32 @!p0 $0xFFFFF086;
	s6 =	sadd.s32 @!p0 s3, s7;
	s7 =	simm.s32 @!p0 $0x108  }
0x21: {  	s3 =	sadd.s32 s3, s9;
	s6 =	sadd.s32 @!p0 $0x88, s6;
	s7 =	simm.s32 @p2 $0x1082  }
0x22: {  	[simem:s7], [sflag:s8] =	dma.local @!p0 [hbm:s6], $0xF7A  }
0x23: {  	s9 =	sor.u32 $0xD0000000, s2;
	s6 =	simm.s32 $0x108;
	_ =	swait.ge @!p0 [sflag:s8], $0x0  }
0x24: {  	s3 =	sadd.s32 $0x88, s3;
	s6 =	simm.s32 @!p1 $0x1082;
	[sflag:s4] =	ssyncset.s32 $0xFFFFF086  }
0x25: {  	[simem:s6], [sflag:s4] =	dma.local [hbm:s3], $0xF7A  }
0x26: {  	[smem:$0x3F7B] =	sst s1;
	(tag) =	ssettag s2;
	_ =	strace s9  }
0x27: {  	s1 =	sld [smem:$0x3F8B]  }
0x28: {  	s2 =	sld [smem:$0x3F8C]  }
0x29: {  	s4 =	sld [smem:$0x3F8E]  }
0x2a: {  	p0 =	seq.s32 s5, $0x0;
	s5 =	sld [smem:$0x3F8F]  }
0x2b: {  	s6 =	sld [smem:$0x3F90]  }
0x2c: {  	s7 =	sld [smem:$0x3F91]  }
0x2d: {  	s3 =	simm.s32 $0x108;
	s8 =	sld [smem:$0x3F92]  }
0x2e: {  	s3 =	simm.s32 @!p0 $0x1082;
	s9 =	sld [smem:$0x3F93]  }
0x2f: {  	lr =	sadd.s32 s0, s3;
	s0 =	sld [smem:$0x3F8A]  }
0x30: {  	s3 =	sld [smem:$0x3F8D]  }
0x31: {  	[smem:$0x3F96] =	sst s10  }
0x32: {  	s10 =	sld [smem:$0x3F94];
	_ =	sdelay $0x3  }
0x33: {  	p0 =	seq.s32 s10, $0x1;
	s10 =	sld [smem:$0x3F96];
	_ =	sdelay $0x3  }
0x34: {  	[smem:$0x3F96] =	sst s10  }
0x35: {  	s10 =	sld [smem:$0x3F95];
	_ =	sdelay $0x3  }
0x36: {  	p1 =	seq.s32 s10, $0x1;
	s10 =	sld [smem:$0x3F96];
	_ =	sdelay $0x3  }
0x37: {  	[smem:$0x3F96] =	sst s10  }
0x38: {  	s10 =	sld [smem:$0x3F97]  }
0x39: {  	_ = 	snop;
	(pc) =	sbr.ind lr, $3  }
0x3a: {  	_ = 	snop  }
0x3b: {  	_ = 	snop  }
0x3c: {  	p2 =	seq.s32 s10, $0x1;
	s10 =	sld [smem:$0x3F96]  }
0x3d: {  	_ =	shalt  }
0x3e: {  	_ =	shalt  }
0x3f: {  	_ =	shalt  }
0x40: {  	_ =	shalt  }
0x41: {  	_ =	shalt  }
0x42: {  	_ =	shalt  }
0x43: {  	_ =	shalt  }
0x44: {  	_ =	shalt  }
0x45: {  	_ =	shalt  }
0x46: {  	_ =	shalt  }
0x47: {  	_ =	shalt  }
0x48: {  	_ =	shalt  }
0x49: {  	_ =	shalt  }
0x4a: {  	_ =	shalt  }
0x4b: {  	_ =	shalt  }
0x4c: {  	_ =	shalt  }
0x4d: {  	_ =	shalt  }
0x4e: {  	_ =	shalt  }
0x4f: {  	_ =	shalt  }
0x50: {  	_ =	shalt  }
0x51: {  	_ =	shalt  }
0x52: {  	_ =	shalt  }
0x53: {  	_ =	shalt  }
0x54: {  	_ =	shalt  }
0x55: {  	_ =	shalt  }
0x56: {  	_ =	shalt  }
0x57: {  	_ =	shalt  }
0x58: {  	_ =	shalt  }
0x59: {  	_ =	shalt  }
0x5a: {  	_ =	shalt  }
0x5b: {  	_ =	shalt  }
0x5c: {  	_ =	shalt  }
0x5d: {  	_ =	shalt  }
0x5e: {  	_ =	shalt  }
0x5f: {  	_ =	shalt  }
0x60: {  	_ =	shalt  }
0x61: {  	_ =	shalt  }
0x62: {  	_ =	shalt  }
0x63: {  	_ =	shalt  }
0x64: {  	_ =	shalt  }
0x65: {  	_ =	shalt  }
0x66: {  	_ =	shalt  }
0x67: {  	_ =	shalt  }
0x68: {  	_ =	shalt  }
0x69: {  	_ =	shalt  }
0x6a: {  	_ =	shalt  }
0x6b: {  	_ =	shalt  }
0x6c: {  	_ =	shalt  }
0x6d: {  	_ =	shalt  }
0x6e: {  	_ =	shalt  }
0x6f: {  	_ =	shalt  }
0x70: {  	_ =	shalt  }
0x71: {  	_ =	shalt  }
0x72: {  	_ =	shalt  }
0x73: {  	_ =	shalt  }
0x74: {  	_ =	shalt  }
0x75: {  	_ =	shalt  }
0x76: {  	_ =	shalt  }
0x77: {  	_ =	shalt  }
0x78: {  	_ =	shalt  }
0x79: {  	_ =	shalt  }
0x7a: {  	_ =	shalt  }
0x7b: {  	_ =	shalt  }
0x7c: {  	_ =	shalt  }
0x7d: {  	_ =	shalt  }
0x7e: {  	_ =	shalt  }
0x7f: {  	_ =	shalt  }
0x80: {  	_ =	shalt  }
0x81: {  	_ =	shalt  }
0x82: {  	_ =	shalt  }
0x83: {  	_ =	shalt  }
0x84: {  	_ =	shalt  }
0x85: {  	_ =	shalt  }
0x86: {  	_ =	shalt  }
0x87: {  	_ =	shalt  }
.Lfunc_end0:
.L_simem_size_0:
called_computation_lowered:
.L_overlay_start_0:
0x88: {  	s2 =	sld [smem:$0x3FD9]  }
0x89: {  	s3 =	sld [smem:$0x3FFE];
	_ =	sdelay $0x1  }
0x8a: {  	s1 =	srdreg.scid  }
0x8b: {  	s0 =	sand.u32 $0x1, s1  }
0x8c: {  	s17 =	sshll.u32 s0, $0xA;
	s2 =	sadd.s32 s3, s2  }
0x8d: {  	s2 =	sadd.s32 s2, s17  }
0x8e: {  	[smem:$0x3FA2] =	sst s2  }
0x8f: {  	_ = 	snop  }
0x90: {  	s2 =	sld [smem:$0x3FC7];
	(tm) =	ssettm $0x1  }
0x91: {  	s18 =	sld [smem:$0x3FFB];
	_ =	sdelay $0x3  }
0x92: {  	_ =	strace s18  }
0x93: {  	s3 =	sld [smem:$0x3FFC];
	_ =	sdelay $0x3  }
0x94: {  	_ =	strace s3  }
0x95: {  	s3 =	sld [smem:$0x3FFD];
	_ =	sdelay $0x3  }
0x96: {  	_ =	strace s3  }
0x97: {  	_ =	strace $0x8FFFFFFF  }
0x98: {  	s19 =	sld [smem:$0x3FDB];
	_ =	sdelay $0x1  }
0x99: {  	s4 =	simm.s32 $_scs_section_size  }
0x9a: {  	s5 =	simm.s32 $_size__tile_overlayer_lowered;
	s6 =	simm.s32 $_tile_overlayer_lowered  }
0x9b: {  	s22 =	simm.s32 $0x1BFF;
	s21 =	sshll.u32 s6, $0x1;
	s3 =	sadd.s32 s4, s19  }
0x9c: {  	s7 =	simm.s32 $0x0;
	s20 =	sshll.u32 s5, $0x1;
	s5 =	sadd.s32 s21, s3  }
0x9d: {  	[timem:s7], [sflag:s22] =	dma.local [hbm:s5], s20  }
0x9e: {  	_ =	swait.ge [sflag:s22], s20  }
0x9f: {  	s4 =	ssub.s32 $0x0, s20;
	[sflag:s22] =	ssyncset.done $0x0  }
0xa0: {  	[sflag:s22] =	ssyncadd.s32 s4;
	_ =	sdelay $0x1  }
0xa1: {  	s23 =	simm.s32 $0x1B8B  }
0xa2: {  	_ =	swait.ge [sflag:s23], $0x1  }
0xa3: {  	[sflag:s23] =	ssyncset.done $0x0  }
0xa4: {  	s25 =	simm.s32 $0x1B8E;
	s24 =	sld [smem:$0x3FFE];
	[sflag:s23] =	ssyncadd.s32 $0xFFFFFFFF  }
0xa5: {  	s26 =	simm.s32 $execute0_lowered;
	[smem:$0x3FD2] =	sst s25  }
0xa6: {  	s5 =	sshll.u32 s26, $0x1;
	_ =	strace $0x80000046;
	[dreg:$0x1] =	wrdreg $0xFFFFFFFF  }
0xa7: {  	s28 =	simm.s32 $_size_execute0_lowered;
	s3 =	sadd.s32 s3, s5;
	[dreg:$0x0] =	wrdreg $0x0  }
0xa8: {  	s5 =	sshll.u32 s28, $0x1;
	[dreg:$0x2] =	wrdreg s3  }
0xa9: {  	[dreg:$0x3] =	wrdreg s5  }
0xaa: {  	[dreg:$0x4] =	wrdreg $0xC0  }
0xab: {  	_ =	task [dreg:s7], $0x5FFFF  }
0xac: {  	[dreg:$0x1] =	wrdreg $0xFFFFFFFF  }
0xad: {  	[dreg:$0x0] =	wrdreg $0x60  }
0xae: {  	[dreg:$0x2] =	wrdreg s24  }
0xaf: {  	[dreg:$0x3] =	wrdreg s2  }
0xb0: {  	[dreg:$0x4] =	wrdreg $0x9  }
0xb1: {  	_ =	task.clear_ibuf [dreg:s7], $0x5FFFF;
	_ =	strace $0x90000046  }
0xb2: {  	s29 =	simm.s32 $0x9;
	_ =	strace $0x80000048  }
0xb3: {  	_ =	swait.ge [sflag:s29], $0x1  }
0xb4: {  	[sflag:s29] =	ssyncadd.s32 $0xFFFFFFFF  }
0xb5: {  	_ =	strace $0x90000048  }
0xb6: {  	_ =	sfence  }
0xb7: {  	s30 =	sld [smem:$0x0];
	_ =	sdelay $0x2  }
0xb8: {  	s31 =	sshll.u32 s1, $0xD;
	s1 =	sshrl.u32 s1, $0x2  }
0xb9: {  	s3 =	sand.u32 $0x4000, s31;
	s1 =	sadd.s32 s1, s30  }
0xba: {  	s0 =	sor.u32 s3, s0;
	s1 =	sshll.u32 s1, $0x11  }
0xbb: {  	s0 =	sor.u32 s1, s0  }
0xbc: {  	s0 =	sadd.s32 $0x8F2B, s0  }
0xbd: {  	[sflag:s0] =	ssyncadd.remote.s32 $0x1  }
0xbe: {  	_ =	sfence.sel $0xFFFF  }
0xbf: {  	[dreg:$0x0] =	wrdreg $0xFFFFFFFF;
	(pc) =	sbr.abs _section_cstart, $3  }
0xc0: {  	[dreg:$0x1] =	wrdreg $0xFFFFFFFF  }
0xc1: {  	_ =	task.clear_ibuf [dreg:s7], $0x2FFFF;
	_ =	strace $0x9FFFFFFF  }
0xc2: {  	(tm) =	ssettm $0x7FFFFFFF  }
0xc3: {  	_ =	shalt  }
tec
execute0_lowered:
.L_overlay_start_1:
0x0: {  	(tag) =	ssettag $0x1  }
0x1: {  	s4 =	rddreg [dreg:$0x0]  }
0x2: {  	s6 =	rddreg [dreg:$0x1]  }
0x3: {  	s0 =	rddreg [dreg:$0x2]  }
0x4: {  	s1 =	stileid.u32;
	s2 =	simm.s32 $0x0;
	s3 =	srdreg.scid  }
0x5: {  	s11 =	simm.s32 $0xA0;
	s12 =	simm.s32 $0x2990;
	s13 =	simm.s32 $0xF0  }
0x6: {  	s14 =	simm.s32 $0x3D90;
	s15 =	simm.s32 $0x140;
	s16 =	simm.s32 $0x5190  }
0x7: {  	s17 =	simm.s32 $0x1;
	s18 =	simm.s32 $0x0;
	s5 =	smul.u32 $0x27100, s1  }
0x8: {  	[smem:$0x7FF] =	sst s2;
	s7 =	sand.u32 $0x1, s3;
	s8 =	smul.u32 $0x4E20, s1  }
0x9: {  	s3 =	sadd.s32 $0x7D000, s4;
	s9 =	smul.u32 $0x2710, s7;
	s10 =	ssub.s32 $0x2, s7  }
0xa: {  	_ =	strace $0x80000047;
	s7 =	smul.u32 $0x13880, s7;
	s31 =	sshrl.u32 s10, $0x1  }
0xb: {  	s4 =	sadd.s32 s5, s4;
	s8 =	sadd.s32 s9, s8;
	s5 =	ssub.s32 s10, s31  }
0xc: {  	s7 =	sadd.s32 s7, s4;
	s9 =	simm.s32 $0x190;
	s10 =	simm.s32 $0x1590  }
0xd: {  	s8 =	sshrl.u32 s8, $0x3;
	s4 =	smax.u32 s5, $0x1;
	s5 =	sadd.s32 $0x90A00, s7  }
0xe: {  	s7 =	simm.s32 $0x2;
	s6 =	sadd.s32 s8, s6;
	s8 =	simm.s32 $0x50  }
.LBB2_1:
0xf: {  	s19 =	sadd.s32 $0x0, s6  }
0x10: {  	[tilespmem:s2], [sflag:$0x2] =	stream.linear.gather [hbm4b:s19+s2], $0x190, $0x38;
	[tilespmem:$0x6590] =	vst v63  }
0x11: {  	_ =	swait.ge [sflag:s7], $0x190  }
0x12: {  	[sflag:s7] =	ssyncset.done $0x0  }
0x13: {  	[sflag:s7] =	ssyncadd.s32 $0xFFFFFE70  }
0x14: {  	[tilespmem:s9], [sflag:$0x1] =	stream.indirect.gather [hbm4b:s3+s8], $0x40, s2, s8, $0xb8;
	[tilespmem:$0x6590] =	vst v63  }
0x15: {  	_ = 	snop  }
0x16: {  	[tilespmem:s10], [sflag:$0x1] =	stream.indirect.gather [hbm4b:s3+s8], $0x40, s8, s8, $0xb8;
	[tilespmem:$0x6590] =	vst v63  }
0x17: {  	_ = 	snop  }
0x18: {  	[tilespmem:s12], [sflag:$0x1] =	stream.indirect.gather [hbm4b:s3+s8], $0x40, s11, s8, $0xb8;
	[tilespmem:$0x6590] =	vst v63  }
0x19: {  	_ = 	snop  }
0x1a: {  	[tilespmem:s14], [sflag:$0x1] =	stream.indirect.gather [hbm4b:s3+s8], $0x40, s13, s8, $0xb8;
	[tilespmem:$0x6590] =	vst v63  }
0x1b: {  	_ = 	snop  }
0x1c: {  	[tilespmem:s16], [sflag:$0x1] =	stream.indirect.gather [hbm4b:s3+s8], $0x40, s15, s8, $0xb8;
	[tilespmem:$0x6590] =	vst v63  }
0x1d: {  	_ =	swait.ge [sflag:s17], $0x1400  }
0x1e: {  	[sflag:s17] =	ssyncset.done $0x0  }
0x1f: {  	[sflag:s17] =	ssyncadd.s32 $0xFFFFEC00  }
0x20: {  	_ =	swait.ge [sflag:s17], $0x1400  }
0x21: {  	[sflag:s17] =	ssyncset.done $0x0  }
0x22: {  	[sflag:s17] =	ssyncadd.s32 $0xFFFFEC00  }
0x23: {  	_ =	swait.ge [sflag:s17], $0x1400  }
0x24: {  	[sflag:s17] =	ssyncset.done $0x0  }
0x25: {  	[sflag:s17] =	ssyncadd.s32 $0xFFFFEC00  }
0x26: {  	_ =	swait.ge [sflag:s17], $0x1400  }
0x27: {  	[sflag:s17] =	ssyncset.done $0x0  }
0x28: {  	[sflag:s17] =	ssyncadd.s32 $0xFFFFEC00  }
0x29: {  	_ =	swait.ge [sflag:s17], $0x1400  }
0x2a: {  	[sflag:s17] =	ssyncset.done $0x0  }
0x2b: {  	[sflag:s17] =	ssyncadd.s32 $0xFFFFEC00  }
0x2c: {  	[hbm4b:s5+s2] =	stream.linear.scatter [tilespmem:s9], [sflag:$0x2], $0x6400, $0x38;
	[tilespmem:$0x6590] =	vst v63  }
0x2d: {  	s20 =	simm.s32 $0x32;
	_ =	swait.ge [sflag:s7], $0x6400  }
0x2e: {  	s21 =	simm.s32 $0x64;
	s19 =	sadd.s32 $0xC80, s5;
	[sflag:s7] =	ssyncset.done $0x0  }
.LBB2_2:
0x2f: {  	s22 =	sadd.s32 s20, s6  }
0x30: {  	[sflag:s7] =	ssyncadd.s32 $0xFFFF9C00;
	s20 =	smov.u32 s21;
	s23 =	sadd.s32 $0x32, s21  }
0x31: {  	[tilespmem:s2], [sflag:$0x2] =	stream.linear.gather [hbm4b:s22+s2], $0x190, $0x38;
	[tilespmem:$0x6590] =	vst v63  }
0x32: {  	p0 =	sne.s32 s21, $0x4B0;
	_ =	swait.ge [sflag:s7], $0x190  }
0x33: {  	[sflag:s7] =	ssyncset.done $0x0  }
0x34: {  	[sflag:s7] =	ssyncadd.s32 $0xFFFFFE70  }
0x35: {  	[tilespmem:s9], [sflag:$0x1] =	stream.indirect.gather [hbm4b:s3+s8], $0x40, s2, s8, $0xb8;
	[tilespmem:$0x6590] =	vst v63  }
0x36: {  	_ = 	snop  }
0x37: {  	[tilespmem:s10], [sflag:$0x1] =	stream.indirect.gather [hbm4b:s3+s8], $0x40, s8, s8, $0xb8;
	[tilespmem:$0x6590] =	vst v63  }
0x38: {  	_ = 	snop  }
0x39: {  	[tilespmem:s12], [sflag:$0x1] =	stream.indirect.gather [hbm4b:s3+s8], $0x40, s11, s8, $0xb8;
	[tilespmem:$0x6590] =	vst v63  }
0x3a: {  	_ = 	snop  }
0x3b: {  	[tilespmem:s14], [sflag:$0x1] =	stream.indirect.gather [hbm4b:s3+s8], $0x40, s13, s8, $0xb8;
	[tilespmem:$0x6590] =	vst v63  }
0x3c: {  	_ = 	snop  }
0x3d: {  	[tilespmem:s16], [sflag:$0x1] =	stream.indirect.gather [hbm4b:s3+s8], $0x40, s15, s8, $0xb8;
	[tilespmem:$0x6590] =	vst v63  }
0x3e: {  	_ =	swait.ge [sflag:s17], $0x1400  }
0x3f: {  	[sflag:s17] =	ssyncset.done $0x0  }
0x40: {  	[sflag:s17] =	ssyncadd.s32 $0xFFFFEC00  }
0x41: {  	_ =	swait.ge [sflag:s17], $0x1400  }
0x42: {  	[sflag:s17] =	ssyncset.done $0x0  }
0x43: {  	[sflag:s17] =	ssyncadd.s32 $0xFFFFEC00  }
0x44: {  	_ =	swait.ge [sflag:s17], $0x1400  }
0x45: {  	[sflag:s17] =	ssyncset.done $0x0  }
0x46: {  	[sflag:s17] =	ssyncadd.s32 $0xFFFFEC00  }
0x47: {  	_ =	swait.ge [sflag:s17], $0x1400  }
0x48: {  	[sflag:s17] =	ssyncset.done $0x0  }
0x49: {  	[sflag:s17] =	ssyncadd.s32 $0xFFFFEC00  }
0x4a: {  	_ =	swait.ge [sflag:s17], $0x1400  }
.Ltmp0:
0x4b: {  	[sflag:s17] =	ssyncset.done $0x0;
	(pc) =	sbr.rel @p0 .LBB2_2-.Ltmp0, $4  }
0x4c: {  	[sflag:s17] =	ssyncadd.s32 $0xFFFFEC00  }
0x4d: {  	[hbm4b:s19+s2] =	stream.linear.scatter [tilespmem:s9], [sflag:$0x2], $0x6400, $0x38;
	[tilespmem:$0x6590] =	vst v63  }
0x4e: {  	_ =	swait.ge [sflag:s7], $0x6400  }
0x4f: {  	s21 =	smov.u32 s23;
	s19 =	sadd.s32 $0xC80, s19;
	[sflag:s7] =	ssyncset.done $0x0  }
0x50: {  	s20 =	sadd.s32 s20, s6;
	[sflag:s7] =	ssyncadd.s32 $0xFFFF9C00  }
0x51: {  	[tilespmem:s2], [sflag:$0x2] =	stream.linear.gather [hbm4b:s20+s2], $0x190, $0x38;
	[tilespmem:$0x6590] =	vst v63  }
0x52: {  	_ =	swait.ge [sflag:s7], $0x190  }
0x53: {  	[sflag:s7] =	ssyncset.done $0x0  }
0x54: {  	[sflag:s7] =	ssyncadd.s32 $0xFFFFFE70  }
0x55: {  	[tilespmem:s9], [sflag:$0x1] =	stream.indirect.gather [hbm4b:s3+s8], $0x40, s2, s8, $0xb8;
	[tilespmem:$0x6590] =	vst v63  }
0x56: {  	_ = 	snop  }
0x57: {  	[tilespmem:s10], [sflag:$0x1] =	stream.indirect.gather [hbm4b:s3+s8], $0x40, s8, s8, $0xb8;
	[tilespmem:$0x6590] =	vst v63  }
0x58: {  	_ = 	snop  }
0x59: {  	[tilespmem:s12], [sflag:$0x1] =	stream.indirect.gather [hbm4b:s3+s8], $0x40, s11, s8, $0xb8;
	[tilespmem:$0x6590] =	vst v63  }
0x5a: {  	_ = 	snop  }
0x5b: {  	[tilespmem:s14], [sflag:$0x1] =	stream.indirect.gather [hbm4b:s3+s8], $0x40, s13, s8, $0xb8;
	[tilespmem:$0x6590] =	vst v63  }
0x5c: {  	_ = 	snop  }
0x5d: {  	[tilespmem:s16], [sflag:$0x1] =	stream.indirect.gather [hbm4b:s3+s8], $0x40, s15, s8, $0xb8;
	[tilespmem:$0x6590] =	vst v63  }
0x5e: {  	_ =	swait.ge [sflag:s17], $0x1400  }
0x5f: {  	[sflag:s17] =	ssyncset.done $0x0  }
0x60: {  	[sflag:s17] =	ssyncadd.s32 $0xFFFFEC00  }
0x61: {  	_ =	swait.ge [sflag:s17], $0x1400  }
0x62: {  	[sflag:s17] =	ssyncset.done $0x0  }
0x63: {  	[sflag:s17] =	ssyncadd.s32 $0xFFFFEC00  }
0x64: {  	_ =	swait.ge [sflag:s17], $0x1400  }
0x65: {  	[sflag:s17] =	ssyncset.done $0x0  }
0x66: {  	[sflag:s17] =	ssyncadd.s32 $0xFFFFEC00  }
0x67: {  	_ =	swait.ge [sflag:s17], $0x1400  }
0x68: {  	[sflag:s17] =	ssyncset.done $0x0  }
0x69: {  	[sflag:s17] =	ssyncadd.s32 $0xFFFFEC00  }
0x6a: {  	s18 =	sadd.s32 $0x1, s18;
	_ =	swait.ge [sflag:s17], $0x1400  }
0x6b: {  	p0 =	sne.s32 s18, s4;
	[sflag:s17] =	ssyncset.done $0x0  }
.Ltmp1:
0x6c: {  	[sflag:s17] =	ssyncadd.s32 $0xFFFFEC00;
	(pc) =	sbr.rel @p0 .LBB2_1-.Ltmp1, $4  }
0x6d: {  	[hbm4b:s19+s2] =	stream.linear.scatter [tilespmem:s9], [sflag:$0x2], $0x6400, $0x38;
	[tilespmem:$0x6590] =	vst v63  }
0x6e: {  	_ =	swait.ge [sflag:s7], $0x6400  }
0x6f: {  	[sflag:s7] =	ssyncset.done $0x0  }
0x70: {  	[sflag:s7] =	ssyncadd.s32 $0xFFFF9C00  }
0x71: {  	_ =	sfence.sel $0x180000  }
0x72: {  	[bflag:$0x0] =	sbarrier.arrive $0xFFFF  }
0x73: {  	p0 =	sne.s32 s1, $0x0;
	_ =	strace $0x90000047  }
0x74: {  	s0 =	sadd.s32 @!p0 $0x100000, s0;
	[bflag:$0x2] =	sbarrier.arrive $0xFFFF  }
0x75: {  	[sflag:s0] =	ssyncadd.tile.s32 @!p0 $0x1;
	_ =	shalt  }
.Lfunc_end2:
_tile_overlayer_lowered:
.L_overlay_start_2:
0x76: {  	(tag) =	ssettag $0x2  }
0x77: {  	s0 =	rddreg [dreg:$0x0];
	s2 =	stileid.u32  }
0x78: {  	s1 =	rddreg [dreg:$0x1];
	p0 =	sne.s32 s2, $0x0  }
0x79: {  	s3 =	rddreg [dreg:$0x2];
	[bflag:$0x3] =	sbarrier.arrive $0xFFFF;
	s2 =	simm.s32 @!p0 $0x1C02  }
0x7a: {  	[timem:s3], [sflag:s2] =	dma.local @!p0 [hbm:s0], s1  }
0x7b: {  	s0 =	simm.s32 @!p0 $0x2  }
0x7c: {  	_ =	swait.ge @!p0 [sflag:s0], s1  }
0x7d: {  	s1 =	ssub.s32 @!p0 $0x0, s1;
	[sflag:s0] =	ssyncset.done @!p0 $0x0  }
0x7e: {  	[sflag:s0] =	ssyncadd.s32 @!p0 s1  }
0x7f: {  	[bflag:$0x3] =	sbarrier.arrive $0xFFFF  }
0x80: {  	_ =	shalt  }

// kernel: kernel.23.cloned.1.call-start
scs
__scs_entry_jumppad:
0x0: {  	(pc) =	sbr.rel $0x88, $3  }
0x1: {  	(tag) =	ssettag $0x0;
	lr =	simm.s32 $0x1  }
0x2: {  	[smem:$0x3F7B] =	sst lr;
	_ =	strace $0xD0000000  }
0x3: {  	_ = 	snop  }
0x4: {  	_ = 	snop  }
0x5: {  	_ = 	snop  }
0x6: {  	_ = 	snop  }
0x7: {  	_ = 	snop  }
__scs_overlays_trampoline_lowered:
0x8: {  	[smem:$0x3F8A] =	sst s0  }
0x9: {  	[smem:$0x3F8B] =	sst s1  }
0xa: {  	[smem:$0x3F8C] =	sst s2  }
0xb: {  	[smem:$0x3F8D] =	sst s3  }
0xc: {  	[smem:$0x3F8E] =	sst s4  }
0xd: {  	[smem:$0x3F8F] =	sst s5  }
0xe: {  	[smem:$0x3F90] =	sst s6  }
0xf: {  	[smem:$0x3F91] =	sst s7  }
0x10: {  	[smem:$0x3F92] =	sst s8  }
0x11: {  	[smem:$0x3F93] =	sst s9;
	s0 =	simm.s32 @!p0 $0x0  }
0x12: {  	s1 =	sld [smem:$0x3F79];
	s0 =	simm.s32 @p0 $0x1  }
0x13: {  	[smem:$0x3F94] =	sst s0;
	s0 =	simm.s32 @!p1 $0x0  }
0x14: {  	s2 =	sld [smem:$0x3F78];
	s0 =	simm.s32 @p1 $0x1  }
0x15: {  	[smem:$0x3F95] =	sst s0;
	s0 =	simm.s32 @!p2 $0x0  }
0x16: {  	s3 =	sld [smem:$0x3FDB];
	s0 =	simm.s32 @p2 $0x1  }
0x17: {  	s4 =	simm.s32 $0x1BF5;
	[smem:$0x3F97] =	sst s0  }
0x18: {  	s0 =	sld [smem:$0x3F7A];
	_ =	swait.ge [sflag:s4], $0x0  }
0x19: {  	s7 =	sld [smem:$0x3F7B]  }
0x1a: {  	s8 =	sadd.s32 $0xFFFFE003, lr  }
0x1b: {  	s9 =	sadd.s32 $0xFFFFFEF7, lr;
	s5 =	simm.s32 $0xFFFFFFFF;
	p2 =	slt.u32 s8, $0xFFFFF086  }
0x1c: {  	p1 =	slt.u32 s9, $0xF7A;
	s5 =	simm.s32 @!p2 $0x0  }
0x1d: {  	s5 =	simm.s32 @p1 $0x1;
	p0 =	seq.s32 s7, s2  }
0x1e: {  	s7 =	smul.u32 @!p0 $0xF7A, s2;
	p2 =	seq.s32 @!p0 s5, $0x0  }
0x1f: {  	s9 =	smul.u32 $0xF7A, s1;
	s8 =	simm.s32 @!p0 $0x1BF5;
	p2 =	por !p2, p0  }
0x20: {  	[sflag:s8] =	ssyncset.s32 @!p0 $0xFFFFF086;
	s6 =	sadd.s32 @!p0 s3, s7;
	s7 =	simm.s32 @!p0 $0x108  }
0x21: {  	s3 =	sadd.s32 s3, s9;
	s6 =	sadd.s32 @!p0 $0x88, s6;
	s7 =	simm.s32 @p2 $0x1082  }
0x22: {  	[simem:s7], [sflag:s8] =	dma.local @!p0 [hbm:s6], $0xF7A  }
0x23: {  	s9 =	sor.u32 $0xD0000000, s2;
	s6 =	simm.s32 $0x108;
	_ =	swait.ge @!p0 [sflag:s8], $0x0  }
0x24: {  	s3 =	sadd.s32 $0x88, s3;
	s6 =	simm.s32 @!p1 $0x1082;
	[sflag:s4] =	ssyncset.s32 $0xFFFFF086  }
0x25: {  	[simem:s6], [sflag:s4] =	dma.local [hbm:s3], $0xF7A  }
0x26: {  	[smem:$0x3F7B] =	sst s1;
	(tag) =	ssettag s2;
	_ =	strace s9  }
0x27: {  	s1 =	sld [smem:$0x3F8B]  }
0x28: {  	s2 =	sld [smem:$0x3F8C]  }
0x29: {  	s4 =	sld [smem:$0x3F8E]  }
0x2a: {  	p0 =	seq.s32 s5, $0x0;
	s5 =	sld [smem:$0x3F8F]  }
0x2b: {  	s6 =	sld [smem:$0x3F90]  }
0x2c: {  	s7 =	sld [smem:$0x3F91]  }
0x2d: {  	s3 =	simm.s32 $0x108;
	s8 =	sld [smem:$0x3F92]  }
0x2e: {  	s3 =	simm.s32 @!p0 $0x1082;
	s9 =	sld [smem:$0x3F93]  }
0x2f: {  	lr =	sadd.s32 s0, s3;
	s0 =	sld [smem:$0x3F8A]  }
0x30: {  	s3 =	sld [smem:$0x3F8D]  }
0x31: {  	[smem:$0x3F96] =	sst s10  }
0x32: {  	s10 =	sld [smem:$0x3F94];
	_ =	sdelay $0x3  }
0x33: {  	p0 =	seq.s32 s10, $0x1;
	s10 =	sld [smem:$0x3F96];
	_ =	sdelay $0x3  }
0x34: {  	[smem:$0x3F96] =	sst s10  }
0x35: {  	s10 =	sld [smem:$0x3F95];
	_ =	sdelay $0x3  }
0x36: {  	p1 =	seq.s32 s10, $0x1;
	s10 =	sld [smem:$0x3F96];
	_ =	sdelay $0x3  }
0x37: {  	[smem:$0x3F96] =	sst s10  }
0x38: {  	s10 =	sld [smem:$0x3F97]  }
0x39: {  	_ = 	snop;
	(pc) =	sbr.ind lr, $3  }
0x3a: {  	_ = 	snop  }
0x3b: {  	_ = 	snop  }
0x3c: {  	p2 =	seq.s32 s10, $0x1;
	s10 =	sld [smem:$0x3F96]  }
0x3d: {  	_ =	shalt  }
0x3e: {  	_ =	shalt  }
0x3f: {  	_ =	shalt  }
0x40: {  	_ =	shalt  }
0x41: {  	_ =	shalt  }
0x42: {  	_ =	shalt  }
0x43: {  	_ =	shalt  }
0x44: {  	_ =	shalt  }
0x45: {  	_ =	shalt  }
0x46: {  	_ =	shalt  }
0x47: {  	_ =	shalt  }
0x48: {  	_ =	shalt  }
0x49: {  	_ =	shalt  }
0x4a: {  	_ =	shalt  }
0x4b: {  	_ =	shalt  }
0x4c: {  	_ =	shalt  }
0x4d: {  	_ =	shalt  }
0x4e: {  	_ =	shalt  }
0x4f: {  	_ =	shalt  }
0x50: {  	_ =	shalt  }
0x51: {  	_ =	shalt  }
0x52: {  	_ =	shalt  }
0x53: {  	_ =	shalt  }
0x54: {  	_ =	shalt  }
0x55: {  	_ =	shalt  }
0x56: {  	_ =	shalt  }
0x57: {  	_ =	shalt  }
0x58: {  	_ =	shalt  }
0x59: {  	_ =	shalt  }
0x5a: {  	_ =	shalt  }
0x5b: {  	_ =	shalt  }
0x5c: {  	_ =	shalt  }
0x5d: {  	_ =	shalt  }
0x5e: {  	_ =	shalt  }
0x5f: {  	_ =	shalt  }
0x60: {  	_ =	shalt  }
0x61: {  	_ =	shalt  }
0x62: {  	_ =	shalt  }
0x63: {  	_ =	shalt  }
0x64: {  	_ =	shalt  }
0x65: {  	_ =	shalt  }
0x66: {  	_ =	shalt  }
0x67: {  	_ =	shalt  }
0x68: {  	_ =	shalt  }
0x69: {  	_ =	shalt  }
0x6a: {  	_ =	shalt  }
0x6b: {  	_ =	shalt  }
0x6c: {  	_ =	shalt  }
0x6d: {  	_ =	shalt  }
0x6e: {  	_ =	shalt  }
0x6f: {  	_ =	shalt  }
0x70: {  	_ =	shalt  }
0x71: {  	_ =	shalt  }
0x72: {  	_ =	shalt  }
0x73: {  	_ =	shalt  }
0x74: {  	_ =	shalt  }
0x75: {  	_ =	shalt  }
0x76: {  	_ =	shalt  }
0x77: {  	_ =	shalt  }
0x78: {  	_ =	shalt  }
0x79: {  	_ =	shalt  }
0x7a: {  	_ =	shalt  }
0x7b: {  	_ =	shalt  }
0x7c: {  	_ =	shalt  }
0x7d: {  	_ =	shalt  }
0x7e: {  	_ =	shalt  }
0x7f: {  	_ =	shalt  }
0x80: {  	_ =	shalt  }
0x81: {  	_ =	shalt  }
0x82: {  	_ =	shalt  }
0x83: {  	_ =	shalt  }
0x84: {  	_ =	shalt  }
0x85: {  	_ =	shalt  }
0x86: {  	_ =	shalt  }
0x87: {  	_ =	shalt  }
.Lfunc_end0:
.L_simem_size_0:
called_computation.1_lowered:
.L_overlay_start_0:
0x88: {  	s2 =	sld [smem:$0x3FD9]  }
0x89: {  	s3 =	sld [smem:$0x3FFE];
	_ =	sdelay $0x1  }
0x8a: {  	s1 =	srdreg.scid  }
0x8b: {  	s0 =	sand.u32 $0x1, s1  }
0x8c: {  	s15 =	sshll.u32 s0, $0xA;
	s2 =	sadd.s32 s3, s2  }
0x8d: {  	s2 =	sadd.s32 s2, s15  }
0x8e: {  	[smem:$0x3FA2] =	sst s2  }
0x8f: {  	_ = 	snop  }
0x90: {  	s16 =	sld [smem:$0x3FD0];
	_ =	sdelay $0x2  }
0x91: {  	s4 =	simm.s32 $0xC;
	s5 =	simm.s32 $0x10;
	s2 =	sld [smem:$0x3FC6]  }
0x92: {  	[smem:s5], [sflag:s4] =	dma.local [hbm:s16], $0x1  }
0x93: {  	_ =	swait.eq [sflag:s4], $0x1  }
0x94: {  	[sflag:s4] =	ssyncset.done $0x0  }
0x95: {  	[sflag:s4] =	ssyncadd.s32 $0xFFFFFFFF  }
0x96: {  	s17 =	sld [smem:$0x11];
	(tm) =	ssettm $0x1  }
0x97: {  	s18 =	sld [smem:$0x3FFB];
	_ =	sdelay $0x3  }
0x98: {  	_ =	strace s18  }
0x99: {  	s3 =	sld [smem:$0x3FFC];
	_ =	sdelay $0x3  }
0x9a: {  	_ =	strace s3  }
0x9b: {  	s3 =	sld [smem:$0x3FFD];
	_ =	sdelay $0x3  }
0x9c: {  	_ =	strace s3  }
0x9d: {  	_ =	strace $0x8FFFFFFF  }
0x9e: {  	s19 =	sld [smem:$0x3FDB];
	_ =	sdelay $0x1  }
0x9f: {  	s20 =	simm.s32 $_scs_section_size  }
0xa0: {  	s6 =	simm.s32 $_size__tile_overlayer_lowered;
	s7 =	simm.s32 $_tile_overlayer_lowered  }
0xa1: {  	s8 =	simm.s32 $0x1BFF;
	s21 =	sshll.u32 s7, $0x1;
	s5 =	sadd.s32 s20, s19  }
0xa2: {  	s22 =	simm.s32 $0x0;
	s6 =	sshll.u32 s6, $0x1;
	s7 =	sadd.s32 s21, s5  }
0xa3: {  	[timem:s22], [sflag:s8] =	dma.local [hbm:s7], s6  }
0xa4: {  	_ =	swait.ge [sflag:s8], s6  }
0xa5: {  	s6 =	ssub.s32 $0x0, s6;
	[sflag:s8] =	ssyncset.done $0x0  }
0xa6: {  	[sflag:s8] =	ssyncadd.s32 s6;
	_ =	sdelay $0x1  }
0xa7: {  	s23 =	simm.s32 $0x1B8B  }
0xa8: {  	_ =	swait.ge [sflag:s23], $0x1  }
0xa9: {  	[sflag:s23] =	ssyncset.done $0x0  }
0xaa: {  	[sflag:s23] =	ssyncadd.s32 $0xFFFFFFFF  }
0xab: {  	s6 =	sld [smem:$0x0]  }
0xac: {  	s7 =	sand.u32 $0xFFFFFFFE, s1  }
0xad: {  	p0 =	sne.s32 s1, s7  }
0xae: {  	s7 =	sshll.u32 @p0 s7, $0xE  }
0xaf: {  	s7 =	sadd.s32 @p0 $0x11B8D, s7;
	s8 =	sshll.u32 @p0 s6, $0x11  }
0xb0: {  	s7 =	sor.u32 @p0 s8, s7  }
0xb1: {  	[sflag:s7] =	ssyncadd.remote.s32 @p0 $0x1;
	_ =	sdelay $0x1  }
0xb2: {  	s7 =	simm.s32 @p0 $0x1B8D  }
0xb3: {  	_ =	swait.eq @p0 [sflag:s7], $0x1  }
0xb4: {  	[sflag:s7] =	ssyncadd.s32 @p0 $0xFFFFFFFF  }
0xb5: {  	s8 =	sshll.u32 @!p0 s1, $0xE  }
0xb6: {  	s8 =	sor.u32 @!p0 $0x4000, s8;
	s7 =	simm.s32 @!p0 $0x1B8D  }
0xb7: {  	s6 =	sshll.u32 @!p0 s6, $0x11;
	s8 =	sadd.s32 @!p0 $0x11B8D, s8;
	_ =	swait.eq @!p0 [sflag:s7], $0x1  }
0xb8: {  	s6 =	sor.u32 @!p0 s6, s8;
	[sflag:s7] =	ssyncadd.s32 @!p0 $0xFFFFFFFF  }
0xb9: {  	s25 =	simm.s32 $0x1B8E;
	s24 =	sld [smem:$0x3FFE];
	[sflag:s6] =	ssyncadd.remote.s32 @!p0 $0x1  }
0xba: {  	s26 =	simm.s32 $execute0_lowered;
	[smem:$0x3FD2] =	sst s25  }
0xbb: {  	s7 =	sshll.u32 s26, $0x1;
	_ =	strace $0x80000049;
	[dreg:$0x1] =	wrdreg $0xFFFFFFFF  }
0xbc: {  	s28 =	simm.s32 $_size_execute0_lowered;
	s5 =	sadd.s32 s5, s7;
	[dreg:$0x0] =	wrdreg $0x0  }
0xbd: {  	s7 =	sshll.u32 s28, $0x1;
	[dreg:$0x2] =	wrdreg s5  }
0xbe: {  	[dreg:$0x3] =	wrdreg s7  }
0xbf: {  	[dreg:$0x4] =	wrdreg $0xC0  }
0xc0: {  	_ =	task [dreg:s22], $0x5FFFF  }
0xc1: {  	[dreg:$0x1] =	wrdreg $0xFFFFFFFF  }
0xc2: {  	[dreg:$0x0] =	wrdreg $0x60  }
0xc3: {  	[dreg:$0x2] =	wrdreg s17  }
0xc4: {  	[dreg:$0x3] =	wrdreg s2  }
0xc5: {  	[dreg:$0x4] =	wrdreg s24  }
0xc6: {  	[dreg:$0x5] =	wrdreg $0xA  }
0xc7: {  	_ =	task.clear_ibuf [dreg:s22], $0x6FFFF;
	_ =	strace $0x90000049  }
0xc8: {  	s29 =	simm.s32 $0xA;
	_ =	strace $0x8000004B  }
0xc9: {  	_ =	swait.ge [sflag:s29], $0x1  }
0xca: {  	[sflag:s29] =	ssyncadd.s32 $0xFFFFFFFF  }
0xcb: {  	_ =	strace $0x9000004B  }
0xcc: {  	_ =	sfence  }
0xcd: {  	s30 =	sld [smem:$0x0];
	_ =	sdelay $0x2  }
0xce: {  	s31 =	sshll.u32 s1, $0xD;
	s1 =	sshrl.u32 s1, $0x2  }
0xcf: {  	s4 =	sand.u32 $0x4000, s31;
	s1 =	sadd.s32 s1, s30  }
0xd0: {  	s0 =	sor.u32 s4, s0;
	s1 =	sshll.u32 s1, $0x11  }
0xd1: {  	s0 =	sor.u32 s1, s0  }
0xd2: {  	s0 =	sadd.s32 $0x8F2B, s0  }
0xd3: {  	[sflag:s0] =	ssyncadd.remote.s32 $0x1  }
0xd4: {  	_ =	sfence.sel $0xFFFF  }
0xd5: {  	[dreg:$0x0] =	wrdreg $0xFFFFFFFF;
	(pc) =	sbr.abs _section_cstart, $3  }
0xd6: {  	[dreg:$0x1] =	wrdreg $0xFFFFFFFF  }
0xd7: {  	_ =	task.clear_ibuf [dreg:s22], $0x2FFFF;
	_ =	strace $0x9FFFFFFF  }
0xd8: {  	(tm) =	ssettm $0x7FFFFFFF  }
0xd9: {  	_ =	shalt  }
tec
execute0_lowered:
.L_overlay_start_1:
0x0: {  	(tag) =	ssettag $0x1  }
0x1: {  	s2 =	rddreg [dreg:$0x0]  }
0x2: {  	s6 =	rddreg [dreg:$0x1]  }
0x3: {  	s4 =	rddreg [dreg:$0x2]  }
0x4: {  	s0 =	rddreg [dreg:$0x3]  }
0x5: {  	s1 =	stileid.u32;
	s7 =	srdreg.scid  }
0x6: {  	s3 =	simm.s32 $0x0;
	s11 =	simm.s32 $0xA0;
	s12 =	simm.s32 $0x2990  }
0x7: {  	s13 =	simm.s32 $0xF0;
	s14 =	simm.s32 $0x3D90;
	s15 =	simm.s32 $0x140  }
0x8: {  	s16 =	simm.s32 $0x5190;
	s17 =	simm.s32 $0x1;
	s5 =	smul.u32 $0x27100, s1  }
0x9: {  	s18 =	simm.s32 $0x0;
	s7 =	sand.u32 $0x1, s7;
	s8 =	smul.u32 $0x4E20, s1  }
0xa: {  	[smem:$0x7FF] =	sst s3;
	s9 =	smul.u32 $0x2710, s7;
	s10 =	ssub.s32 $0x2, s7  }
0xb: {  	_ =	strace $0x8000004A;
	s7 =	smul.u32 $0x13880, s7;
	s31 =	sshrl.u32 s10, $0x1  }
0xc: {  	s4 =	sadd.s32 s5, s4;
	s8 =	sadd.s32 s9, s8;
	s5 =	ssub.s32 s10, s31  }
0xd: {  	s7 =	sadd.s32 s7, s4;
	s9 =	simm.s32 $0x190;
	s10 =	simm.s32 $0x1590  }
0xe: {  	s8 =	sshrl.u32 s8, $0x3;
	s4 =	smax.u32 s5, $0x1;
	s5 =	sadd.s32 $0x301A00, s7  }
0xf: {  	s7 =	simm.s32 $0x2;
	s6 =	sadd.s32 s8, s6;
	s8 =	simm.s32 $0x50  }
.LBB2_1:
0x10: {  	s19 =	sadd.s32 $0x0, s6  }
0x11: {  	[tilespmem:s3], [sflag:$0x2] =	stream.linear.gather [hbm4b:s19+s3], $0x190, $0x38;
	[tilespmem:$0x6590] =	vst v63  }
0x12: {  	_ =	swait.ge [sflag:s7], $0x190  }
0x13: {  	[sflag:s7] =	ssyncset.done $0x0  }
0x14: {  	[sflag:s7] =	ssyncadd.s32 $0xFFFFFE70  }
0x15: {  	[tilespmem:s9], [sflag:$0x1] =	stream.indirect.gather [hbm4b:s2+s8], $0x40, s3, s8, $0xb8;
	[tilespmem:$0x6590] =	vst v63  }
0x16: {  	_ = 	snop  }
0x17: {  	[tilespmem:s10], [sflag:$0x1] =	stream.indirect.gather [hbm4b:s2+s8], $0x40, s8, s8, $0xb8;
	[tilespmem:$0x6590] =	vst v63  }
0x18: {  	_ = 	snop  }
0x19: {  	[tilespmem:s12], [sflag:$0x1] =	stream.indirect.gather [hbm4b:s2+s8], $0x40, s11, s8, $0xb8;
	[tilespmem:$0x6590] =	vst v63  }
0x1a: {  	_ = 	snop  }
0x1b: {  	[tilespmem:s14], [sflag:$0x1] =	stream.indirect.gather [hbm4b:s2+s8], $0x40, s13, s8, $0xb8;
	[tilespmem:$0x6590] =	vst v63  }
0x1c: {  	_ = 	snop  }
0x1d: {  	[tilespmem:s16], [sflag:$0x1] =	stream.indirect.gather [hbm4b:s2+s8], $0x40, s15, s8, $0xb8;
	[tilespmem:$0x6590] =	vst v63  }
0x1e: {  	_ =	swait.ge [sflag:s17], $0x1400  }
0x1f: {  	[sflag:s17] =	ssyncset.done $0x0  }
0x20: {  	[sflag:s17] =	ssyncadd.s32 $0xFFFFEC00  }
0x21: {  	_ =	swait.ge [sflag:s17], $0x1400  }
0x22: {  	[sflag:s17] =	ssyncset.done $0x0  }
0x23: {  	[sflag:s17] =	ssyncadd.s32 $0xFFFFEC00  }
0x24: {  	_ =	swait.ge [sflag:s17], $0x1400  }
0x25: {  	[sflag:s17] =	ssyncset.done $0x0  }
0x26: {  	[sflag:s17] =	ssyncadd.s32 $0xFFFFEC00  }
0x27: {  	_ =	swait.ge [sflag:s17], $0x1400  }
0x28: {  	[sflag:s17] =	ssyncset.done $0x0  }
0x29: {  	[sflag:s17] =	ssyncadd.s32 $0xFFFFEC00  }
0x2a: {  	_ =	swait.ge [sflag:s17], $0x1400  }
0x2b: {  	[sflag:s17] =	ssyncset.done $0x0  }
0x2c: {  	[sflag:s17] =	ssyncadd.s32 $0xFFFFEC00  }
0x2d: {  	[hbm4b:s5+s3] =	stream.linear.scatter [tilespmem:s9], [sflag:$0x2], $0x6400, $0x38;
	[tilespmem:$0x6590] =	vst v63  }
0x2e: {  	s20 =	simm.s32 $0x32;
	_ =	swait.ge [sflag:s7], $0x6400  }
0x2f: {  	s21 =	simm.s32 $0x64;
	s19 =	sadd.s32 $0xC80, s5;
	[sflag:s7] =	ssyncset.done $0x0  }
.LBB2_2:
0x30: {  	s22 =	sadd.s32 s20, s6  }
0x31: {  	[sflag:s7] =	ssyncadd.s32 $0xFFFF9C00;
	s20 =	smov.u32 s21;
	s23 =	sadd.s32 $0x32, s21  }
0x32: {  	[tilespmem:s3], [sflag:$0x2] =	stream.linear.gather [hbm4b:s22+s3], $0x190, $0x38;
	[tilespmem:$0x6590] =	vst v63  }
0x33: {  	p0 =	sne.s32 s21, $0x4B0;
	_ =	swait.ge [sflag:s7], $0x190  }
0x34: {  	[sflag:s7] =	ssyncset.done $0x0  }
0x35: {  	[sflag:s7] =	ssyncadd.s32 $0xFFFFFE70  }
0x36: {  	[tilespmem:s9], [sflag:$0x1] =	stream.indirect.gather [hbm4b:s2+s8], $0x40, s3, s8, $0xb8;
	[tilespmem:$0x6590] =	vst v63  }
0x37: {  	_ = 	snop  }
0x38: {  	[tilespmem:s10], [sflag:$0x1] =	stream.indirect.gather [hbm4b:s2+s8], $0x40, s8, s8, $0xb8;
	[tilespmem:$0x6590] =	vst v63  }
0x39: {  	_ = 	snop  }
0x3a: {  	[tilespmem:s12], [sflag:$0x1] =	stream.indirect.gather [hbm4b:s2+s8], $0x40, s11, s8, $0xb8;
	[tilespmem:$0x6590] =	vst v63  }
0x3b: {  	_ = 	snop  }
0x3c: {  	[tilespmem:s14], [sflag:$0x1] =	stream.indirect.gather [hbm4b:s2+s8], $0x40, s13, s8, $0xb8;
	[tilespmem:$0x6590] =	vst v63  }
0x3d: {  	_ = 	snop  }
0x3e: {  	[tilespmem:s16], [sflag:$0x1] =	stream.indirect.gather [hbm4b:s2+s8], $0x40, s15, s8, $0xb8;
	[tilespmem:$0x6590] =	vst v63  }
0x3f: {  	_ =	swait.ge [sflag:s17], $0x1400  }
0x40: {  	[sflag:s17] =	ssyncset.done $0x0  }
0x41: {  	[sflag:s17] =	ssyncadd.s32 $0xFFFFEC00  }
0x42: {  	_ =	swait.ge [sflag:s17], $0x1400  }
0x43: {  	[sflag:s17] =	ssyncset.done $0x0  }
0x44: {  	[sflag:s17] =	ssyncadd.s32 $0xFFFFEC00  }
0x45: {  	_ =	swait.ge [sflag:s17], $0x1400  }
0x46: {  	[sflag:s17] =	ssyncset.done $0x0  }
0x47: {  	[sflag:s17] =	ssyncadd.s32 $0xFFFFEC00  }
0x48: {  	_ =	swait.ge [sflag:s17], $0x1400  }
0x49: {  	[sflag:s17] =	ssyncset.done $0x0  }
0x4a: {  	[sflag:s17] =	ssyncadd.s32 $0xFFFFEC00  }
0x4b: {  	_ =	swait.ge [sflag:s17], $0x1400  }
.Ltmp0:
0x4c: {  	[sflag:s17] =	ssyncset.done $0x0;
	(pc) =	sbr.rel @p0 .LBB2_2-.Ltmp0, $4  }
0x4d: {  	[sflag:s17] =	ssyncadd.s32 $0xFFFFEC00  }
0x4e: {  	[hbm4b:s19+s3] =	stream.linear.scatter [tilespmem:s9], [sflag:$0x2], $0x6400, $0x38;
	[tilespmem:$0x6590] =	vst v63  }
0x4f: {  	_ =	swait.ge [sflag:s7], $0x6400  }
0x50: {  	s21 =	smov.u32 s23;
	s19 =	sadd.s32 $0xC80, s19;
	[sflag:s7] =	ssyncset.done $0x0  }
0x51: {  	s20 =	sadd.s32 s20, s6;
	[sflag:s7] =	ssyncadd.s32 $0xFFFF9C00  }
0x52: {  	[tilespmem:s3], [sflag:$0x2] =	stream.linear.gather [hbm4b:s20+s3], $0x190, $0x38;
	[tilespmem:$0x6590] =	vst v63  }
0x53: {  	_ =	swait.ge [sflag:s7], $0x190  }
0x54: {  	[sflag:s7] =	ssyncset.done $0x0  }
0x55: {  	[sflag:s7] =	ssyncadd.s32 $0xFFFFFE70  }
0x56: {  	[tilespmem:s9], [sflag:$0x1] =	stream.indirect.gather [hbm4b:s2+s8], $0x40, s3, s8, $0xb8;
	[tilespmem:$0x6590] =	vst v63  }
0x57: {  	_ = 	snop  }
0x58: {  	[tilespmem:s10], [sflag:$0x1] =	stream.indirect.gather [hbm4b:s2+s8], $0x40, s8, s8, $0xb8;
	[tilespmem:$0x6590] =	vst v63  }
0x59: {  	_ = 	snop  }
0x5a: {  	[tilespmem:s12], [sflag:$0x1] =	stream.indirect.gather [hbm4b:s2+s8], $0x40, s11, s8, $0xb8;
	[tilespmem:$0x6590] =	vst v63  }
0x5b: {  	_ = 	snop  }
0x5c: {  	[tilespmem:s14], [sflag:$0x1] =	stream.indirect.gather [hbm4b:s2+s8], $0x40, s13, s8, $0xb8;
	[tilespmem:$0x6590] =	vst v63  }
0x5d: {  	_ = 	snop  }
0x5e: {  	[tilespmem:s16], [sflag:$0x1] =	stream.indirect.gather [hbm4b:s2+s8], $0x40, s15, s8, $0xb8;
	[tilespmem:$0x6590] =	vst v63  }
0x5f: {  	_ =	swait.ge [sflag:s17], $0x1400  }
0x60: {  	[sflag:s17] =	ssyncset.done $0x0  }
0x61: {  	[sflag:s17] =	ssyncadd.s32 $0xFFFFEC00  }
0x62: {  	_ =	swait.ge [sflag:s17], $0x1400  }
0x63: {  	[sflag:s17] =	ssyncset.done $0x0  }
0x64: {  	[sflag:s17] =	ssyncadd.s32 $0xFFFFEC00  }
0x65: {  	_ =	swait.ge [sflag:s17], $0x1400  }
0x66: {  	[sflag:s17] =	ssyncset.done $0x0  }
0x67: {  	[sflag:s17] =	ssyncadd.s32 $0xFFFFEC00  }
0x68: {  	_ =	swait.ge [sflag:s17], $0x1400  }
0x69: {  	[sflag:s17] =	ssyncset.done $0x0  }
0x6a: {  	[sflag:s17] =	ssyncadd.s32 $0xFFFFEC00  }
0x6b: {  	s18 =	sadd.s32 $0x1, s18;
	_ =	swait.ge [sflag:s17], $0x1400  }
0x6c: {  	p0 =	sne.s32 s18, s4;
	[sflag:s17] =	ssyncset.done $0x0  }
.Ltmp1:
0x6d: {  	[sflag:s17] =	ssyncadd.s32 $0xFFFFEC00;
	(pc) =	sbr.rel @p0 .LBB2_1-.Ltmp1, $4  }
0x6e: {  	[hbm4b:s19+s3] =	stream.linear.scatter [tilespmem:s9], [sflag:$0x2], $0x6400, $0x38;
	[tilespmem:$0x6590] =	vst v63  }
0x6f: {  	_ =	swait.ge [sflag:s7], $0x6400  }
0x70: {  	[sflag:s7] =	ssyncset.done $0x0  }
0x71: {  	[sflag:s7] =	ssyncadd.s32 $0xFFFF9C00  }
0x72: {  	_ =	sfence.sel $0x180000  }
0x73: {  	[bflag:$0x0] =	sbarrier.arrive $0xFFFF  }
0x74: {  	p0 =	sne.s32 s1, $0x0;
	_ =	strace $0x9000004A  }
0x75: {  	s0 =	sadd.s32 @!p0 $0x100000, s0;
	[bflag:$0x2] =	sbarrier.arrive $0xFFFF  }
0x76: {  	[sflag:s0] =	ssyncadd.tile.s32 @!p0 $0x1;
	_ =	shalt  }
.Lfunc_end2:
_tile_overlayer_lowered:
.L_overlay_start_2:
0x77: {  	(tag) =	ssettag $0x2  }
0x78: {  	s0 =	rddreg [dreg:$0x0];
	s2 =	stileid.u32  }
0x79: {  	s1 =	rddreg [dreg:$0x1];
	p0 =	sne.s32 s2, $0x0  }
0x7a: {  	s3 =	rddreg [dreg:$0x2];
	[bflag:$0x3] =	sbarrier.arrive $0xFFFF;
	s2 =	simm.s32 @!p0 $0x1C02  }
0x7b: {  	[timem:s3], [sflag:s2] =	dma.local @!p0 [hbm:s0], s1  }
0x7c: {  	s0 =	simm.s32 @!p0 $0x2  }
0x7d: {  	_ =	swait.ge @!p0 [sflag:s0], s1  }
0x7e: {  	s1 =	ssub.s32 @!p0 $0x0, s1;
	[sflag:s0] =	ssyncset.done @!p0 $0x0  }
0x7f: {  	[sflag:s0] =	ssyncadd.s32 @!p0 s1  }
0x80: {  	[bflag:$0x3] =	sbarrier.arrive $0xFFFF  }
0x81: {  	_ =	shalt  }

// kernel: kernel.26.cloned.1.call-start
scs
__scs_entry_jumppad:
0x0: {  	(pc) =	sbr.rel $0x88, $3  }
0x1: {  	(tag) =	ssettag $0x0;
	lr =	simm.s32 $0x1  }
0x2: {  	[smem:$0x3F7B] =	sst lr;
	_ =	strace $0xD0000000  }
0x3: {  	_ = 	snop  }
0x4: {  	_ = 	snop  }
0x5: {  	_ = 	snop  }
0x6: {  	_ = 	snop  }
0x7: {  	_ = 	snop  }
__scs_overlays_trampoline_lowered:
0x8: {  	[smem:$0x3F8A] =	sst s0  }
0x9: {  	[smem:$0x3F8B] =	sst s1  }
0xa: {  	[smem:$0x3F8C] =	sst s2  }
0xb: {  	[smem:$0x3F8D] =	sst s3  }
0xc: {  	[smem:$0x3F8E] =	sst s4  }
0xd: {  	[smem:$0x3F8F] =	sst s5  }
0xe: {  	[smem:$0x3F90] =	sst s6  }
0xf: {  	[smem:$0x3F91] =	sst s7  }
0x10: {  	[smem:$0x3F92] =	sst s8  }
0x11: {  	[smem:$0x3F93] =	sst s9;
	s0 =	simm.s32 @!p0 $0x0  }
0x12: {  	s1 =	sld [smem:$0x3F79];
	s0 =	simm.s32 @p0 $0x1  }
0x13: {  	[smem:$0x3F94] =	sst s0;
	s0 =	simm.s32 @!p1 $0x0  }
0x14: {  	s2 =	sld [smem:$0x3F78];
	s0 =	simm.s32 @p1 $0x1  }
0x15: {  	[smem:$0x3F95] =	sst s0;
	s0 =	simm.s32 @!p2 $0x0  }
0x16: {  	s3 =	sld [smem:$0x3FDB];
	s0 =	simm.s32 @p2 $0x1  }
0x17: {  	s4 =	simm.s32 $0x1BF5;
	[smem:$0x3F97] =	sst s0  }
0x18: {  	s0 =	sld [smem:$0x3F7A];
	_ =	swait.ge [sflag:s4], $0x0  }
0x19: {  	s7 =	sld [smem:$0x3F7B]  }
0x1a: {  	s8 =	sadd.s32 $0xFFFFE003, lr  }
0x1b: {  	s9 =	sadd.s32 $0xFFFFFEF7, lr;
	s5 =	simm.s32 $0xFFFFFFFF;
	p2 =	slt.u32 s8, $0xFFFFF086  }
0x1c: {  	p1 =	slt.u32 s9, $0xF7A;
	s5 =	simm.s32 @!p2 $0x0  }
0x1d: {  	s5 =	simm.s32 @p1 $0x1;
	p0 =	seq.s32 s7, s2  }
0x1e: {  	s7 =	smul.u32 @!p0 $0xF7A, s2;
	p2 =	seq.s32 @!p0 s5, $0x0  }
0x1f: {  	s9 =	smul.u32 $0xF7A, s1;
	s8 =	simm.s32 @!p0 $0x1BF5;
	p2 =	por !p2, p0  }
0x20: {  	[sflag:s8] =	ssyncset.s32 @!p0 $0xFFFFF086;
	s6 =	sadd.s32 @!p0 s3, s7;
	s7 =	simm.s32 @!p0 $0x108  }
0x21: {  	s3 =	sadd.s32 s3, s9;
	s6 =	sadd.s32 @!p0 $0x88, s6;
	s7 =	simm.s32 @p2 $0x1082  }
0x22: {  	[simem:s7], [sflag:s8] =	dma.local @!p0 [hbm:s6], $0xF7A  }
0x23: {  	s9 =	sor.u32 $0xD0000000, s2;
	s6 =	simm.s32 $0x108;
	_ =	swait.ge @!p0 [sflag:s8], $0x0  }
0x24: {  	s3 =	sadd.s32 $0x88, s3;
	s6 =	simm.s32 @!p1 $0x1082;
	[sflag:s4] =	ssyncset.s32 $0xFFFFF086  }
0x25: {  	[simem:s6], [sflag:s4] =	dma.local [hbm:s3], $0xF7A  }
0x26: {  	[smem:$0x3F7B] =	sst s1;
	(tag) =	ssettag s2;
	_ =	strace s9  }
0x27: {  	s1 =	sld [smem:$0x3F8B]  }
0x28: {  	s2 =	sld [smem:$0x3F8C]  }
0x29: {  	s4 =	sld [smem:$0x3F8E]  }
0x2a: {  	p0 =	seq.s32 s5, $0x0;
	s5 =	sld [smem:$0x3F8F]  }
0x2b: {  	s6 =	sld [smem:$0x3F90]  }
0x2c: {  	s7 =	sld [smem:$0x3F91]  }
0x2d: {  	s3 =	simm.s32 $0x108;
	s8 =	sld [smem:$0x3F92]  }
0x2e: {  	s3 =	simm.s32 @!p0 $0x1082;
	s9 =	sld [smem:$0x3F93]  }
0x2f: {  	lr =	sadd.s32 s0, s3;
	s0 =	sld [smem:$0x3F8A]  }
0x30: {  	s3 =	sld [smem:$0x3F8D]  }
0x31: {  	[smem:$0x3F96] =	sst s10  }
0x32: {  	s10 =	sld [smem:$0x3F94];
	_ =	sdelay $0x3  }
0x33: {  	p0 =	seq.s32 s10, $0x1;
	s10 =	sld [smem:$0x3F96];
	_ =	sdelay $0x3  }
0x34: {  	[smem:$0x3F96] =	sst s10  }
0x35: {  	s10 =	sld [smem:$0x3F95];
	_ =	sdelay $0x3  }
0x36: {  	p1 =	seq.s32 s10, $0x1;
	s10 =	sld [smem:$0x3F96];
	_ =	sdelay $0x3  }
0x37: {  	[smem:$0x3F96] =	sst s10  }
0x38: {  	s10 =	sld [smem:$0x3F97]  }
0x39: {  	_ = 	snop;
	(pc) =	sbr.ind lr, $3  }
0x3a: {  	_ = 	snop  }
0x3b: {  	_ = 	snop  }
0x3c: {  	p2 =	seq.s32 s10, $0x1;
	s10 =	sld [smem:$0x3F96]  }
0x3d: {  	_ =	shalt  }
0x3e: {  	_ =	shalt  }
0x3f: {  	_ =	shalt  }
0x40: {  	_ =	shalt  }
0x41: {  	_ =	shalt  }
0x42: {  	_ =	shalt  }
0x43: {  	_ =	shalt  }
0x44: {  	_ =	shalt  }
0x45: {  	_ =	shalt  }
0x46: {  	_ =	shalt  }
0x47: {  	_ =	shalt  }
0x48: {  	_ =	shalt  }
0x49: {  	_ =	shalt  }
0x4a: {  	_ =	shalt  }
0x4b: {  	_ =	shalt  }
0x4c: {  	_ =	shalt  }
0x4d: {  	_ =	shalt  }
0x4e: {  	_ =	shalt  }
0x4f: {  	_ =	shalt  }
0x50: {  	_ =	shalt  }
0x51: {  	_ =	shalt  }
0x52: {  	_ =	shalt  }
0x53: {  	_ =	shalt  }
0x54: {  	_ =	shalt  }
0x55: {  	_ =	shalt  }
0x56: {  	_ =	shalt  }
0x57: {  	_ =	shalt  }
0x58: {  	_ =	shalt  }
0x59: {  	_ =	shalt  }
0x5a: {  	_ =	shalt  }
0x5b: {  	_ =	shalt  }
0x5c: {  	_ =	shalt  }
0x5d: {  	_ =	shalt  }
0x5e: {  	_ =	shalt  }
0x5f: {  	_ =	shalt  }
0x60: {  	_ =	shalt  }
0x61: {  	_ =	shalt  }
0x62: {  	_ =	shalt  }
0x63: {  	_ =	shalt  }
0x64: {  	_ =	shalt  }
0x65: {  	_ =	shalt  }
0x66: {  	_ =	shalt  }
0x67: {  	_ =	shalt  }
0x68: {  	_ =	shalt  }
0x69: {  	_ =	shalt  }
0x6a: {  	_ =	shalt  }
0x6b: {  	_ =	shalt  }
0x6c: {  	_ =	shalt  }
0x6d: {  	_ =	shalt  }
0x6e: {  	_ =	shalt  }
0x6f: {  	_ =	shalt  }
0x70: {  	_ =	shalt  }
0x71: {  	_ =	shalt  }
0x72: {  	_ =	shalt  }
0x73: {  	_ =	shalt  }
0x74: {  	_ =	shalt  }
0x75: {  	_ =	shalt  }
0x76: {  	_ =	shalt  }
0x77: {  	_ =	shalt  }
0x78: {  	_ =	shalt  }
0x79: {  	_ =	shalt  }
0x7a: {  	_ =	shalt  }
0x7b: {  	_ =	shalt  }
0x7c: {  	_ =	shalt  }
0x7d: {  	_ =	shalt  }
0x7e: {  	_ =	shalt  }
0x7f: {  	_ =	shalt  }
0x80: {  	_ =	shalt  }
0x81: {  	_ =	shalt  }
0x82: {  	_ =	shalt  }
0x83: {  	_ =	shalt  }
0x84: {  	_ =	shalt  }
0x85: {  	_ =	shalt  }
0x86: {  	_ =	shalt  }
0x87: {  	_ =	shalt  }
.Lfunc_end0:
.L_simem_size_0:
called_computation.2_lowered:
.L_overlay_start_0:
0x88: {  	s2 =	sld [smem:$0x3FD9]  }
0x89: {  	s3 =	sld [smem:$0x3FFE];
	_ =	sdelay $0x1  }
0x8a: {  	s1 =	srdreg.scid  }
0x8b: {  	s0 =	sand.u32 $0x1, s1  }
0x8c: {  	s17 =	sshll.u32 s0, $0xA;
	s2 =	sadd.s32 s3, s2  }
0x8d: {  	s2 =	sadd.s32 s2, s17  }
0x8e: {  	[smem:$0x3FA2] =	sst s2  }
0x8f: {  	_ = 	snop  }
0x90: {  	s18 =	sld [smem:$0x3FC7];
	(tm) =	ssettm $0x1  }
0x91: {  	s19 =	sld [smem:$0x3FFB];
	_ =	sdelay $0x3  }
0x92: {  	_ =	strace s19  }
0x93: {  	s2 =	sld [smem:$0x3FFC];
	_ =	sdelay $0x3  }
0x94: {  	_ =	strace s2  }
0x95: {  	s2 =	sld [smem:$0x3FFD];
	_ =	sdelay $0x3  }
0x96: {  	_ =	strace s2  }
0x97: {  	_ =	strace $0x8FFFFFFF  }
0x98: {  	s20 =	sld [smem:$0x3FDB];
	_ =	sdelay $0x1  }
0x99: {  	s4 =	simm.s32 $_scs_section_size  }
0x9a: {  	s5 =	simm.s32 $_size__tile_overlayer_lowered;
	s6 =	simm.s32 $_tile_overlayer_lowered  }
0x9b: {  	s7 =	simm.s32 $0x1BFF;
	s21 =	sshll.u32 s6, $0x1;
	s4 =	sadd.s32 s4, s20  }
0x9c: {  	s22 =	simm.s32 $0x0;
	s5 =	sshll.u32 s5, $0x1;
	s6 =	sadd.s32 s21, s4  }
0x9d: {  	[timem:s22], [sflag:s7] =	dma.local [hbm:s6], s5  }
0x9e: {  	_ =	swait.ge [sflag:s7], s5  }
0x9f: {  	s5 =	ssub.s32 $0x0, s5;
	[sflag:s7] =	ssyncset.done $0x0  }
0xa0: {  	[sflag:s7] =	ssyncadd.s32 s5;
	_ =	sdelay $0x1  }
0xa1: {  	s23 =	simm.s32 $0x1B8B  }
0xa2: {  	_ =	swait.ge [sflag:s23], $0x1  }
0xa3: {  	[sflag:s23] =	ssyncset.done $0x0  }
0xa4: {  	[sflag:s23] =	ssyncadd.s32 $0xFFFFFFFF  }
0xa5: {  	s5 =	sld [smem:$0x0]  }
0xa6: {  	s6 =	sand.u32 $0xFFFFFFFE, s1  }
0xa7: {  	p0 =	sne.s32 s1, s6  }
0xa8: {  	s6 =	sshll.u32 @p0 s6, $0xE  }
0xa9: {  	s6 =	sadd.s32 @p0 $0x11B8D, s6;
	s7 =	sshll.u32 @p0 s5, $0x11  }
0xaa: {  	s6 =	sor.u32 @p0 s7, s6  }
0xab: {  	[sflag:s6] =	ssyncadd.remote.s32 @p0 $0x1;
	_ =	sdelay $0x1  }
0xac: {  	s6 =	simm.s32 @p0 $0x1B8D  }
0xad: {  	_ =	swait.eq @p0 [sflag:s6], $0x1  }
0xae: {  	[sflag:s6] =	ssyncadd.s32 @p0 $0xFFFFFFFF  }
0xaf: {  	s7 =	sshll.u32 @!p0 s1, $0xE  }
0xb0: {  	s7 =	sor.u32 @!p0 $0x4000, s7;
	s6 =	simm.s32 @!p0 $0x1B8D  }
0xb1: {  	s5 =	sshll.u32 @!p0 s5, $0x11;
	s7 =	sadd.s32 @!p0 $0x11B8D, s7;
	_ =	swait.eq @!p0 [sflag:s6], $0x1  }
0xb2: {  	s5 =	sor.u32 @!p0 s5, s7;
	[sflag:s6] =	ssyncadd.s32 @!p0 $0xFFFFFFFF  }
0xb3: {  	s25 =	simm.s32 $0x1B8E;
	s24 =	sld [smem:$0x3FFE];
	[sflag:s5] =	ssyncadd.remote.s32 @!p0 $0x1  }
0xb4: {  	s26 =	simm.s32 $execute0_lowered;
	[smem:$0x3FD2] =	sst s25  }
0xb5: {  	s6 =	sshll.u32 s26, $0x1;
	_ =	strace $0x8000004C;
	[dreg:$0x1] =	wrdreg $0xFFFFFFFF  }
0xb6: {  	s28 =	simm.s32 $_size_execute0_lowered;
	s4 =	sadd.s32 s4, s6;
	[dreg:$0x0] =	wrdreg $0x0  }
0xb7: {  	s6 =	sshll.u32 s28, $0x1;
	[dreg:$0x2] =	wrdreg s4  }
0xb8: {  	[dreg:$0x3] =	wrdreg s6  }
0xb9: {  	[dreg:$0x4] =	wrdreg $0xC0  }
0xba: {  	_ =	task [dreg:s22], $0x5FFFF  }
0xbb: {  	[dreg:$0x1] =	wrdreg $0xFFFFFFFF  }
0xbc: {  	[dreg:$0x0] =	wrdreg $0x60  }
0xbd: {  	[dreg:$0x2] =	wrdreg s24  }
0xbe: {  	[dreg:$0x3] =	wrdreg s18  }
0xbf: {  	[dreg:$0x4] =	wrdreg $0xB  }
0xc0: {  	_ =	task.clear_ibuf [dreg:s22], $0x5FFFF;
	_ =	strace $0x9000004C  }
0xc1: {  	s29 =	simm.s32 $0xB;
	_ =	strace $0x8000004E  }
0xc2: {  	_ =	swait.ge [sflag:s29], $0x1  }
0xc3: {  	[sflag:s29] =	ssyncadd.s32 $0xFFFFFFFF  }
0xc4: {  	_ =	strace $0x9000004E  }
0xc5: {  	_ =	sfence  }
0xc6: {  	s30 =	sld [smem:$0x0];
	_ =	sdelay $0x2  }
0xc7: {  	s31 =	sshll.u32 s1, $0xD;
	s1 =	sshrl.u32 s1, $0x2  }
0xc8: {  	s4 =	sand.u32 $0x4000, s31;
	s1 =	sadd.s32 s1, s30  }
0xc9: {  	s0 =	sor.u32 s4, s0;
	s1 =	sshll.u32 s1, $0x11  }
0xca: {  	s0 =	sor.u32 s1, s0  }
0xcb: {  	s0 =	sadd.s32 $0x8F2B, s0  }
0xcc: {  	[sflag:s0] =	ssyncadd.remote.s32 $0x1  }
0xcd: {  	_ =	sfence.sel $0xFFFF  }
0xce: {  	[dreg:$0x0] =	wrdreg $0xFFFFFFFF;
	(pc) =	sbr.abs _section_cstart, $3  }
0xcf: {  	[dreg:$0x1] =	wrdreg $0xFFFFFFFF  }
0xd0: {  	_ =	task.clear_ibuf [dreg:s22], $0x2FFFF;
	_ =	strace $0x9FFFFFFF  }
0xd1: {  	(tm) =	ssettm $0x7FFFFFFF  }
tec
execute0_lowered:
.L_overlay_start_1:
0x0: {  	(tag) =	ssettag $0x1  }
0x1: {  	s4 =	rddreg [dreg:$0x0]  }
0x2: {  	s6 =	rddreg [dreg:$0x1]  }
0x3: {  	s0 =	rddreg [dreg:$0x2]  }
0x4: {  	s1 =	stileid.u32;
	s2 =	simm.s32 $0x0;
	s3 =	srdreg.scid  }
0x5: {  	s11 =	simm.s32 $0xA0;
	s12 =	simm.s32 $0x5190;
	s13 =	simm.s32 $0xF0  }
0x6: {  	s14 =	simm.s32 $0x7990;
	s15 =	simm.s32 $0x140;
	s16 =	simm.s32 $0xA190  }
0x7: {  	s17 =	simm.s32 $0x1;
	s18 =	simm.s32 $0x0;
	s5 =	smul.u32 $0x4E200, s1  }
0x8: {  	[smem:$0x7FF] =	sst s2;
	s7 =	sand.u32 $0x1, s3;
	s8 =	smul.u32 $0x4E20, s1  }
0x9: {  	s3 =	sadd.s32 $0x2EC00, s4;
	s9 =	smul.u32 $0x2710, s7;
	s10 =	ssub.s32 $0x2, s7  }
0xa: {  	_ =	strace $0x8000004D;
	s7 =	smul.u32 $0x27100, s7;
	s31 =	sshrl.u32 s10, $0x1  }
0xb: {  	s4 =	sadd.s32 s5, s4;
	s8 =	sadd.s32 s9, s8;
	s5 =	ssub.s32 s10, s31  }
0xc: {  	s7 =	sadd.s32 s7, s4;
	s9 =	simm.s32 $0x190;
	s10 =	simm.s32 $0x2990  }
0xd: {  	s8 =	sshrl.u32 s8, $0x3;
	s4 =	smax.u32 s5, $0x1;
	s5 =	sadd.s32 $0x572A00, s7  }
0xe: {  	s7 =	simm.s32 $0x2;
	s6 =	sadd.s32 s8, s6;
	s8 =	simm.s32 $0x50  }
.LBB2_1:
0xf: {  	s19 =	sadd.s32 $0x0, s6  }
0x10: {  	[tilespmem:s2], [sflag:$0x2] =	stream.linear.gather [hbm4b:s19+s2], $0x190, $0x38;
	[tilespmem:$0xC990] =	vst v63  }
0x11: {  	_ =	swait.ge [sflag:s7], $0x190  }
0x12: {  	[sflag:s7] =	ssyncset.done $0x0  }
0x13: {  	[sflag:s7] =	ssyncadd.s32 $0xFFFFFE70  }
0x14: {  	[tilespmem:s9], [sflag:$0x1] =	stream.indirect.gather [hbm4b:s3+s8], $0x80, s2, s8, $0xb8;
	[tilespmem:$0xC990] =	vst v63  }
0x15: {  	_ = 	snop  }
0x16: {  	[tilespmem:s10], [sflag:$0x1] =	stream.indirect.gather [hbm4b:s3+s8], $0x80, s8, s8, $0xb8;
	[tilespmem:$0xC990] =	vst v63  }
0x17: {  	_ = 	snop  }
0x18: {  	[tilespmem:s12], [sflag:$0x1] =	stream.indirect.gather [hbm4b:s3+s8], $0x80, s11, s8, $0xb8;
	[tilespmem:$0xC990] =	vst v63  }
0x19: {  	_ = 	snop  }
0x1a: {  	[tilespmem:s14], [sflag:$0x1] =	stream.indirect.gather [hbm4b:s3+s8], $0x80, s13, s8, $0xb8;
	[tilespmem:$0xC990] =	vst v63  }
0x1b: {  	_ = 	snop  }
0x1c: {  	[tilespmem:s16], [sflag:$0x1] =	stream.indirect.gather [hbm4b:s3+s8], $0x80, s15, s8, $0xb8;
	[tilespmem:$0xC990] =	vst v63  }
0x1d: {  	_ =	swait.ge [sflag:s17], $0x2800  }
0x1e: {  	[sflag:s17] =	ssyncset.done $0x0  }
0x1f: {  	[sflag:s17] =	ssyncadd.s32 $0xFFFFD800  }
0x20: {  	_ =	swait.ge [sflag:s17], $0x2800  }
0x21: {  	[sflag:s17] =	ssyncset.done $0x0  }
0x22: {  	[sflag:s17] =	ssyncadd.s32 $0xFFFFD800  }
0x23: {  	_ =	swait.ge [sflag:s17], $0x2800  }
0x24: {  	[sflag:s17] =	ssyncset.done $0x0  }
0x25: {  	[sflag:s17] =	ssyncadd.s32 $0xFFFFD800  }
0x26: {  	_ =	swait.ge [sflag:s17], $0x2800  }
0x27: {  	[sflag:s17] =	ssyncset.done $0x0  }
0x28: {  	[sflag:s17] =	ssyncadd.s32 $0xFFFFD800  }
0x29: {  	_ =	swait.ge [sflag:s17], $0x2800  }
0x2a: {  	[sflag:s17] =	ssyncset.done $0x0  }
0x2b: {  	[sflag:s17] =	ssyncadd.s32 $0xFFFFD800  }
0x2c: {  	[hbm4b:s5+s2] =	stream.linear.scatter [tilespmem:s9], [sflag:$0x2], $0xC800, $0x38;
	[tilespmem:$0xC990] =	vst v63  }
0x2d: {  	s20 =	simm.s32 $0x32;
	_ =	swait.ge [sflag:s7], $0xC800  }
0x2e: {  	s21 =	simm.s32 $0x64;
	s19 =	sadd.s32 $0x1900, s5;
	[sflag:s7] =	ssyncset.done $0x0  }
.LBB2_2:
0x2f: {  	s22 =	sadd.s32 s20, s6  }
0x30: {  	[sflag:s7] =	ssyncadd.s32 $0xFFFF3800;
	s20 =	smov.u32 s21;
	s23 =	sadd.s32 $0x32, s21  }
0x31: {  	[tilespmem:s2], [sflag:$0x2] =	stream.linear.gather [hbm4b:s22+s2], $0x190, $0x38;
	[tilespmem:$0xC990] =	vst v63  }
0x32: {  	p0 =	sne.s32 s21, $0x4B0;
	_ =	swait.ge [sflag:s7], $0x190  }
0x33: {  	[sflag:s7] =	ssyncset.done $0x0  }
0x34: {  	[sflag:s7] =	ssyncadd.s32 $0xFFFFFE70  }
0x35: {  	[tilespmem:s9], [sflag:$0x1] =	stream.indirect.gather [hbm4b:s3+s8], $0x80, s2, s8, $0xb8;
	[tilespmem:$0xC990] =	vst v63  }
0x36: {  	_ = 	snop  }
0x37: {  	[tilespmem:s10], [sflag:$0x1] =	stream.indirect.gather [hbm4b:s3+s8], $0x80, s8, s8, $0xb8;
	[tilespmem:$0xC990] =	vst v63  }
0x38: {  	_ = 	snop  }
0x39: {  	[tilespmem:s12], [sflag:$0x1] =	stream.indirect.gather [hbm4b:s3+s8], $0x80, s11, s8, $0xb8;
	[tilespmem:$0xC990] =	vst v63  }
0x3a: {  	_ = 	snop  }
0x3b: {  	[tilespmem:s14], [sflag:$0x1] =	stream.indirect.gather [hbm4b:s3+s8], $0x80, s13, s8, $0xb8;
	[tilespmem:$0xC990] =	vst v63  }
0x3c: {  	_ = 	snop  }
0x3d: {  	[tilespmem:s16], [sflag:$0x1] =	stream.indirect.gather [hbm4b:s3+s8], $0x80, s15, s8, $0xb8;
	[tilespmem:$0xC990] =	vst v63  }
0x3e: {  	_ =	swait.ge [sflag:s17], $0x2800  }
0x3f: {  	[sflag:s17] =	ssyncset.done $0x0  }
0x40: {  	[sflag:s17] =	ssyncadd.s32 $0xFFFFD800  }
0x41: {  	_ =	swait.ge [sflag:s17], $0x2800  }
0x42: {  	[sflag:s17] =	ssyncset.done $0x0  }
0x43: {  	[sflag:s17] =	ssyncadd.s32 $0xFFFFD800  }
0x44: {  	_ =	swait.ge [sflag:s17], $0x2800  }
0x45: {  	[sflag:s17] =	ssyncset.done $0x0  }
0x46: {  	[sflag:s17] =	ssyncadd.s32 $0xFFFFD800  }
0x47: {  	_ =	swait.ge [sflag:s17], $0x2800  }
0x48: {  	[sflag:s17] =	ssyncset.done $0x0  }
0x49: {  	[sflag:s17] =	ssyncadd.s32 $0xFFFFD800  }
0x4a: {  	_ =	swait.ge [sflag:s17], $0x2800  }
.Ltmp0:
0x4b: {  	[sflag:s17] =	ssyncset.done $0x0;
	(pc) =	sbr.rel @p0 .LBB2_2-.Ltmp0, $4  }
0x4c: {  	[sflag:s17] =	ssyncadd.s32 $0xFFFFD800  }
0x4d: {  	[hbm4b:s19+s2] =	stream.linear.scatter [tilespmem:s9], [sflag:$0x2], $0xC800, $0x38;
	[tilespmem:$0xC990] =	vst v63  }
0x4e: {  	_ =	swait.ge [sflag:s7], $0xC800  }
0x4f: {  	s21 =	smov.u32 s23;
	s19 =	sadd.s32 $0x1900, s19;
	[sflag:s7] =	ssyncset.done $0x0  }
0x50: {  	s20 =	sadd.s32 s20, s6;
	[sflag:s7] =	ssyncadd.s32 $0xFFFF3800  }
0x51: {  	[tilespmem:s2], [sflag:$0x2] =	stream.linear.gather [hbm4b:s20+s2], $0x190, $0x38;
	[tilespmem:$0xC990] =	vst v63  }
0x52: {  	_ =	swait.ge [sflag:s7], $0x190  }
0x53: {  	[sflag:s7] =	ssyncset.done $0x0  }
0x54: {  	[sflag:s7] =	ssyncadd.s32 $0xFFFFFE70  }
0x55: {  	[tilespmem:s9], [sflag:$0x1] =	stream.indirect.gather [hbm4b:s3+s8], $0x80, s2, s8, $0xb8;
	[tilespmem:$0xC990] =	vst v63  }
0x56: {  	_ = 	snop  }
0x57: {  	[tilespmem:s10], [sflag:$0x1] =	stream.indirect.gather [hbm4b:s3+s8], $0x80, s8, s8, $0xb8;
	[tilespmem:$0xC990] =	vst v63  }
0x58: {  	_ = 	snop  }
0x59: {  	[tilespmem:s12], [sflag:$0x1] =	stream.indirect.gather [hbm4b:s3+s8], $0x80, s11, s8, $0xb8;
	[tilespmem:$0xC990] =	vst v63  }
0x5a: {  	_ = 	snop  }
0x5b: {  	[tilespmem:s14], [sflag:$0x1] =	stream.indirect.gather [hbm4b:s3+s8], $0x80, s13, s8, $0xb8;
	[tilespmem:$0xC990] =	vst v63  }
0x5c: {  	_ = 	snop  }
0x5d: {  	[tilespmem:s16], [sflag:$0x1] =	stream.indirect.gather [hbm4b:s3+s8], $0x80, s15, s8, $0xb8;
	[tilespmem:$0xC990] =	vst v63  }
0x5e: {  	_ =	swait.ge [sflag:s17], $0x2800  }
0x5f: {  	[sflag:s17] =	ssyncset.done $0x0  }
0x60: {  	[sflag:s17] =	ssyncadd.s32 $0xFFFFD800  }
0x61: {  	_ =	swait.ge [sflag:s17], $0x2800  }
0x62: {  	[sflag:s17] =	ssyncset.done $0x0  }
0x63: {  	[sflag:s17] =	ssyncadd.s32 $0xFFFFD800  }
0x64: {  	_ =	swait.ge [sflag:s17], $0x2800  }
0x65: {  	[sflag:s17] =	ssyncset.done $0x0  }
0x66: {  	[sflag:s17] =	ssyncadd.s32 $0xFFFFD800  }
0x67: {  	_ =	swait.ge [sflag:s17], $0x2800  }
0x68: {  	[sflag:s17] =	ssyncset.done $0x0  }
0x69: {  	[sflag:s17] =	ssyncadd.s32 $0xFFFFD800  }
0x6a: {  	s18 =	sadd.s32 $0x1, s18;
	_ =	swait.ge [sflag:s17], $0x2800  }
0x6b: {  	p0 =	sne.s32 s18, s4;
	[sflag:s17] =	ssyncset.done $0x0  }
.Ltmp1:
0x6c: {  	[sflag:s17] =	ssyncadd.s32 $0xFFFFD800;
	(pc) =	sbr.rel @p0 .LBB2_1-.Ltmp1, $4  }
0x6d: {  	[hbm4b:s19+s2] =	stream.linear.scatter [tilespmem:s9], [sflag:$0x2], $0xC800, $0x38;
	[tilespmem:$0xC990] =	vst v63  }
0x6e: {  	_ =	swait.ge [sflag:s7], $0xC800  }
0x6f: {  	[sflag:s7] =	ssyncset.done $0x0  }
0x70: {  	[sflag:s7] =	ssyncadd.s32 $0xFFFF3800  }
0x71: {  	_ =	sfence.sel $0x180000  }
0x72: {  	[bflag:$0x0] =	sbarrier.arrive $0xFFFF  }
0x73: {  	p0 =	sne.s32 s1, $0x0;
	_ =	strace $0x9000004D  }
0x74: {  	s0 =	sadd.s32 @!p0 $0x100000, s0;
	[bflag:$0x2] =	sbarrier.arrive $0xFFFF  }
0x75: {  	[sflag:s0] =	ssyncadd.tile.s32 @!p0 $0x1;
	_ =	shalt  }
.Lfunc_end2:
_tile_overlayer_lowered:
.L_overlay_start_2:
0x76: {  	(tag) =	ssettag $0x2  }
0x77: {  	s0 =	rddreg [dreg:$0x0];
	s2 =	stileid.u32  }
0x78: {  	s1 =	rddreg [dreg:$0x1];
	p0 =	sne.s32 s2, $0x0  }
0x79: {  	s3 =	rddreg [dreg:$0x2];
	[bflag:$0x3] =	sbarrier.arrive $0xFFFF;
	s2 =	simm.s32 @!p0 $0x1C02  }
0x7a: {  	[timem:s3], [sflag:s2] =	dma.local @!p0 [hbm:s0], s1  }
0x7b: {  	s0 =	simm.s32 @!p0 $0x2  }
0x7c: {  	_ =	swait.ge @!p0 [sflag:s0], s1  }
0x7d: {  	s1 =	ssub.s32 @!p0 $0x0, s1;
	[sflag:s0] =	ssyncset.done @!p0 $0x0  }
0x7e: {  	[sflag:s0] =	ssyncadd.s32 @!p0 s1  }
0x7f: {  	[bflag:$0x3] =	sbarrier.arrive $0xFFFF  }
0x80: {  	_ =	shalt  }

// kernel: kernel.29.cloned.1.call-start
scs
__scs_entry_jumppad:
0x0: {  	(pc) =	sbr.rel $0x88, $3  }
0x1: {  	(tag) =	ssettag $0x0;
	lr =	simm.s32 $0x1  }
0x2: {  	[smem:$0x3F7B] =	sst lr;
	_ =	strace $0xD0000000  }
0x3: {  	_ = 	snop  }
0x4: {  	_ = 	snop  }
0x5: {  	_ = 	snop  }
0x6: {  	_ = 	snop  }
0x7: {  	_ = 	snop  }
__scs_overlays_trampoline_lowered:
0x8: {  	[smem:$0x3F8A] =	sst s0  }
0x9: {  	[smem:$0x3F8B] =	sst s1  }
0xa: {  	[smem:$0x3F8C] =	sst s2  }
0xb: {  	[smem:$0x3F8D] =	sst s3  }
0xc: {  	[smem:$0x3F8E] =	sst s4  }
0xd: {  	[smem:$0x3F8F] =	sst s5  }
0xe: {  	[smem:$0x3F90] =	sst s6  }
0xf: {  	[smem:$0x3F91] =	sst s7  }
0x10: {  	[smem:$0x3F92] =	sst s8  }
0x11: {  	[smem:$0x3F93] =	sst s9;
	s0 =	simm.s32 @!p0 $0x0  }
0x12: {  	s1 =	sld [smem:$0x3F79];
	s0 =	simm.s32 @p0 $0x1  }
0x13: {  	[smem:$0x3F94] =	sst s0;
	s0 =	simm.s32 @!p1 $0x0  }
0x14: {  	s2 =	sld [smem:$0x3F78];
	s0 =	simm.s32 @p1 $0x1  }
0x15: {  	[smem:$0x3F95] =	sst s0;
	s0 =	simm.s32 @!p2 $0x0  }
0x16: {  	s3 =	sld [smem:$0x3FDB];
	s0 =	simm.s32 @p2 $0x1  }
0x17: {  	s4 =	simm.s32 $0x1BF5;
	[smem:$0x3F97] =	sst s0  }
0x18: {  	s0 =	sld [smem:$0x3F7A];
	_ =	swait.ge [sflag:s4], $0x0  }
0x19: {  	s7 =	sld [smem:$0x3F7B]  }
0x1a: {  	s8 =	sadd.s32 $0xFFFFE003, lr  }
0x1b: {  	s9 =	sadd.s32 $0xFFFFFEF7, lr;
	s5 =	simm.s32 $0xFFFFFFFF;
	p2 =	slt.u32 s8, $0xFFFFF086  }
0x1c: {  	p1 =	slt.u32 s9, $0xF7A;
	s5 =	simm.s32 @!p2 $0x0  }
0x1d: {  	s5 =	simm.s32 @p1 $0x1;
	p0 =	seq.s32 s7, s2  }
0x1e: {  	s7 =	smul.u32 @!p0 $0xF7A, s2;
	p2 =	seq.s32 @!p0 s5, $0x0  }
0x1f: {  	s9 =	smul.u32 $0xF7A, s1;
	s8 =	simm.s32 @!p0 $0x1BF5;
	p2 =	por !p2, p0  }
0x20: {  	[sflag:s8] =	ssyncset.s32 @!p0 $0xFFFFF086;
	s6 =	sadd.s32 @!p0 s3, s7;
	s7 =	simm.s32 @!p0 $0x108  }
0x21: {  	s3 =	sadd.s32 s3, s9;
	s6 =	sadd.s32 @!p0 $0x88, s6;
	s7 =	simm.s32 @p2 $0x1082  }
0x22: {  	[simem:s7], [sflag:s8] =	dma.local @!p0 [hbm:s6], $0xF7A  }
0x23: {  	s9 =	sor.u32 $0xD0000000, s2;
	s6 =	simm.s32 $0x108;
	_ =	swait.ge @!p0 [sflag:s8], $0x0  }
0x24: {  	s3 =	sadd.s32 $0x88, s3;
	s6 =	simm.s32 @!p1 $0x1082;
	[sflag:s4] =	ssyncset.s32 $0xFFFFF086  }
0x25: {  	[simem:s6], [sflag:s4] =	dma.local [hbm:s3], $0xF7A  }
0x26: {  	[smem:$0x3F7B] =	sst s1;
	(tag) =	ssettag s2;
	_ =	strace s9  }
0x27: {  	s1 =	sld [smem:$0x3F8B]  }
0x28: {  	s2 =	sld [smem:$0x3F8C]  }
0x29: {  	s4 =	sld [smem:$0x3F8E]  }
0x2a: {  	p0 =	seq.s32 s5, $0x0;
	s5 =	sld [smem:$0x3F8F]  }
0x2b: {  	s6 =	sld [smem:$0x3F90]  }
0x2c: {  	s7 =	sld [smem:$0x3F91]  }
0x2d: {  	s3 =	simm.s32 $0x108;
	s8 =	sld [smem:$0x3F92]  }
0x2e: {  	s3 =	simm.s32 @!p0 $0x1082;
	s9 =	sld [smem:$0x3F93]  }
0x2f: {  	lr =	sadd.s32 s0, s3;
	s0 =	sld [smem:$0x3F8A]  }
0x30: {  	s3 =	sld [smem:$0x3F8D]  }
0x31: {  	[smem:$0x3F96] =	sst s10  }
0x32: {  	s10 =	sld [smem:$0x3F94];
	_ =	sdelay $0x3  }
0x33: {  	p0 =	seq.s32 s10, $0x1;
	s10 =	sld [smem:$0x3F96];
	_ =	sdelay $0x3  }
0x34: {  	[smem:$0x3F96] =	sst s10  }
0x35: {  	s10 =	sld [smem:$0x3F95];
	_ =	sdelay $0x3  }
0x36: {  	p1 =	seq.s32 s10, $0x1;
	s10 =	sld [smem:$0x3F96];
	_ =	sdelay $0x3  }
0x37: {  	[smem:$0x3F96] =	sst s10  }
0x38: {  	s10 =	sld [smem:$0x3F97]  }
0x39: {  	_ = 	snop;
	(pc) =	sbr.ind lr, $3  }
0x3a: {  	_ = 	snop  }
0x3b: {  	_ = 	snop  }
0x3c: {  	p2 =	seq.s32 s10, $0x1;
	s10 =	sld [smem:$0x3F96]  }
0x3d: {  	_ =	shalt  }
0x3e: {  	_ =	shalt  }
0x3f: {  	_ =	shalt  }
0x40: {  	_ =	shalt  }
0x41: {  	_ =	shalt  }
0x42: {  	_ =	shalt  }
0x43: {  	_ =	shalt  }
0x44: {  	_ =	shalt  }
0x45: {  	_ =	shalt  }
0x46: {  	_ =	shalt  }
0x47: {  	_ =	shalt  }
0x48: {  	_ =	shalt  }
0x49: {  	_ =	shalt  }
0x4a: {  	_ =	shalt  }
0x4b: {  	_ =	shalt  }
0x4c: {  	_ =	shalt  }
0x4d: {  	_ =	shalt  }
0x4e: {  	_ =	shalt  }
0x4f: {  	_ =	shalt  }
0x50: {  	_ =	shalt  }
0x51: {  	_ =	shalt  }
0x52: {  	_ =	shalt  }
0x53: {  	_ =	shalt  }
0x54: {  	_ =	shalt  }
0x55: {  	_ =	shalt  }
0x56: {  	_ =	shalt  }
0x57: {  	_ =	shalt  }
0x58: {  	_ =	shalt  }
0x59: {  	_ =	shalt  }
0x5a: {  	_ =	shalt  }
0x5b: {  	_ =	shalt  }
0x5c: {  	_ =	shalt  }
0x5d: {  	_ =	shalt  }
0x5e: {  	_ =	shalt  }
0x5f: {  	_ =	shalt  }
0x60: {  	_ =	shalt  }
0x61: {  	_ =	shalt  }
0x62: {  	_ =	shalt  }
0x63: {  	_ =	shalt  }
0x64: {  	_ =	shalt  }
0x65: {  	_ =	shalt  }
0x66: {  	_ =	shalt  }
0x67: {  	_ =	shalt  }
0x68: {  	_ =	shalt  }
0x69: {  	_ =	shalt  }
0x6a: {  	_ =	shalt  }
0x6b: {  	_ =	shalt  }
0x6c: {  	_ =	shalt  }
0x6d: {  	_ =	shalt  }
0x6e: {  	_ =	shalt  }
0x6f: {  	_ =	shalt  }
0x70: {  	_ =	shalt  }
0x71: {  	_ =	shalt  }
0x72: {  	_ =	shalt  }
0x73: {  	_ =	shalt  }
0x74: {  	_ =	shalt  }
0x75: {  	_ =	shalt  }
0x76: {  	_ =	shalt  }
0x77: {  	_ =	shalt  }
0x78: {  	_ =	shalt  }
0x79: {  	_ =	shalt  }
0x7a: {  	_ =	shalt  }
0x7b: {  	_ =	shalt  }
0x7c: {  	_ =	shalt  }
0x7d: {  	_ =	shalt  }
0x7e: {  	_ =	shalt  }
0x7f: {  	_ =	shalt  }
0x80: {  	_ =	shalt  }
0x81: {  	_ =	shalt  }
0x82: {  	_ =	shalt  }
0x83: {  	_ =	shalt  }
0x84: {  	_ =	shalt  }
0x85: {  	_ =	shalt  }
0x86: {  	_ =	shalt  }
0x87: {  	_ =	shalt  }
.Lfunc_end0:
.L_simem_size_0:
called_computation.3_lowered:
.L_overlay_start_0:
0x88: {  	s2 =	sld [smem:$0x3FD9]  }
0x89: {  	s3 =	sld [smem:$0x3FFE];
	_ =	sdelay $0x1  }
0x8a: {  	s1 =	srdreg.scid  }
0x8b: {  	s0 =	sand.u32 $0x1, s1  }
0x8c: {  	s17 =	sshll.u32 s0, $0xA;
	s2 =	sadd.s32 s3, s2  }
0x8d: {  	s2 =	sadd.s32 s2, s17  }
0x8e: {  	[smem:$0x3FA2] =	sst s2  }
0x8f: {  	_ = 	snop  }
0x90: {  	s2 =	sld [smem:$0x3FC6];
	(tm) =	ssettm $0x1  }
0x91: {  	s18 =	sld [smem:$0x3FFB];
	_ =	sdelay $0x3  }
0x92: {  	_ =	strace s18  }
0x93: {  	s3 =	sld [smem:$0x3FFC];
	_ =	sdelay $0x3  }
0x94: {  	_ =	strace s3  }
0x95: {  	s3 =	sld [smem:$0x3FFD];
	_ =	sdelay $0x3  }
0x96: {  	_ =	strace s3  }
0x97: {  	_ =	strace $0x8FFFFFFF  }
0x98: {  	s19 =	sld [smem:$0x3FDB];
	_ =	sdelay $0x1  }
0x99: {  	s4 =	simm.s32 $_scs_section_size  }
0x9a: {  	s5 =	simm.s32 $_size__tile_overlayer_lowered;
	s6 =	simm.s32 $_tile_overlayer_lowered  }
0x9b: {  	s22 =	simm.s32 $0x1BFF;
	s21 =	sshll.u32 s6, $0x1;
	s3 =	sadd.s32 s4, s19  }
0x9c: {  	s7 =	simm.s32 $0x0;
	s20 =	sshll.u32 s5, $0x1;
	s5 =	sadd.s32 s21, s3  }
0x9d: {  	[timem:s7], [sflag:s22] =	dma.local [hbm:s5], s20  }
0x9e: {  	_ =	swait.ge [sflag:s22], s20  }
0x9f: {  	s4 =	ssub.s32 $0x0, s20;
	[sflag:s22] =	ssyncset.done $0x0  }
0xa0: {  	[sflag:s22] =	ssyncadd.s32 s4;
	_ =	sdelay $0x1  }
0xa1: {  	s23 =	simm.s32 $0x1B8B  }
0xa2: {  	_ =	swait.ge [sflag:s23], $0x1  }
0xa3: {  	[sflag:s23] =	ssyncset.done $0x0  }
0xa4: {  	s25 =	simm.s32 $0x1B8E;
	s24 =	sld [smem:$0x3FFE];
	[sflag:s23] =	ssyncadd.s32 $0xFFFFFFFF  }
0xa5: {  	s26 =	simm.s32 $execute0_lowered;
	[smem:$0x3FD2] =	sst s25  }
0xa6: {  	s5 =	sshll.u32 s26, $0x1;
	_ =	strace $0x8000004F;
	[dreg:$0x1] =	wrdreg $0xFFFFFFFF  }
0xa7: {  	s28 =	simm.s32 $_size_execute0_lowered;
	s3 =	sadd.s32 s3, s5;
	[dreg:$0x0] =	wrdreg $0x0  }
0xa8: {  	s5 =	sshll.u32 s28, $0x1;
	[dreg:$0x2] =	wrdreg s3  }
0xa9: {  	[dreg:$0x3] =	wrdreg s5  }
0xaa: {  	[dreg:$0x4] =	wrdreg $0xC0  }
0xab: {  	_ =	task [dreg:s7], $0x5FFFF  }
0xac: {  	[dreg:$0x1] =	wrdreg $0xFFFFFFFF  }
0xad: {  	[dreg:$0x0] =	wrdreg $0x60  }
0xae: {  	[dreg:$0x2] =	wrdreg s24  }
0xaf: {  	[dreg:$0x3] =	wrdreg s2  }
0xb0: {  	[dreg:$0x4] =	wrdreg $0x0  }
0xb1: {  	[dreg:$0x5] =	wrdreg $0xA  }
0xb2: {  	_ =	task.clear_ibuf [dreg:s7], $0x6FFFF;
	_ =	strace $0x9000004F  }
0xb3: {  	s29 =	simm.s32 $0xA;
	_ =	strace $0x80000051  }
0xb4: {  	_ =	swait.ge [sflag:s29], $0x1  }
0xb5: {  	[sflag:s29] =	ssyncadd.s32 $0xFFFFFFFF  }
0xb6: {  	_ =	strace $0x90000051  }
0xb7: {  	_ =	sfence  }
0xb8: {  	s30 =	sld [smem:$0x0];
	_ =	sdelay $0x2  }
0xb9: {  	s31 =	sshll.u32 s1, $0xD;
	s1 =	sshrl.u32 s1, $0x2  }
0xba: {  	s3 =	sand.u32 $0x4000, s31;
	s1 =	sadd.s32 s1, s30  }
0xbb: {  	s0 =	sor.u32 s3, s0;
	s1 =	sshll.u32 s1, $0x11  }
0xbc: {  	s0 =	sor.u32 s1, s0  }
0xbd: {  	s0 =	sadd.s32 $0x8F2B, s0  }
0xbe: {  	[sflag:s0] =	ssyncadd.remote.s32 $0x1  }
0xbf: {  	_ =	sfence.sel $0xFFFF  }
0xc0: {  	[dreg:$0x0] =	wrdreg $0xFFFFFFFF;
	(pc) =	sbr.abs _section_cstart, $3  }
0xc1: {  	[dreg:$0x1] =	wrdreg $0xFFFFFFFF  }
0xc2: {  	_ =	task.clear_ibuf [dreg:s7], $0x2FFFF;
	_ =	strace $0x9FFFFFFF  }
0xc3: {  	(tm) =	ssettm $0x7FFFFFFF  }
tec
execute0_lowered:
.L_overlay_start_1:
0x0: {  	(tag) =	ssettag $0x1  }
0x1: {  	s8 =	rddreg [dreg:$0x0]  }
0x2: {  	s9 =	rddreg [dreg:$0x1]  }
0x3: {  	s2 =	rddreg [dreg:$0x2]  }
0x4: {  	s0 =	rddreg [dreg:$0x3]  }
0x5: {  	s1 =	stileid.u32;
	s4 =	srdreg.scid  }
0x6: {  	s3 =	simm.s32 $0x0;
	s15 =	simm.s32 $0x186F0;
	s5 =	smul.u32 $0x186A0, s1  }
0x7: {  	s16 =	simm.s32 $0x1A040;
	s17 =	simm.s32 $0x0;
	s14 =	smul.u32 $0x9C4, s1  }
0x8: {  	s6 =	sand.u32 $0x1, s4;
	[smem:$0x7FF] =	sst s3;
	s30 =	smul.u32 $0x30D40, s1  }
0x9: {  	s29 =	sshll.u32 s1, $0x6;
	s4 =	smul.u32 $0x186A00, s6;
	_ =	strace $0x80000050  }
0xa: {  	s10 =	ssub.s32 $0x2, s6;
	p0 =	seq.s32 s6, $0x1;
	s7 =	sshrl.u32 s5, $0x3  }
0xb: {  	s11 =	sshrl.u32 s10, $0x1;
	s13 =	sadd.s32 s5, s2;
	s4 =	sadd.s32 s5, s4  }
0xc: {  	s7 =	sadd.s32 s7, s8;
	s10 =	ssub.s32 s10, s11;
	s11 =	simm.s32 $0x55F000  }
0xd: {  	s5 =	sor.u32 $0x1C01, s29;
	s4 =	sshrl.u32 s4, $0x3;
	s11 =	simm.s32 @!p0 $0x7D000  }
0xe: {  	s12 =	sadd.s32 s4, s8;
	s4 =	sadd.s32 $0x38A400, s7;
	s7 =	smax.u32 s10, $0x1  }
0xf: {  	s31 =	sadd.s32 s11, s8;
	s8 =	sadd.s32 s14, s9;
	s10 =	sshrl.u32 s13, $0x3  }
0x10: {  	s11 =	simm.s32 $0x1;
	s13 =	simm.s32 $0x18740;
	s14 =	simm.s32 $0x50  }
0x11: {  	s6 =	sadd.s32 $0x3BB200, s12;
	s9 =	sadd.s32 s30, s31;
	s12 =	simm.s32 $0x186A0  }
.LBB2_1:
0x12: {  	[spmem:s10], [sflag:s5] =	dma.local [hbm:s4], $0x30D4  }
0x13: {  	_ =	swait.ge [sflag:s11], $0x30D4  }
0x14: {  	[sflag:s11] =	ssyncset.done $0x0  }
0x15: {  	[sflag:s11] =	ssyncadd.s32 $0xFFFFCF2C  }
0x16: {  	s18 =	sadd.s32 $0x0, s8;
	[bflag:$0x0] =	sbarrier.arrive $0xFFFF  }
0x17: {  	[tilespmem:s12], [sflag:$0x1] =	stream.linear.gather [hbm4b:s18+s3], $0xA0, $0x38;
	[tilespmem:$0x1B940] =	vst v63  }
0x18: {  	_ =	swait.ge [sflag:s11], $0xA0  }
0x19: {  	[sflag:s11] =	ssyncset.done $0x0  }
0x1a: {  	[sflag:s11] =	ssyncadd.s32 $0xFFFFFF60  }
0x1b: {  	[tilespmem:s13], [sflag:$0x1] =	stream.linear.gather [hbm4b:s9+s3], $0x3200, $0x38;
	[tilespmem:$0x1B940] =	vst v63  }
0x1c: {  	_ =	swait.ge [sflag:s11], $0x3200  }
0x1d: {  	[sflag:s11] =	ssyncset.done $0x0  }
0x1e: {  	[sflag:s11] =	ssyncadd.s32 $0xFFFFCE00  }
0x1f: {  	[spmem:s2] =	stream.indirect.scatter.add.f32 [tilespmem:s13], [sflag:$0x1], $0x50, s12, s14, $0xb8;
	[tilespmem:$0x1B940] =	vst v63  }
0x20: {  	_ =	swait.ge [sflag:s11], $0x1900  }
0x21: {  	[sflag:s11] =	ssyncset.done $0x0  }
0x22: {  	[sflag:s11] =	ssyncadd.s32 $0xFFFFE700  }
0x23: {  	[spmem:s2] =	stream.indirect.scatter.add.f32 [tilespmem:s16], [sflag:$0x1], $0x50, s15, s14, $0xb8;
	[tilespmem:$0x1B940] =	vst v63  }
0x24: {  	s19 =	simm.s32 $0x14;
	_ =	swait.ge [sflag:s11], $0x1900  }
0x25: {  	s20 =	simm.s32 $0x28;
	s18 =	sadd.s32 $0x640, s9;
	[sflag:s11] =	ssyncset.done $0x0  }
.LBB2_2:
0x26: {  	s21 =	sadd.s32 s19, s8  }
0x27: {  	[sflag:s11] =	ssyncadd.s32 $0xFFFFE700;
	s19 =	smov.u32 s20;
	s22 =	sadd.s32 $0x14, s20  }
0x28: {  	[tilespmem:s12], [sflag:$0x1] =	stream.linear.gather [hbm4b:s21+s3], $0xA0, $0x38;
	[tilespmem:$0x1B940] =	vst v63  }
0x29: {  	p0 =	sne.s32 s20, $0x9B0;
	_ =	swait.ge [sflag:s11], $0xA0  }
0x2a: {  	[sflag:s11] =	ssyncset.done $0x0  }
0x2b: {  	[sflag:s11] =	ssyncadd.s32 $0xFFFFFF60  }
0x2c: {  	[tilespmem:s13], [sflag:$0x1] =	stream.linear.gather [hbm4b:s18+s3], $0x3200, $0x38;
	[tilespmem:$0x1B940] =	vst v63  }
0x2d: {  	_ =	swait.ge [sflag:s11], $0x3200  }
0x2e: {  	[sflag:s11] =	ssyncset.done $0x0  }
0x2f: {  	[sflag:s11] =	ssyncadd.s32 $0xFFFFCE00  }
0x30: {  	[spmem:s2] =	stream.indirect.scatter.add.f32 [tilespmem:s13], [sflag:$0x1], $0x50, s12, s14, $0xb8;
	[tilespmem:$0x1B940] =	vst v63  }
0x31: {  	_ =	swait.ge [sflag:s11], $0x1900  }
.Ltmp0:
0x32: {  	[sflag:s11] =	ssyncset.done $0x0;
	(pc) =	sbr.rel @p0 .LBB2_2-.Ltmp0, $4  }
0x33: {  	[sflag:s11] =	ssyncadd.s32 $0xFFFFE700  }
0x34: {  	[spmem:s2] =	stream.indirect.scatter.add.f32 [tilespmem:s16], [sflag:$0x1], $0x50, s15, s14, $0xb8;
	[tilespmem:$0x1B940] =	vst v63  }
0x35: {  	_ =	swait.ge [sflag:s11], $0x1900  }
0x36: {  	s20 =	smov.u32 s22;
	s18 =	sadd.s32 $0x640, s18;
	[sflag:s11] =	ssyncset.done $0x0  }
0x37: {  	s19 =	sadd.s32 s19, s8;
	[sflag:s11] =	ssyncadd.s32 $0xFFFFE700  }
0x38: {  	[tilespmem:s12], [sflag:$0x1] =	stream.linear.gather [hbm4b:s19+s3], $0xA0, $0x38;
	[tilespmem:$0x1B940] =	vst v63  }
0x39: {  	_ =	swait.ge [sflag:s11], $0xA0  }
0x3a: {  	[sflag:s11] =	ssyncset.done $0x0  }
0x3b: {  	[sflag:s11] =	ssyncadd.s32 $0xFFFFFF60  }
0x3c: {  	[tilespmem:s13], [sflag:$0x1] =	stream.linear.gather [hbm4b:s18+s3], $0x3200, $0x38;
	[tilespmem:$0x1B940] =	vst v63  }
0x3d: {  	_ =	swait.ge [sflag:s11], $0x3200  }
0x3e: {  	[sflag:s11] =	ssyncset.done $0x0  }
0x3f: {  	[sflag:s11] =	ssyncadd.s32 $0xFFFFCE00  }
0x40: {  	[spmem:s2] =	stream.indirect.scatter.add.f32 [tilespmem:s13], [sflag:$0x1], $0x50, s12, s14, $0xb8;
	[tilespmem:$0x1B940] =	vst v63  }
0x41: {  	_ =	swait.ge [sflag:s11], $0x1900  }
0x42: {  	[sflag:s11] =	ssyncset.done $0x0  }
0x43: {  	[sflag:s11] =	ssyncadd.s32 $0xFFFFE700  }
0x44: {  	[spmem:s2] =	stream.indirect.scatter.add.f32 [tilespmem:s16], [sflag:$0x1], $0x50, s15, s14, $0xb8;
	[tilespmem:$0x1B940] =	vst v63  }
0x45: {  	_ =	swait.ge [sflag:s11], $0x1900  }
0x46: {  	s17 =	sadd.s32 $0x1, s17;
	[sflag:s11] =	ssyncset.done $0x0  }
0x47: {  	p0 =	sne.s32 s17, s7;
	[sflag:s11] =	ssyncadd.s32 $0xFFFFE700  }
.Ltmp1:
0x48: {  	[bflag:$0x0] =	sbarrier.arrive $0xFFFF;
	(pc) =	sbr.rel @p0 .LBB2_1-.Ltmp1, $4  }
0x49: {  	[hbm:s6], [sflag:s5] =	dma.local [spmem:s10], $0x30D4  }
0x4a: {  	_ =	swait.ge [sflag:s11], $0x30D4  }
0x4b: {  	[sflag:s11] =	ssyncset.done $0x0  }
0x4c: {  	[sflag:s11] =	ssyncadd.s32 $0xFFFFCF2C  }
0x4d: {  	_ =	sfence.sel $0x180000  }
0x4e: {  	[bflag:$0x0] =	sbarrier.arrive $0xFFFF  }
0x4f: {  	p0 =	sne.s32 s1, $0x0;
	_ =	strace $0x90000050  }
0x50: {  	s0 =	sadd.s32 @!p0 $0x100000, s0;
	[bflag:$0x2] =	sbarrier.arrive $0xFFFF  }
0x51: {  	[sflag:s0] =	ssyncadd.tile.s32 @!p0 $0x1;
	_ =	shalt  }
.Lfunc_end2:
_tile_overlayer_lowered:
.L_overlay_start_2:
0x52: {  	(tag) =	ssettag $0x2  }
0x53: {  	s0 =	rddreg [dreg:$0x0];
	s2 =	stileid.u32  }
0x54: {  	s1 =	rddreg [dreg:$0x1];
	p0 =	sne.s32 s2, $0x0  }
0x55: {  	s3 =	rddreg [dreg:$0x2];
	[bflag:$0x3] =	sbarrier.arrive $0xFFFF;
	s2 =	simm.s32 @!p0 $0x1C01  }
0x56: {  	[timem:s3], [sflag:s2] =	dma.local @!p0 [hbm:s0], s1  }
0x57: {  	s0 =	simm.s32 @!p0 $0x1  }
0x58: {  	_ =	swait.ge @!p0 [sflag:s0], s1  }
0x59: {  	s1 =	ssub.s32 @!p0 $0x0, s1;
	[sflag:s0] =	ssyncset.done @!p0 $0x0  }
0x5a: {  	[sflag:s0] =	ssyncadd.s32 @!p0 s1  }
0x5b: {  	[bflag:$0x3] =	sbarrier.arrive $0xFFFF  }
0x5c: {  	_ =	shalt  }

// kernel: kernel.32.cloned.1.call-start
scs
__scs_entry_jumppad:
0x0: {  	(pc) =	sbr.rel $0x88, $3  }
0x1: {  	(tag) =	ssettag $0x0;
	lr =	simm.s32 $0x1  }
0x2: {  	[smem:$0x3F7B] =	sst lr;
	_ =	strace $0xD0000000  }
0x3: {  	_ = 	snop  }
0x4: {  	_ = 	snop  }
0x5: {  	_ = 	snop  }
0x6: {  	_ = 	snop  }
0x7: {  	_ = 	snop  }
__scs_overlays_trampoline_lowered:
0x8: {  	[smem:$0x3F8A] =	sst s0  }
0x9: {  	[smem:$0x3F8B] =	sst s1  }
0xa: {  	[smem:$0x3F8C] =	sst s2  }
0xb: {  	[smem:$0x3F8D] =	sst s3  }
0xc: {  	[smem:$0x3F8E] =	sst s4  }
0xd: {  	[smem:$0x3F8F] =	sst s5  }
0xe: {  	[smem:$0x3F90] =	sst s6  }
0xf: {  	[smem:$0x3F91] =	sst s7  }
0x10: {  	[smem:$0x3F92] =	sst s8  }
0x11: {  	[smem:$0x3F93] =	sst s9;
	s0 =	simm.s32 @!p0 $0x0  }
0x12: {  	s1 =	sld [smem:$0x3F79];
	s0 =	simm.s32 @p0 $0x1  }
0x13: {  	[smem:$0x3F94] =	sst s0;
	s0 =	simm.s32 @!p1 $0x0  }
0x14: {  	s2 =	sld [smem:$0x3F78];
	s0 =	simm.s32 @p1 $0x1  }
0x15: {  	[smem:$0x3F95] =	sst s0;
	s0 =	simm.s32 @!p2 $0x0  }
0x16: {  	s3 =	sld [smem:$0x3FDB];
	s0 =	simm.s32 @p2 $0x1  }
0x17: {  	s4 =	simm.s32 $0x1BF5;
	[smem:$0x3F97] =	sst s0  }
0x18: {  	s0 =	sld [smem:$0x3F7A];
	_ =	swait.ge [sflag:s4], $0x0  }
0x19: {  	s7 =	sld [smem:$0x3F7B]  }
0x1a: {  	s8 =	sadd.s32 $0xFFFFE003, lr  }
0x1b: {  	s9 =	sadd.s32 $0xFFFFFEF7, lr;
	s5 =	simm.s32 $0xFFFFFFFF;
	p2 =	slt.u32 s8, $0xFFFFF086  }
0x1c: {  	p1 =	slt.u32 s9, $0xF7A;
	s5 =	simm.s32 @!p2 $0x0  }
0x1d: {  	s5 =	simm.s32 @p1 $0x1;
	p0 =	seq.s32 s7, s2  }
0x1e: {  	s7 =	smul.u32 @!p0 $0xF7A, s2;
	p2 =	seq.s32 @!p0 s5, $0x0  }
0x1f: {  	s9 =	smul.u32 $0xF7A, s1;
	s8 =	simm.s32 @!p0 $0x1BF5;
	p2 =	por !p2, p0  }
0x20: {  	[sflag:s8] =	ssyncset.s32 @!p0 $0xFFFFF086;
	s6 =	sadd.s32 @!p0 s3, s7;
	s7 =	simm.s32 @!p0 $0x108  }
0x21: {  	s3 =	sadd.s32 s3, s9;
	s6 =	sadd.s32 @!p0 $0x88, s6;
	s7 =	simm.s32 @p2 $0x1082  }
0x22: {  	[simem:s7], [sflag:s8] =	dma.local @!p0 [hbm:s6], $0xF7A  }
0x23: {  	s9 =	sor.u32 $0xD0000000, s2;
	s6 =	simm.s32 $0x108;
	_ =	swait.ge @!p0 [sflag:s8], $0x0  }
0x24: {  	s3 =	sadd.s32 $0x88, s3;
	s6 =	simm.s32 @!p1 $0x1082;
	[sflag:s4] =	ssyncset.s32 $0xFFFFF086  }
0x25: {  	[simem:s6], [sflag:s4] =	dma.local [hbm:s3], $0xF7A  }
0x26: {  	[smem:$0x3F7B] =	sst s1;
	(tag) =	ssettag s2;
	_ =	strace s9  }
0x27: {  	s1 =	sld [smem:$0x3F8B]  }
0x28: {  	s2 =	sld [smem:$0x3F8C]  }
0x29: {  	s4 =	sld [smem:$0x3F8E]  }
0x2a: {  	p0 =	seq.s32 s5, $0x0;
	s5 =	sld [smem:$0x3F8F]  }
0x2b: {  	s6 =	sld [smem:$0x3F90]  }
0x2c: {  	s7 =	sld [smem:$0x3F91]  }
0x2d: {  	s3 =	simm.s32 $0x108;
	s8 =	sld [smem:$0x3F92]  }
0x2e: {  	s3 =	simm.s32 @!p0 $0x1082;
	s9 =	sld [smem:$0x3F93]  }
0x2f: {  	lr =	sadd.s32 s0, s3;
	s0 =	sld [smem:$0x3F8A]  }
0x30: {  	s3 =	sld [smem:$0x3F8D]  }
0x31: {  	[smem:$0x3F96] =	sst s10  }
0x32: {  	s10 =	sld [smem:$0x3F94];
	_ =	sdelay $0x3  }
0x33: {  	p0 =	seq.s32 s10, $0x1;
	s10 =	sld [smem:$0x3F96];
	_ =	sdelay $0x3  }
0x34: {  	[smem:$0x3F96] =	sst s10  }
0x35: {  	s10 =	sld [smem:$0x3F95];
	_ =	sdelay $0x3  }
0x36: {  	p1 =	seq.s32 s10, $0x1;
	s10 =	sld [smem:$0x3F96];
	_ =	sdelay $0x3  }
0x37: {  	[smem:$0x3F96] =	sst s10  }
0x38: {  	s10 =	sld [smem:$0x3F97]  }
0x39: {  	_ = 	snop;
	(pc) =	sbr.ind lr, $3  }
0x3a: {  	_ = 	snop  }
0x3b: {  	_ = 	snop  }
0x3c: {  	p2 =	seq.s32 s10, $0x1;
	s10 =	sld [smem:$0x3F96]  }
0x3d: {  	_ =	shalt  }
0x3e: {  	_ =	shalt  }
0x3f: {  	_ =	shalt  }
0x40: {  	_ =	shalt  }
0x41: {  	_ =	shalt  }
0x42: {  	_ =	shalt  }
0x43: {  	_ =	shalt  }
0x44: {  	_ =	shalt  }
0x45: {  	_ =	shalt  }
0x46: {  	_ =	shalt  }
0x47: {  	_ =	shalt  }
0x48: {  	_ =	shalt  }
0x49: {  	_ =	shalt  }
0x4a: {  	_ =	shalt  }
0x4b: {  	_ =	shalt  }
0x4c: {  	_ =	shalt  }
0x4d: {  	_ =	shalt  }
0x4e: {  	_ =	shalt  }
0x4f: {  	_ =	shalt  }
0x50: {  	_ =	shalt  }
0x51: {  	_ =	shalt  }
0x52: {  	_ =	shalt  }
0x53: {  	_ =	shalt  }
0x54: {  	_ =	shalt  }
0x55: {  	_ =	shalt  }
0x56: {  	_ =	shalt  }
0x57: {  	_ =	shalt  }
0x58: {  	_ =	shalt  }
0x59: {  	_ =	shalt  }
0x5a: {  	_ =	shalt  }
0x5b: {  	_ =	shalt  }
0x5c: {  	_ =	shalt  }
0x5d: {  	_ =	shalt  }
0x5e: {  	_ =	shalt  }
0x5f: {  	_ =	shalt  }
0x60: {  	_ =	shalt  }
0x61: {  	_ =	shalt  }
0x62: {  	_ =	shalt  }
0x63: {  	_ =	shalt  }
0x64: {  	_ =	shalt  }
0x65: {  	_ =	shalt  }
0x66: {  	_ =	shalt  }
0x67: {  	_ =	shalt  }
0x68: {  	_ =	shalt  }
0x69: {  	_ =	shalt  }
0x6a: {  	_ =	shalt  }
0x6b: {  	_ =	shalt  }
0x6c: {  	_ =	shalt  }
0x6d: {  	_ =	shalt  }
0x6e: {  	_ =	shalt  }
0x6f: {  	_ =	shalt  }
0x70: {  	_ =	shalt  }
0x71: {  	_ =	shalt  }
0x72: {  	_ =	shalt  }
0x73: {  	_ =	shalt  }
0x74: {  	_ =	shalt  }
0x75: {  	_ =	shalt  }
0x76: {  	_ =	shalt  }
0x77: {  	_ =	shalt  }
0x78: {  	_ =	shalt  }
0x79: {  	_ =	shalt  }
0x7a: {  	_ =	shalt  }
0x7b: {  	_ =	shalt  }
0x7c: {  	_ =	shalt  }
0x7d: {  	_ =	shalt  }
0x7e: {  	_ =	shalt  }
0x7f: {  	_ =	shalt  }
0x80: {  	_ =	shalt  }
0x81: {  	_ =	shalt  }
0x82: {  	_ =	shalt  }
0x83: {  	_ =	shalt  }
0x84: {  	_ =	shalt  }
0x85: {  	_ =	shalt  }
0x86: {  	_ =	shalt  }
0x87: {  	_ =	shalt  }
.Lfunc_end0:
.L_simem_size_0:
called_computation.4_lowered:
.L_overlay_start_0:
0x88: {  	s2 =	sld [smem:$0x3FD9]  }
0x89: {  	s3 =	sld [smem:$0x3FFE];
	_ =	sdelay $0x1  }
0x8a: {  	s1 =	srdreg.scid  }
0x8b: {  	s0 =	sand.u32 $0x1, s1  }
0x8c: {  	s15 =	sshll.u32 s0, $0xA;
	s2 =	sadd.s32 s3, s2  }
0x8d: {  	s2 =	sadd.s32 s2, s15  }
0x8e: {  	[smem:$0x3FA2] =	sst s2  }
0x8f: {  	_ = 	snop  }
0x90: {  	s16 =	sld [smem:$0x3FD0];
	_ =	sdelay $0x2  }
0x91: {  	s4 =	simm.s32 $0xC;
	s5 =	simm.s32 $0x10;
	s2 =	sld [smem:$0x3FC6]  }
0x92: {  	[smem:s5], [sflag:s4] =	dma.local [hbm:s16], $0x1  }
0x93: {  	_ =	swait.eq [sflag:s4], $0x1  }
0x94: {  	[sflag:s4] =	ssyncset.done $0x0  }
0x95: {  	[sflag:s4] =	ssyncadd.s32 $0xFFFFFFFF  }
0x96: {  	s17 =	sld [smem:$0x11];
	(tm) =	ssettm $0x1  }
0x97: {  	s18 =	sld [smem:$0x3FFB];
	_ =	sdelay $0x3  }
0x98: {  	_ =	strace s18  }
0x99: {  	s3 =	sld [smem:$0x3FFC];
	_ =	sdelay $0x3  }
0x9a: {  	_ =	strace s3  }
0x9b: {  	s3 =	sld [smem:$0x3FFD];
	_ =	sdelay $0x3  }
0x9c: {  	_ =	strace s3  }
0x9d: {  	_ =	strace $0x8FFFFFFF  }
0x9e: {  	s19 =	sld [smem:$0x3FDB];
	_ =	sdelay $0x1  }
0x9f: {  	s20 =	simm.s32 $_scs_section_size  }
0xa0: {  	s6 =	simm.s32 $_size__tile_overlayer_lowered;
	s7 =	simm.s32 $_tile_overlayer_lowered  }
0xa1: {  	s8 =	simm.s32 $0x1BFF;
	s21 =	sshll.u32 s7, $0x1;
	s5 =	sadd.s32 s20, s19  }
0xa2: {  	s22 =	simm.s32 $0x0;
	s6 =	sshll.u32 s6, $0x1;
	s7 =	sadd.s32 s21, s5  }
0xa3: {  	[timem:s22], [sflag:s8] =	dma.local [hbm:s7], s6  }
0xa4: {  	_ =	swait.ge [sflag:s8], s6  }
0xa5: {  	s6 =	ssub.s32 $0x0, s6;
	[sflag:s8] =	ssyncset.done $0x0  }
0xa6: {  	[sflag:s8] =	ssyncadd.s32 s6;
	_ =	sdelay $0x1  }
0xa7: {  	s23 =	simm.s32 $0x1B8B  }
0xa8: {  	_ =	swait.ge [sflag:s23], $0x1  }
0xa9: {  	[sflag:s23] =	ssyncset.done $0x0  }
0xaa: {  	[sflag:s23] =	ssyncadd.s32 $0xFFFFFFFF  }
0xab: {  	s6 =	sld [smem:$0x0]  }
0xac: {  	s7 =	sand.u32 $0xFFFFFFFE, s1  }
0xad: {  	p0 =	sne.s32 s1, s7  }
0xae: {  	s7 =	sshll.u32 @p0 s7, $0xE  }
0xaf: {  	s7 =	sadd.s32 @p0 $0x11B8D, s7;
	s8 =	sshll.u32 @p0 s6, $0x11  }
0xb0: {  	s7 =	sor.u32 @p0 s8, s7  }
0xb1: {  	[sflag:s7] =	ssyncadd.remote.s32 @p0 $0x1;
	_ =	sdelay $0x1  }
0xb2: {  	s7 =	simm.s32 @p0 $0x1B8D  }
0xb3: {  	_ =	swait.eq @p0 [sflag:s7], $0x1  }
0xb4: {  	[sflag:s7] =	ssyncadd.s32 @p0 $0xFFFFFFFF  }
0xb5: {  	s8 =	sshll.u32 @!p0 s1, $0xE  }
0xb6: {  	s8 =	sor.u32 @!p0 $0x4000, s8;
	s7 =	simm.s32 @!p0 $0x1B8D  }
0xb7: {  	s6 =	sshll.u32 @!p0 s6, $0x11;
	s8 =	sadd.s32 @!p0 $0x11B8D, s8;
	_ =	swait.eq @!p0 [sflag:s7], $0x1  }
0xb8: {  	s6 =	sor.u32 @!p0 s6, s8;
	[sflag:s7] =	ssyncadd.s32 @!p0 $0xFFFFFFFF  }
0xb9: {  	s25 =	simm.s32 $0x1B8E;
	s24 =	sld [smem:$0x3FFE];
	[sflag:s6] =	ssyncadd.remote.s32 @!p0 $0x1  }
0xba: {  	s26 =	simm.s32 $execute0_lowered;
	[smem:$0x3FD2] =	sst s25  }
0xbb: {  	s7 =	sshll.u32 s26, $0x1;
	_ =	strace $0x80000055;
	[dreg:$0x1] =	wrdreg $0xFFFFFFFF  }
0xbc: {  	s28 =	simm.s32 $_size_execute0_lowered;
	s5 =	sadd.s32 s5, s7;
	[dreg:$0x0] =	wrdreg $0x0  }
0xbd: {  	s7 =	sshll.u32 s28, $0x1;
	[dreg:$0x2] =	wrdreg s5  }
0xbe: {  	[dreg:$0x3] =	wrdreg s7  }
0xbf: {  	[dreg:$0x4] =	wrdreg $0xC0  }
0xc0: {  	_ =	task [dreg:s22], $0x5FFFF  }
0xc1: {  	[dreg:$0x1] =	wrdreg $0xFFFFFFFF  }
0xc2: {  	[dreg:$0x0] =	wrdreg $0x60  }
0xc3: {  	[dreg:$0x2] =	wrdreg s17  }
0xc4: {  	[dreg:$0x3] =	wrdreg s2  }
0xc5: {  	[dreg:$0x4] =	wrdreg s24  }
0xc6: {  	[dreg:$0x5] =	wrdreg $0xA  }
0xc7: {  	_ =	task.clear_ibuf [dreg:s22], $0x6FFFF;
	_ =	strace $0x90000055  }
0xc8: {  	s29 =	simm.s32 $0xA;
	_ =	strace $0x80000057  }
0xc9: {  	_ =	swait.ge [sflag:s29], $0x1  }
0xca: {  	[sflag:s29] =	ssyncadd.s32 $0xFFFFFFFF  }
0xcb: {  	_ =	strace $0x90000057  }
0xcc: {  	_ =	sfence  }
0xcd: {  	s30 =	sld [smem:$0x0];
	_ =	sdelay $0x2  }
0xce: {  	s31 =	sshll.u32 s1, $0xD;
	s1 =	sshrl.u32 s1, $0x2  }
0xcf: {  	s4 =	sand.u32 $0x4000, s31;
	s1 =	sadd.s32 s1, s30  }
0xd0: {  	s0 =	sor.u32 s4, s0;
	s1 =	sshll.u32 s1, $0x11  }
0xd1: {  	s0 =	sor.u32 s1, s0  }
0xd2: {  	s0 =	sadd.s32 $0x8F2B, s0  }
0xd3: {  	[sflag:s0] =	ssyncadd.remote.s32 $0x1  }
0xd4: {  	_ =	sfence.sel $0xFFFF  }
0xd5: {  	[dreg:$0x0] =	wrdreg $0xFFFFFFFF;
	(pc) =	sbr.abs _section_cstart, $3  }
0xd6: {  	[dreg:$0x1] =	wrdreg $0xFFFFFFFF  }
0xd7: {  	_ =	task.clear_ibuf [dreg:s22], $0x2FFFF;
	_ =	strace $0x9FFFFFFF  }
0xd8: {  	(tm) =	ssettm $0x7FFFFFFF  }
0xd9: {  	_ =	shalt  }
tec
execute0_lowered:
.L_overlay_start_1:
0x0: {  	(tag) =	ssettag $0x1  }
0x1: {  	s2 =	rddreg [dreg:$0x0]  }
0x2: {  	s6 =	rddreg [dreg:$0x1]  }
0x3: {  	s4 =	rddreg [dreg:$0x2]  }
0x4: {  	s0 =	rddreg [dreg:$0x3]  }
0x5: {  	s1 =	stileid.u32;
	s7 =	srdreg.scid  }
0x6: {  	s3 =	simm.s32 $0x0;
	s11 =	simm.s32 $0xA0;
	s12 =	simm.s32 $0x2990  }
0x7: {  	s13 =	simm.s32 $0xF0;
	s14 =	simm.s32 $0x3D90;
	s15 =	simm.s32 $0x140  }
0x8: {  	s16 =	simm.s32 $0x5190;
	s17 =	simm.s32 $0x1;
	s5 =	smul.u32 $0x27100, s1  }
0x9: {  	s18 =	simm.s32 $0x0;
	s7 =	sand.u32 $0x1, s7;
	s8 =	smul.u32 $0x4E20, s1  }
0xa: {  	[smem:$0x7FF] =	sst s3;
	s9 =	smul.u32 $0x2710, s7;
	s10 =	ssub.s32 $0x2, s7  }
0xb: {  	_ =	strace $0x80000056;
	s7 =	smul.u32 $0x13880, s7;
	s31 =	sshrl.u32 s10, $0x1  }
0xc: {  	s4 =	sadd.s32 s5, s4;
	s8 =	sadd.s32 s9, s8;
	s5 =	ssub.s32 s10, s31  }
0xd: {  	s7 =	sadd.s32 s7, s4;
	s9 =	simm.s32 $0x190;
	s10 =	simm.s32 $0x1590  }
0xe: {  	s8 =	sshrl.u32 s8, $0x3;
	s4 =	smax.u32 s5, $0x1;
	s5 =	sadd.s32 $0xCB200, s7  }
0xf: {  	s7 =	simm.s32 $0x2;
	s6 =	sadd.s32 s8, s6;
	s8 =	simm.s32 $0x50  }
.LBB2_1:
0x10: {  	s19 =	sadd.s32 $0x0, s6  }
0x11: {  	[tilespmem:s3], [sflag:$0x2] =	stream.linear.gather [hbm4b:s19+s3], $0x190, $0x38;
	[tilespmem:$0x6590] =	vst v63  }
0x12: {  	_ =	swait.ge [sflag:s7], $0x190  }
0x13: {  	[sflag:s7] =	ssyncset.done $0x0  }
0x14: {  	[sflag:s7] =	ssyncadd.s32 $0xFFFFFE70  }
0x15: {  	[tilespmem:s9], [sflag:$0x1] =	stream.indirect.gather [hbm4b:s2+s8], $0x40, s3, s8, $0xb8;
	[tilespmem:$0x6590] =	vst v63  }
0x16: {  	_ = 	snop  }
0x17: {  	[tilespmem:s10], [sflag:$0x1] =	stream.indirect.gather [hbm4b:s2+s8], $0x40, s8, s8, $0xb8;
	[tilespmem:$0x6590] =	vst v63  }
0x18: {  	_ = 	snop  }
0x19: {  	[tilespmem:s12], [sflag:$0x1] =	stream.indirect.gather [hbm4b:s2+s8], $0x40, s11, s8, $0xb8;
	[tilespmem:$0x6590] =	vst v63  }
0x1a: {  	_ = 	snop  }
0x1b: {  	[tilespmem:s14], [sflag:$0x1] =	stream.indirect.gather [hbm4b:s2+s8], $0x40, s13, s8, $0xb8;
	[tilespmem:$0x6590] =	vst v63  }
0x1c: {  	_ = 	snop  }
0x1d: {  	[tilespmem:s16], [sflag:$0x1] =	stream.indirect.gather [hbm4b:s2+s8], $0x40, s15, s8, $0xb8;
	[tilespmem:$0x6590] =	vst v63  }
0x1e: {  	_ =	swait.ge [sflag:s17], $0x1400  }
0x1f: {  	[sflag:s17] =	ssyncset.done $0x0  }
0x20: {  	[sflag:s17] =	ssyncadd.s32 $0xFFFFEC00  }
0x21: {  	_ =	swait.ge [sflag:s17], $0x1400  }
0x22: {  	[sflag:s17] =	ssyncset.done $0x0  }
0x23: {  	[sflag:s17] =	ssyncadd.s32 $0xFFFFEC00  }
0x24: {  	_ =	swait.ge [sflag:s17], $0x1400  }
0x25: {  	[sflag:s17] =	ssyncset.done $0x0  }
0x26: {  	[sflag:s17] =	ssyncadd.s32 $0xFFFFEC00  }
0x27: {  	_ =	swait.ge [sflag:s17], $0x1400  }
0x28: {  	[sflag:s17] =	ssyncset.done $0x0  }
0x29: {  	[sflag:s17] =	ssyncadd.s32 $0xFFFFEC00  }
0x2a: {  	_ =	swait.ge [sflag:s17], $0x1400  }
0x2b: {  	[sflag:s17] =	ssyncset.done $0x0  }
0x2c: {  	[sflag:s17] =	ssyncadd.s32 $0xFFFFEC00  }
0x2d: {  	[hbm4b:s5+s3] =	stream.linear.scatter [tilespmem:s9], [sflag:$0x2], $0x6400, $0x38;
	[tilespmem:$0x6590] =	vst v63  }
0x2e: {  	s20 =	simm.s32 $0x32;
	_ =	swait.ge [sflag:s7], $0x6400  }
0x2f: {  	s21 =	simm.s32 $0x64;
	s19 =	sadd.s32 $0xC80, s5;
	[sflag:s7] =	ssyncset.done $0x0  }
.LBB2_2:
0x30: {  	s22 =	sadd.s32 s20, s6  }
0x31: {  	[sflag:s7] =	ssyncadd.s32 $0xFFFF9C00;
	s20 =	smov.u32 s21;
	s23 =	sadd.s32 $0x32, s21  }
0x32: {  	[tilespmem:s3], [sflag:$0x2] =	stream.linear.gather [hbm4b:s22+s3], $0x190, $0x38;
	[tilespmem:$0x6590] =	vst v63  }
0x33: {  	p0 =	sne.s32 s21, $0x4B0;
	_ =	swait.ge [sflag:s7], $0x190  }
0x34: {  	[sflag:s7] =	ssyncset.done $0x0  }
0x35: {  	[sflag:s7] =	ssyncadd.s32 $0xFFFFFE70  }
0x36: {  	[tilespmem:s9], [sflag:$0x1] =	stream.indirect.gather [hbm4b:s2+s8], $0x40, s3, s8, $0xb8;
	[tilespmem:$0x6590] =	vst v63  }
0x37: {  	_ = 	snop  }
0x38: {  	[tilespmem:s10], [sflag:$0x1] =	stream.indirect.gather [hbm4b:s2+s8], $0x40, s8, s8, $0xb8;
	[tilespmem:$0x6590] =	vst v63  }
0x39: {  	_ = 	snop  }
0x3a: {  	[tilespmem:s12], [sflag:$0x1] =	stream.indirect.gather [hbm4b:s2+s8], $0x40, s11, s8, $0xb8;
	[tilespmem:$0x6590] =	vst v63  }
0x3b: {  	_ = 	snop  }
0x3c: {  	[tilespmem:s14], [sflag:$0x1] =	stream.indirect.gather [hbm4b:s2+s8], $0x40, s13, s8, $0xb8;
	[tilespmem:$0x6590] =	vst v63  }
0x3d: {  	_ = 	snop  }
0x3e: {  	[tilespmem:s16], [sflag:$0x1] =	stream.indirect.gather [hbm4b:s2+s8], $0x40, s15, s8, $0xb8;
	[tilespmem:$0x6590] =	vst v63  }
0x3f: {  	_ =	swait.ge [sflag:s17], $0x1400  }
0x40: {  	[sflag:s17] =	ssyncset.done $0x0  }
0x41: {  	[sflag:s17] =	ssyncadd.s32 $0xFFFFEC00  }
0x42: {  	_ =	swait.ge [sflag:s17], $0x1400  }
0x43: {  	[sflag:s17] =	ssyncset.done $0x0  }
0x44: {  	[sflag:s17] =	ssyncadd.s32 $0xFFFFEC00  }
0x45: {  	_ =	swait.ge [sflag:s17], $0x1400  }
0x46: {  	[sflag:s17] =	ssyncset.done $0x0  }
0x47: {  	[sflag:s17] =	ssyncadd.s32 $0xFFFFEC00  }
0x48: {  	_ =	swait.ge [sflag:s17], $0x1400  }
0x49: {  	[sflag:s17] =	ssyncset.done $0x0  }
0x4a: {  	[sflag:s17] =	ssyncadd.s32 $0xFFFFEC00  }
0x4b: {  	_ =	swait.ge [sflag:s17], $0x1400  }
.Ltmp0:
0x4c: {  	[sflag:s17] =	ssyncset.done $0x0;
	(pc) =	sbr.rel @p0 .LBB2_2-.Ltmp0, $4  }
0x4d: {  	[sflag:s17] =	ssyncadd.s32 $0xFFFFEC00  }
0x4e: {  	[hbm4b:s19+s3] =	stream.linear.scatter [tilespmem:s9], [sflag:$0x2], $0x6400, $0x38;
	[tilespmem:$0x6590] =	vst v63  }
0x4f: {  	_ =	swait.ge [sflag:s7], $0x6400  }
0x50: {  	s21 =	smov.u32 s23;
	s19 =	sadd.s32 $0xC80, s19;
	[sflag:s7] =	ssyncset.done $0x0  }
0x51: {  	s20 =	sadd.s32 s20, s6;
	[sflag:s7] =	ssyncadd.s32 $0xFFFF9C00  }
0x52: {  	[tilespmem:s3], [sflag:$0x2] =	stream.linear.gather [hbm4b:s20+s3], $0x190, $0x38;
	[tilespmem:$0x6590] =	vst v63  }
0x53: {  	_ =	swait.ge [sflag:s7], $0x190  }
0x54: {  	[sflag:s7] =	ssyncset.done $0x0  }
0x55: {  	[sflag:s7] =	ssyncadd.s32 $0xFFFFFE70  }
0x56: {  	[tilespmem:s9], [sflag:$0x1] =	stream.indirect.gather [hbm4b:s2+s8], $0x40, s3, s8, $0xb8;
	[tilespmem:$0x6590] =	vst v63  }
0x57: {  	_ = 	snop  }
0x58: {  	[tilespmem:s10], [sflag:$0x1] =	stream.indirect.gather [hbm4b:s2+s8], $0x40, s8, s8, $0xb8;
	[tilespmem:$0x6590] =	vst v63  }
0x59: {  	_ = 	snop  }
0x5a: {  	[tilespmem:s12], [sflag:$0x1] =	stream.indirect.gather [hbm4b:s2+s8], $0x40, s11, s8, $0xb8;
	[tilespmem:$0x6590] =	vst v63  }
0x5b: {  	_ = 	snop  }
0x5c: {  	[tilespmem:s14], [sflag:$0x1] =	stream.indirect.gather [hbm4b:s2+s8], $0x40, s13, s8, $0xb8;
	[tilespmem:$0x6590] =	vst v63  }
0x5d: {  	_ = 	snop  }
0x5e: {  	[tilespmem:s16], [sflag:$0x1] =	stream.indirect.gather [hbm4b:s2+s8], $0x40, s15, s8, $0xb8;
	[tilespmem:$0x6590] =	vst v63  }
0x5f: {  	_ =	swait.ge [sflag:s17], $0x1400  }
0x60: {  	[sflag:s17] =	ssyncset.done $0x0  }
0x61: {  	[sflag:s17] =	ssyncadd.s32 $0xFFFFEC00  }
0x62: {  	_ =	swait.ge [sflag:s17], $0x1400  }
0x63: {  	[sflag:s17] =	ssyncset.done $0x0  }
0x64: {  	[sflag:s17] =	ssyncadd.s32 $0xFFFFEC00  }
0x65: {  	_ =	swait.ge [sflag:s17], $0x1400  }
0x66: {  	[sflag:s17] =	ssyncset.done $0x0  }
0x67: {  	[sflag:s17] =	ssyncadd.s32 $0xFFFFEC00  }
0x68: {  	_ =	swait.ge [sflag:s17], $0x1400  }
0x69: {  	[sflag:s17] =	ssyncset.done $0x0  }
0x6a: {  	[sflag:s17] =	ssyncadd.s32 $0xFFFFEC00  }
0x6b: {  	s18 =	sadd.s32 $0x1, s18;
	_ =	swait.ge [sflag:s17], $0x1400  }
0x6c: {  	p0 =	sne.s32 s18, s4;
	[sflag:s17] =	ssyncset.done $0x0  }
.Ltmp1:
0x6d: {  	[sflag:s17] =	ssyncadd.s32 $0xFFFFEC00;
	(pc) =	sbr.rel @p0 .LBB2_1-.Ltmp1, $4  }
0x6e: {  	[hbm4b:s19+s3] =	stream.linear.scatter [tilespmem:s9], [sflag:$0x2], $0x6400, $0x38;
	[tilespmem:$0x6590] =	vst v63  }
0x6f: {  	_ =	swait.ge [sflag:s7], $0x6400  }
0x70: {  	[sflag:s7] =	ssyncset.done $0x0  }
0x71: {  	[sflag:s7] =	ssyncadd.s32 $0xFFFF9C00  }
0x72: {  	_ =	sfence.sel $0x180000  }
0x73: {  	[bflag:$0x0] =	sbarrier.arrive $0xFFFF  }
0x74: {  	p0 =	sne.s32 s1, $0x0;
	_ =	strace $0x90000056  }
0x75: {  	s0 =	sadd.s32 @!p0 $0x100000, s0;
	[bflag:$0x2] =	sbarrier.arrive $0xFFFF  }
0x76: {  	[sflag:s0] =	ssyncadd.tile.s32 @!p0 $0x1;
	_ =	shalt  }
.Lfunc_end2:
_tile_overlayer_lowered:
.L_overlay_start_2:
0x77: {  	(tag) =	ssettag $0x2  }
0x78: {  	s0 =	rddreg [dreg:$0x0];
	s2 =	stileid.u32  }
0x79: {  	s1 =	rddreg [dreg:$0x1];
	p0 =	sne.s32 s2, $0x0  }
0x7a: {  	s3 =	rddreg [dreg:$0x2];
	[bflag:$0x3] =	sbarrier.arrive $0xFFFF;
	s2 =	simm.s32 @!p0 $0x1C02  }
0x7b: {  	[timem:s3], [sflag:s2] =	dma.local @!p0 [hbm:s0], s1  }
0x7c: {  	s0 =	simm.s32 @!p0 $0x2  }
0x7d: {  	_ =	swait.ge @!p0 [sflag:s0], s1  }
0x7e: {  	s1 =	ssub.s32 @!p0 $0x0, s1;
	[sflag:s0] =	ssyncset.done @!p0 $0x0  }
0x7f: {  	[sflag:s0] =	ssyncadd.s32 @!p0 s1  }
0x80: {  	[bflag:$0x3] =	sbarrier.arrive $0xFFFF  }
0x81: {  	_ =	shalt  }

// kernel: kernel.35.cloned.1.call-start
scs
__scs_entry_jumppad:
0x0: {  	(pc) =	sbr.rel $0x88, $3  }
0x1: {  	(tag) =	ssettag $0x0;
	lr =	simm.s32 $0x1  }
0x2: {  	[smem:$0x3F7B] =	sst lr;
	_ =	strace $0xD0000000  }
0x3: {  	_ = 	snop  }
0x4: {  	_ = 	snop  }
0x5: {  	_ = 	snop  }
0x6: {  	_ = 	snop  }
0x7: {  	_ = 	snop  }
__scs_overlays_trampoline_lowered:
0x8: {  	[smem:$0x3F8A] =	sst s0  }
0x9: {  	[smem:$0x3F8B] =	sst s1  }
0xa: {  	[smem:$0x3F8C] =	sst s2  }
0xb: {  	[smem:$0x3F8D] =	sst s3  }
0xc: {  	[smem:$0x3F8E] =	sst s4  }
0xd: {  	[smem:$0x3F8F] =	sst s5  }
0xe: {  	[smem:$0x3F90] =	sst s6  }
0xf: {  	[smem:$0x3F91] =	sst s7  }
0x10: {  	[smem:$0x3F92] =	sst s8  }
0x11: {  	[smem:$0x3F93] =	sst s9;
	s0 =	simm.s32 @!p0 $0x0  }
0x12: {  	s1 =	sld [smem:$0x3F79];
	s0 =	simm.s32 @p0 $0x1  }
0x13: {  	[smem:$0x3F94] =	sst s0;
	s0 =	simm.s32 @!p1 $0x0  }
0x14: {  	s2 =	sld [smem:$0x3F78];
	s0 =	simm.s32 @p1 $0x1  }
0x15: {  	[smem:$0x3F95] =	sst s0;
	s0 =	simm.s32 @!p2 $0x0  }
0x16: {  	s3 =	sld [smem:$0x3FDB];
	s0 =	simm.s32 @p2 $0x1  }
0x17: {  	s4 =	simm.s32 $0x1BF5;
	[smem:$0x3F97] =	sst s0  }
0x18: {  	s0 =	sld [smem:$0x3F7A];
	_ =	swait.ge [sflag:s4], $0x0  }
0x19: {  	s7 =	sld [smem:$0x3F7B]  }
0x1a: {  	s8 =	sadd.s32 $0xFFFFE003, lr  }
0x1b: {  	s9 =	sadd.s32 $0xFFFFFEF7, lr;
	s5 =	simm.s32 $0xFFFFFFFF;
	p2 =	slt.u32 s8, $0xFFFFF086  }
0x1c: {  	p1 =	slt.u32 s9, $0xF7A;
	s5 =	simm.s32 @!p2 $0x0  }
0x1d: {  	s5 =	simm.s32 @p1 $0x1;
	p0 =	seq.s32 s7, s2  }
0x1e: {  	s7 =	smul.u32 @!p0 $0xF7A, s2;
	p2 =	seq.s32 @!p0 s5, $0x0  }
0x1f: {  	s9 =	smul.u32 $0xF7A, s1;
	s8 =	simm.s32 @!p0 $0x1BF5;
	p2 =	por !p2, p0  }
0x20: {  	[sflag:s8] =	ssyncset.s32 @!p0 $0xFFFFF086;
	s6 =	sadd.s32 @!p0 s3, s7;
	s7 =	simm.s32 @!p0 $0x108  }
0x21: {  	s3 =	sadd.s32 s3, s9;
	s6 =	sadd.s32 @!p0 $0x88, s6;
	s7 =	simm.s32 @p2 $0x1082  }
0x22: {  	[simem:s7], [sflag:s8] =	dma.local @!p0 [hbm:s6], $0xF7A  }
0x23: {  	s9 =	sor.u32 $0xD0000000, s2;
	s6 =	simm.s32 $0x108;
	_ =	swait.ge @!p0 [sflag:s8], $0x0  }
0x24: {  	s3 =	sadd.s32 $0x88, s3;
	s6 =	simm.s32 @!p1 $0x1082;
	[sflag:s4] =	ssyncset.s32 $0xFFFFF086  }
0x25: {  	[simem:s6], [sflag:s4] =	dma.local [hbm:s3], $0xF7A  }
0x26: {  	[smem:$0x3F7B] =	sst s1;
	(tag) =	ssettag s2;
	_ =	strace s9  }
0x27: {  	s1 =	sld [smem:$0x3F8B]  }
0x28: {  	s2 =	sld [smem:$0x3F8C]  }
0x29: {  	s4 =	sld [smem:$0x3F8E]  }
0x2a: {  	p0 =	seq.s32 s5, $0x0;
	s5 =	sld [smem:$0x3F8F]  }
0x2b: {  	s6 =	sld [smem:$0x3F90]  }
0x2c: {  	s7 =	sld [smem:$0x3F91]  }
0x2d: {  	s3 =	simm.s32 $0x108;
	s8 =	sld [smem:$0x3F92]  }
0x2e: {  	s3 =	simm.s32 @!p0 $0x1082;
	s9 =	sld [smem:$0x3F93]  }
0x2f: {  	lr =	sadd.s32 s0, s3;
	s0 =	sld [smem:$0x3F8A]  }
0x30: {  	s3 =	sld [smem:$0x3F8D]  }
0x31: {  	[smem:$0x3F96] =	sst s10  }
0x32: {  	s10 =	sld [smem:$0x3F94];
	_ =	sdelay $0x3  }
0x33: {  	p0 =	seq.s32 s10, $0x1;
	s10 =	sld [smem:$0x3F96];
	_ =	sdelay $0x3  }
0x34: {  	[smem:$0x3F96] =	sst s10  }
0x35: {  	s10 =	sld [smem:$0x3F95];
	_ =	sdelay $0x3  }
0x36: {  	p1 =	seq.s32 s10, $0x1;
	s10 =	sld [smem:$0x3F96];
	_ =	sdelay $0x3  }
0x37: {  	[smem:$0x3F96] =	sst s10  }
0x38: {  	s10 =	sld [smem:$0x3F97]  }
0x39: {  	_ = 	snop;
	(pc) =	sbr.ind lr, $3  }
0x3a: {  	_ = 	snop  }
0x3b: {  	_ = 	snop  }
0x3c: {  	p2 =	seq.s32 s10, $0x1;
	s10 =	sld [smem:$0x3F96]  }
0x3d: {  	_ =	shalt  }
0x3e: {  	_ =	shalt  }
0x3f: {  	_ =	shalt  }
0x40: {  	_ =	shalt  }
0x41: {  	_ =	shalt  }
0x42: {  	_ =	shalt  }
0x43: {  	_ =	shalt  }
0x44: {  	_ =	shalt  }
0x45: {  	_ =	shalt  }
0x46: {  	_ =	shalt  }
0x47: {  	_ =	shalt  }
0x48: {  	_ =	shalt  }
0x49: {  	_ =	shalt  }
0x4a: {  	_ =	shalt  }
0x4b: {  	_ =	shalt  }
0x4c: {  	_ =	shalt  }
0x4d: {  	_ =	shalt  }
0x4e: {  	_ =	shalt  }
0x4f: {  	_ =	shalt  }
0x50: {  	_ =	shalt  }
0x51: {  	_ =	shalt  }
0x52: {  	_ =	shalt  }
0x53: {  	_ =	shalt  }
0x54: {  	_ =	shalt  }
0x55: {  	_ =	shalt  }
0x56: {  	_ =	shalt  }
0x57: {  	_ =	shalt  }
0x58: {  	_ =	shalt  }
0x59: {  	_ =	shalt  }
0x5a: {  	_ =	shalt  }
0x5b: {  	_ =	shalt  }
0x5c: {  	_ =	shalt  }
0x5d: {  	_ =	shalt  }
0x5e: {  	_ =	shalt  }
0x5f: {  	_ =	shalt  }
0x60: {  	_ =	shalt  }
0x61: {  	_ =	shalt  }
0x62: {  	_ =	shalt  }
0x63: {  	_ =	shalt  }
0x64: {  	_ =	shalt  }
0x65: {  	_ =	shalt  }
0x66: {  	_ =	shalt  }
0x67: {  	_ =	shalt  }
0x68: {  	_ =	shalt  }
0x69: {  	_ =	shalt  }
0x6a: {  	_ =	shalt  }
0x6b: {  	_ =	shalt  }
0x6c: {  	_ =	shalt  }
0x6d: {  	_ =	shalt  }
0x6e: {  	_ =	shalt  }
0x6f: {  	_ =	shalt  }
0x70: {  	_ =	shalt  }
0x71: {  	_ =	shalt  }
0x72: {  	_ =	shalt  }
0x73: {  	_ =	shalt  }
0x74: {  	_ =	shalt  }
0x75: {  	_ =	shalt  }
0x76: {  	_ =	shalt  }
0x77: {  	_ =	shalt  }
0x78: {  	_ =	shalt  }
0x79: {  	_ =	shalt  }
0x7a: {  	_ =	shalt  }
0x7b: {  	_ =	shalt  }
0x7c: {  	_ =	shalt  }
0x7d: {  	_ =	shalt  }
0x7e: {  	_ =	shalt  }
0x7f: {  	_ =	shalt  }
0x80: {  	_ =	shalt  }
0x81: {  	_ =	shalt  }
0x82: {  	_ =	shalt  }
0x83: {  	_ =	shalt  }
0x84: {  	_ =	shalt  }
0x85: {  	_ =	shalt  }
0x86: {  	_ =	shalt  }
0x87: {  	_ =	shalt  }
.Lfunc_end0:
.L_simem_size_0:
called_computation.5_lowered:
.L_overlay_start_0:
0x88: {  	s2 =	sld [smem:$0x3FD9]  }
0x89: {  	s3 =	sld [smem:$0x3FFE];
	_ =	sdelay $0x1  }
0x8a: {  	s1 =	srdreg.scid  }
0x8b: {  	s0 =	sand.u32 $0x1, s1  }
0x8c: {  	s17 =	sshll.u32 s0, $0xA;
	s2 =	sadd.s32 s3, s2  }
0x8d: {  	s2 =	sadd.s32 s2, s17  }
0x8e: {  	[smem:$0x3FA2] =	sst s2  }
0x8f: {  	_ = 	snop  }
0x90: {  	s18 =	sld [smem:$0x3FC7];
	(tm) =	ssettm $0x1  }
0x91: {  	s19 =	sld [smem:$0x3FFB];
	_ =	sdelay $0x3  }
0x92: {  	_ =	strace s19  }
0x93: {  	s2 =	sld [smem:$0x3FFC];
	_ =	sdelay $0x3  }
0x94: {  	_ =	strace s2  }
0x95: {  	s2 =	sld [smem:$0x3FFD];
	_ =	sdelay $0x3  }
0x96: {  	_ =	strace s2  }
0x97: {  	_ =	strace $0x8FFFFFFF  }
0x98: {  	s20 =	sld [smem:$0x3FDB];
	_ =	sdelay $0x1  }
0x99: {  	s4 =	simm.s32 $_scs_section_size  }
0x9a: {  	s5 =	simm.s32 $_size__tile_overlayer_lowered;
	s6 =	simm.s32 $_tile_overlayer_lowered  }
0x9b: {  	s7 =	simm.s32 $0x1BFF;
	s21 =	sshll.u32 s6, $0x1;
	s4 =	sadd.s32 s4, s20  }
0x9c: {  	s22 =	simm.s32 $0x0;
	s5 =	sshll.u32 s5, $0x1;
	s6 =	sadd.s32 s21, s4  }
0x9d: {  	[timem:s22], [sflag:s7] =	dma.local [hbm:s6], s5  }
0x9e: {  	_ =	swait.ge [sflag:s7], s5  }
0x9f: {  	s5 =	ssub.s32 $0x0, s5;
	[sflag:s7] =	ssyncset.done $0x0  }
0xa0: {  	[sflag:s7] =	ssyncadd.s32 s5;
	_ =	sdelay $0x1  }
0xa1: {  	s23 =	simm.s32 $0x1B8B  }
0xa2: {  	_ =	swait.ge [sflag:s23], $0x1  }
0xa3: {  	[sflag:s23] =	ssyncset.done $0x0  }
0xa4: {  	[sflag:s23] =	ssyncadd.s32 $0xFFFFFFFF  }
0xa5: {  	s5 =	sld [smem:$0x0]  }
0xa6: {  	s6 =	sand.u32 $0xFFFFFFFE, s1  }
0xa7: {  	p0 =	sne.s32 s1, s6  }
0xa8: {  	s6 =	sshll.u32 @p0 s6, $0xE  }
0xa9: {  	s6 =	sadd.s32 @p0 $0x11B8D, s6;
	s7 =	sshll.u32 @p0 s5, $0x11  }
0xaa: {  	s6 =	sor.u32 @p0 s7, s6  }
0xab: {  	[sflag:s6] =	ssyncadd.remote.s32 @p0 $0x1;
	_ =	sdelay $0x1  }
0xac: {  	s6 =	simm.s32 @p0 $0x1B8D  }
0xad: {  	_ =	swait.eq @p0 [sflag:s6], $0x1  }
0xae: {  	[sflag:s6] =	ssyncadd.s32 @p0 $0xFFFFFFFF  }
0xaf: {  	s7 =	sshll.u32 @!p0 s1, $0xE  }
0xb0: {  	s7 =	sor.u32 @!p0 $0x4000, s7;
	s6 =	simm.s32 @!p0 $0x1B8D  }
0xb1: {  	s5 =	sshll.u32 @!p0 s5, $0x11;
	s7 =	sadd.s32 @!p0 $0x11B8D, s7;
	_ =	swait.eq @!p0 [sflag:s6], $0x1  }
0xb2: {  	s5 =	sor.u32 @!p0 s5, s7;
	[sflag:s6] =	ssyncadd.s32 @!p0 $0xFFFFFFFF  }
0xb3: {  	s25 =	simm.s32 $0x1B8E;
	s24 =	sld [smem:$0x3FFE];
	[sflag:s5] =	ssyncadd.remote.s32 @!p0 $0x1  }
0xb4: {  	s26 =	simm.s32 $execute0_lowered;
	[smem:$0x3FD2] =	sst s25  }
0xb5: {  	s6 =	sshll.u32 s26, $0x1;
	_ =	strace $0x80000052;
	[dreg:$0x1] =	wrdreg $0xFFFFFFFF  }
0xb6: {  	s28 =	simm.s32 $_size_execute0_lowered;
	s4 =	sadd.s32 s4, s6;
	[dreg:$0x0] =	wrdreg $0x0  }
0xb7: {  	s6 =	sshll.u32 s28, $0x1;
	[dreg:$0x2] =	wrdreg s4  }
0xb8: {  	[dreg:$0x3] =	wrdreg s6  }
0xb9: {  	[dreg:$0x4] =	wrdreg $0xC0  }
0xba: {  	_ =	task [dreg:s22], $0x5FFFF  }
0xbb: {  	[dreg:$0x1] =	wrdreg $0xFFFFFFFF  }
0xbc: {  	[dreg:$0x0] =	wrdreg $0x60  }
0xbd: {  	[dreg:$0x2] =	wrdreg s24  }
0xbe: {  	[dreg:$0x3] =	wrdreg s18  }
0xbf: {  	[dreg:$0x4] =	wrdreg $0x9  }
0xc0: {  	_ =	task.clear_ibuf [dreg:s22], $0x5FFFF;
	_ =	strace $0x90000052  }
0xc1: {  	s29 =	simm.s32 $0x9;
	_ =	strace $0x80000054  }
0xc2: {  	_ =	swait.ge [sflag:s29], $0x1  }
0xc3: {  	[sflag:s29] =	ssyncadd.s32 $0xFFFFFFFF  }
0xc4: {  	_ =	strace $0x90000054  }
0xc5: {  	_ =	sfence  }
0xc6: {  	s30 =	sld [smem:$0x0];
	_ =	sdelay $0x2  }
0xc7: {  	s31 =	sshll.u32 s1, $0xD;
	s1 =	sshrl.u32 s1, $0x2  }
0xc8: {  	s4 =	sand.u32 $0x4000, s31;
	s1 =	sadd.s32 s1, s30  }
0xc9: {  	s0 =	sor.u32 s4, s0;
	s1 =	sshll.u32 s1, $0x11  }
0xca: {  	s0 =	sor.u32 s1, s0  }
0xcb: {  	s0 =	sadd.s32 $0x8F2B, s0  }
0xcc: {  	[sflag:s0] =	ssyncadd.remote.s32 $0x1  }
0xcd: {  	_ =	sfence.sel $0xFFFF  }
0xce: {  	[dreg:$0x0] =	wrdreg $0xFFFFFFFF;
	(pc) =	sbr.abs _section_cstart, $3  }
0xcf: {  	[dreg:$0x1] =	wrdreg $0xFFFFFFFF  }
0xd0: {  	_ =	task.clear_ibuf [dreg:s22], $0x2FFFF;
	_ =	strace $0x9FFFFFFF  }
0xd1: {  	(tm) =	ssettm $0x7FFFFFFF  }
tec
execute0_lowered:
.L_overlay_start_1:
0x0: {  	(tag) =	ssettag $0x1  }
0x1: {  	s4 =	rddreg [dreg:$0x0]  }
0x2: {  	s6 =	rddreg [dreg:$0x1]  }
0x3: {  	s0 =	rddreg [dreg:$0x2]  }
0x4: {  	s1 =	stileid.u32;
	s2 =	simm.s32 $0x0;
	s3 =	srdreg.scid  }
0x5: {  	s11 =	simm.s32 $0xA0;
	s12 =	simm.s32 $0x2990;
	s13 =	simm.s32 $0xF0  }
0x6: {  	s14 =	simm.s32 $0x3D90;
	s15 =	simm.s32 $0x140;
	s16 =	simm.s32 $0x5190  }
0x7: {  	s17 =	simm.s32 $0x1;
	s18 =	simm.s32 $0x0;
	s5 =	smul.u32 $0x27100, s1  }
0x8: {  	[smem:$0x7FF] =	sst s2;
	s7 =	sand.u32 $0x1, s3;
	s8 =	smul.u32 $0x4E20, s1  }
0x9: {  	s3 =	sadd.s32 $0x7A00, s4;
	s9 =	smul.u32 $0x2710, s7;
	s10 =	ssub.s32 $0x2, s7  }
0xa: {  	_ =	strace $0x80000053;
	s7 =	smul.u32 $0x13880, s7;
	s31 =	sshrl.u32 s10, $0x1  }
0xb: {  	s4 =	sadd.s32 s5, s4;
	s8 =	sadd.s32 s9, s8;
	s5 =	ssub.s32 s10, s31  }
0xc: {  	s7 =	sadd.s32 s7, s4;
	s9 =	simm.s32 $0x190;
	s10 =	simm.s32 $0x1590  }
0xd: {  	s8 =	sshrl.u32 s8, $0x3;
	s4 =	smax.u32 s5, $0x1;
	s5 =	sadd.s32 $0x86C400, s7  }
0xe: {  	s7 =	simm.s32 $0x2;
	s6 =	sadd.s32 s8, s6;
	s8 =	simm.s32 $0x50  }
.LBB2_1:
0xf: {  	s19 =	sadd.s32 $0x0, s6  }
0x10: {  	[tilespmem:s2], [sflag:$0x2] =	stream.linear.gather [hbm4b:s19+s2], $0x190, $0x38;
	[tilespmem:$0x6590] =	vst v63  }
0x11: {  	_ =	swait.ge [sflag:s7], $0x190  }
0x12: {  	[sflag:s7] =	ssyncset.done $0x0  }
0x13: {  	[sflag:s7] =	ssyncadd.s32 $0xFFFFFE70  }
0x14: {  	[tilespmem:s9], [sflag:$0x1] =	stream.indirect.gather [hbm4b:s3+s8], $0x40, s2, s8, $0xb8;
	[tilespmem:$0x6590] =	vst v63  }
0x15: {  	_ = 	snop  }
0x16: {  	[tilespmem:s10], [sflag:$0x1] =	stream.indirect.gather [hbm4b:s3+s8], $0x40, s8, s8, $0xb8;
	[tilespmem:$0x6590] =	vst v63  }
0x17: {  	_ = 	snop  }
0x18: {  	[tilespmem:s12], [sflag:$0x1] =	stream.indirect.gather [hbm4b:s3+s8], $0x40, s11, s8, $0xb8;
	[tilespmem:$0x6590] =	vst v63  }
0x19: {  	_ = 	snop  }
0x1a: {  	[tilespmem:s14], [sflag:$0x1] =	stream.indirect.gather [hbm4b:s3+s8], $0x40, s13, s8, $0xb8;
	[tilespmem:$0x6590] =	vst v63  }
0x1b: {  	_ = 	snop  }
0x1c: {  	[tilespmem:s16], [sflag:$0x1] =	stream.indirect.gather [hbm4b:s3+s8], $0x40, s15, s8, $0xb8;
	[tilespmem:$0x6590] =	vst v63  }
0x1d: {  	_ =	swait.ge [sflag:s17], $0x1400  }
0x1e: {  	[sflag:s17] =	ssyncset.done $0x0  }
0x1f: {  	[sflag:s17] =	ssyncadd.s32 $0xFFFFEC00  }
0x20: {  	_ =	swait.ge [sflag:s17], $0x1400  }
0x21: {  	[sflag:s17] =	ssyncset.done $0x0  }
0x22: {  	[sflag:s17] =	ssyncadd.s32 $0xFFFFEC00  }
0x23: {  	_ =	swait.ge [sflag:s17], $0x1400  }
0x24: {  	[sflag:s17] =	ssyncset.done $0x0  }
0x25: {  	[sflag:s17] =	ssyncadd.s32 $0xFFFFEC00  }
0x26: {  	_ =	swait.ge [sflag:s17], $0x1400  }
0x27: {  	[sflag:s17] =	ssyncset.done $0x0  }
0x28: {  	[sflag:s17] =	ssyncadd.s32 $0xFFFFEC00  }
0x29: {  	_ =	swait.ge [sflag:s17], $0x1400  }
0x2a: {  	[sflag:s17] =	ssyncset.done $0x0  }
0x2b: {  	[sflag:s17] =	ssyncadd.s32 $0xFFFFEC00  }
0x2c: {  	[hbm4b:s5+s2] =	stream.linear.scatter [tilespmem:s9], [sflag:$0x2], $0x6400, $0x38;
	[tilespmem:$0x6590] =	vst v63  }
0x2d: {  	s20 =	simm.s32 $0x32;
	_ =	swait.ge [sflag:s7], $0x6400  }
0x2e: {  	s21 =	simm.s32 $0x64;
	s19 =	sadd.s32 $0xC80, s5;
	[sflag:s7] =	ssyncset.done $0x0  }
.LBB2_2:
0x2f: {  	s22 =	sadd.s32 s20, s6  }
0x30: {  	[sflag:s7] =	ssyncadd.s32 $0xFFFF9C00;
	s20 =	smov.u32 s21;
	s23 =	sadd.s32 $0x32, s21  }
0x31: {  	[tilespmem:s2], [sflag:$0x2] =	stream.linear.gather [hbm4b:s22+s2], $0x190, $0x38;
	[tilespmem:$0x6590] =	vst v63  }
0x32: {  	p0 =	sne.s32 s21, $0x4B0;
	_ =	swait.ge [sflag:s7], $0x190  }
0x33: {  	[sflag:s7] =	ssyncset.done $0x0  }
0x34: {  	[sflag:s7] =	ssyncadd.s32 $0xFFFFFE70  }
0x35: {  	[tilespmem:s9], [sflag:$0x1] =	stream.indirect.gather [hbm4b:s3+s8], $0x40, s2, s8, $0xb8;
	[tilespmem:$0x6590] =	vst v63  }
0x36: {  	_ = 	snop  }
0x37: {  	[tilespmem:s10], [sflag:$0x1] =	stream.indirect.gather [hbm4b:s3+s8], $0x40, s8, s8, $0xb8;
	[tilespmem:$0x6590] =	vst v63  }
0x38: {  	_ = 	snop  }
0x39: {  	[tilespmem:s12], [sflag:$0x1] =	stream.indirect.gather [hbm4b:s3+s8], $0x40, s11, s8, $0xb8;
	[tilespmem:$0x6590] =	vst v63  }
0x3a: {  	_ = 	snop  }
0x3b: {  	[tilespmem:s14], [sflag:$0x1] =	stream.indirect.gather [hbm4b:s3+s8], $0x40, s13, s8, $0xb8;
	[tilespmem:$0x6590] =	vst v63  }
0x3c: {  	_ = 	snop  }
0x3d: {  	[tilespmem:s16], [sflag:$0x1] =	stream.indirect.gather [hbm4b:s3+s8], $0x40, s15, s8, $0xb8;
	[tilespmem:$0x6590] =	vst v63  }
0x3e: {  	_ =	swait.ge [sflag:s17], $0x1400  }
0x3f: {  	[sflag:s17] =	ssyncset.done $0x0  }
0x40: {  	[sflag:s17] =	ssyncadd.s32 $0xFFFFEC00  }
0x41: {  	_ =	swait.ge [sflag:s17], $0x1400  }
0x42: {  	[sflag:s17] =	ssyncset.done $0x0  }
0x43: {  	[sflag:s17] =	ssyncadd.s32 $0xFFFFEC00  }
0x44: {  	_ =	swait.ge [sflag:s17], $0x1400  }
0x45: {  	[sflag:s17] =	ssyncset.done $0x0  }
0x46: {  	[sflag:s17] =	ssyncadd.s32 $0xFFFFEC00  }
0x47: {  	_ =	swait.ge [sflag:s17], $0x1400  }
0x48: {  	[sflag:s17] =	ssyncset.done $0x0  }
0x49: {  	[sflag:s17] =	ssyncadd.s32 $0xFFFFEC00  }
0x4a: {  	_ =	swait.ge [sflag:s17], $0x1400  }
.Ltmp0:
0x4b: {  	[sflag:s17] =	ssyncset.done $0x0;
	(pc) =	sbr.rel @p0 .LBB2_2-.Ltmp0, $4  }
0x4c: {  	[sflag:s17] =	ssyncadd.s32 $0xFFFFEC00  }
0x4d: {  	[hbm4b:s19+s2] =	stream.linear.scatter [tilespmem:s9], [sflag:$0x2], $0x6400, $0x38;
	[tilespmem:$0x6590] =	vst v63  }
0x4e: {  	_ =	swait.ge [sflag:s7], $0x6400  }
0x4f: {  	s21 =	smov.u32 s23;
	s19 =	sadd.s32 $0xC80, s19;
	[sflag:s7] =	ssyncset.done $0x0  }
0x50: {  	s20 =	sadd.s32 s20, s6;
	[sflag:s7] =	ssyncadd.s32 $0xFFFF9C00  }
0x51: {  	[tilespmem:s2], [sflag:$0x2] =	stream.linear.gather [hbm4b:s20+s2], $0x190, $0x38;
	[tilespmem:$0x6590] =	vst v63  }
0x52: {  	_ =	swait.ge [sflag:s7], $0x190  }
0x53: {  	[sflag:s7] =	ssyncset.done $0x0  }
0x54: {  	[sflag:s7] =	ssyncadd.s32 $0xFFFFFE70  }
0x55: {  	[tilespmem:s9], [sflag:$0x1] =	stream.indirect.gather [hbm4b:s3+s8], $0x40, s2, s8, $0xb8;
	[tilespmem:$0x6590] =	vst v63  }
0x56: {  	_ = 	snop  }
0x57: {  	[tilespmem:s10], [sflag:$0x1] =	stream.indirect.gather [hbm4b:s3+s8], $0x40, s8, s8, $0xb8;
	[tilespmem:$0x6590] =	vst v63  }
0x58: {  	_ = 	snop  }
0x59: {  	[tilespmem:s12], [sflag:$0x1] =	stream.indirect.gather [hbm4b:s3+s8], $0x40, s11, s8, $0xb8;
	[tilespmem:$0x6590] =	vst v63  }
0x5a: {  	_ = 	snop  }
0x5b: {  	[tilespmem:s14], [sflag:$0x1] =	stream.indirect.gather [hbm4b:s3+s8], $0x40, s13, s8, $0xb8;
	[tilespmem:$0x6590] =	vst v63  }
0x5c: {  	_ = 	snop  }
0x5d: {  	[tilespmem:s16], [sflag:$0x1] =	stream.indirect.gather [hbm4b:s3+s8], $0x40, s15, s8, $0xb8;
	[tilespmem:$0x6590] =	vst v63  }
0x5e: {  	_ =	swait.ge [sflag:s17], $0x1400  }
0x5f: {  	[sflag:s17] =	ssyncset.done $0x0  }
0x60: {  	[sflag:s17] =	ssyncadd.s32 $0xFFFFEC00  }
0x61: {  	_ =	swait.ge [sflag:s17], $0x1400  }
0x62: {  	[sflag:s17] =	ssyncset.done $0x0  }
0x63: {  	[sflag:s17] =	ssyncadd.s32 $0xFFFFEC00  }
0x64: {  	_ =	swait.ge [sflag:s17], $0x1400  }
0x65: {  	[sflag:s17] =	ssyncset.done $0x0  }
0x66: {  	[sflag:s17] =	ssyncadd.s32 $0xFFFFEC00  }
0x67: {  	_ =	swait.ge [sflag:s17], $0x1400  }
0x68: {  	[sflag:s17] =	ssyncset.done $0x0  }
0x69: {  	[sflag:s17] =	ssyncadd.s32 $0xFFFFEC00  }
0x6a: {  	s18 =	sadd.s32 $0x1, s18;
	_ =	swait.ge [sflag:s17], $0x1400  }
0x6b: {  	p0 =	sne.s32 s18, s4;
	[sflag:s17] =	ssyncset.done $0x0  }
.Ltmp1:
0x6c: {  	[sflag:s17] =	ssyncadd.s32 $0xFFFFEC00;
	(pc) =	sbr.rel @p0 .LBB2_1-.Ltmp1, $4  }
0x6d: {  	[hbm4b:s19+s2] =	stream.linear.scatter [tilespmem:s9], [sflag:$0x2], $0x6400, $0x38;
	[tilespmem:$0x6590] =	vst v63  }
0x6e: {  	_ =	swait.ge [sflag:s7], $0x6400  }
0x6f: {  	[sflag:s7] =	ssyncset.done $0x0  }
0x70: {  	[sflag:s7] =	ssyncadd.s32 $0xFFFF9C00  }
0x71: {  	_ =	sfence.sel $0x180000  }
0x72: {  	[bflag:$0x0] =	sbarrier.arrive $0xFFFF  }
0x73: {  	p0 =	sne.s32 s1, $0x0;
	_ =	strace $0x90000053  }
0x74: {  	s0 =	sadd.s32 @!p0 $0x100000, s0;
	[bflag:$0x2] =	sbarrier.arrive $0xFFFF  }
0x75: {  	[sflag:s0] =	ssyncadd.tile.s32 @!p0 $0x1;
	_ =	shalt  }
.Lfunc_end2:
_tile_overlayer_lowered:
.L_overlay_start_2:
0x76: {  	(tag) =	ssettag $0x2  }
0x77: {  	s0 =	rddreg [dreg:$0x0];
	s2 =	stileid.u32  }
0x78: {  	s1 =	rddreg [dreg:$0x1];
	p0 =	sne.s32 s2, $0x0  }
0x79: {  	s3 =	rddreg [dreg:$0x2];
	[bflag:$0x3] =	sbarrier.arrive $0xFFFF;
	s2 =	simm.s32 @!p0 $0x1C02  }
0x7a: {  	[timem:s3], [sflag:s2] =	dma.local @!p0 [hbm:s0], s1  }
0x7b: {  	s0 =	simm.s32 @!p0 $0x2  }
0x7c: {  	_ =	swait.ge @!p0 [sflag:s0], s1  }
0x7d: {  	s1 =	ssub.s32 @!p0 $0x0, s1;
	[sflag:s0] =	ssyncset.done @!p0 $0x0  }
0x7e: {  	[sflag:s0] =	ssyncadd.s32 @!p0 s1  }
0x7f: {  	[bflag:$0x3] =	sbarrier.arrive $0xFFFF  }
0x80: {  	_ =	shalt  }

// kernel: kernel.38.cloned.1.call-start
scs
__scs_entry_jumppad:
0x0: {  	(pc) =	sbr.rel $0x88, $3  }
0x1: {  	(tag) =	ssettag $0x0;
	lr =	simm.s32 $0x1  }
0x2: {  	[smem:$0x3F7B] =	sst lr;
	_ =	strace $0xD0000000  }
0x3: {  	_ = 	snop  }
0x4: {  	_ = 	snop  }
0x5: {  	_ = 	snop  }
0x6: {  	_ = 	snop  }
0x7: {  	_ = 	snop  }
__scs_overlays_trampoline_lowered:
0x8: {  	[smem:$0x3F8A] =	sst s0  }
0x9: {  	[smem:$0x3F8B] =	sst s1  }
0xa: {  	[smem:$0x3F8C] =	sst s2  }
0xb: {  	[smem:$0x3F8D] =	sst s3  }
0xc: {  	[smem:$0x3F8E] =	sst s4  }
0xd: {  	[smem:$0x3F8F] =	sst s5  }
0xe: {  	[smem:$0x3F90] =	sst s6  }
0xf: {  	[smem:$0x3F91] =	sst s7  }
0x10: {  	[smem:$0x3F92] =	sst s8  }
0x11: {  	[smem:$0x3F93] =	sst s9;
	s0 =	simm.s32 @!p0 $0x0  }
0x12: {  	s1 =	sld [smem:$0x3F79];
	s0 =	simm.s32 @p0 $0x1  }
0x13: {  	[smem:$0x3F94] =	sst s0;
	s0 =	simm.s32 @!p1 $0x0  }
0x14: {  	s2 =	sld [smem:$0x3F78];
	s0 =	simm.s32 @p1 $0x1  }
0x15: {  	[smem:$0x3F95] =	sst s0;
	s0 =	simm.s32 @!p2 $0x0  }
0x16: {  	s3 =	sld [smem:$0x3FDB];
	s0 =	simm.s32 @p2 $0x1  }
0x17: {  	s4 =	simm.s32 $0x1BF5;
	[smem:$0x3F97] =	sst s0  }
0x18: {  	s0 =	sld [smem:$0x3F7A];
	_ =	swait.ge [sflag:s4], $0x0  }
0x19: {  	s7 =	sld [smem:$0x3F7B]  }
0x1a: {  	s8 =	sadd.s32 $0xFFFFE003, lr  }
0x1b: {  	s9 =	sadd.s32 $0xFFFFFEF7, lr;
	s5 =	simm.s32 $0xFFFFFFFF;
	p2 =	slt.u32 s8, $0xFFFFF086  }
0x1c: {  	p1 =	slt.u32 s9, $0xF7A;
	s5 =	simm.s32 @!p2 $0x0  }
0x1d: {  	s5 =	simm.s32 @p1 $0x1;
	p0 =	seq.s32 s7, s2  }
0x1e: {  	s7 =	smul.u32 @!p0 $0xF7A, s2;
	p2 =	seq.s32 @!p0 s5, $0x0  }
0x1f: {  	s9 =	smul.u32 $0xF7A, s1;
	s8 =	simm.s32 @!p0 $0x1BF5;
	p2 =	por !p2, p0  }
0x20: {  	[sflag:s8] =	ssyncset.s32 @!p0 $0xFFFFF086;
	s6 =	sadd.s32 @!p0 s3, s7;
	s7 =	simm.s32 @!p0 $0x108  }
0x21: {  	s3 =	sadd.s32 s3, s9;
	s6 =	sadd.s32 @!p0 $0x88, s6;
	s7 =	simm.s32 @p2 $0x1082  }
0x22: {  	[simem:s7], [sflag:s8] =	dma.local @!p0 [hbm:s6], $0xF7A  }
0x23: {  	s9 =	sor.u32 $0xD0000000, s2;
	s6 =	simm.s32 $0x108;
	_ =	swait.ge @!p0 [sflag:s8], $0x0  }
0x24: {  	s3 =	sadd.s32 $0x88, s3;
	s6 =	simm.s32 @!p1 $0x1082;
	[sflag:s4] =	ssyncset.s32 $0xFFFFF086  }
0x25: {  	[simem:s6], [sflag:s4] =	dma.local [hbm:s3], $0xF7A  }
0x26: {  	[smem:$0x3F7B] =	sst s1;
	(tag) =	ssettag s2;
	_ =	strace s9  }
0x27: {  	s1 =	sld [smem:$0x3F8B]  }
0x28: {  	s2 =	sld [smem:$0x3F8C]  }
0x29: {  	s4 =	sld [smem:$0x3F8E]  }
0x2a: {  	p0 =	seq.s32 s5, $0x0;
	s5 =	sld [smem:$0x3F8F]  }
0x2b: {  	s6 =	sld [smem:$0x3F90]  }
0x2c: {  	s7 =	sld [smem:$0x3F91]  }
0x2d: {  	s3 =	simm.s32 $0x108;
	s8 =	sld [smem:$0x3F92]  }
0x2e: {  	s3 =	simm.s32 @!p0 $0x1082;
	s9 =	sld [smem:$0x3F93]  }
0x2f: {  	lr =	sadd.s32 s0, s3;
	s0 =	sld [smem:$0x3F8A]  }
0x30: {  	s3 =	sld [smem:$0x3F8D]  }
0x31: {  	[smem:$0x3F96] =	sst s10  }
0x32: {  	s10 =	sld [smem:$0x3F94];
	_ =	sdelay $0x3  }
0x33: {  	p0 =	seq.s32 s10, $0x1;
	s10 =	sld [smem:$0x3F96];
	_ =	sdelay $0x3  }
0x34: {  	[smem:$0x3F96] =	sst s10  }
0x35: {  	s10 =	sld [smem:$0x3F95];
	_ =	sdelay $0x3  }
0x36: {  	p1 =	seq.s32 s10, $0x1;
	s10 =	sld [smem:$0x3F96];
	_ =	sdelay $0x3  }
0x37: {  	[smem:$0x3F96] =	sst s10  }
0x38: {  	s10 =	sld [smem:$0x3F97]  }
0x39: {  	_ = 	snop;
	(pc) =	sbr.ind lr, $3  }
0x3a: {  	_ = 	snop  }
0x3b: {  	_ = 	snop  }
0x3c: {  	p2 =	seq.s32 s10, $0x1;
	s10 =	sld [smem:$0x3F96]  }
0x3d: {  	_ =	shalt  }
0x3e: {  	_ =	shalt  }
0x3f: {  	_ =	shalt  }
0x40: {  	_ =	shalt  }
0x41: {  	_ =	shalt  }
0x42: {  	_ =	shalt  }
0x43: {  	_ =	shalt  }
0x44: {  	_ =	shalt  }
0x45: {  	_ =	shalt  }
0x46: {  	_ =	shalt  }
0x47: {  	_ =	shalt  }
0x48: {  	_ =	shalt  }
0x49: {  	_ =	shalt  }
0x4a: {  	_ =	shalt  }
0x4b: {  	_ =	shalt  }
0x4c: {  	_ =	shalt  }
0x4d: {  	_ =	shalt  }
0x4e: {  	_ =	shalt  }
0x4f: {  	_ =	shalt  }
0x50: {  	_ =	shalt  }
0x51: {  	_ =	shalt  }
0x52: {  	_ =	shalt  }
0x53: {  	_ =	shalt  }
0x54: {  	_ =	shalt  }
0x55: {  	_ =	shalt  }
0x56: {  	_ =	shalt  }
0x57: {  	_ =	shalt  }
0x58: {  	_ =	shalt  }
0x59: {  	_ =	shalt  }
0x5a: {  	_ =	shalt  }
0x5b: {  	_ =	shalt  }
0x5c: {  	_ =	shalt  }
0x5d: {  	_ =	shalt  }
0x5e: {  	_ =	shalt  }
0x5f: {  	_ =	shalt  }
0x60: {  	_ =	shalt  }
0x61: {  	_ =	shalt  }
0x62: {  	_ =	shalt  }
0x63: {  	_ =	shalt  }
0x64: {  	_ =	shalt  }
0x65: {  	_ =	shalt  }
0x66: {  	_ =	shalt  }
0x67: {  	_ =	shalt  }
0x68: {  	_ =	shalt  }
0x69: {  	_ =	shalt  }
0x6a: {  	_ =	shalt  }
0x6b: {  	_ =	shalt  }
0x6c: {  	_ =	shalt  }
0x6d: {  	_ =	shalt  }
0x6e: {  	_ =	shalt  }
0x6f: {  	_ =	shalt  }
0x70: {  	_ =	shalt  }
0x71: {  	_ =	shalt  }
0x72: {  	_ =	shalt  }
0x73: {  	_ =	shalt  }
0x74: {  	_ =	shalt  }
0x75: {  	_ =	shalt  }
0x76: {  	_ =	shalt  }
0x77: {  	_ =	shalt  }
0x78: {  	_ =	shalt  }
0x79: {  	_ =	shalt  }
0x7a: {  	_ =	shalt  }
0x7b: {  	_ =	shalt  }
0x7c: {  	_ =	shalt  }
0x7d: {  	_ =	shalt  }
0x7e: {  	_ =	shalt  }
0x7f: {  	_ =	shalt  }
0x80: {  	_ =	shalt  }
0x81: {  	_ =	shalt  }
0x82: {  	_ =	shalt  }
0x83: {  	_ =	shalt  }
0x84: {  	_ =	shalt  }
0x85: {  	_ =	shalt  }
0x86: {  	_ =	shalt  }
0x87: {  	_ =	shalt  }
.Lfunc_end0:
.L_simem_size_0:
called_computation.6_lowered:
.L_overlay_start_0:
0x88: {  	s2 =	sld [smem:$0x3FD9]  }
0x89: {  	s3 =	sld [smem:$0x3FFE];
	_ =	sdelay $0x1  }
0x8a: {  	s1 =	srdreg.scid  }
0x8b: {  	s0 =	sand.u32 $0x1, s1  }
0x8c: {  	s17 =	sshll.u32 s0, $0xA;
	s2 =	sadd.s32 s3, s2  }
0x8d: {  	s2 =	sadd.s32 s2, s17  }
0x8e: {  	[smem:$0x3FA2] =	sst s2  }
0x8f: {  	_ = 	snop  }
0x90: {  	s18 =	sld [smem:$0x3FC6];
	(tm) =	ssettm $0x1  }
0x91: {  	s19 =	sld [smem:$0x3FFB];
	_ =	sdelay $0x3  }
0x92: {  	_ =	strace s19  }
0x93: {  	s2 =	sld [smem:$0x3FFC];
	_ =	sdelay $0x3  }
0x94: {  	_ =	strace s2  }
0x95: {  	s2 =	sld [smem:$0x3FFD];
	_ =	sdelay $0x3  }
0x96: {  	_ =	strace s2  }
0x97: {  	_ =	strace $0x8FFFFFFF  }
0x98: {  	s20 =	sld [smem:$0x3FDB];
	_ =	sdelay $0x1  }
0x99: {  	s4 =	simm.s32 $_scs_section_size  }
0x9a: {  	s5 =	simm.s32 $_size__tile_overlayer_lowered;
	s6 =	simm.s32 $_tile_overlayer_lowered  }
0x9b: {  	s7 =	simm.s32 $0x1BFF;
	s21 =	sshll.u32 s6, $0x1;
	s4 =	sadd.s32 s4, s20  }
0x9c: {  	s22 =	simm.s32 $0x0;
	s5 =	sshll.u32 s5, $0x1;
	s6 =	sadd.s32 s21, s4  }
0x9d: {  	[timem:s22], [sflag:s7] =	dma.local [hbm:s6], s5  }
0x9e: {  	_ =	swait.ge [sflag:s7], s5  }
0x9f: {  	s5 =	ssub.s32 $0x0, s5;
	[sflag:s7] =	ssyncset.done $0x0  }
0xa0: {  	[sflag:s7] =	ssyncadd.s32 s5;
	_ =	sdelay $0x1  }
0xa1: {  	s23 =	simm.s32 $0x1B8B  }
0xa2: {  	_ =	swait.ge [sflag:s23], $0x1  }
0xa3: {  	[sflag:s23] =	ssyncset.done $0x0  }
0xa4: {  	[sflag:s23] =	ssyncadd.s32 $0xFFFFFFFF  }
0xa5: {  	s5 =	sld [smem:$0x0]  }
0xa6: {  	s6 =	sand.u32 $0xFFFFFFFE, s1  }
0xa7: {  	p0 =	sne.s32 s1, s6  }
0xa8: {  	s6 =	sshll.u32 @p0 s6, $0xE  }
0xa9: {  	s6 =	sadd.s32 @p0 $0x11B8D, s6;
	s7 =	sshll.u32 @p0 s5, $0x11  }
0xaa: {  	s6 =	sor.u32 @p0 s7, s6  }
0xab: {  	[sflag:s6] =	ssyncadd.remote.s32 @p0 $0x1;
	_ =	sdelay $0x1  }
0xac: {  	s6 =	simm.s32 @p0 $0x1B8D  }
0xad: {  	_ =	swait.eq @p0 [sflag:s6], $0x1  }
0xae: {  	[sflag:s6] =	ssyncadd.s32 @p0 $0xFFFFFFFF  }
0xaf: {  	s7 =	sshll.u32 @!p0 s1, $0xE  }
0xb0: {  	s7 =	sor.u32 @!p0 $0x4000, s7;
	s6 =	simm.s32 @!p0 $0x1B8D  }
0xb1: {  	s5 =	sshll.u32 @!p0 s5, $0x11;
	s7 =	sadd.s32 @!p0 $0x11B8D, s7;
	_ =	swait.eq @!p0 [sflag:s6], $0x1  }
0xb2: {  	s5 =	sor.u32 @!p0 s5, s7;
	[sflag:s6] =	ssyncadd.s32 @!p0 $0xFFFFFFFF  }
0xb3: {  	s25 =	simm.s32 $0x1B8E;
	s24 =	sld [smem:$0x3FFE];
	[sflag:s5] =	ssyncadd.remote.s32 @!p0 $0x1  }
0xb4: {  	s26 =	simm.s32 $execute0_lowered;
	[smem:$0x3FD2] =	sst s25  }
0xb5: {  	s6 =	sshll.u32 s26, $0x1;
	_ =	strace $0x80000058;
	[dreg:$0x1] =	wrdreg $0xFFFFFFFF  }
0xb6: {  	s28 =	simm.s32 $_size_execute0_lowered;
	s4 =	sadd.s32 s4, s6;
	[dreg:$0x0] =	wrdreg $0x0  }
0xb7: {  	s6 =	sshll.u32 s28, $0x1;
	[dreg:$0x2] =	wrdreg s4  }
0xb8: {  	[dreg:$0x3] =	wrdreg s6  }
0xb9: {  	[dreg:$0x4] =	wrdreg $0xC0  }
0xba: {  	_ =	task [dreg:s22], $0x5FFFF  }
0xbb: {  	[dreg:$0x1] =	wrdreg $0xFFFFFFFF  }
0xbc: {  	[dreg:$0x0] =	wrdreg $0x60  }
0xbd: {  	[dreg:$0x2] =	wrdreg s24  }
0xbe: {  	[dreg:$0x3] =	wrdreg s18  }
0xbf: {  	[dreg:$0x4] =	wrdreg $0xB  }
0xc0: {  	_ =	task.clear_ibuf [dreg:s22], $0x5FFFF;
	_ =	strace $0x90000058  }
0xc1: {  	s29 =	simm.s32 $0xB;
	_ =	strace $0x8000005A  }
0xc2: {  	_ =	swait.ge [sflag:s29], $0x1  }
0xc3: {  	[sflag:s29] =	ssyncadd.s32 $0xFFFFFFFF  }
0xc4: {  	_ =	strace $0x9000005A  }
0xc5: {  	_ =	sfence  }
0xc6: {  	s30 =	sld [smem:$0x0];
	_ =	sdelay $0x2  }
0xc7: {  	s31 =	sshll.u32 s1, $0xD;
	s1 =	sshrl.u32 s1, $0x2  }
0xc8: {  	s4 =	sand.u32 $0x4000, s31;
	s1 =	sadd.s32 s1, s30  }
0xc9: {  	s0 =	sor.u32 s4, s0;
	s1 =	sshll.u32 s1, $0x11  }
0xca: {  	s0 =	sor.u32 s1, s0  }
0xcb: {  	s0 =	sadd.s32 $0x8F2B, s0  }
0xcc: {  	[sflag:s0] =	ssyncadd.remote.s32 $0x1  }
0xcd: {  	_ =	sfence.sel $0xFFFF  }
0xce: {  	[dreg:$0x0] =	wrdreg $0xFFFFFFFF;
	(pc) =	sbr.abs _section_cstart, $3  }
0xcf: {  	[dreg:$0x1] =	wrdreg $0xFFFFFFFF  }
0xd0: {  	_ =	task.clear_ibuf [dreg:s22], $0x2FFFF;
	_ =	strace $0x9FFFFFFF  }
0xd1: {  	(tm) =	ssettm $0x7FFFFFFF  }
tec
execute0_lowered:
.L_overlay_start_1:
0x0: {  	(tag) =	ssettag $0x1  }
0x1: {  	s4 =	rddreg [dreg:$0x0]  }
0x2: {  	s6 =	rddreg [dreg:$0x1]  }
0x3: {  	s0 =	rddreg [dreg:$0x2]  }
0x4: {  	s1 =	stileid.u32;
	s2 =	simm.s32 $0x0;
	s3 =	srdreg.scid  }
0x5: {  	s11 =	simm.s32 $0xA0;
	s12 =	simm.s32 $0x5190;
	s13 =	simm.s32 $0xF0  }
0x6: {  	s14 =	simm.s32 $0x7990;
	s15 =	simm.s32 $0x140;
	s16 =	simm.s32 $0xA190  }
0x7: {  	s17 =	simm.s32 $0x1;
	s18 =	simm.s32 $0x0;
	s5 =	smul.u32 $0x4E200, s1  }
0x8: {  	[smem:$0x7FF] =	sst s2;
	s7 =	sand.u32 $0x1, s3;
	s8 =	smul.u32 $0x4E20, s1  }
0x9: {  	s3 =	sadd.s32 $0x7D000, s4;
	s9 =	smul.u32 $0x2710, s7;
	s10 =	ssub.s32 $0x2, s7  }
0xa: {  	_ =	strace $0x80000059;
	s7 =	smul.u32 $0x27100, s7;
	s31 =	sshrl.u32 s10, $0x1  }
0xb: {  	s4 =	sadd.s32 s5, s4;
	s8 =	sadd.s32 s9, s8;
	s5 =	ssub.s32 s10, s31  }
0xc: {  	s7 =	sadd.s32 s7, s4;
	s9 =	simm.s32 $0x190;
	s10 =	simm.s32 $0x2990  }
0xd: {  	s8 =	sshrl.u32 s8, $0x3;
	s4 =	smax.u32 s5, $0x1;
	s5 =	sadd.s32 $0x33C200, s7  }
0xe: {  	s7 =	simm.s32 $0x2;
	s6 =	sadd.s32 s8, s6;
	s8 =	simm.s32 $0x50  }
.LBB2_1:
0xf: {  	s19 =	sadd.s32 $0x0, s6  }
0x10: {  	[tilespmem:s2], [sflag:$0x2] =	stream.linear.gather [hbm4b:s19+s2], $0x190, $0x38;
	[tilespmem:$0xC990] =	vst v63  }
0x11: {  	_ =	swait.ge [sflag:s7], $0x190  }
0x12: {  	[sflag:s7] =	ssyncset.done $0x0  }
0x13: {  	[sflag:s7] =	ssyncadd.s32 $0xFFFFFE70  }
0x14: {  	[tilespmem:s9], [sflag:$0x1] =	stream.indirect.gather [hbm4b:s3+s8], $0x80, s2, s8, $0xb8;
	[tilespmem:$0xC990] =	vst v63  }
0x15: {  	_ = 	snop  }
0x16: {  	[tilespmem:s10], [sflag:$0x1] =	stream.indirect.gather [hbm4b:s3+s8], $0x80, s8, s8, $0xb8;
	[tilespmem:$0xC990] =	vst v63  }
0x17: {  	_ = 	snop  }
0x18: {  	[tilespmem:s12], [sflag:$0x1] =	stream.indirect.gather [hbm4b:s3+s8], $0x80, s11, s8, $0xb8;
	[tilespmem:$0xC990] =	vst v63  }
0x19: {  	_ = 	snop  }
0x1a: {  	[tilespmem:s14], [sflag:$0x1] =	stream.indirect.gather [hbm4b:s3+s8], $0x80, s13, s8, $0xb8;
	[tilespmem:$0xC990] =	vst v63  }
0x1b: {  	_ = 	snop  }
0x1c: {  	[tilespmem:s16], [sflag:$0x1] =	stream.indirect.gather [hbm4b:s3+s8], $0x80, s15, s8, $0xb8;
	[tilespmem:$0xC990] =	vst v63  }
0x1d: {  	_ =	swait.ge [sflag:s17], $0x2800  }
0x1e: {  	[sflag:s17] =	ssyncset.done $0x0  }
0x1f: {  	[sflag:s17] =	ssyncadd.s32 $0xFFFFD800  }
0x20: {  	_ =	swait.ge [sflag:s17], $0x2800  }
0x21: {  	[sflag:s17] =	ssyncset.done $0x0  }
0x22: {  	[sflag:s17] =	ssyncadd.s32 $0xFFFFD800  }
0x23: {  	_ =	swait.ge [sflag:s17], $0x2800  }
0x24: {  	[sflag:s17] =	ssyncset.done $0x0  }
0x25: {  	[sflag:s17] =	ssyncadd.s32 $0xFFFFD800  }
0x26: {  	_ =	swait.ge [sflag:s17], $0x2800  }
0x27: {  	[sflag:s17] =	ssyncset.done $0x0  }
0x28: {  	[sflag:s17] =	ssyncadd.s32 $0xFFFFD800  }
0x29: {  	_ =	swait.ge [sflag:s17], $0x2800  }
0x2a: {  	[sflag:s17] =	ssyncset.done $0x0  }
0x2b: {  	[sflag:s17] =	ssyncadd.s32 $0xFFFFD800  }
0x2c: {  	[hbm4b:s5+s2] =	stream.linear.scatter [tilespmem:s9], [sflag:$0x2], $0xC800, $0x38;
	[tilespmem:$0xC990] =	vst v63  }
0x2d: {  	s20 =	simm.s32 $0x32;
	_ =	swait.ge [sflag:s7], $0xC800  }
0x2e: {  	s21 =	simm.s32 $0x64;
	s19 =	sadd.s32 $0x1900, s5;
	[sflag:s7] =	ssyncset.done $0x0  }
.LBB2_2:
0x2f: {  	s22 =	sadd.s32 s20, s6  }
0x30: {  	[sflag:s7] =	ssyncadd.s32 $0xFFFF3800;
	s20 =	smov.u32 s21;
	s23 =	sadd.s32 $0x32, s21  }
0x31: {  	[tilespmem:s2], [sflag:$0x2] =	stream.linear.gather [hbm4b:s22+s2], $0x190, $0x38;
	[tilespmem:$0xC990] =	vst v63  }
0x32: {  	p0 =	sne.s32 s21, $0x4B0;
	_ =	swait.ge [sflag:s7], $0x190  }
0x33: {  	[sflag:s7] =	ssyncset.done $0x0  }
0x34: {  	[sflag:s7] =	ssyncadd.s32 $0xFFFFFE70  }
0x35: {  	[tilespmem:s9], [sflag:$0x1] =	stream.indirect.gather [hbm4b:s3+s8], $0x80, s2, s8, $0xb8;
	[tilespmem:$0xC990] =	vst v63  }
0x36: {  	_ = 	snop  }
0x37: {  	[tilespmem:s10], [sflag:$0x1] =	stream.indirect.gather [hbm4b:s3+s8], $0x80, s8, s8, $0xb8;
	[tilespmem:$0xC990] =	vst v63  }
0x38: {  	_ = 	snop  }
0x39: {  	[tilespmem:s12], [sflag:$0x1] =	stream.indirect.gather [hbm4b:s3+s8], $0x80, s11, s8, $0xb8;
	[tilespmem:$0xC990] =	vst v63  }
0x3a: {  	_ = 	snop  }
0x3b: {  	[tilespmem:s14], [sflag:$0x1] =	stream.indirect.gather [hbm4b:s3+s8], $0x80, s13, s8, $0xb8;
	[tilespmem:$0xC990] =	vst v63  }
0x3c: {  	_ = 	snop  }
0x3d: {  	[tilespmem:s16], [sflag:$0x1] =	stream.indirect.gather [hbm4b:s3+s8], $0x80, s15, s8, $0xb8;
	[tilespmem:$0xC990] =	vst v63  }
0x3e: {  	_ =	swait.ge [sflag:s17], $0x2800  }
0x3f: {  	[sflag:s17] =	ssyncset.done $0x0  }
0x40: {  	[sflag:s17] =	ssyncadd.s32 $0xFFFFD800  }
0x41: {  	_ =	swait.ge [sflag:s17], $0x2800  }
0x42: {  	[sflag:s17] =	ssyncset.done $0x0  }
0x43: {  	[sflag:s17] =	ssyncadd.s32 $0xFFFFD800  }
0x44: {  	_ =	swait.ge [sflag:s17], $0x2800  }
0x45: {  	[sflag:s17] =	ssyncset.done $0x0  }
0x46: {  	[sflag:s17] =	ssyncadd.s32 $0xFFFFD800  }
0x47: {  	_ =	swait.ge [sflag:s17], $0x2800  }
0x48: {  	[sflag:s17] =	ssyncset.done $0x0  }
0x49: {  	[sflag:s17] =	ssyncadd.s32 $0xFFFFD800  }
0x4a: {  	_ =	swait.ge [sflag:s17], $0x2800  }
.Ltmp0:
0x4b: {  	[sflag:s17] =	ssyncset.done $0x0;
	(pc) =	sbr.rel @p0 .LBB2_2-.Ltmp0, $4  }
0x4c: {  	[sflag:s17] =	ssyncadd.s32 $0xFFFFD800  }
0x4d: {  	[hbm4b:s19+s2] =	stream.linear.scatter [tilespmem:s9], [sflag:$0x2], $0xC800, $0x38;
	[tilespmem:$0xC990] =	vst v63  }
0x4e: {  	_ =	swait.ge [sflag:s7], $0xC800  }
0x4f: {  	s21 =	smov.u32 s23;
	s19 =	sadd.s32 $0x1900, s19;
	[sflag:s7] =	ssyncset.done $0x0  }
0x50: {  	s20 =	sadd.s32 s20, s6;
	[sflag:s7] =	ssyncadd.s32 $0xFFFF3800  }
0x51: {  	[tilespmem:s2], [sflag:$0x2] =	stream.linear.gather [hbm4b:s20+s2], $0x190, $0x38;
	[tilespmem:$0xC990] =	vst v63  }
0x52: {  	_ =	swait.ge [sflag:s7], $0x190  }
0x53: {  	[sflag:s7] =	ssyncset.done $0x0  }
0x54: {  	[sflag:s7] =	ssyncadd.s32 $0xFFFFFE70  }
0x55: {  	[tilespmem:s9], [sflag:$0x1] =	stream.indirect.gather [hbm4b:s3+s8], $0x80, s2, s8, $0xb8;
	[tilespmem:$0xC990] =	vst v63  }
0x56: {  	_ = 	snop  }
0x57: {  	[tilespmem:s10], [sflag:$0x1] =	stream.indirect.gather [hbm4b:s3+s8], $0x80, s8, s8, $0xb8;
	[tilespmem:$0xC990] =	vst v63  }
0x58: {  	_ = 	snop  }
0x59: {  	[tilespmem:s12], [sflag:$0x1] =	stream.indirect.gather [hbm4b:s3+s8], $0x80, s11, s8, $0xb8;
	[tilespmem:$0xC990] =	vst v63  }
0x5a: {  	_ = 	snop  }
0x5b: {  	[tilespmem:s14], [sflag:$0x1] =	stream.indirect.gather [hbm4b:s3+s8], $0x80, s13, s8, $0xb8;
	[tilespmem:$0xC990] =	vst v63  }
0x5c: {  	_ = 	snop  }
0x5d: {  	[tilespmem:s16], [sflag:$0x1] =	stream.indirect.gather [hbm4b:s3+s8], $0x80, s15, s8, $0xb8;
	[tilespmem:$0xC990] =	vst v63  }
0x5e: {  	_ =	swait.ge [sflag:s17], $0x2800  }
0x5f: {  	[sflag:s17] =	ssyncset.done $0x0  }
0x60: {  	[sflag:s17] =	ssyncadd.s32 $0xFFFFD800  }
0x61: {  	_ =	swait.ge [sflag:s17], $0x2800  }
0x62: {  	[sflag:s17] =	ssyncset.done $0x0  }
0x63: {  	[sflag:s17] =	ssyncadd.s32 $0xFFFFD800  }
0x64: {  	_ =	swait.ge [sflag:s17], $0x2800  }
0x65: {  	[sflag:s17] =	ssyncset.done $0x0  }
0x66: {  	[sflag:s17] =	ssyncadd.s32 $0xFFFFD800  }
0x67: {  	_ =	swait.ge [sflag:s17], $0x2800  }
0x68: {  	[sflag:s17] =	ssyncset.done $0x0  }
0x69: {  	[sflag:s17] =	ssyncadd.s32 $0xFFFFD800  }
0x6a: {  	s18 =	sadd.s32 $0x1, s18;
	_ =	swait.ge [sflag:s17], $0x2800  }
0x6b: {  	p0 =	sne.s32 s18, s4;
	[sflag:s17] =	ssyncset.done $0x0  }
.Ltmp1:
0x6c: {  	[sflag:s17] =	ssyncadd.s32 $0xFFFFD800;
	(pc) =	sbr.rel @p0 .LBB2_1-.Ltmp1, $4  }
0x6d: {  	[hbm4b:s19+s2] =	stream.linear.scatter [tilespmem:s9], [sflag:$0x2], $0xC800, $0x38;
	[tilespmem:$0xC990] =	vst v63  }
0x6e: {  	_ =	swait.ge [sflag:s7], $0xC800  }
0x6f: {  	[sflag:s7] =	ssyncset.done $0x0  }
0x70: {  	[sflag:s7] =	ssyncadd.s32 $0xFFFF3800  }
0x71: {  	_ =	sfence.sel $0x180000  }
0x72: {  	[bflag:$0x0] =	sbarrier.arrive $0xFFFF  }
0x73: {  	p0 =	sne.s32 s1, $0x0;
	_ =	strace $0x90000059  }
0x74: {  	s0 =	sadd.s32 @!p0 $0x100000, s0;
	[bflag:$0x2] =	sbarrier.arrive $0xFFFF  }
0x75: {  	[sflag:s0] =	ssyncadd.tile.s32 @!p0 $0x1;
	_ =	shalt  }
.Lfunc_end2:
_tile_overlayer_lowered:
.L_overlay_start_2:
0x76: {  	(tag) =	ssettag $0x2  }
0x77: {  	s0 =	rddreg [dreg:$0x0];
	s2 =	stileid.u32  }
0x78: {  	s1 =	rddreg [dreg:$0x1];
	p0 =	sne.s32 s2, $0x0  }
0x79: {  	s3 =	rddreg [dreg:$0x2];
	[bflag:$0x3] =	sbarrier.arrive $0xFFFF;
	s2 =	simm.s32 @!p0 $0x1C02  }
0x7a: {  	[timem:s3], [sflag:s2] =	dma.local @!p0 [hbm:s0], s1  }
0x7b: {  	s0 =	simm.s32 @!p0 $0x2  }
0x7c: {  	_ =	swait.ge @!p0 [sflag:s0], s1  }
0x7d: {  	s1 =	ssub.s32 @!p0 $0x0, s1;
	[sflag:s0] =	ssyncset.done @!p0 $0x0  }
0x7e: {  	[sflag:s0] =	ssyncadd.s32 @!p0 s1  }
0x7f: {  	[bflag:$0x3] =	sbarrier.arrive $0xFFFF  }
0x80: {  	_ =	shalt  }

// kernel: kernel.41.cloned.1.call-start
scs
__scs_entry_jumppad:
0x0: {  	(pc) =	sbr.rel $0x88, $3  }
0x1: {  	(tag) =	ssettag $0x0;
	lr =	simm.s32 $0x1  }
0x2: {  	[smem:$0x3F7B] =	sst lr;
	_ =	strace $0xD0000000  }
0x3: {  	_ = 	snop  }
0x4: {  	_ = 	snop  }
0x5: {  	_ = 	snop  }
0x6: {  	_ = 	snop  }
0x7: {  	_ = 	snop  }
__scs_overlays_trampoline_lowered:
0x8: {  	[smem:$0x3F8A] =	sst s0  }
0x9: {  	[smem:$0x3F8B] =	sst s1  }
0xa: {  	[smem:$0x3F8C] =	sst s2  }
0xb: {  	[smem:$0x3F8D] =	sst s3  }
0xc: {  	[smem:$0x3F8E] =	sst s4  }
0xd: {  	[smem:$0x3F8F] =	sst s5  }
0xe: {  	[smem:$0x3F90] =	sst s6  }
0xf: {  	[smem:$0x3F91] =	sst s7  }
0x10: {  	[smem:$0x3F92] =	sst s8  }
0x11: {  	[smem:$0x3F93] =	sst s9;
	s0 =	simm.s32 @!p0 $0x0  }
0x12: {  	s1 =	sld [smem:$0x3F79];
	s0 =	simm.s32 @p0 $0x1  }
0x13: {  	[smem:$0x3F94] =	sst s0;
	s0 =	simm.s32 @!p1 $0x0  }
0x14: {  	s2 =	sld [smem:$0x3F78];
	s0 =	simm.s32 @p1 $0x1  }
0x15: {  	[smem:$0x3F95] =	sst s0;
	s0 =	simm.s32 @!p2 $0x0  }
0x16: {  	s3 =	sld [smem:$0x3FDB];
	s0 =	simm.s32 @p2 $0x1  }
0x17: {  	s4 =	simm.s32 $0x1BF5;
	[smem:$0x3F97] =	sst s0  }
0x18: {  	s0 =	sld [smem:$0x3F7A];
	_ =	swait.ge [sflag:s4], $0x0  }
0x19: {  	s7 =	sld [smem:$0x3F7B]  }
0x1a: {  	s8 =	sadd.s32 $0xFFFFE003, lr  }
0x1b: {  	s9 =	sadd.s32 $0xFFFFFEF7, lr;
	s5 =	simm.s32 $0xFFFFFFFF;
	p2 =	slt.u32 s8, $0xFFFFF086  }
0x1c: {  	p1 =	slt.u32 s9, $0xF7A;
	s5 =	simm.s32 @!p2 $0x0  }
0x1d: {  	s5 =	simm.s32 @p1 $0x1;
	p0 =	seq.s32 s7, s2  }
0x1e: {  	s7 =	smul.u32 @!p0 $0xF7A, s2;
	p2 =	seq.s32 @!p0 s5, $0x0  }
0x1f: {  	s9 =	smul.u32 $0xF7A, s1;
	s8 =	simm.s32 @!p0 $0x1BF5;
	p2 =	por !p2, p0  }
0x20: {  	[sflag:s8] =	ssyncset.s32 @!p0 $0xFFFFF086;
	s6 =	sadd.s32 @!p0 s3, s7;
	s7 =	simm.s32 @!p0 $0x108  }
0x21: {  	s3 =	sadd.s32 s3, s9;
	s6 =	sadd.s32 @!p0 $0x88, s6;
	s7 =	simm.s32 @p2 $0x1082  }
0x22: {  	[simem:s7], [sflag:s8] =	dma.local @!p0 [hbm:s6], $0xF7A  }
0x23: {  	s9 =	sor.u32 $0xD0000000, s2;
	s6 =	simm.s32 $0x108;
	_ =	swait.ge @!p0 [sflag:s8], $0x0  }
0x24: {  	s3 =	sadd.s32 $0x88, s3;
	s6 =	simm.s32 @!p1 $0x1082;
	[sflag:s4] =	ssyncset.s32 $0xFFFFF086  }
0x25: {  	[simem:s6], [sflag:s4] =	dma.local [hbm:s3], $0xF7A  }
0x26: {  	[smem:$0x3F7B] =	sst s1;
	(tag) =	ssettag s2;
	_ =	strace s9  }
0x27: {  	s1 =	sld [smem:$0x3F8B]  }
0x28: {  	s2 =	sld [smem:$0x3F8C]  }
0x29: {  	s4 =	sld [smem:$0x3F8E]  }
0x2a: {  	p0 =	seq.s32 s5, $0x0;
	s5 =	sld [smem:$0x3F8F]  }
0x2b: {  	s6 =	sld [smem:$0x3F90]  }
0x2c: {  	s7 =	sld [smem:$0x3F91]  }
0x2d: {  	s3 =	simm.s32 $0x108;
	s8 =	sld [smem:$0x3F92]  }
0x2e: {  	s3 =	simm.s32 @!p0 $0x1082;
	s9 =	sld [smem:$0x3F93]  }
0x2f: {  	lr =	sadd.s32 s0, s3;
	s0 =	sld [smem:$0x3F8A]  }
0x30: {  	s3 =	sld [smem:$0x3F8D]  }
0x31: {  	[smem:$0x3F96] =	sst s10  }
0x32: {  	s10 =	sld [smem:$0x3F94];
	_ =	sdelay $0x3  }
0x33: {  	p0 =	seq.s32 s10, $0x1;
	s10 =	sld [smem:$0x3F96];
	_ =	sdelay $0x3  }
0x34: {  	[smem:$0x3F96] =	sst s10  }
0x35: {  	s10 =	sld [smem:$0x3F95];
	_ =	sdelay $0x3  }
0x36: {  	p1 =	seq.s32 s10, $0x1;
	s10 =	sld [smem:$0x3F96];
	_ =	sdelay $0x3  }
0x37: {  	[smem:$0x3F96] =	sst s10  }
0x38: {  	s10 =	sld [smem:$0x3F97]  }
0x39: {  	_ = 	snop;
	(pc) =	sbr.ind lr, $3  }
0x3a: {  	_ = 	snop  }
0x3b: {  	_ = 	snop  }
0x3c: {  	p2 =	seq.s32 s10, $0x1;
	s10 =	sld [smem:$0x3F96]  }
0x3d: {  	_ =	shalt  }
0x3e: {  	_ =	shalt  }
0x3f: {  	_ =	shalt  }
0x40: {  	_ =	shalt  }
0x41: {  	_ =	shalt  }
0x42: {  	_ =	shalt  }
0x43: {  	_ =	shalt  }
0x44: {  	_ =	shalt  }
0x45: {  	_ =	shalt  }
0x46: {  	_ =	shalt  }
0x47: {  	_ =	shalt  }
0x48: {  	_ =	shalt  }
0x49: {  	_ =	shalt  }
0x4a: {  	_ =	shalt  }
0x4b: {  	_ =	shalt  }
0x4c: {  	_ =	shalt  }
0x4d: {  	_ =	shalt  }
0x4e: {  	_ =	shalt  }
0x4f: {  	_ =	shalt  }
0x50: {  	_ =	shalt  }
0x51: {  	_ =	shalt  }
0x52: {  	_ =	shalt  }
0x53: {  	_ =	shalt  }
0x54: {  	_ =	shalt  }
0x55: {  	_ =	shalt  }
0x56: {  	_ =	shalt  }
0x57: {  	_ =	shalt  }
0x58: {  	_ =	shalt  }
0x59: {  	_ =	shalt  }
0x5a: {  	_ =	shalt  }
0x5b: {  	_ =	shalt  }
0x5c: {  	_ =	shalt  }
0x5d: {  	_ =	shalt  }
0x5e: {  	_ =	shalt  }
0x5f: {  	_ =	shalt  }
0x60: {  	_ =	shalt  }
0x61: {  	_ =	shalt  }
0x62: {  	_ =	shalt  }
0x63: {  	_ =	shalt  }
0x64: {  	_ =	shalt  }
0x65: {  	_ =	shalt  }
0x66: {  	_ =	shalt  }
0x67: {  	_ =	shalt  }
0x68: {  	_ =	shalt  }
0x69: {  	_ =	shalt  }
0x6a: {  	_ =	shalt  }
0x6b: {  	_ =	shalt  }
0x6c: {  	_ =	shalt  }
0x6d: {  	_ =	shalt  }
0x6e: {  	_ =	shalt  }
0x6f: {  	_ =	shalt  }
0x70: {  	_ =	shalt  }
0x71: {  	_ =	shalt  }
0x72: {  	_ =	shalt  }
0x73: {  	_ =	shalt  }
0x74: {  	_ =	shalt  }
0x75: {  	_ =	shalt  }
0x76: {  	_ =	shalt  }
0x77: {  	_ =	shalt  }
0x78: {  	_ =	shalt  }
0x79: {  	_ =	shalt  }
0x7a: {  	_ =	shalt  }
0x7b: {  	_ =	shalt  }
0x7c: {  	_ =	shalt  }
0x7d: {  	_ =	shalt  }
0x7e: {  	_ =	shalt  }
0x7f: {  	_ =	shalt  }
0x80: {  	_ =	shalt  }
0x81: {  	_ =	shalt  }
0x82: {  	_ =	shalt  }
0x83: {  	_ =	shalt  }
0x84: {  	_ =	shalt  }
0x85: {  	_ =	shalt  }
0x86: {  	_ =	shalt  }
0x87: {  	_ =	shalt  }
.Lfunc_end0:
.L_simem_size_0:
called_computation.7_lowered:
.L_overlay_start_0:
0x88: {  	s2 =	sld [smem:$0x3FD9]  }
0x89: {  	s3 =	sld [smem:$0x3FFE];
	_ =	sdelay $0x1  }
0x8a: {  	s1 =	srdreg.scid  }
0x8b: {  	s0 =	sand.u32 $0x1, s1  }
0x8c: {  	s14 =	sshll.u32 s0, $0xA;
	s2 =	sadd.s32 s3, s2  }
0x8d: {  	s2 =	sadd.s32 s2, s14  }
0x8e: {  	[smem:$0x3FA2] =	sst s2  }
0x8f: {  	_ = 	snop  }
0x90: {  	s2 =	sld [smem:$0x3FD0];
	_ =	sdelay $0x2  }
0x91: {  	s4 =	simm.s32 $0xC;
	s5 =	simm.s32 $0x10;
	s15 =	sld [smem:$0x3FC7]  }
0x92: {  	[smem:s5], [sflag:s4] =	dma.local [hbm:s2], $0x1  }
0x93: {  	_ =	swait.eq [sflag:s4], $0x1  }
0x94: {  	[sflag:s4] =	ssyncset.done $0x0  }
0x95: {  	[sflag:s4] =	ssyncadd.s32 $0xFFFFFFFF  }
0x96: {  	s16 =	sld [smem:$0x11];
	(tm) =	ssettm $0x1  }
0x97: {  	s17 =	sld [smem:$0x3FFB];
	_ =	sdelay $0x3  }
0x98: {  	_ =	strace s17  }
0x99: {  	s4 =	sld [smem:$0x3FFC];
	_ =	sdelay $0x3  }
0x9a: {  	_ =	strace s4  }
0x9b: {  	s4 =	sld [smem:$0x3FFD];
	_ =	sdelay $0x3  }
0x9c: {  	_ =	strace s4  }
0x9d: {  	_ =	strace $0x8FFFFFFF  }
0x9e: {  	s18 =	sld [smem:$0x3FDB];
	_ =	sdelay $0x1  }
0x9f: {  	s19 =	simm.s32 $_scs_section_size  }
0xa0: {  	s6 =	simm.s32 $_size__tile_overlayer_lowered;
	s7 =	simm.s32 $_tile_overlayer_lowered  }
0xa1: {  	s22 =	simm.s32 $0x1BFF;
	s21 =	sshll.u32 s7, $0x1;
	s4 =	sadd.s32 s19, s18  }
0xa2: {  	s8 =	simm.s32 $0x0;
	s20 =	sshll.u32 s6, $0x1;
	s6 =	sadd.s32 s21, s4  }
0xa3: {  	[timem:s8], [sflag:s22] =	dma.local [hbm:s6], s20  }
0xa4: {  	_ =	swait.ge [sflag:s22], s20  }
0xa5: {  	s5 =	ssub.s32 $0x0, s20;
	[sflag:s22] =	ssyncset.done $0x0  }
0xa6: {  	[sflag:s22] =	ssyncadd.s32 s5;
	_ =	sdelay $0x1  }
0xa7: {  	s23 =	simm.s32 $0x1B8B  }
0xa8: {  	_ =	swait.ge [sflag:s23], $0x1  }
0xa9: {  	[sflag:s23] =	ssyncset.done $0x0  }
0xaa: {  	s25 =	simm.s32 $0x1B8E;
	s24 =	sld [smem:$0x3FFE];
	[sflag:s23] =	ssyncadd.s32 $0xFFFFFFFF  }
0xab: {  	s26 =	simm.s32 $execute0_lowered;
	[smem:$0x3FD2] =	sst s25  }
0xac: {  	s6 =	sshll.u32 s26, $0x1;
	_ =	strace $0x8000005B;
	[dreg:$0x1] =	wrdreg $0xFFFFFFFF  }
0xad: {  	s28 =	simm.s32 $_size_execute0_lowered;
	s4 =	sadd.s32 s4, s6;
	[dreg:$0x0] =	wrdreg $0x0  }
0xae: {  	s6 =	sshll.u32 s28, $0x1;
	[dreg:$0x2] =	wrdreg s4  }
0xaf: {  	[dreg:$0x3] =	wrdreg s6  }
0xb0: {  	[dreg:$0x4] =	wrdreg $0xC0  }
0xb1: {  	_ =	task [dreg:s8], $0x5FFFF  }
0xb2: {  	[dreg:$0x1] =	wrdreg $0xFFFFFFFF  }
0xb3: {  	[dreg:$0x0] =	wrdreg $0x60  }
0xb4: {  	[dreg:$0x2] =	wrdreg s24  }
0xb5: {  	[dreg:$0x3] =	wrdreg s15  }
0xb6: {  	[dreg:$0x4] =	wrdreg s16  }
0xb7: {  	[dreg:$0x5] =	wrdreg $0x0  }
0xb8: {  	[dreg:$0x6] =	wrdreg $0x9  }
0xb9: {  	_ =	task.clear_ibuf [dreg:s8], $0x7FFFF;
	_ =	strace $0x9000005B  }
0xba: {  	s29 =	simm.s32 $0x9;
	_ =	strace $0x8000005D  }
0xbb: {  	_ =	swait.ge [sflag:s29], $0x1  }
0xbc: {  	[sflag:s29] =	ssyncadd.s32 $0xFFFFFFFF  }
0xbd: {  	_ =	strace $0x9000005D  }
0xbe: {  	_ =	sfence  }
0xbf: {  	s30 =	sld [smem:$0x0];
	_ =	sdelay $0x2  }
0xc0: {  	s31 =	sshll.u32 s1, $0xD;
	s1 =	sshrl.u32 s1, $0x2  }
0xc1: {  	s3 =	sand.u32 $0x4000, s31;
	s1 =	sadd.s32 s1, s30  }
0xc2: {  	s0 =	sor.u32 s3, s0;
	s1 =	sshll.u32 s1, $0x11  }
0xc3: {  	s0 =	sor.u32 s1, s0  }
0xc4: {  	s0 =	sadd.s32 $0x8F2B, s0  }
0xc5: {  	[sflag:s0] =	ssyncadd.remote.s32 $0x1  }
0xc6: {  	_ =	sfence.sel $0xFFFF  }
0xc7: {  	[dreg:$0x0] =	wrdreg $0xFFFFFFFF;
	(pc) =	sbr.abs _section_cstart, $3  }
0xc8: {  	[dreg:$0x1] =	wrdreg $0xFFFFFFFF  }
0xc9: {  	_ =	task.clear_ibuf [dreg:s8], $0x2FFFF;
	_ =	strace $0x9FFFFFFF  }
0xca: {  	(tm) =	ssettm $0x7FFFFFFF  }
0xcb: {  	_ =	shalt  }
tec
execute0_lowered:
.L_overlay_start_1:
0x0: {  	(tag) =	ssettag $0x1  }
0x1: {  	s8 =	rddreg [dreg:$0x0]  }
0x2: {  	s9 =	rddreg [dreg:$0x1]  }
0x3: {  	s1 =	srdreg.scid;
	s5 =	rddreg [dreg:$0x2]  }
0x4: {  	s0 =	stileid.u32;
	s2 =	rddreg [dreg:$0x3]  }
0x5: {  	s3 =	simm.s32 $0x0;
	s15 =	simm.s32 $0xC3A0;
	s4 =	smul.u32 $0xC350, s0  }
0x6: {  	s16 =	simm.s32 $0xDCF0;
	s17 =	simm.s32 $0x0;
	s30 =	smul.u32 $0x9C4, s0  }
0x7: {  	s6 =	sand.u32 $0x1, s1;
	s1 =	rddreg [dreg:$0x4];
	s14 =	smul.u32 $0x30D40, s0  }
0x8: {  	[smem:$0x7FF] =	sst s3;
	s12 =	sshll.u32 s0, $0x6;
	s7 =	smul.u32 $0xC3500, s6  }
0x9: {  	s10 =	ssub.s32 $0x2, s6;
	_ =	strace $0x8000005C;
	p0 =	seq.s32 s6, $0x1  }
0xa: {  	s11 =	sshrl.u32 s10, $0x1;
	s29 =	sshrl.u32 s4, $0x3;
	s13 =	sadd.s32 s4, s2  }
0xb: {  	s7 =	sadd.s32 s4, s7;
	s10 =	ssub.s32 s10, s11;
	s4 =	sadd.s32 s5, s29  }
0xc: {  	s5 =	sor.u32 $0x1C01, s12;
	s11 =	simm.s32 $0x7D000;
	s7 =	sshrl.u32 s7, $0x3  }
0xd: {  	s12 =	simm.s32 $0xC350;
	s11 =	simm.s32 @!p0 $0x38A400;
	s7 =	sadd.s32 s7, s8  }
0xe: {  	s31 =	sadd.s32 s11, s8;
	s8 =	sadd.s32 s30, s9;
	s11 =	simm.s32 $0x1  }
0xf: {  	s6 =	sadd.s32 $0x7A00, s7;
	s7 =	smax.u32 s10, $0x1;
	s9 =	sadd.s32 s14, s31  }
0x10: {  	s10 =	sshrl.u32 s13, $0x3;
	s13 =	simm.s32 $0xC3F0;
	s14 =	simm.s32 $0x50  }
.LBB2_1:
0x11: {  	[spmem:s10], [sflag:s5] =	dma.local [hbm:s4], $0x186A  }
0x12: {  	_ =	swait.ge [sflag:s11], $0x186A  }
0x13: {  	[sflag:s11] =	ssyncset.done $0x0  }
0x14: {  	[sflag:s11] =	ssyncadd.s32 $0xFFFFE796  }
0x15: {  	s18 =	sadd.s32 $0x0, s8;
	[bflag:$0x0] =	sbarrier.arrive $0xFFFF  }
0x16: {  	[tilespmem:s12], [sflag:$0x1] =	stream.linear.gather [hbm4b:s18+s3], $0xA0, $0x38;
	[tilespmem:$0xF5F0] =	vst v63  }
0x17: {  	_ =	swait.ge [sflag:s11], $0xA0  }
0x18: {  	[sflag:s11] =	ssyncset.done $0x0  }
0x19: {  	[sflag:s11] =	ssyncadd.s32 $0xFFFFFF60  }
0x1a: {  	[tilespmem:s13], [sflag:$0x1] =	stream.linear.gather [hbm4b:s9+s3], $0x3200, $0x38;
	[tilespmem:$0xF5F0] =	vst v63  }
0x1b: {  	_ =	swait.ge [sflag:s11], $0x3200  }
0x1c: {  	[sflag:s11] =	ssyncset.done $0x0  }
0x1d: {  	[sflag:s11] =	ssyncadd.s32 $0xFFFFCE00  }
0x1e: {  	[spmem:s2] =	stream.indirect.scatter.add.f32 [tilespmem:s13], [sflag:$0x1], $0x50, s12, s14, $0xb8;
	[tilespmem:$0xF5F0] =	vst v63  }
0x1f: {  	_ =	swait.ge [sflag:s11], $0x1900  }
0x20: {  	[sflag:s11] =	ssyncset.done $0x0  }
0x21: {  	[sflag:s11] =	ssyncadd.s32 $0xFFFFE700  }
0x22: {  	[spmem:s2] =	stream.indirect.scatter.add.f32 [tilespmem:s16], [sflag:$0x1], $0x50, s15, s14, $0xb8;
	[tilespmem:$0xF5F0] =	vst v63  }
0x23: {  	s19 =	simm.s32 $0x14;
	_ =	swait.ge [sflag:s11], $0x1900  }
0x24: {  	s20 =	simm.s32 $0x28;
	s18 =	sadd.s32 $0x640, s9;
	[sflag:s11] =	ssyncset.done $0x0  }
.LBB2_2:
0x25: {  	s21 =	sadd.s32 s19, s8  }
0x26: {  	[sflag:s11] =	ssyncadd.s32 $0xFFFFE700;
	s19 =	smov.u32 s20;
	s22 =	sadd.s32 $0x14, s20  }
0x27: {  	[tilespmem:s12], [sflag:$0x1] =	stream.linear.gather [hbm4b:s21+s3], $0xA0, $0x38;
	[tilespmem:$0xF5F0] =	vst v63  }
0x28: {  	p0 =	sne.s32 s20, $0x9B0;
	_ =	swait.ge [sflag:s11], $0xA0  }
0x29: {  	[sflag:s11] =	ssyncset.done $0x0  }
0x2a: {  	[sflag:s11] =	ssyncadd.s32 $0xFFFFFF60  }
0x2b: {  	[tilespmem:s13], [sflag:$0x1] =	stream.linear.gather [hbm4b:s18+s3], $0x3200, $0x38;
	[tilespmem:$0xF5F0] =	vst v63  }
0x2c: {  	_ =	swait.ge [sflag:s11], $0x3200  }
0x2d: {  	[sflag:s11] =	ssyncset.done $0x0  }
0x2e: {  	[sflag:s11] =	ssyncadd.s32 $0xFFFFCE00  }
0x2f: {  	[spmem:s2] =	stream.indirect.scatter.add.f32 [tilespmem:s13], [sflag:$0x1], $0x50, s12, s14, $0xb8;
	[tilespmem:$0xF5F0] =	vst v63  }
0x30: {  	_ =	swait.ge [sflag:s11], $0x1900  }
.Ltmp0:
0x31: {  	[sflag:s11] =	ssyncset.done $0x0;
	(pc) =	sbr.rel @p0 .LBB2_2-.Ltmp0, $4  }
0x32: {  	[sflag:s11] =	ssyncadd.s32 $0xFFFFE700  }
0x33: {  	[spmem:s2] =	stream.indirect.scatter.add.f32 [tilespmem:s16], [sflag:$0x1], $0x50, s15, s14, $0xb8;
	[tilespmem:$0xF5F0] =	vst v63  }
0x34: {  	_ =	swait.ge [sflag:s11], $0x1900  }
0x35: {  	s20 =	smov.u32 s22;
	s18 =	sadd.s32 $0x640, s18;
	[sflag:s11] =	ssyncset.done $0x0  }
0x36: {  	s19 =	sadd.s32 s19, s8;
	[sflag:s11] =	ssyncadd.s32 $0xFFFFE700  }
0x37: {  	[tilespmem:s12], [sflag:$0x1] =	stream.linear.gather [hbm4b:s19+s3], $0xA0, $0x38;
	[tilespmem:$0xF5F0] =	vst v63  }
0x38: {  	_ =	swait.ge [sflag:s11], $0xA0  }
0x39: {  	[sflag:s11] =	ssyncset.done $0x0  }
0x3a: {  	[sflag:s11] =	ssyncadd.s32 $0xFFFFFF60  }
0x3b: {  	[tilespmem:s13], [sflag:$0x1] =	stream.linear.gather [hbm4b:s18+s3], $0x3200, $0x38;
	[tilespmem:$0xF5F0] =	vst v63  }
0x3c: {  	_ =	swait.ge [sflag:s11], $0x3200  }
0x3d: {  	[sflag:s11] =	ssyncset.done $0x0  }
0x3e: {  	[sflag:s11] =	ssyncadd.s32 $0xFFFFCE00  }
0x3f: {  	[spmem:s2] =	stream.indirect.scatter.add.f32 [tilespmem:s13], [sflag:$0x1], $0x50, s12, s14, $0xb8;
	[tilespmem:$0xF5F0] =	vst v63  }
0x40: {  	_ =	swait.ge [sflag:s11], $0x1900  }
0x41: {  	[sflag:s11] =	ssyncset.done $0x0  }
0x42: {  	[sflag:s11] =	ssyncadd.s32 $0xFFFFE700  }
0x43: {  	[spmem:s2] =	stream.indirect.scatter.add.f32 [tilespmem:s16], [sflag:$0x1], $0x50, s15, s14, $0xb8;
	[tilespmem:$0xF5F0] =	vst v63  }
0x44: {  	_ =	swait.ge [sflag:s11], $0x1900  }
0x45: {  	s17 =	sadd.s32 $0x1, s17;
	[sflag:s11] =	ssyncset.done $0x0  }
0x46: {  	p0 =	sne.s32 s17, s7;
	[sflag:s11] =	ssyncadd.s32 $0xFFFFE700  }
.Ltmp1:
0x47: {  	[bflag:$0x0] =	sbarrier.arrive $0xFFFF;
	(pc) =	sbr.rel @p0 .LBB2_1-.Ltmp1, $4  }
0x48: {  	[hbm:s6], [sflag:s5] =	dma.local [spmem:s10], $0x186A  }
0x49: {  	_ =	swait.ge [sflag:s11], $0x186A  }
0x4a: {  	[sflag:s11] =	ssyncset.done $0x0  }
0x4b: {  	[sflag:s11] =	ssyncadd.s32 $0xFFFFE796  }
0x4c: {  	_ =	sfence.sel $0x180000  }
0x4d: {  	[bflag:$0x0] =	sbarrier.arrive $0xFFFF  }
0x4e: {  	p0 =	sne.s32 s0, $0x0;
	_ =	strace $0x9000005C  }
0x4f: {  	s0 =	sadd.s32 @!p0 $0x100000, s1;
	[bflag:$0x2] =	sbarrier.arrive $0xFFFF  }
0x50: {  	[sflag:s0] =	ssyncadd.tile.s32 @!p0 $0x1;
	_ =	shalt  }
.Lfunc_end2:
_tile_overlayer_lowered:
.L_overlay_start_2:
0x51: {  	(tag) =	ssettag $0x2  }
0x52: {  	s0 =	rddreg [dreg:$0x0];
	s2 =	stileid.u32  }
0x53: {  	s1 =	rddreg [dreg:$0x1];
	p0 =	sne.s32 s2, $0x0  }
0x54: {  	s3 =	rddreg [dreg:$0x2];
	[bflag:$0x3] =	sbarrier.arrive $0xFFFF;
	s2 =	simm.s32 @!p0 $0x1C01  }
0x55: {  	[timem:s3], [sflag:s2] =	dma.local @!p0 [hbm:s0], s1  }
0x56: {  	s0 =	simm.s32 @!p0 $0x1  }
0x57: {  	_ =	swait.ge @!p0 [sflag:s0], s1  }
0x58: {  	s1 =	ssub.s32 @!p0 $0x0, s1;
	[sflag:s0] =	ssyncset.done @!p0 $0x0  }
0x59: {  	[sflag:s0] =	ssyncadd.s32 @!p0 s1  }
0x5a: {  	[bflag:$0x3] =	sbarrier.arrive $0xFFFF  }
0x5b: {  	_ =	shalt  }

</sc_bundles>
